<compile_context>
chip_gen: v7x
topology: tpu7x:2x2x1
jax: 0.10.2.dev20260603
libtpu: 0.0.44.dev20260713+nightly
codegen_flags: <defaults>
</compile_context>

<pallas_src>
import jax
import jax.numpy as jnp
from jax import lax
from jax.experimental import pallas as pl
from jax.experimental.pallas import tpu as pltpu
from jax.experimental.pallas import tpu_sc as plsc
B = 16
N = 200000
H = 720
W = 1280
NC = 2
NS = 16
L = 16
BAND = H // NS
CHN = 2048
NFULL = N // CHN
TAILC = 1280
TAILE = N - NFULL * CHN - TAILC
GUNROLL = 4


def _sc_body(x_hbm, xtail_hbm, out_hbm, band, ev0, ev1, tbuf,
             ob0, ob1, ob2, se0, se1, so0, so1):
    c = lax.axis_index("c")
    s = lax.axis_index("s")
    row_lo = s * BAND

    lane = lax.iota(jnp.int32, L)
    lane2 = lane * 2
    neg1 = jnp.full((L,), -1, jnp.int32)
    falses = jnp.zeros((L,), jnp.bool_)

    def _init(i, _):
        base = i * (L * 8)
        for u in range(8):
            band[pl.ds(base + u * L, L)] = neg1
        return 0
    lax.fori_loop(0, BAND * W // (L * 8), _init, 0)

    uband = jnp.uint32(BAND)

    def _start(b, ci, buf, sem, n=CHN):
        dst = buf if n == CHN else buf.at[:, pl.ds(0, n)]
        pltpu.async_copy(x_hbm.at[b, :, pl.ds(ci * CHN, n)], dst, sem)

    def _wait(b, ci, buf, sem, n=CHN):
        dst = buf if n == CHN else buf.at[:, pl.ds(0, n)]
        pltpu.make_async_copy(
            x_hbm.at[b, :, pl.ds(ci * CHN, n)], dst, sem).wait()

    def _tail_events(b):
        pltpu.sync_copy(xtail_hbm.at[b], tbuf)
        lane4 = lane * 4
        for g in range(TAILE // L):
            idx = lane4 + (g * (L * 4) + 1)
            xv = plsc.load_gather(tbuf, [idx])
            yv = plsc.load_gather(tbuf, [idx + 1])
            pv = plsc.load_gather(tbuf, [idx + 2])
            rl = yv.astype(jnp.int32) - row_lo
            m = lax.bitcast_convert_type(rl, jnp.uint32) < uband
            pix = rl * W + xv.astype(jnp.int32)
            key = ((N - TAILE + g * L) * 2) + lane2 + pv.astype(jnp.int32)
            plsc.store_scatter(band, [pix], key, mask=m)
            back = plsc.load_gather(band, [pix], mask=m)
            need = m & (back < key)

            def _fix(nd, pix=pix, key=key):
                plsc.store_scatter(band, [pix], key, mask=nd)
                bk = plsc.load_gather(band, [pix], mask=nd)
                return nd & (bk < key)
            lax.while_loop(lambda nd: jnp.any(nd), _fix, need)

    upix = jnp.uint32(BAND * W)

    def _ev_group(buf, kvec0, g):
        base = g * L
        xv = buf[1, pl.ds(base, L)]
        yv = buf[2, pl.ds(base, L)]
        pv = buf[3, pl.ds(base, L)]
        rl = yv.astype(jnp.int32) - row_lo
        m = lax.bitcast_convert_type(rl, jnp.uint32) < uband
        pix = rl * W + xv.astype(jnp.int32)
        key = (kvec0 + g * (L * 2)) + pv.astype(jnp.int32)
        return m, pix, key

    def _process(buf, ci, ngroups):
        kvec0 = ci * (CHN * 2) + lane2

        def _g(j, acc):
            for u in range(GUNROLL):
                g = j * GUNROLL + u
                m, pix, key = _ev_group(buf, kvec0, g)
                plsc.store_scatter(band, [pix], key, mask=m)
                back = plsc.load_gather(band, [pix], mask=m)
                acc = acc | (m & (back < key))
            return acc
        acc = lax.fori_loop(0, ngroups // GUNROLL, _g, falses)

        def _fixpass(_acc):
            def _fg(g, a):
                m, pix, key = _ev_group(buf, kvec0, g)
                back = plsc.load_gather(band, [pix], mask=m)
                n = m & (back < key)
                plsc.store_scatter(band, [pix], key, mask=n)
                back2 = plsc.load_gather(band, [pix], mask=n)
                return a | (n & (back2 < key))
            return lax.fori_loop(0, ngroups, _fg, falses)
        lax.while_loop(lambda a: jnp.any(a), _fixpass, acc)

    def _batch(bi, _):
        b = c * 8 + bi

        _start(b, 0, ev0, se0)
        _start(b, 1, ev1, se1)

        def _pair(i, _):
            ci0 = i * 2
            _wait(b, ci0, ev0, se0)
            _process(ev0, ci0, CHN // L)
            _start(b, ci0 + 2, ev0, se0)
            _wait(b, ci0 + 1, ev1, se1)
            _process(ev1, ci0 + 1, CHN // L)

            @pl.when(i < NFULL // 2 - 1)
            def _():
                _start(b, ci0 + 3, ev1, se1)
            return 0
        lax.fori_loop(0, NFULL // 2, _pair, 0)

        _wait(b, NFULL - 1, ev0, se0)
        _process(ev0, NFULL - 1, CHN // L)
        _start(b, NFULL, ev1, se1, n=TAILC)
        _wait(b, NFULL, ev1, se1, n=TAILC)
        _process(ev1, NFULL, TAILC // L)
        _tail_events(b)

        osems = (so0, so1)

        def _row_slices(r):
            gr = row_lo + r
            tr = lax.shift_right_logical(gr, 3)
            sr = lax.bitwise_and(gr, 7)
            return [out_hbm.at[b, ch, tr, :, pl.ds(sr, 1), :]
                    for ch in range(3)]

        def _wait_row(r, p, sem):
            for ch, dst in enumerate(_row_slices(r)):
                pltpu.make_async_copy((ob0, ob1, ob2)[ch].at[p], dst,
                                      sem).wait()

        def _do_row(r, p, sem):
            rbase = r * W

            def _tc(tc, _):
                for u in range(8):
                    pbase = rbase + tc * 128 + u * L
                    key = band[pl.ds(pbase, L)]
                    band[pl.ds(pbase, L)] = neg1
                    touched = key >= 0
                    polb = (key & 1) == 1
                    y0 = jnp.where(touched & polb, 0.0, 255.0)
                    y0 = y0.astype(jnp.float32)
                    y1 = jnp.where(touched & (~polb), 0.0, 255.0)
                    y1 = y1.astype(jnp.float32)
                    ob0[p, tc, 0, pl.ds(u * L, L)] = y0
                    ob1[p, tc, 0, pl.ds(u * L, L)] = y1
                    ob2[p, tc, 0, pl.ds(u * L, L)] = y0 + y1
                return 0
            lax.fori_loop(0, 10, _tc, 0)
            for ch, dst in enumerate(_row_slices(r)):
                pltpu.async_copy((ob0, ob1, ob2)[ch].at[p], dst, sem)

        def _rowpair(i, _):
            @pl.when(i > 0)
            def _():
                _wait_row(2 * i - 2, 0, so0)
            _do_row(2 * i, 0, so0)

            @pl.when(i > 0)
            def _():
                _wait_row(2 * i - 1, 1, so1)
            _do_row(2 * i + 1, 1, so1)
            return 0
        lax.fori_loop(0, BAND // 2, _rowpair, 0)

        _wait_row(BAND - 3, 0, so0)
        _do_row(BAND - 1, 0, so0)
        _wait_row(BAND - 2, 1, so1)
        _wait_row(BAND - 1, 0, so0)
        return 0
    lax.fori_loop(0, B // NC, _batch, 0)


@jax.jit
def _e2img(xt, xtail):
    mesh = plsc.VectorSubcoreMesh(
        core_axis_name="c", subcore_axis_name="s", num_cores=NC, num_subcores=NS)
    f = pl.kernel(
        _sc_body,
        out_type=jax.ShapeDtypeStruct(
            (B, 3, H // 8, W // 128, 8, 128), jnp.float32),
        mesh=mesh,
        scratch_types=[
            pltpu.VMEM((BAND * W,), jnp.int32),
            pltpu.VMEM((4, CHN), jnp.float32),
            pltpu.VMEM((4, CHN), jnp.float32),
            pltpu.VMEM((TAILE * 4,), jnp.float32),
            pltpu.VMEM((2, W // 128, 1, 128), jnp.float32),
            pltpu.VMEM((2, W // 128, 1, 128), jnp.float32),
            pltpu.VMEM((2, W // 128, 1, 128), jnp.float32),
            pltpu.SemaphoreType.DMA,
            pltpu.SemaphoreType.DMA,
            pltpu.SemaphoreType.DMA,
            pltpu.SemaphoreType.DMA,
        ],
        compiler_params=pltpu.CompilerParams(needs_layout_passes=False),
    )
    return f(xt, xtail)


def kernel(x):
    xt = x.transpose(0, 2, 1)
    xtail = x[:, N - TAILE:, :].reshape(B, TAILE * 4)
    out = _e2img(xt, xtail)
    return out.transpose(0, 2, 4, 3, 5, 1).reshape(B, H, W, 3)

# --- scband reference (transcript-rebuilt; emitter-appended) ---
"""Pipeline reference for scband-e2-img-3092376453879 (READ-ONLY COPY).

The authoritative reference and input builder live on the scoring server;
editing this copy changes nothing except your own understanding.
"""

import jax, jax.numpy as jnp
import numpy as np

W_SZ = 1280
H_SZ = 720

def setup_inputs(seed: int = 0) -> dict:
    key = jax.random.key(seed)
    k1, k2, k3, k4 = jax.random.split(key, 4)
    B, N = 16, 200000
    t = jax.random.uniform(k1, (B, N, 1), dtype=jnp.float32)
    xc = jax.random.uniform(k2, (B, N, 1), dtype=jnp.float32) * W_SZ
    yc = jax.random.uniform(k3, (B, N, 1), dtype=jnp.float32) * H_SZ
    pol = jax.random.randint(k4, (B, N, 1), 0, 2).astype(jnp.float32)
    x = jnp.concatenate([t, xc, yc, pol], axis=-1)
    return {"x": x}

def _ree(x):
    # Faithful port of E2IMG.Ree: events -> 3-channel image via scatter-overwrite.
    dtype = x.dtype
    rows = jnp.floor(x[:, 2]).astype(jnp.int32)
    cols = jnp.floor(x[:, 1]).astype(jnp.int32)
    y0 = jnp.full((H_SZ, W_SZ), 255, dtype=dtype)
    y1 = jnp.full((H_SZ, W_SZ), 255, dtype=dtype)
    v0 = 255 - 255 * (x[:, 3] == 1).astype(dtype)
    v1 = 255 - 255 * (x[:, 3] == 0).astype(dtype)
    y0 = y0.at[rows, cols].set(v0)
    y1 = y1.at[rows, cols].set(v1)
    y2 = y0 + y1
    img = jnp.stack([y0, y1, y2], axis=0)  # [3, H, W]
    return jnp.transpose(img, (1, 2, 0))   # [H, W, 3] (permute(1,2,0))

def reference(x):
    # torch.stack([Ree(x[i]) for i in range(len(x))], dim=0)
    return jax.vmap(_ree)(x)

if __name__ == "__main__":
    import jax
    _d = setup_inputs()
    print(jax.jit(kernel)(*tuple(_d.values())))

</pallas_src>

<mosaic_0001>
#map = affine_map<(d0, d1) -> (0, 0, 0)>
#map1 = affine_map<(d0, d1) -> (0, 0)>
#map2 = affine_map<(d0, d1) -> (0, 0, 0, 0, 0, 0)>
module attributes {stable_mosaic.version = 14 : i64} {
  func.func @_sc_body(%arg0: i32, %arg1: i32, %arg2: memref<16x4x200000xf32, #tpu.memory_space<hbm>>, %arg3: memref<16x256xf32, #tpu.memory_space<hbm>>, %arg4: memref<16x3x90x10x8x128xf32, #tpu.memory_space<hbm>>, %arg5: memref<57600xi32, #tpu.memory_space<vmem>>, %arg6: memref<4x2048xf32, #tpu.memory_space<vmem>>, %arg7: memref<4x2048xf32, #tpu.memory_space<vmem>>, %arg8: memref<256xf32, #tpu.memory_space<vmem>>, %arg9: memref<2x10x1x128xf32, #tpu.memory_space<vmem>>, %arg10: memref<2x10x1x128xf32, #tpu.memory_space<vmem>>, %arg11: memref<2x10x1x128xf32, #tpu.memory_space<vmem>>, %arg12: memref<!tpu.dma_semaphore, #tpu.memory_space<semaphore_mem>>, %arg13: memref<!tpu.dma_semaphore, #tpu.memory_space<semaphore_mem>>, %arg14: memref<!tpu.dma_semaphore, #tpu.memory_space<semaphore_mem>>, %arg15: memref<!tpu.dma_semaphore, #tpu.memory_space<semaphore_mem>>) attributes {dimension_semantics = [#tpu.dimension_semantics<core_parallel>, #tpu.dimension_semantics<subcore_parallel>], iteration_bounds = array<i64: 2, 16>, scalar_prefetch = 0 : i64, scratch_operands = 11 : i64, tpu.core_type = #tpu.core_type<sc_vector_subcore>, window_params = [{transform_indices = #map}, {transform_indices = #map1}, {transform_indices = #map2}]} {
    %mul3A = arith.constant 45 : i32
    %mul3A_0 = arith.muli %arg1, %mul3A : i32
    %iota3A = tpu.iota {dimensions = array<i32: 0>} : vector<16xi32>
    %mul3A_1 = arith.constant 2 : i32
    %mul3A_2 = vector.broadcast %mul3A_1 : i32 to vector<16xi32>
    %mul3A_3 = arith.muli %iota3A, %mul3A_2 : vector<16xi32>
    %broadcast_in_dim3A = arith.constant -1 : i32
    %broadcast_in_dim3A_4 = vector.broadcast %broadcast_in_dim3A : i32 to vector<16xi32>
    %broadcast_in_dim3A_5 = arith.constant false
    %broadcast_in_dim3A_6 = vector.broadcast %broadcast_in_dim3A_5 : i1 to vector<16xi1>
    %scan3A = arith.constant 0 : i32
    %scan3A_7 = arith.constant 0 : i32
    %scan3A_8 = arith.constant 450 : i32
    %scan3A_9 = arith.addi %scan3A_7, %scan3A_8 : i32
    %scan3A_10 = arith.constant 1 : i32
    %scan3A_11 = scf.for %scan3A_21 = %scan3A_7 to %scan3A_9 step %scan3A_10 iter_args(%scan3A_22 = %scan3A) -> (i32)  : i32 {
      %mul3A_23 = arith.constant 128 : i32
      %mul3A_24 = arith.muli %scan3A_21, %mul3A_23 : i32
      %add3A = arith.constant 0 : i32
      %add3A_25 = arith.addi %mul3A_24, %add3A : i32
      %swap3A = arith.index_cast %add3A_25 : i32 to index
      %swap3A_26 = tpu.vector_load %arg5[%swap3A] {strides = array<i32>} : memref<57600xi32, #tpu.memory_space<vmem>>, vector<16xi32>,
      tpu.vector_store %arg5[%swap3A], %broadcast_in_dim3A_4 {strides = array<i32>} : memref<57600xi32, #tpu.memory_space<vmem>>, vector<16xi32>,
      %add3A_27 = arith.constant 16 : i32
      %add3A_28 = arith.addi %mul3A_24, %add3A_27 : i32
      %swap3A_29 = arith.index_cast %add3A_28 : i32 to index
      %swap3A_30 = tpu.vector_load %arg5[%swap3A_29] {strides = array<i32>} : memref<57600xi32, #tpu.memory_space<vmem>>, vector<16xi32>,
      tpu.vector_store %arg5[%swap3A_29], %broadcast_in_dim3A_4 {strides = array<i32>} : memref<57600xi32, #tpu.memory_space<vmem>>, vector<16xi32>,
      %add3A_31 = arith.constant 32 : i32
      %add3A_32 = arith.addi %mul3A_24, %add3A_31 : i32
      %swap3A_33 = arith.index_cast %add3A_32 : i32 to index
      %swap3A_34 = tpu.vector_load %arg5[%swap3A_33] {strides = array<i32>} : memref<57600xi32, #tpu.memory_space<vmem>>, vector<16xi32>,
      tpu.vector_store %arg5[%swap3A_33], %broadcast_in_dim3A_4 {strides = array<i32>} : memref<57600xi32, #tpu.memory_space<vmem>>, vector<16xi32>,
      %add3A_35 = arith.constant 48 : i32
      %add3A_36 = arith.addi %mul3A_24, %add3A_35 : i32
      %swap3A_37 = arith.index_cast %add3A_36 : i32 to index
      %swap3A_38 = tpu.vector_load %arg5[%swap3A_37] {strides = array<i32>} : memref<57600xi32, #tpu.memory_space<vmem>>, vector<16xi32>,
      tpu.vector_store %arg5[%swap3A_37], %broadcast_in_dim3A_4 {strides = array<i32>} : memref<57600xi32, #tpu.memory_space<vmem>>, vector<16xi32>,
      %add3A_39 = arith.constant 64 : i32
      %add3A_40 = arith.addi %mul3A_24, %add3A_39 : i32
      %swap3A_41 = arith.index_cast %add3A_40 : i32 to index
      %swap3A_42 = tpu.vector_load %arg5[%swap3A_41] {strides = array<i32>} : memref<57600xi32, #tpu.memory_space<vmem>>, vector<16xi32>,
      tpu.vector_store %arg5[%swap3A_41], %broadcast_in_dim3A_4 {strides = array<i32>} : memref<57600xi32, #tpu.memory_space<vmem>>, vector<16xi32>,
      %add3A_43 = arith.constant 80 : i32
      %add3A_44 = arith.addi %mul3A_24, %add3A_43 : i32
      %swap3A_45 = arith.index_cast %add3A_44 : i32 to index
      %swap3A_46 = tpu.vector_load %arg5[%swap3A_45] {strides = array<i32>} : memref<57600xi32, #tpu.memory_space<vmem>>, vector<16xi32>,
      tpu.vector_store %arg5[%swap3A_45], %broadcast_in_dim3A_4 {strides = array<i32>} : memref<57600xi32, #tpu.memory_space<vmem>>, vector<16xi32>,
      %add3A_47 = arith.constant 96 : i32
      %add3A_48 = arith.addi %mul3A_24, %add3A_47 : i32
      %swap3A_49 = arith.index_cast %add3A_48 : i32 to index
      %swap3A_50 = tpu.vector_load %arg5[%swap3A_49] {strides = array<i32>} : memref<57600xi32, #tpu.memory_space<vmem>>, vector<16xi32>,
      tpu.vector_store %arg5[%swap3A_49], %broadcast_in_dim3A_4 {strides = array<i32>} : memref<57600xi32, #tpu.memory_space<vmem>>, vector<16xi32>,
      %add3A_51 = arith.constant 112 : i32
      %add3A_52 = arith.addi %mul3A_24, %add3A_51 : i32
      %swap3A_53 = arith.index_cast %add3A_52 : i32 to index
      %swap3A_54 = tpu.vector_load %arg5[%swap3A_53] {strides = array<i32>} : memref<57600xi32, #tpu.memory_space<vmem>>, vector<16xi32>,
      tpu.vector_store %arg5[%swap3A_53], %broadcast_in_dim3A_4 {strides = array<i32>} : memref<57600xi32, #tpu.memory_space<vmem>>, vector<16xi32>,
      %scan3A_55 = arith.constant 0 : i32
      scf.yield %scan3A_55 : i32
    }
    %scan3A_12 = arith.constant 450 : i32
    %scan3A_13 = arith.constant 45 : i32
    %scan3A_14 = arith.constant 0 : i32
    %scan3A_15 = arith.constant 0 : i32
    %scan3A_16 = arith.constant 8 : i32
    %scan3A_17 = arith.addi %scan3A_15, %scan3A_16 : i32
    %scan3A_18 = arith.constant 1 : i32
    %scan3A_19 = scf.for %scan3A_21 = %scan3A_15 to %scan3A_17 step %scan3A_18 iter_args(%scan3A_22 = %scan3A_14) -> (i32)  : i32 {
      %mul3A_23 = arith.constant 8 : i32
      %mul3A_24 = arith.muli %arg0, %mul3A_23 : i32
      %add3A = arith.addi %mul3A_24, %scan3A_21 : i32
      %dma_start3A = arith.constant 0 : i32
      %dma_start3A_25 = arith.constant 0 : i32
      %dma_start3A_26 = tpu.memref_slice %arg2[%add3A, %dma_start3A, %dma_start3A_25] : memref<16x4x200000xf32, #tpu.memory_space<hbm>> -> memref<1x4x2048xf32, #tpu.memory_space<hbm>>
      %dma_start3A_27 = tpu.memref_squeeze %dma_start3A_26 : memref<1x4x2048xf32, #tpu.memory_space<hbm>> -> memref<4x2048xf32, #tpu.memory_space<hbm>>
      %dma_start3A_28 = arith.constant 0 : i32
      %dma_start3A_29 = arith.constant 0 : i32
      %dma_start3A_30 = tpu.memref_slice %arg2[%add3A, %dma_start3A_28, %dma_start3A_29] : memref<16x4x200000xf32, #tpu.memory_space<hbm>> -> memref<1x4x2048xf32, #tpu.memory_space<hbm>>
      %dma_start3A_31 = tpu.memref_squeeze %dma_start3A_30 : memref<1x4x2048xf32, #tpu.memory_space<hbm>> -> memref<4x2048xf32, #tpu.memory_space<hbm>>
      tpu.enqueue_dma source(%dma_start3A_31 : memref<4x2048xf32, #tpu.memory_space<hbm>>) target(%arg6 : memref<4x2048xf32, #tpu.memory_space<vmem>>) target_semaphore(%arg12 : memref<!tpu.dma_semaphore, #tpu.memory_space<semaphore_mem>>)
      %dma_start3A_32 = arith.constant 0 : i32
      %dma_start3A_33 = arith.constant 2048 : i32
      %dma_start3A_34 = tpu.memref_slice %arg2[%add3A, %dma_start3A_32, %dma_start3A_33] : memref<16x4x200000xf32, #tpu.memory_space<hbm>> -> memref<1x4x2048xf32, #tpu.memory_space<hbm>>
      %dma_start3A_35 = tpu.memref_squeeze %dma_start3A_34 : memref<1x4x2048xf32, #tpu.memory_space<hbm>> -> memref<4x2048xf32, #tpu.memory_space<hbm>>
      %dma_start3A_36 = arith.constant 0 : i32
      %dma_start3A_37 = arith.constant 2048 : i32
      %dma_start3A_38 = tpu.memref_slice %arg2[%add3A, %dma_start3A_36, %dma_start3A_37] : memref<16x4x200000xf32, #tpu.memory_space<hbm>> -> memref<1x4x2048xf32, #tpu.memory_space<hbm>>
      %dma_start3A_39 = tpu.memref_squeeze %dma_start3A_38 : memref<1x4x2048xf32, #tpu.memory_space<hbm>> -> memref<4x2048xf32, #tpu.memory_space<hbm>>
      tpu.enqueue_dma source(%dma_start3A_39 : memref<4x2048xf32, #tpu.memory_space<hbm>>) target(%arg7 : memref<4x2048xf32, #tpu.memory_space<vmem>>) target_semaphore(%arg13 : memref<!tpu.dma_semaphore, #tpu.memory_space<semaphore_mem>>)
      %scan3A_40 = arith.constant 0 : i32
      %scan3A_41 = arith.constant 0 : i32
      %scan3A_42 = arith.constant 48 : i32
      %scan3A_43 = arith.addi %scan3A_41, %scan3A_42 : i32
      %scan3A_44 = arith.constant 1 : i32
      %scan3A_45 = scf.for %scan3A_504 = %scan3A_41 to %scan3A_43 step %scan3A_44 iter_args(%scan3A_505 = %scan3A_40) -> (i32)  : i32 {
        %mul3A_506 = arith.constant 2 : i32
        %mul3A_507 = arith.muli %scan3A_504, %mul3A_506 : i32
        %mul3A_508 = arith.constant 2048 : i32
        %mul3A_509 = arith.muli %mul3A_507, %mul3A_508 : i32
        %dma_wait3A_510 = arith.constant 0 : i32
        %dma_wait3A_511 = tpu.memref_slice %arg2[%add3A, %dma_wait3A_510, %mul3A_509] : memref<16x4x200000xf32, #tpu.memory_space<hbm>> -> memref<1x4x2048xf32, #tpu.memory_space<hbm>>
        %dma_wait3A_512 = tpu.memref_squeeze %dma_wait3A_511 : memref<1x4x2048xf32, #tpu.memory_space<hbm>> -> memref<4x2048xf32, #tpu.memory_space<hbm>>
        %dma_wait3A_513 = arith.constant 0 : i32
        %dma_wait3A_514 = tpu.memref_slice %arg2[%add3A, %dma_wait3A_513, %mul3A_509] : memref<16x4x200000xf32, #tpu.memory_space<hbm>> -> memref<1x4x2048xf32, #tpu.memory_space<hbm>>
        %dma_wait3A_515 = tpu.memref_squeeze %dma_wait3A_514 : memref<1x4x2048xf32, #tpu.memory_space<hbm>> -> memref<4x2048xf32, #tpu.memory_space<hbm>>
        tpu.wait_dma2 semaphore(%arg12 : memref<!tpu.dma_semaphore, #tpu.memory_space<semaphore_mem>>) src(%dma_wait3A_515 : memref<4x2048xf32, #tpu.memory_space<hbm>>) dst(%arg6 : memref<4x2048xf32, #tpu.memory_space<vmem>>)
        %mul3A_516 = arith.constant 4096 : i32
        %mul3A_517 = arith.muli %mul3A_507, %mul3A_516 : i32
        %add3A_518 = vector.broadcast %mul3A_517 : i32 to vector<16xi32>
        %add3A_519 = arith.addi %add3A_518, %mul3A_3 : vector<16xi32>
        %scan3A_520 = arith.constant 0 : i32
        %scan3A_521 = arith.constant 32 : i32
        %scan3A_522 = arith.addi %scan3A_520, %scan3A_521 : i32
        %scan3A_523 = arith.constant 1 : i32
        %scan3A_524 = scf.for %scan3A_565 = %scan3A_520 to %scan3A_522 step %scan3A_523 iter_args(%scan3A_566 = %broadcast_in_dim3A_6) -> (vector<16xi1>)  : i32 {
          %mul3A_567 = arith.constant 4 : i32
          %mul3A_568 = arith.muli %scan3A_565, %mul3A_567 : i32
          %add3A_569 = arith.constant 0 : i32
          %add3A_570 = arith.addi %mul3A_568, %add3A_569 : i32
          %mul3A_571 = arith.constant 16 : i32
          %mul3A_572 = arith.muli %add3A_570, %mul3A_571 : i32
          %get3A = arith.constant 1 : i32
          %get3A_573 = arith.index_cast %get3A : i32 to index
          %get3A_574 = arith.index_cast %mul3A_572 : i32 to index
          %get3A_575 = tpu.vector_load %arg6[%get3A_573, %get3A_574] {strides = array<i32>} : memref<4x2048xf32, #tpu.memory_space<vmem>>, vector<16xf32>,
          %get3A_576 = arith.constant 2 : i32
          %get3A_577 = arith.index_cast %get3A_576 : i32 to index
          %get3A_578 = arith.index_cast %mul3A_572 : i32 to index
          %get3A_579 = tpu.vector_load %arg6[%get3A_577, %get3A_578] {strides = array<i32>} : memref<4x2048xf32, #tpu.memory_space<vmem>>, vector<16xf32>,
          %get3A_580 = arith.constant 3 : i32
          %get3A_581 = arith.index_cast %get3A_580 : i32 to index
          %get3A_582 = arith.index_cast %mul3A_572 : i32 to index
          %get3A_583 = tpu.vector_load %arg6[%get3A_581, %get3A_582] {strides = array<i32>} : memref<4x2048xf32, #tpu.memory_space<vmem>>, vector<16xf32>,
          %convert_element_type3A_584 = arith.fptosi %get3A_579 : vector<16xf32> to vector<16xi32>
          %sub3A_585 = vector.broadcast %mul3A_0 : i32 to vector<16xi32>
          %sub3A_586 = arith.subi %convert_element_type3A_584, %sub3A_585 : vector<16xi32>
          %bitcast_convert_type3A_587 = tpu.bitcast %sub3A_586 : vector<16xi32> -> vector<16xi32>
          %lt3A_588 = vector.broadcast %scan3A_13 : i32 to vector<16xi32>
          %lt3A_589 = arith.cmpi ult, %bitcast_convert_type3A_587, %lt3A_588 : vector<16xi32>
          %mul3A_590 = arith.constant 1280 : i32
          %mul3A_591 = vector.broadcast %mul3A_590 : i32 to vector<16xi32>
          %mul3A_592 = arith.muli %sub3A_586, %mul3A_591 : vector<16xi32>
          %convert_element_type3A_593 = arith.fptosi %get3A_575 : vector<16xf32> to vector<16xi32>
          %add3A_594 = arith.addi %mul3A_592, %convert_element_type3A_593 : vector<16xi32>
          %mul3A_595 = arith.constant 32 : i32
          %mul3A_596 = arith.muli %add3A_570, %mul3A_595 : i32
          %add3A_597 = vector.broadcast %mul3A_596 : i32 to vector<16xi32>
          %add3A_598 = arith.addi %add3A_519, %add3A_597 : vector<16xi32>
          %convert_element_type3A_599 = arith.fptosi %get3A_583 : vector<16xf32> to vector<16xi32>
          %add3A_600 = arith.addi %add3A_598, %convert_element_type3A_599 : vector<16xi32>
          tpu.vector_store_idx %arg5[%add3A_594], %add3A_600 masked %lt3A_589 : memref<57600xi32, #tpu.memory_space<vmem>>[vector<16xi32>], vector<16xi32>, vector<16xi1>
          %gather3A_601 = tpu.vector_load_idx %arg5[%add3A_594] masked %lt3A_589 : memref<57600xi32, #tpu.memory_space<vmem>>[vector<16xi32>], vector<16xi32>, vector<16xi1>
          %lt3A_602 = arith.cmpi slt, %gather3A_601, %add3A_600 : vector<16xi32>
          %and3A_603 = arith.andi %lt3A_589, %lt3A_602 : vector<16xi1>
          %or3A = arith.ori %scan3A_566, %and3A_603 : vector<16xi1>
          %mul3A_604 = arith.constant 4 : i32
          %mul3A_605 = arith.muli %scan3A_565, %mul3A_604 : i32
          %add3A_606 = arith.constant 1 : i32
          %add3A_607 = arith.addi %mul3A_605, %add3A_606 : i32
          %mul3A_608 = arith.constant 16 : i32
          %mul3A_609 = arith.muli %add3A_607, %mul3A_608 : i32
          %get3A_610 = arith.constant 1 : i32
          %get3A_611 = arith.index_cast %get3A_610 : i32 to index
          %get3A_612 = arith.index_cast %mul3A_609 : i32 to index
          %get3A_613 = tpu.vector_load %arg6[%get3A_611, %get3A_612] {strides = array<i32>} : memref<4x2048xf32, #tpu.memory_space<vmem>>, vector<16xf32>,
          %get3A_614 = arith.constant 2 : i32
          %get3A_615 = arith.index_cast %get3A_614 : i32 to index
          %get3A_616 = arith.index_cast %mul3A_609 : i32 to index
          %get3A_617 = tpu.vector_load %arg6[%get3A_615, %get3A_616] {strides = array<i32>} : memref<4x2048xf32, #tpu.memory_space<vmem>>, vector<16xf32>,
          %get3A_618 = arith.constant 3 : i32
          %get3A_619 = arith.index_cast %get3A_618 : i32 to index
          %get3A_620 = arith.index_cast %mul3A_609 : i32 to index
          %get3A_621 = tpu.vector_load %arg6[%get3A_619, %get3A_620] {strides = array<i32>} : memref<4x2048xf32, #tpu.memory_space<vmem>>, vector<16xf32>,
          %convert_element_type3A_622 = arith.fptosi %get3A_617 : vector<16xf32> to vector<16xi32>
          %sub3A_623 = vector.broadcast %mul3A_0 : i32 to vector<16xi32>
          %sub3A_624 = arith.subi %convert_element_type3A_622, %sub3A_623 : vector<16xi32>
          %bitcast_convert_type3A_625 = tpu.bitcast %sub3A_624 : vector<16xi32> -> vector<16xi32>
          %lt3A_626 = vector.broadcast %scan3A_13 : i32 to vector<16xi32>
          %lt3A_627 = arith.cmpi ult, %bitcast_convert_type3A_625, %lt3A_626 : vector<16xi32>
          %mul3A_628 = arith.constant 1280 : i32
          %mul3A_629 = vector.broadcast %mul3A_628 : i32 to vector<16xi32>
          %mul3A_630 = arith.muli %sub3A_624, %mul3A_629 : vector<16xi32>
          %convert_element_type3A_631 = arith.fptosi %get3A_613 : vector<16xf32> to vector<16xi32>
          %add3A_632 = arith.addi %mul3A_630, %convert_element_type3A_631 : vector<16xi32>
          %mul3A_633 = arith.constant 32 : i32
          %mul3A_634 = arith.muli %add3A_607, %mul3A_633 : i32
          %add3A_635 = vector.broadcast %mul3A_634 : i32 to vector<16xi32>
          %add3A_636 = arith.addi %add3A_519, %add3A_635 : vector<16xi32>
          %convert_element_type3A_637 = arith.fptosi %get3A_621 : vector<16xf32> to vector<16xi32>
          %add3A_638 = arith.addi %add3A_636, %convert_element_type3A_637 : vector<16xi32>
          tpu.vector_store_idx %arg5[%add3A_632], %add3A_638 masked %lt3A_627 : memref<57600xi32, #tpu.memory_space<vmem>>[vector<16xi32>], vector<16xi32>, vector<16xi1>
          %gather3A_639 = tpu.vector_load_idx %arg5[%add3A_632] masked %lt3A_627 : memref<57600xi32, #tpu.memory_space<vmem>>[vector<16xi32>], vector<16xi32>, vector<16xi1>
          %lt3A_640 = arith.cmpi slt, %gather3A_639, %add3A_638 : vector<16xi32>
          %and3A_641 = arith.andi %lt3A_627, %lt3A_640 : vector<16xi1>
          %or3A_642 = arith.ori %or3A, %and3A_641 : vector<16xi1>
          %mul3A_643 = arith.constant 4 : i32
          %mul3A_644 = arith.muli %scan3A_565, %mul3A_643 : i32
          %add3A_645 = arith.constant 2 : i32
          %add3A_646 = arith.addi %mul3A_644, %add3A_645 : i32
          %mul3A_647 = arith.constant 16 : i32
          %mul3A_648 = arith.muli %add3A_646, %mul3A_647 : i32
          %get3A_649 = arith.constant 1 : i32
          %get3A_650 = arith.index_cast %get3A_649 : i32 to index
          %get3A_651 = arith.index_cast %mul3A_648 : i32 to index
          %get3A_652 = tpu.vector_load %arg6[%get3A_650, %get3A_651] {strides = array<i32>} : memref<4x2048xf32, #tpu.memory_space<vmem>>, vector<16xf32>,
          %get3A_653 = arith.constant 2 : i32
          %get3A_654 = arith.index_cast %get3A_653 : i32 to index
          %get3A_655 = arith.index_cast %mul3A_648 : i32 to index
          %get3A_656 = tpu.vector_load %arg6[%get3A_654, %get3A_655] {strides = array<i32>} : memref<4x2048xf32, #tpu.memory_space<vmem>>, vector<16xf32>,
          %get3A_657 = arith.constant 3 : i32
          %get3A_658 = arith.index_cast %get3A_657 : i32 to index
          %get3A_659 = arith.index_cast %mul3A_648 : i32 to index
          %get3A_660 = tpu.vector_load %arg6[%get3A_658, %get3A_659] {strides = array<i32>} : memref<4x2048xf32, #tpu.memory_space<vmem>>, vector<16xf32>,
          %convert_element_type3A_661 = arith.fptosi %get3A_656 : vector<16xf32> to vector<16xi32>
          %sub3A_662 = vector.broadcast %mul3A_0 : i32 to vector<16xi32>
          %sub3A_663 = arith.subi %convert_element_type3A_661, %sub3A_662 : vector<16xi32>
          %bitcast_convert_type3A_664 = tpu.bitcast %sub3A_663 : vector<16xi32> -> vector<16xi32>
          %lt3A_665 = vector.broadcast %scan3A_13 : i32 to vector<16xi32>
          %lt3A_666 = arith.cmpi ult, %bitcast_convert_type3A_664, %lt3A_665 : vector<16xi32>
          %mul3A_667 = arith.constant 1280 : i32
          %mul3A_668 = vector.broadcast %mul3A_667 : i32 to vector<16xi32>
          %mul3A_669 = arith.muli %sub3A_663, %mul3A_668 : vector<16xi32>
          %convert_element_type3A_670 = arith.fptosi %get3A_652 : vector<16xf32> to vector<16xi32>
          %add3A_671 = arith.addi %mul3A_669, %convert_element_type3A_670 : vector<16xi32>
          %mul3A_672 = arith.constant 32 : i32
          %mul3A_673 = arith.muli %add3A_646, %mul3A_672 : i32
          %add3A_674 = vector.broadcast %mul3A_673 : i32 to vector<16xi32>
          %add3A_675 = arith.addi %add3A_519, %add3A_674 : vector<16xi32>
          %convert_element_type3A_676 = arith.fptosi %get3A_660 : vector<16xf32> to vector<16xi32>
          %add3A_677 = arith.addi %add3A_675, %convert_element_type3A_676 : vector<16xi32>
          tpu.vector_store_idx %arg5[%add3A_671], %add3A_677 masked %lt3A_666 : memref<57600xi32, #tpu.memory_space<vmem>>[vector<16xi32>], vector<16xi32>, vector<16xi1>
          %gather3A_678 = tpu.vector_load_idx %arg5[%add3A_671] masked %lt3A_666 : memref<57600xi32, #tpu.memory_space<vmem>>[vector<16xi32>], vector<16xi32>, vector<16xi1>
          %lt3A_679 = arith.cmpi slt, %gather3A_678, %add3A_677 : vector<16xi32>
          %and3A_680 = arith.andi %lt3A_666, %lt3A_679 : vector<16xi1>
          %or3A_681 = arith.ori %or3A_642, %and3A_680 : vector<16xi1>
          %mul3A_682 = arith.constant 4 : i32
          %mul3A_683 = arith.muli %scan3A_565, %mul3A_682 : i32
          %add3A_684 = arith.constant 3 : i32
          %add3A_685 = arith.addi %mul3A_683, %add3A_684 : i32
          %mul3A_686 = arith.constant 16 : i32
          %mul3A_687 = arith.muli %add3A_685, %mul3A_686 : i32
          %get3A_688 = arith.constant 1 : i32
          %get3A_689 = arith.index_cast %get3A_688 : i32 to index
          %get3A_690 = arith.index_cast %mul3A_687 : i32 to index
          %get3A_691 = tpu.vector_load %arg6[%get3A_689, %get3A_690] {strides = array<i32>} : memref<4x2048xf32, #tpu.memory_space<vmem>>, vector<16xf32>,
          %get3A_692 = arith.constant 2 : i32
          %get3A_693 = arith.index_cast %get3A_692 : i32 to index
          %get3A_694 = arith.index_cast %mul3A_687 : i32 to index
          %get3A_695 = tpu.vector_load %arg6[%get3A_693, %get3A_694] {strides = array<i32>} : memref<4x2048xf32, #tpu.memory_space<vmem>>, vector<16xf32>,
          %get3A_696 = arith.constant 3 : i32
          %get3A_697 = arith.index_cast %get3A_696 : i32 to index
          %get3A_698 = arith.index_cast %mul3A_687 : i32 to index
          %get3A_699 = tpu.vector_load %arg6[%get3A_697, %get3A_698] {strides = array<i32>} : memref<4x2048xf32, #tpu.memory_space<vmem>>, vector<16xf32>,
          %convert_element_type3A_700 = arith.fptosi %get3A_695 : vector<16xf32> to vector<16xi32>
          %sub3A_701 = vector.broadcast %mul3A_0 : i32 to vector<16xi32>
          %sub3A_702 = arith.subi %convert_element_type3A_700, %sub3A_701 : vector<16xi32>
          %bitcast_convert_type3A_703 = tpu.bitcast %sub3A_702 : vector<16xi32> -> vector<16xi32>
          %lt3A_704 = vector.broadcast %scan3A_13 : i32 to vector<16xi32>
          %lt3A_705 = arith.cmpi ult, %bitcast_convert_type3A_703, %lt3A_704 : vector<16xi32>
          %mul3A_706 = arith.constant 1280 : i32
          %mul3A_707 = vector.broadcast %mul3A_706 : i32 to vector<16xi32>
          %mul3A_708 = arith.muli %sub3A_702, %mul3A_707 : vector<16xi32>
          %convert_element_type3A_709 = arith.fptosi %get3A_691 : vector<16xf32> to vector<16xi32>
          %add3A_710 = arith.addi %mul3A_708, %convert_element_type3A_709 : vector<16xi32>
          %mul3A_711 = arith.constant 32 : i32
          %mul3A_712 = arith.muli %add3A_685, %mul3A_711 : i32
          %add3A_713 = vector.broadcast %mul3A_712 : i32 to vector<16xi32>
          %add3A_714 = arith.addi %add3A_519, %add3A_713 : vector<16xi32>
          %convert_element_type3A_715 = arith.fptosi %get3A_699 : vector<16xf32> to vector<16xi32>
          %add3A_716 = arith.addi %add3A_714, %convert_element_type3A_715 : vector<16xi32>
          tpu.vector_store_idx %arg5[%add3A_710], %add3A_716 masked %lt3A_705 : memref<57600xi32, #tpu.memory_space<vmem>>[vector<16xi32>], vector<16xi32>, vector<16xi1>
          %gather3A_717 = tpu.vector_load_idx %arg5[%add3A_710] masked %lt3A_705 : memref<57600xi32, #tpu.memory_space<vmem>>[vector<16xi32>], vector<16xi32>, vector<16xi1>
          %lt3A_718 = arith.cmpi slt, %gather3A_717, %add3A_716 : vector<16xi32>
          %and3A_719 = arith.andi %lt3A_705, %lt3A_718 : vector<16xi1>
          %or3A_720 = arith.ori %or3A_681, %and3A_719 : vector<16xi1>
          scf.yield %or3A_720 : vector<16xi1>
        }
        %scan3A_525 = arith.constant 32 : i32
        %while3A_526 = scf.while (%while3A_565 = %scan3A_524) : (vector<16xi1>) -> vector<16xi1> {
          %reduce_or3A = arith.constant 1.000000e+00 : f32
          %reduce_or3A_566 = arith.constant 0.000000e+00 : f32
          %reduce_or3A_567 = vector.broadcast %reduce_or3A : f32 to vector<16xf32>
          %reduce_or3A_568 = vector.broadcast %reduce_or3A_566 : f32 to vector<16xf32>
          %reduce_or3A_569 = arith.select %while3A_565, %reduce_or3A_567, %reduce_or3A_568 : vector<16xi1>, vector<16xf32>
          %reduce_or3A_570 = arith.constant true
          %reduce_or3A_571 = vector.broadcast %reduce_or3A_570 : i1 to vector<16xi1>
          %reduce_or3A_572 = tpu.scan <max>, %reduce_or3A_569 masked %reduce_or3A_571 : vector<16xf32>, vector<16xi1> -> vector<16xf32>
          %reduce_or3A_573 = vector.extract %reduce_or3A_572[15] : f32 from vector<16xf32>
          %reduce_or3A_574 = arith.constant 0.000000e+00 : f32
          %reduce_or3A_575 = arith.cmpf ogt, %reduce_or3A_573, %reduce_or3A_574 : f32
          scf.condition(%reduce_or3A_575) %while3A_565 : vector<16xi1>
        } do {
        ^bb0(%while3A_565: vector<16xi1>):
          %scan3A_566 = arith.constant 0 : i32
          %scan3A_567 = arith.constant 128 : i32
          %scan3A_568 = arith.addi %scan3A_566, %scan3A_567 : i32
          %scan3A_569 = arith.constant 1 : i32
          %scan3A_570 = scf.for %scan3A_572 = %scan3A_566 to %scan3A_568 step %scan3A_569 iter_args(%scan3A_573 = %broadcast_in_dim3A_6) -> (vector<16xi1>)  : i32 {
            %mul3A_574 = arith.constant 16 : i32
            %mul3A_575 = arith.muli %scan3A_572, %mul3A_574 : i32
            %get3A = arith.constant 1 : i32
            %get3A_576 = arith.index_cast %get3A : i32 to index
            %get3A_577 = arith.index_cast %mul3A_575 : i32 to index
            %get3A_578 = tpu.vector_load %arg6[%get3A_576, %get3A_577] {strides = array<i32>} : memref<4x2048xf32, #tpu.memory_space<vmem>>, vector<16xf32>,
            %get3A_579 = arith.constant 2 : i32
            %get3A_580 = arith.index_cast %get3A_579 : i32 to index
            %get3A_581 = arith.index_cast %mul3A_575 : i32 to index
            %get3A_582 = tpu.vector_load %arg6[%get3A_580, %get3A_581] {strides = array<i32>} : memref<4x2048xf32, #tpu.memory_space<vmem>>, vector<16xf32>,
            %get3A_583 = arith.constant 3 : i32
            %get3A_584 = arith.index_cast %get3A_583 : i32 to index
            %get3A_585 = arith.index_cast %mul3A_575 : i32 to index
            %get3A_586 = tpu.vector_load %arg6[%get3A_584, %get3A_585] {strides = array<i32>} : memref<4x2048xf32, #tpu.memory_space<vmem>>, vector<16xf32>,
            %convert_element_type3A_587 = arith.fptosi %get3A_582 : vector<16xf32> to vector<16xi32>
            %sub3A_588 = vector.broadcast %mul3A_0 : i32 to vector<16xi32>
            %sub3A_589 = arith.subi %convert_element_type3A_587, %sub3A_588 : vector<16xi32>
            %bitcast_convert_type3A_590 = tpu.bitcast %sub3A_589 : vector<16xi32> -> vector<16xi32>
            %lt3A_591 = vector.broadcast %scan3A_13 : i32 to vector<16xi32>
            %lt3A_592 = arith.cmpi ult, %bitcast_convert_type3A_590, %lt3A_591 : vector<16xi32>
            %mul3A_593 = arith.constant 1280 : i32
            %mul3A_594 = vector.broadcast %mul3A_593 : i32 to vector<16xi32>
            %mul3A_595 = arith.muli %sub3A_589, %mul3A_594 : vector<16xi32>
            %convert_element_type3A_596 = arith.fptosi %get3A_578 : vector<16xf32> to vector<16xi32>
            %add3A_597 = arith.addi %mul3A_595, %convert_element_type3A_596 : vector<16xi32>
            %mul3A_598 = arith.constant 32 : i32
            %mul3A_599 = arith.muli %scan3A_572, %mul3A_598 : i32
            %add3A_600 = vector.broadcast %mul3A_599 : i32 to vector<16xi32>
            %add3A_601 = arith.addi %add3A_519, %add3A_600 : vector<16xi32>
            %convert_element_type3A_602 = arith.fptosi %get3A_586 : vector<16xf32> to vector<16xi32>
            %add3A_603 = arith.addi %add3A_601, %convert_element_type3A_602 : vector<16xi32>
            %gather3A_604 = tpu.vector_load_idx %arg5[%add3A_597] masked %lt3A_592 : memref<57600xi32, #tpu.memory_space<vmem>>[vector<16xi32>], vector<16xi32>, vector<16xi1>
            %lt3A_605 = arith.cmpi slt, %gather3A_604, %add3A_603 : vector<16xi32>
            %and3A_606 = arith.andi %lt3A_592, %lt3A_605 : vector<16xi1>
            tpu.vector_store_idx %arg5[%add3A_597], %add3A_603 masked %and3A_606 : memref<57600xi32, #tpu.memory_space<vmem>>[vector<16xi32>], vector<16xi32>, vector<16xi1>
            %gather3A_607 = tpu.vector_load_idx %arg5[%add3A_597] masked %and3A_606 : memref<57600xi32, #tpu.memory_space<vmem>>[vector<16xi32>], vector<16xi32>, vector<16xi1>
            %lt3A_608 = arith.cmpi slt, %gather3A_607, %add3A_603 : vector<16xi32>
            %and3A_609 = arith.andi %and3A_606, %lt3A_608 : vector<16xi1>
            %or3A = arith.ori %scan3A_573, %and3A_609 : vector<16xi1>
            scf.yield %or3A : vector<16xi1>
          }
          %scan3A_571 = arith.constant 128 : i32
          scf.yield %scan3A_570 : vector<16xi1>
        }
        %add3A_527 = arith.constant 2 : i32
        %add3A_528 = arith.addi %mul3A_507, %add3A_527 : i32
        %mul3A_529 = arith.constant 2048 : i32
        %mul3A_530 = arith.muli %add3A_528, %mul3A_529 : i32
        %dma_start3A_531 = arith.constant 0 : i32
        %dma_start3A_532 = tpu.memref_slice %arg2[%add3A, %dma_start3A_531, %mul3A_530] : memref<16x4x200000xf32, #tpu.memory_space<hbm>> -> memref<1x4x2048xf32, #tpu.memory_space<hbm>>
        %dma_start3A_533 = tpu.memref_squeeze %dma_start3A_532 : memref<1x4x2048xf32, #tpu.memory_space<hbm>> -> memref<4x2048xf32, #tpu.memory_space<hbm>>
        %dma_start3A_534 = arith.constant 0 : i32
        %dma_start3A_535 = tpu.memref_slice %arg2[%add3A, %dma_start3A_534, %mul3A_530] : memref<16x4x200000xf32, #tpu.memory_space<hbm>> -> memref<1x4x2048xf32, #tpu.memory_space<hbm>>
        %dma_start3A_536 = tpu.memref_squeeze %dma_start3A_535 : memref<1x4x2048xf32, #tpu.memory_space<hbm>> -> memref<4x2048xf32, #tpu.memory_space<hbm>>
        tpu.enqueue_dma source(%dma_start3A_536 : memref<4x2048xf32, #tpu.memory_space<hbm>>) target(%arg6 : memref<4x2048xf32, #tpu.memory_space<vmem>>) target_semaphore(%arg12 : memref<!tpu.dma_semaphore, #tpu.memory_space<semaphore_mem>>)
        %add3A_537 = arith.constant 1 : i32
        %add3A_538 = arith.addi %mul3A_507, %add3A_537 : i32
        %mul3A_539 = arith.constant 2048 : i32
        %mul3A_540 = arith.muli %add3A_538, %mul3A_539 : i32
        %dma_wait3A_541 = arith.constant 0 : i32
        %dma_wait3A_542 = tpu.memref_slice %arg2[%add3A, %dma_wait3A_541, %mul3A_540] : memref<16x4x200000xf32, #tpu.memory_space<hbm>> -> memref<1x4x2048xf32, #tpu.memory_space<hbm>>
        %dma_wait3A_543 = tpu.memref_squeeze %dma_wait3A_542 : memref<1x4x2048xf32, #tpu.memory_space<hbm>> -> memref<4x2048xf32, #tpu.memory_space<hbm>>
        %dma_wait3A_544 = arith.constant 0 : i32
        %dma_wait3A_545 = tpu.memref_slice %arg2[%add3A, %dma_wait3A_544, %mul3A_540] : memref<16x4x200000xf32, #tpu.memory_space<hbm>> -> memref<1x4x2048xf32, #tpu.memory_space<hbm>>
        %dma_wait3A_546 = tpu.memref_squeeze %dma_wait3A_545 : memref<1x4x2048xf32, #tpu.memory_space<hbm>> -> memref<4x2048xf32, #tpu.memory_space<hbm>>
        tpu.wait_dma2 semaphore(%arg13 : memref<!tpu.dma_semaphore, #tpu.memory_space<semaphore_mem>>) src(%dma_wait3A_546 : memref<4x2048xf32, #tpu.memory_space<hbm>>) dst(%arg7 : memref<4x2048xf32, #tpu.memory_space<vmem>>)
        %add3A_547 = arith.constant 1 : i32
        %add3A_548 = arith.addi %mul3A_507, %add3A_547 : i32
        %mul3A_549 = arith.constant 4096 : i32
        %mul3A_550 = arith.muli %add3A_548, %mul3A_549 : i32
        %add3A_551 = vector.broadcast %mul3A_550 : i32 to vector<16xi32>
        %add3A_552 = arith.addi %add3A_551, %mul3A_3 : vector<16xi32>
        %scan3A_553 = arith.constant 0 : i32
        %scan3A_554 = arith.constant 32 : i32
        %scan3A_555 = arith.addi %scan3A_553, %scan3A_554 : i32
        %scan3A_556 = arith.constant 1 : i32
        %scan3A_557 = scf.for %scan3A_565 = %scan3A_553 to %scan3A_555 step %scan3A_556 iter_args(%scan3A_566 = %broadcast_in_dim3A_6) -> (vector<16xi1>)  : i32 {
          %mul3A_567 = arith.constant 4 : i32
          %mul3A_568 = arith.muli %scan3A_565, %mul3A_567 : i32
          %add3A_569 = arith.constant 0 : i32
          %add3A_570 = arith.addi %mul3A_568, %add3A_569 : i32
          %mul3A_571 = arith.constant 16 : i32
          %mul3A_572 = arith.muli %add3A_570, %mul3A_571 : i32
          %get3A = arith.constant 1 : i32
          %get3A_573 = arith.index_cast %get3A : i32 to index
          %get3A_574 = arith.index_cast %mul3A_572 : i32 to index
          %get3A_575 = tpu.vector_load %arg7[%get3A_573, %get3A_574] {strides = array<i32>} : memref<4x2048xf32, #tpu.memory_space<vmem>>, vector<16xf32>,
          %get3A_576 = arith.constant 2 : i32
          %get3A_577 = arith.index_cast %get3A_576 : i32 to index
          %get3A_578 = arith.index_cast %mul3A_572 : i32 to index
          %get3A_579 = tpu.vector_load %arg7[%get3A_577, %get3A_578] {strides = array<i32>} : memref<4x2048xf32, #tpu.memory_space<vmem>>, vector<16xf32>,
          %get3A_580 = arith.constant 3 : i32
          %get3A_581 = arith.index_cast %get3A_580 : i32 to index
          %get3A_582 = arith.index_cast %mul3A_572 : i32 to index
          %get3A_583 = tpu.vector_load %arg7[%get3A_581, %get3A_582] {strides = array<i32>} : memref<4x2048xf32, #tpu.memory_space<vmem>>, vector<16xf32>,
          %convert_element_type3A_584 = arith.fptosi %get3A_579 : vector<16xf32> to vector<16xi32>
          %sub3A_585 = vector.broadcast %mul3A_0 : i32 to vector<16xi32>
          %sub3A_586 = arith.subi %convert_element_type3A_584, %sub3A_585 : vector<16xi32>
          %bitcast_convert_type3A_587 = tpu.bitcast %sub3A_586 : vector<16xi32> -> vector<16xi32>
          %lt3A_588 = vector.broadcast %scan3A_13 : i32 to vector<16xi32>
          %lt3A_589 = arith.cmpi ult, %bitcast_convert_type3A_587, %lt3A_588 : vector<16xi32>
          %mul3A_590 = arith.constant 1280 : i32
          %mul3A_591 = vector.broadcast %mul3A_590 : i32 to vector<16xi32>
          %mul3A_592 = arith.muli %sub3A_586, %mul3A_591 : vector<16xi32>
          %convert_element_type3A_593 = arith.fptosi %get3A_575 : vector<16xf32> to vector<16xi32>
          %add3A_594 = arith.addi %mul3A_592, %convert_element_type3A_593 : vector<16xi32>
          %mul3A_595 = arith.constant 32 : i32
          %mul3A_596 = arith.muli %add3A_570, %mul3A_595 : i32
          %add3A_597 = vector.broadcast %mul3A_596 : i32 to vector<16xi32>
          %add3A_598 = arith.addi %add3A_552, %add3A_597 : vector<16xi32>
          %convert_element_type3A_599 = arith.fptosi %get3A_583 : vector<16xf32> to vector<16xi32>
          %add3A_600 = arith.addi %add3A_598, %convert_element_type3A_599 : vector<16xi32>
          tpu.vector_store_idx %arg5[%add3A_594], %add3A_600 masked %lt3A_589 : memref<57600xi32, #tpu.memory_space<vmem>>[vector<16xi32>], vector<16xi32>, vector<16xi1>
          %gather3A_601 = tpu.vector_load_idx %arg5[%add3A_594] masked %lt3A_589 : memref<57600xi32, #tpu.memory_space<vmem>>[vector<16xi32>], vector<16xi32>, vector<16xi1>
          %lt3A_602 = arith.cmpi slt, %gather3A_601, %add3A_600 : vector<16xi32>
          %and3A_603 = arith.andi %lt3A_589, %lt3A_602 : vector<16xi1>
          %or3A = arith.ori %scan3A_566, %and3A_603 : vector<16xi1>
          %mul3A_604 = arith.constant 4 : i32
          %mul3A_605 = arith.muli %scan3A_565, %mul3A_604 : i32
          %add3A_606 = arith.constant 1 : i32
          %add3A_607 = arith.addi %mul3A_605, %add3A_606 : i32
          %mul3A_608 = arith.constant 16 : i32
          %mul3A_609 = arith.muli %add3A_607, %mul3A_608 : i32
          %get3A_610 = arith.constant 1 : i32
          %get3A_611 = arith.index_cast %get3A_610 : i32 to index
          %get3A_612 = arith.index_cast %mul3A_609 : i32 to index
          %get3A_613 = tpu.vector_load %arg7[%get3A_611, %get3A_612] {strides = array<i32>} : memref<4x2048xf32, #tpu.memory_space<vmem>>, vector<16xf32>,
          %get3A_614 = arith.constant 2 : i32
          %get3A_615 = arith.index_cast %get3A_614 : i32 to index
          %get3A_616 = arith.index_cast %mul3A_609 : i32 to index
          %get3A_617 = tpu.vector_load %arg7[%get3A_615, %get3A_616] {strides = array<i32>} : memref<4x2048xf32, #tpu.memory_space<vmem>>, vector<16xf32>,
          %get3A_618 = arith.constant 3 : i32
          %get3A_619 = arith.index_cast %get3A_618 : i32 to index
          %get3A_620 = arith.index_cast %mul3A_609 : i32 to index
          %get3A_621 = tpu.vector_load %arg7[%get3A_619, %get3A_620] {strides = array<i32>} : memref<4x2048xf32, #tpu.memory_space<vmem>>, vector<16xf32>,
          %convert_element_type3A_622 = arith.fptosi %get3A_617 : vector<16xf32> to vector<16xi32>
          %sub3A_623 = vector.broadcast %mul3A_0 : i32 to vector<16xi32>
          %sub3A_624 = arith.subi %convert_element_type3A_622, %sub3A_623 : vector<16xi32>
          %bitcast_convert_type3A_625 = tpu.bitcast %sub3A_624 : vector<16xi32> -> vector<16xi32>
          %lt3A_626 = vector.broadcast %scan3A_13 : i32 to vector<16xi32>
          %lt3A_627 = arith.cmpi ult, %bitcast_convert_type3A_625, %lt3A_626 : vector<16xi32>
          %mul3A_628 = arith.constant 1280 : i32
          %mul3A_629 = vector.broadcast %mul3A_628 : i32 to vector<16xi32>
          %mul3A_630 = arith.muli %sub3A_624, %mul3A_629 : vector<16xi32>
          %convert_element_type3A_631 = arith.fptosi %get3A_613 : vector<16xf32> to vector<16xi32>
          %add3A_632 = arith.addi %mul3A_630, %convert_element_type3A_631 : vector<16xi32>
          %mul3A_633 = arith.constant 32 : i32
          %mul3A_634 = arith.muli %add3A_607, %mul3A_633 : i32
          %add3A_635 = vector.broadcast %mul3A_634 : i32 to vector<16xi32>
          %add3A_636 = arith.addi %add3A_552, %add3A_635 : vector<16xi32>
          %convert_element_type3A_637 = arith.fptosi %get3A_621 : vector<16xf32> to vector<16xi32>
          %add3A_638 = arith.addi %add3A_636, %convert_element_type3A_637 : vector<16xi32>
          tpu.vector_store_idx %arg5[%add3A_632], %add3A_638 masked %lt3A_627 : memref<57600xi32, #tpu.memory_space<vmem>>[vector<16xi32>], vector<16xi32>, vector<16xi1>
          %gather3A_639 = tpu.vector_load_idx %arg5[%add3A_632] masked %lt3A_627 : memref<57600xi32, #tpu.memory_space<vmem>>[vector<16xi32>], vector<16xi32>, vector<16xi1>
          %lt3A_640 = arith.cmpi slt, %gather3A_639, %add3A_638 : vector<16xi32>
          %and3A_641 = arith.andi %lt3A_627, %lt3A_640 : vector<16xi1>
          %or3A_642 = arith.ori %or3A, %and3A_641 : vector<16xi1>
          %mul3A_643 = arith.constant 4 : i32
          %mul3A_644 = arith.muli %scan3A_565, %mul3A_643 : i32
          %add3A_645 = arith.constant 2 : i32
          %add3A_646 = arith.addi %mul3A_644, %add3A_645 : i32
          %mul3A_647 = arith.constant 16 : i32
          %mul3A_648 = arith.muli %add3A_646, %mul3A_647 : i32
          %get3A_649 = arith.constant 1 : i32
          %get3A_650 = arith.index_cast %get3A_649 : i32 to index
          %get3A_651 = arith.index_cast %mul3A_648 : i32 to index
          %get3A_652 = tpu.vector_load %arg7[%get3A_650, %get3A_651] {strides = array<i32>} : memref<4x2048xf32, #tpu.memory_space<vmem>>, vector<16xf32>,
          %get3A_653 = arith.constant 2 : i32
          %get3A_654 = arith.index_cast %get3A_653 : i32 to index
          %get3A_655 = arith.index_cast %mul3A_648 : i32 to index
          %get3A_656 = tpu.vector_load %arg7[%get3A_654, %get3A_655] {strides = array<i32>} : memref<4x2048xf32, #tpu.memory_space<vmem>>, vector<16xf32>,
          %get3A_657 = arith.constant 3 : i32
          %get3A_658 = arith.index_cast %get3A_657 : i32 to index
          %get3A_659 = arith.index_cast %mul3A_648 : i32 to index
          %get3A_660 = tpu.vector_load %arg7[%get3A_658, %get3A_659] {strides = array<i32>} : memref<4x2048xf32, #tpu.memory_space<vmem>>, vector<16xf32>,
          %convert_element_type3A_661 = arith.fptosi %get3A_656 : vector<16xf32> to vector<16xi32>
          %sub3A_662 = vector.broadcast %mul3A_0 : i32 to vector<16xi32>
          %sub3A_663 = arith.subi %convert_element_type3A_661, %sub3A_662 : vector<16xi32>
          %bitcast_convert_type3A_664 = tpu.bitcast %sub3A_663 : vector<16xi32> -> vector<16xi32>
          %lt3A_665 = vector.broadcast %scan3A_13 : i32 to vector<16xi32>
          %lt3A_666 = arith.cmpi ult, %bitcast_convert_type3A_664, %lt3A_665 : vector<16xi32>
          %mul3A_667 = arith.constant 1280 : i32
          %mul3A_668 = vector.broadcast %mul3A_667 : i32 to vector<16xi32>
          %mul3A_669 = arith.muli %sub3A_663, %mul3A_668 : vector<16xi32>
          %convert_element_type3A_670 = arith.fptosi %get3A_652 : vector<16xf32> to vector<16xi32>
          %add3A_671 = arith.addi %mul3A_669, %convert_element_type3A_670 : vector<16xi32>
          %mul3A_672 = arith.constant 32 : i32
          %mul3A_673 = arith.muli %add3A_646, %mul3A_672 : i32
          %add3A_674 = vector.broadcast %mul3A_673 : i32 to vector<16xi32>
          %add3A_675 = arith.addi %add3A_552, %add3A_674 : vector<16xi32>
          %convert_element_type3A_676 = arith.fptosi %get3A_660 : vector<16xf32> to vector<16xi32>
          %add3A_677 = arith.addi %add3A_675, %convert_element_type3A_676 : vector<16xi32>
          tpu.vector_store_idx %arg5[%add3A_671], %add3A_677 masked %lt3A_666 : memref<57600xi32, #tpu.memory_space<vmem>>[vector<16xi32>], vector<16xi32>, vector<16xi1>
          %gather3A_678 = tpu.vector_load_idx %arg5[%add3A_671] masked %lt3A_666 : memref<57600xi32, #tpu.memory_space<vmem>>[vector<16xi32>], vector<16xi32>, vector<16xi1>
          %lt3A_679 = arith.cmpi slt, %gather3A_678, %add3A_677 : vector<16xi32>
          %and3A_680 = arith.andi %lt3A_666, %lt3A_679 : vector<16xi1>
          %or3A_681 = arith.ori %or3A_642, %and3A_680 : vector<16xi1>
          %mul3A_682 = arith.constant 4 : i32
          %mul3A_683 = arith.muli %scan3A_565, %mul3A_682 : i32
          %add3A_684 = arith.constant 3 : i32
          %add3A_685 = arith.addi %mul3A_683, %add3A_684 : i32
          %mul3A_686 = arith.constant 16 : i32
          %mul3A_687 = arith.muli %add3A_685, %mul3A_686 : i32
          %get3A_688 = arith.constant 1 : i32
          %get3A_689 = arith.index_cast %get3A_688 : i32 to index
          %get3A_690 = arith.index_cast %mul3A_687 : i32 to index
          %get3A_691 = tpu.vector_load %arg7[%get3A_689, %get3A_690] {strides = array<i32>} : memref<4x2048xf32, #tpu.memory_space<vmem>>, vector<16xf32>,
          %get3A_692 = arith.constant 2 : i32
          %get3A_693 = arith.index_cast %get3A_692 : i32 to index
          %get3A_694 = arith.index_cast %mul3A_687 : i32 to index
          %get3A_695 = tpu.vector_load %arg7[%get3A_693, %get3A_694] {strides = array<i32>} : memref<4x2048xf32, #tpu.memory_space<vmem>>, vector<16xf32>,
          %get3A_696 = arith.constant 3 : i32
          %get3A_697 = arith.index_cast %get3A_696 : i32 to index
          %get3A_698 = arith.index_cast %mul3A_687 : i32 to index
          %get3A_699 = tpu.vector_load %arg7[%get3A_697, %get3A_698] {strides = array<i32>} : memref<4x2048xf32, #tpu.memory_space<vmem>>, vector<16xf32>,
          %convert_element_type3A_700 = arith.fptosi %get3A_695 : vector<16xf32> to vector<16xi32>
          %sub3A_701 = vector.broadcast %mul3A_0 : i32 to vector<16xi32>
          %sub3A_702 = arith.subi %convert_element_type3A_700, %sub3A_701 : vector<16xi32>
          %bitcast_convert_type3A_703 = tpu.bitcast %sub3A_702 : vector<16xi32> -> vector<16xi32>
          %lt3A_704 = vector.broadcast %scan3A_13 : i32 to vector<16xi32>
          %lt3A_705 = arith.cmpi ult, %bitcast_convert_type3A_703, %lt3A_704 : vector<16xi32>
          %mul3A_706 = arith.constant 1280 : i32
          %mul3A_707 = vector.broadcast %mul3A_706 : i32 to vector<16xi32>
          %mul3A_708 = arith.muli %sub3A_702, %mul3A_707 : vector<16xi32>
          %convert_element_type3A_709 = arith.fptosi %get3A_691 : vector<16xf32> to vector<16xi32>
          %add3A_710 = arith.addi %mul3A_708, %convert_element_type3A_709 : vector<16xi32>
          %mul3A_711 = arith.constant 32 : i32
          %mul3A_712 = arith.muli %add3A_685, %mul3A_711 : i32
          %add3A_713 = vector.broadcast %mul3A_712 : i32 to vector<16xi32>
          %add3A_714 = arith.addi %add3A_552, %add3A_713 : vector<16xi32>
          %convert_element_type3A_715 = arith.fptosi %get3A_699 : vector<16xf32> to vector<16xi32>
          %add3A_716 = arith.addi %add3A_714, %convert_element_type3A_715 : vector<16xi32>
          tpu.vector_store_idx %arg5[%add3A_710], %add3A_716 masked %lt3A_705 : memref<57600xi32, #tpu.memory_space<vmem>>[vector<16xi32>], vector<16xi32>, vector<16xi1>
          %gather3A_717 = tpu.vector_load_idx %arg5[%add3A_710] masked %lt3A_705 : memref<57600xi32, #tpu.memory_space<vmem>>[vector<16xi32>], vector<16xi32>, vector<16xi1>
          %lt3A_718 = arith.cmpi slt, %gather3A_717, %add3A_716 : vector<16xi32>
          %and3A_719 = arith.andi %lt3A_705, %lt3A_718 : vector<16xi1>
          %or3A_720 = arith.ori %or3A_681, %and3A_719 : vector<16xi1>
          scf.yield %or3A_720 : vector<16xi1>
        }
        %scan3A_558 = arith.constant 32 : i32
        %while3A_559 = scf.while (%while3A_565 = %scan3A_557) : (vector<16xi1>) -> vector<16xi1> {
          %reduce_or3A = arith.constant 1.000000e+00 : f32
          %reduce_or3A_566 = arith.constant 0.000000e+00 : f32
          %reduce_or3A_567 = vector.broadcast %reduce_or3A : f32 to vector<16xf32>
          %reduce_or3A_568 = vector.broadcast %reduce_or3A_566 : f32 to vector<16xf32>
          %reduce_or3A_569 = arith.select %while3A_565, %reduce_or3A_567, %reduce_or3A_568 : vector<16xi1>, vector<16xf32>
          %reduce_or3A_570 = arith.constant true
          %reduce_or3A_571 = vector.broadcast %reduce_or3A_570 : i1 to vector<16xi1>
          %reduce_or3A_572 = tpu.scan <max>, %reduce_or3A_569 masked %reduce_or3A_571 : vector<16xf32>, vector<16xi1> -> vector<16xf32>
          %reduce_or3A_573 = vector.extract %reduce_or3A_572[15] : f32 from vector<16xf32>
          %reduce_or3A_574 = arith.constant 0.000000e+00 : f32
          %reduce_or3A_575 = arith.cmpf ogt, %reduce_or3A_573, %reduce_or3A_574 : f32
          scf.condition(%reduce_or3A_575) %while3A_565 : vector<16xi1>
        } do {
        ^bb0(%while3A_565: vector<16xi1>):
          %scan3A_566 = arith.constant 0 : i32
          %scan3A_567 = arith.constant 128 : i32
          %scan3A_568 = arith.addi %scan3A_566, %scan3A_567 : i32
          %scan3A_569 = arith.constant 1 : i32
          %scan3A_570 = scf.for %scan3A_572 = %scan3A_566 to %scan3A_568 step %scan3A_569 iter_args(%scan3A_573 = %broadcast_in_dim3A_6) -> (vector<16xi1>)  : i32 {
            %mul3A_574 = arith.constant 16 : i32
            %mul3A_575 = arith.muli %scan3A_572, %mul3A_574 : i32
            %get3A = arith.constant 1 : i32
            %get3A_576 = arith.index_cast %get3A : i32 to index
            %get3A_577 = arith.index_cast %mul3A_575 : i32 to index
            %get3A_578 = tpu.vector_load %arg7[%get3A_576, %get3A_577] {strides = array<i32>} : memref<4x2048xf32, #tpu.memory_space<vmem>>, vector<16xf32>,
            %get3A_579 = arith.constant 2 : i32
            %get3A_580 = arith.index_cast %get3A_579 : i32 to index
            %get3A_581 = arith.index_cast %mul3A_575 : i32 to index
            %get3A_582 = tpu.vector_load %arg7[%get3A_580, %get3A_581] {strides = array<i32>} : memref<4x2048xf32, #tpu.memory_space<vmem>>, vector<16xf32>,
            %get3A_583 = arith.constant 3 : i32
            %get3A_584 = arith.index_cast %get3A_583 : i32 to index
            %get3A_585 = arith.index_cast %mul3A_575 : i32 to index
            %get3A_586 = tpu.vector_load %arg7[%get3A_584, %get3A_585] {strides = array<i32>} : memref<4x2048xf32, #tpu.memory_space<vmem>>, vector<16xf32>,
            %convert_element_type3A_587 = arith.fptosi %get3A_582 : vector<16xf32> to vector<16xi32>
            %sub3A_588 = vector.broadcast %mul3A_0 : i32 to vector<16xi32>
            %sub3A_589 = arith.subi %convert_element_type3A_587, %sub3A_588 : vector<16xi32>
            %bitcast_convert_type3A_590 = tpu.bitcast %sub3A_589 : vector<16xi32> -> vector<16xi32>
            %lt3A_591 = vector.broadcast %scan3A_13 : i32 to vector<16xi32>
            %lt3A_592 = arith.cmpi ult, %bitcast_convert_type3A_590, %lt3A_591 : vector<16xi32>
            %mul3A_593 = arith.constant 1280 : i32
            %mul3A_594 = vector.broadcast %mul3A_593 : i32 to vector<16xi32>
            %mul3A_595 = arith.muli %sub3A_589, %mul3A_594 : vector<16xi32>
            %convert_element_type3A_596 = arith.fptosi %get3A_578 : vector<16xf32> to vector<16xi32>
            %add3A_597 = arith.addi %mul3A_595, %convert_element_type3A_596 : vector<16xi32>
            %mul3A_598 = arith.constant 32 : i32
            %mul3A_599 = arith.muli %scan3A_572, %mul3A_598 : i32
            %add3A_600 = vector.broadcast %mul3A_599 : i32 to vector<16xi32>
            %add3A_601 = arith.addi %add3A_552, %add3A_600 : vector<16xi32>
            %convert_element_type3A_602 = arith.fptosi %get3A_586 : vector<16xf32> to vector<16xi32>
            %add3A_603 = arith.addi %add3A_601, %convert_element_type3A_602 : vector<16xi32>
            %gather3A_604 = tpu.vector_load_idx %arg5[%add3A_597] masked %lt3A_592 : memref<57600xi32, #tpu.memory_space<vmem>>[vector<16xi32>], vector<16xi32>, vector<16xi1>
            %lt3A_605 = arith.cmpi slt, %gather3A_604, %add3A_603 : vector<16xi32>
            %and3A_606 = arith.andi %lt3A_592, %lt3A_605 : vector<16xi1>
            tpu.vector_store_idx %arg5[%add3A_597], %add3A_603 masked %and3A_606 : memref<57600xi32, #tpu.memory_space<vmem>>[vector<16xi32>], vector<16xi32>, vector<16xi1>
            %gather3A_607 = tpu.vector_load_idx %arg5[%add3A_597] masked %and3A_606 : memref<57600xi32, #tpu.memory_space<vmem>>[vector<16xi32>], vector<16xi32>, vector<16xi1>
            %lt3A_608 = arith.cmpi slt, %gather3A_607, %add3A_603 : vector<16xi32>
            %and3A_609 = arith.andi %and3A_606, %lt3A_608 : vector<16xi1>
            %or3A = arith.ori %scan3A_573, %and3A_609 : vector<16xi1>
            scf.yield %or3A : vector<16xi1>
          }
          %scan3A_571 = arith.constant 128 : i32
          scf.yield %scan3A_570 : vector<16xi1>
        }
        %lt3A_560 = arith.constant 47 : i32
        %lt3A_561 = arith.cmpi slt, %scan3A_504, %lt3A_560 : i32
        %convert_element_type3A_562 = arith.extui %lt3A_561 : i1 to i32
        %cond3A = arith.constant 0 : i32
        %cond3A_563 = arith.cmpi ne, %convert_element_type3A_562, %cond3A : i32
        scf.if %cond3A_563 {
          %add3A_565 = arith.constant 3 : i32
          %add3A_566 = arith.addi %mul3A_507, %add3A_565 : i32
          %mul3A_567 = arith.constant 2048 : i32
          %mul3A_568 = arith.muli %add3A_566, %mul3A_567 : i32
          %dma_start3A_569 = arith.constant 0 : i32
          %dma_start3A_570 = tpu.memref_slice %arg2[%add3A, %dma_start3A_569, %mul3A_568] : memref<16x4x200000xf32, #tpu.memory_space<hbm>> -> memref<1x4x2048xf32, #tpu.memory_space<hbm>>
          %dma_start3A_571 = tpu.memref_squeeze %dma_start3A_570 : memref<1x4x2048xf32, #tpu.memory_space<hbm>> -> memref<4x2048xf32, #tpu.memory_space<hbm>>
          %dma_start3A_572 = arith.constant 0 : i32
          %dma_start3A_573 = tpu.memref_slice %arg2[%add3A, %dma_start3A_572, %mul3A_568] : memref<16x4x200000xf32, #tpu.memory_space<hbm>> -> memref<1x4x2048xf32, #tpu.memory_space<hbm>>
          %dma_start3A_574 = tpu.memref_squeeze %dma_start3A_573 : memref<1x4x2048xf32, #tpu.memory_space<hbm>> -> memref<4x2048xf32, #tpu.memory_space<hbm>>
          tpu.enqueue_dma source(%dma_start3A_574 : memref<4x2048xf32, #tpu.memory_space<hbm>>) target(%arg7 : memref<4x2048xf32, #tpu.memory_space<vmem>>) target_semaphore(%arg13 : memref<!tpu.dma_semaphore, #tpu.memory_space<semaphore_mem>>)
        } else {
        }
        %scan3A_564 = arith.constant 0 : i32
        scf.yield %scan3A_564 : i32
      }
      %scan3A_46 = arith.constant 48 : i32
      %dma_wait3A = arith.constant 0 : i32
      %dma_wait3A_47 = arith.constant 196608 : i32
      %dma_wait3A_48 = tpu.memref_slice %arg2[%add3A, %dma_wait3A, %dma_wait3A_47] : memref<16x4x200000xf32, #tpu.memory_space<hbm>> -> memref<1x4x2048xf32, #tpu.memory_space<hbm>>
      %dma_wait3A_49 = tpu.memref_squeeze %dma_wait3A_48 : memref<1x4x2048xf32, #tpu.memory_space<hbm>> -> memref<4x2048xf32, #tpu.memory_space<hbm>>
      %dma_wait3A_50 = arith.constant 0 : i32
      %dma_wait3A_51 = arith.constant 196608 : i32
      %dma_wait3A_52 = tpu.memref_slice %arg2[%add3A, %dma_wait3A_50, %dma_wait3A_51] : memref<16x4x200000xf32, #tpu.memory_space<hbm>> -> memref<1x4x2048xf32, #tpu.memory_space<hbm>>
      %dma_wait3A_53 = tpu.memref_squeeze %dma_wait3A_52 : memref<1x4x2048xf32, #tpu.memory_space<hbm>> -> memref<4x2048xf32, #tpu.memory_space<hbm>>
      tpu.wait_dma2 semaphore(%arg12 : memref<!tpu.dma_semaphore, #tpu.memory_space<semaphore_mem>>) src(%dma_wait3A_53 : memref<4x2048xf32, #tpu.memory_space<hbm>>) dst(%arg6 : memref<4x2048xf32, #tpu.memory_space<vmem>>)
      %add3A_54 = arith.constant 393216 : i32
      %add3A_55 = vector.broadcast %add3A_54 : i32 to vector<16xi32>
      %add3A_56 = arith.addi %add3A_55, %mul3A_3 : vector<16xi32>
      %scan3A_57 = arith.constant 0 : i32
      %scan3A_58 = arith.constant 32 : i32
      %scan3A_59 = arith.addi %scan3A_57, %scan3A_58 : i32
      %scan3A_60 = arith.constant 1 : i32
      %scan3A_61 = scf.for %scan3A_504 = %scan3A_57 to %scan3A_59 step %scan3A_60 iter_args(%scan3A_505 = %broadcast_in_dim3A_6) -> (vector<16xi1>)  : i32 {
        %mul3A_506 = arith.constant 4 : i32
        %mul3A_507 = arith.muli %scan3A_504, %mul3A_506 : i32
        %add3A_508 = arith.constant 0 : i32
        %add3A_509 = arith.addi %mul3A_507, %add3A_508 : i32
        %mul3A_510 = arith.constant 16 : i32
        %mul3A_511 = arith.muli %add3A_509, %mul3A_510 : i32
        %get3A = arith.constant 1 : i32
        %get3A_512 = arith.index_cast %get3A : i32 to index
        %get3A_513 = arith.index_cast %mul3A_511 : i32 to index
        %get3A_514 = tpu.vector_load %arg6[%get3A_512, %get3A_513] {strides = array<i32>} : memref<4x2048xf32, #tpu.memory_space<vmem>>, vector<16xf32>,
        %get3A_515 = arith.constant 2 : i32
        %get3A_516 = arith.index_cast %get3A_515 : i32 to index
        %get3A_517 = arith.index_cast %mul3A_511 : i32 to index
        %get3A_518 = tpu.vector_load %arg6[%get3A_516, %get3A_517] {strides = array<i32>} : memref<4x2048xf32, #tpu.memory_space<vmem>>, vector<16xf32>,
        %get3A_519 = arith.constant 3 : i32
        %get3A_520 = arith.index_cast %get3A_519 : i32 to index
        %get3A_521 = arith.index_cast %mul3A_511 : i32 to index
        %get3A_522 = tpu.vector_load %arg6[%get3A_520, %get3A_521] {strides = array<i32>} : memref<4x2048xf32, #tpu.memory_space<vmem>>, vector<16xf32>,
        %convert_element_type3A_523 = arith.fptosi %get3A_518 : vector<16xf32> to vector<16xi32>
        %sub3A_524 = vector.broadcast %mul3A_0 : i32 to vector<16xi32>
        %sub3A_525 = arith.subi %convert_element_type3A_523, %sub3A_524 : vector<16xi32>
        %bitcast_convert_type3A_526 = tpu.bitcast %sub3A_525 : vector<16xi32> -> vector<16xi32>
        %lt3A_527 = vector.broadcast %scan3A_13 : i32 to vector<16xi32>
        %lt3A_528 = arith.cmpi ult, %bitcast_convert_type3A_526, %lt3A_527 : vector<16xi32>
        %mul3A_529 = arith.constant 1280 : i32
        %mul3A_530 = vector.broadcast %mul3A_529 : i32 to vector<16xi32>
        %mul3A_531 = arith.muli %sub3A_525, %mul3A_530 : vector<16xi32>
        %convert_element_type3A_532 = arith.fptosi %get3A_514 : vector<16xf32> to vector<16xi32>
        %add3A_533 = arith.addi %mul3A_531, %convert_element_type3A_532 : vector<16xi32>
        %mul3A_534 = arith.constant 32 : i32
        %mul3A_535 = arith.muli %add3A_509, %mul3A_534 : i32
        %add3A_536 = vector.broadcast %mul3A_535 : i32 to vector<16xi32>
        %add3A_537 = arith.addi %add3A_56, %add3A_536 : vector<16xi32>
        %convert_element_type3A_538 = arith.fptosi %get3A_522 : vector<16xf32> to vector<16xi32>
        %add3A_539 = arith.addi %add3A_537, %convert_element_type3A_538 : vector<16xi32>
        tpu.vector_store_idx %arg5[%add3A_533], %add3A_539 masked %lt3A_528 : memref<57600xi32, #tpu.memory_space<vmem>>[vector<16xi32>], vector<16xi32>, vector<16xi1>
        %gather3A_540 = tpu.vector_load_idx %arg5[%add3A_533] masked %lt3A_528 : memref<57600xi32, #tpu.memory_space<vmem>>[vector<16xi32>], vector<16xi32>, vector<16xi1>
        %lt3A_541 = arith.cmpi slt, %gather3A_540, %add3A_539 : vector<16xi32>
        %and3A_542 = arith.andi %lt3A_528, %lt3A_541 : vector<16xi1>
        %or3A = arith.ori %scan3A_505, %and3A_542 : vector<16xi1>
        %mul3A_543 = arith.constant 4 : i32
        %mul3A_544 = arith.muli %scan3A_504, %mul3A_543 : i32
        %add3A_545 = arith.constant 1 : i32
        %add3A_546 = arith.addi %mul3A_544, %add3A_545 : i32
        %mul3A_547 = arith.constant 16 : i32
        %mul3A_548 = arith.muli %add3A_546, %mul3A_547 : i32
        %get3A_549 = arith.constant 1 : i32
        %get3A_550 = arith.index_cast %get3A_549 : i32 to index
        %get3A_551 = arith.index_cast %mul3A_548 : i32 to index
        %get3A_552 = tpu.vector_load %arg6[%get3A_550, %get3A_551] {strides = array<i32>} : memref<4x2048xf32, #tpu.memory_space<vmem>>, vector<16xf32>,
        %get3A_553 = arith.constant 2 : i32
        %get3A_554 = arith.index_cast %get3A_553 : i32 to index
        %get3A_555 = arith.index_cast %mul3A_548 : i32 to index
        %get3A_556 = tpu.vector_load %arg6[%get3A_554, %get3A_555] {strides = array<i32>} : memref<4x2048xf32, #tpu.memory_space<vmem>>, vector<16xf32>,
        %get3A_557 = arith.constant 3 : i32
        %get3A_558 = arith.index_cast %get3A_557 : i32 to index
        %get3A_559 = arith.index_cast %mul3A_548 : i32 to index
        %get3A_560 = tpu.vector_load %arg6[%get3A_558, %get3A_559] {strides = array<i32>} : memref<4x2048xf32, #tpu.memory_space<vmem>>, vector<16xf32>,
        %convert_element_type3A_561 = arith.fptosi %get3A_556 : vector<16xf32> to vector<16xi32>
        %sub3A_562 = vector.broadcast %mul3A_0 : i32 to vector<16xi32>
        %sub3A_563 = arith.subi %convert_element_type3A_561, %sub3A_562 : vector<16xi32>
        %bitcast_convert_type3A_564 = tpu.bitcast %sub3A_563 : vector<16xi32> -> vector<16xi32>
        %lt3A_565 = vector.broadcast %scan3A_13 : i32 to vector<16xi32>
        %lt3A_566 = arith.cmpi ult, %bitcast_convert_type3A_564, %lt3A_565 : vector<16xi32>
        %mul3A_567 = arith.constant 1280 : i32
        %mul3A_568 = vector.broadcast %mul3A_567 : i32 to vector<16xi32>
        %mul3A_569 = arith.muli %sub3A_563, %mul3A_568 : vector<16xi32>
        %convert_element_type3A_570 = arith.fptosi %get3A_552 : vector<16xf32> to vector<16xi32>
        %add3A_571 = arith.addi %mul3A_569, %convert_element_type3A_570 : vector<16xi32>
        %mul3A_572 = arith.constant 32 : i32
        %mul3A_573 = arith.muli %add3A_546, %mul3A_572 : i32
        %add3A_574 = vector.broadcast %mul3A_573 : i32 to vector<16xi32>
        %add3A_575 = arith.addi %add3A_56, %add3A_574 : vector<16xi32>
        %convert_element_type3A_576 = arith.fptosi %get3A_560 : vector<16xf32> to vector<16xi32>
        %add3A_577 = arith.addi %add3A_575, %convert_element_type3A_576 : vector<16xi32>
        tpu.vector_store_idx %arg5[%add3A_571], %add3A_577 masked %lt3A_566 : memref<57600xi32, #tpu.memory_space<vmem>>[vector<16xi32>], vector<16xi32>, vector<16xi1>
        %gather3A_578 = tpu.vector_load_idx %arg5[%add3A_571] masked %lt3A_566 : memref<57600xi32, #tpu.memory_space<vmem>>[vector<16xi32>], vector<16xi32>, vector<16xi1>
        %lt3A_579 = arith.cmpi slt, %gather3A_578, %add3A_577 : vector<16xi32>
        %and3A_580 = arith.andi %lt3A_566, %lt3A_579 : vector<16xi1>
        %or3A_581 = arith.ori %or3A, %and3A_580 : vector<16xi1>
        %mul3A_582 = arith.constant 4 : i32
        %mul3A_583 = arith.muli %scan3A_504, %mul3A_582 : i32
        %add3A_584 = arith.constant 2 : i32
        %add3A_585 = arith.addi %mul3A_583, %add3A_584 : i32
        %mul3A_586 = arith.constant 16 : i32
        %mul3A_587 = arith.muli %add3A_585, %mul3A_586 : i32
        %get3A_588 = arith.constant 1 : i32
        %get3A_589 = arith.index_cast %get3A_588 : i32 to index
        %get3A_590 = arith.index_cast %mul3A_587 : i32 to index
        %get3A_591 = tpu.vector_load %arg6[%get3A_589, %get3A_590] {strides = array<i32>} : memref<4x2048xf32, #tpu.memory_space<vmem>>, vector<16xf32>,
        %get3A_592 = arith.constant 2 : i32
        %get3A_593 = arith.index_cast %get3A_592 : i32 to index
        %get3A_594 = arith.index_cast %mul3A_587 : i32 to index
        %get3A_595 = tpu.vector_load %arg6[%get3A_593, %get3A_594] {strides = array<i32>} : memref<4x2048xf32, #tpu.memory_space<vmem>>, vector<16xf32>,
        %get3A_596 = arith.constant 3 : i32
        %get3A_597 = arith.index_cast %get3A_596 : i32 to index
        %get3A_598 = arith.index_cast %mul3A_587 : i32 to index
        %get3A_599 = tpu.vector_load %arg6[%get3A_597, %get3A_598] {strides = array<i32>} : memref<4x2048xf32, #tpu.memory_space<vmem>>, vector<16xf32>,
        %convert_element_type3A_600 = arith.fptosi %get3A_595 : vector<16xf32> to vector<16xi32>
        %sub3A_601 = vector.broadcast %mul3A_0 : i32 to vector<16xi32>
        %sub3A_602 = arith.subi %convert_element_type3A_600, %sub3A_601 : vector<16xi32>
        %bitcast_convert_type3A_603 = tpu.bitcast %sub3A_602 : vector<16xi32> -> vector<16xi32>
        %lt3A_604 = vector.broadcast %scan3A_13 : i32 to vector<16xi32>
        %lt3A_605 = arith.cmpi ult, %bitcast_convert_type3A_603, %lt3A_604 : vector<16xi32>
        %mul3A_606 = arith.constant 1280 : i32
        %mul3A_607 = vector.broadcast %mul3A_606 : i32 to vector<16xi32>
        %mul3A_608 = arith.muli %sub3A_602, %mul3A_607 : vector<16xi32>
        %convert_element_type3A_609 = arith.fptosi %get3A_591 : vector<16xf32> to vector<16xi32>
        %add3A_610 = arith.addi %mul3A_608, %convert_element_type3A_609 : vector<16xi32>
        %mul3A_611 = arith.constant 32 : i32
        %mul3A_612 = arith.muli %add3A_585, %mul3A_611 : i32
        %add3A_613 = vector.broadcast %mul3A_612 : i32 to vector<16xi32>
        %add3A_614 = arith.addi %add3A_56, %add3A_613 : vector<16xi32>
        %convert_element_type3A_615 = arith.fptosi %get3A_599 : vector<16xf32> to vector<16xi32>
        %add3A_616 = arith.addi %add3A_614, %convert_element_type3A_615 : vector<16xi32>
        tpu.vector_store_idx %arg5[%add3A_610], %add3A_616 masked %lt3A_605 : memref<57600xi32, #tpu.memory_space<vmem>>[vector<16xi32>], vector<16xi32>, vector<16xi1>
        %gather3A_617 = tpu.vector_load_idx %arg5[%add3A_610] masked %lt3A_605 : memref<57600xi32, #tpu.memory_space<vmem>>[vector<16xi32>], vector<16xi32>, vector<16xi1>
        %lt3A_618 = arith.cmpi slt, %gather3A_617, %add3A_616 : vector<16xi32>
        %and3A_619 = arith.andi %lt3A_605, %lt3A_618 : vector<16xi1>
        %or3A_620 = arith.ori %or3A_581, %and3A_619 : vector<16xi1>
        %mul3A_621 = arith.constant 4 : i32
        %mul3A_622 = arith.muli %scan3A_504, %mul3A_621 : i32
        %add3A_623 = arith.constant 3 : i32
        %add3A_624 = arith.addi %mul3A_622, %add3A_623 : i32
        %mul3A_625 = arith.constant 16 : i32
        %mul3A_626 = arith.muli %add3A_624, %mul3A_625 : i32
        %get3A_627 = arith.constant 1 : i32
        %get3A_628 = arith.index_cast %get3A_627 : i32 to index
        %get3A_629 = arith.index_cast %mul3A_626 : i32 to index
        %get3A_630 = tpu.vector_load %arg6[%get3A_628, %get3A_629] {strides = array<i32>} : memref<4x2048xf32, #tpu.memory_space<vmem>>, vector<16xf32>,
        %get3A_631 = arith.constant 2 : i32
        %get3A_632 = arith.index_cast %get3A_631 : i32 to index
        %get3A_633 = arith.index_cast %mul3A_626 : i32 to index
        %get3A_634 = tpu.vector_load %arg6[%get3A_632, %get3A_633] {strides = array<i32>} : memref<4x2048xf32, #tpu.memory_space<vmem>>, vector<16xf32>,
        %get3A_635 = arith.constant 3 : i32
        %get3A_636 = arith.index_cast %get3A_635 : i32 to index
        %get3A_637 = arith.index_cast %mul3A_626 : i32 to index
        %get3A_638 = tpu.vector_load %arg6[%get3A_636, %get3A_637] {strides = array<i32>} : memref<4x2048xf32, #tpu.memory_space<vmem>>, vector<16xf32>,
        %convert_element_type3A_639 = arith.fptosi %get3A_634 : vector<16xf32> to vector<16xi32>
        %sub3A_640 = vector.broadcast %mul3A_0 : i32 to vector<16xi32>
        %sub3A_641 = arith.subi %convert_element_type3A_639, %sub3A_640 : vector<16xi32>
        %bitcast_convert_type3A_642 = tpu.bitcast %sub3A_641 : vector<16xi32> -> vector<16xi32>
        %lt3A_643 = vector.broadcast %scan3A_13 : i32 to vector<16xi32>
        %lt3A_644 = arith.cmpi ult, %bitcast_convert_type3A_642, %lt3A_643 : vector<16xi32>
        %mul3A_645 = arith.constant 1280 : i32
        %mul3A_646 = vector.broadcast %mul3A_645 : i32 to vector<16xi32>
        %mul3A_647 = arith.muli %sub3A_641, %mul3A_646 : vector<16xi32>
        %convert_element_type3A_648 = arith.fptosi %get3A_630 : vector<16xf32> to vector<16xi32>
        %add3A_649 = arith.addi %mul3A_647, %convert_element_type3A_648 : vector<16xi32>
        %mul3A_650 = arith.constant 32 : i32
        %mul3A_651 = arith.muli %add3A_624, %mul3A_650 : i32
        %add3A_652 = vector.broadcast %mul3A_651 : i32 to vector<16xi32>
        %add3A_653 = arith.addi %add3A_56, %add3A_652 : vector<16xi32>
        %convert_element_type3A_654 = arith.fptosi %get3A_638 : vector<16xf32> to vector<16xi32>
        %add3A_655 = arith.addi %add3A_653, %convert_element_type3A_654 : vector<16xi32>
        tpu.vector_store_idx %arg5[%add3A_649], %add3A_655 masked %lt3A_644 : memref<57600xi32, #tpu.memory_space<vmem>>[vector<16xi32>], vector<16xi32>, vector<16xi1>
        %gather3A_656 = tpu.vector_load_idx %arg5[%add3A_649] masked %lt3A_644 : memref<57600xi32, #tpu.memory_space<vmem>>[vector<16xi32>], vector<16xi32>, vector<16xi1>
        %lt3A_657 = arith.cmpi slt, %gather3A_656, %add3A_655 : vector<16xi32>
        %and3A_658 = arith.andi %lt3A_644, %lt3A_657 : vector<16xi1>
        %or3A_659 = arith.ori %or3A_620, %and3A_658 : vector<16xi1>
        scf.yield %or3A_659 : vector<16xi1>
      }
      %scan3A_62 = arith.constant 32 : i32
      %while3A = scf.while (%while3A_504 = %scan3A_61) : (vector<16xi1>) -> vector<16xi1> {
        %reduce_or3A = arith.constant 1.000000e+00 : f32
        %reduce_or3A_505 = arith.constant 0.000000e+00 : f32
        %reduce_or3A_506 = vector.broadcast %reduce_or3A : f32 to vector<16xf32>
        %reduce_or3A_507 = vector.broadcast %reduce_or3A_505 : f32 to vector<16xf32>
        %reduce_or3A_508 = arith.select %while3A_504, %reduce_or3A_506, %reduce_or3A_507 : vector<16xi1>, vector<16xf32>
        %reduce_or3A_509 = arith.constant true
        %reduce_or3A_510 = vector.broadcast %reduce_or3A_509 : i1 to vector<16xi1>
        %reduce_or3A_511 = tpu.scan <max>, %reduce_or3A_508 masked %reduce_or3A_510 : vector<16xf32>, vector<16xi1> -> vector<16xf32>
        %reduce_or3A_512 = vector.extract %reduce_or3A_511[15] : f32 from vector<16xf32>
        %reduce_or3A_513 = arith.constant 0.000000e+00 : f32
        %reduce_or3A_514 = arith.cmpf ogt, %reduce_or3A_512, %reduce_or3A_513 : f32
        scf.condition(%reduce_or3A_514) %while3A_504 : vector<16xi1>
      } do {
      ^bb0(%while3A_504: vector<16xi1>):
        %scan3A_505 = arith.constant 0 : i32
        %scan3A_506 = arith.constant 128 : i32
        %scan3A_507 = arith.addi %scan3A_505, %scan3A_506 : i32
        %scan3A_508 = arith.constant 1 : i32
        %scan3A_509 = scf.for %scan3A_511 = %scan3A_505 to %scan3A_507 step %scan3A_508 iter_args(%scan3A_512 = %broadcast_in_dim3A_6) -> (vector<16xi1>)  : i32 {
          %mul3A_513 = arith.constant 16 : i32
          %mul3A_514 = arith.muli %scan3A_511, %mul3A_513 : i32
          %get3A = arith.constant 1 : i32
          %get3A_515 = arith.index_cast %get3A : i32 to index
          %get3A_516 = arith.index_cast %mul3A_514 : i32 to index
          %get3A_517 = tpu.vector_load %arg6[%get3A_515, %get3A_516] {strides = array<i32>} : memref<4x2048xf32, #tpu.memory_space<vmem>>, vector<16xf32>,
          %get3A_518 = arith.constant 2 : i32
          %get3A_519 = arith.index_cast %get3A_518 : i32 to index
          %get3A_520 = arith.index_cast %mul3A_514 : i32 to index
          %get3A_521 = tpu.vector_load %arg6[%get3A_519, %get3A_520] {strides = array<i32>} : memref<4x2048xf32, #tpu.memory_space<vmem>>, vector<16xf32>,
          %get3A_522 = arith.constant 3 : i32
          %get3A_523 = arith.index_cast %get3A_522 : i32 to index
          %get3A_524 = arith.index_cast %mul3A_514 : i32 to index
          %get3A_525 = tpu.vector_load %arg6[%get3A_523, %get3A_524] {strides = array<i32>} : memref<4x2048xf32, #tpu.memory_space<vmem>>, vector<16xf32>,
          %convert_element_type3A_526 = arith.fptosi %get3A_521 : vector<16xf32> to vector<16xi32>
          %sub3A_527 = vector.broadcast %mul3A_0 : i32 to vector<16xi32>
          %sub3A_528 = arith.subi %convert_element_type3A_526, %sub3A_527 : vector<16xi32>
          %bitcast_convert_type3A_529 = tpu.bitcast %sub3A_528 : vector<16xi32> -> vector<16xi32>
          %lt3A_530 = vector.broadcast %scan3A_13 : i32 to vector<16xi32>
          %lt3A_531 = arith.cmpi ult, %bitcast_convert_type3A_529, %lt3A_530 : vector<16xi32>
          %mul3A_532 = arith.constant 1280 : i32
          %mul3A_533 = vector.broadcast %mul3A_532 : i32 to vector<16xi32>
          %mul3A_534 = arith.muli %sub3A_528, %mul3A_533 : vector<16xi32>
          %convert_element_type3A_535 = arith.fptosi %get3A_517 : vector<16xf32> to vector<16xi32>
          %add3A_536 = arith.addi %mul3A_534, %convert_element_type3A_535 : vector<16xi32>
          %mul3A_537 = arith.constant 32 : i32
          %mul3A_538 = arith.muli %scan3A_511, %mul3A_537 : i32
          %add3A_539 = vector.broadcast %mul3A_538 : i32 to vector<16xi32>
          %add3A_540 = arith.addi %add3A_56, %add3A_539 : vector<16xi32>
          %convert_element_type3A_541 = arith.fptosi %get3A_525 : vector<16xf32> to vector<16xi32>
          %add3A_542 = arith.addi %add3A_540, %convert_element_type3A_541 : vector<16xi32>
          %gather3A_543 = tpu.vector_load_idx %arg5[%add3A_536] masked %lt3A_531 : memref<57600xi32, #tpu.memory_space<vmem>>[vector<16xi32>], vector<16xi32>, vector<16xi1>
          %lt3A_544 = arith.cmpi slt, %gather3A_543, %add3A_542 : vector<16xi32>
          %and3A_545 = arith.andi %lt3A_531, %lt3A_544 : vector<16xi1>
          tpu.vector_store_idx %arg5[%add3A_536], %add3A_542 masked %and3A_545 : memref<57600xi32, #tpu.memory_space<vmem>>[vector<16xi32>], vector<16xi32>, vector<16xi1>
          %gather3A_546 = tpu.vector_load_idx %arg5[%add3A_536] masked %and3A_545 : memref<57600xi32, #tpu.memory_space<vmem>>[vector<16xi32>], vector<16xi32>, vector<16xi1>
          %lt3A_547 = arith.cmpi slt, %gather3A_546, %add3A_542 : vector<16xi32>
          %and3A_548 = arith.andi %and3A_545, %lt3A_547 : vector<16xi1>
          %or3A = arith.ori %scan3A_512, %and3A_548 : vector<16xi1>
          scf.yield %or3A : vector<16xi1>
        }
        %scan3A_510 = arith.constant 128 : i32
        scf.yield %scan3A_509 : vector<16xi1>
      }
      %dma_start3A_63 = arith.constant 0 : i32
      %dma_start3A_64 = arith.constant 0 : i32
      %dma_start3A_65 = tpu.memref_slice %arg7[%dma_start3A_63, %dma_start3A_64] : memref<4x2048xf32, #tpu.memory_space<vmem>> -> memref<4x1280xf32, #tpu.memory_space<vmem>>
      %dma_start3A_66 = arith.constant 0 : i32
      %dma_start3A_67 = arith.constant 198656 : i32
      %dma_start3A_68 = tpu.memref_slice %arg2[%add3A, %dma_start3A_66, %dma_start3A_67] : memref<16x4x200000xf32, #tpu.memory_space<hbm>> -> memref<1x4x1280xf32, #tpu.memory_space<hbm>>
      %dma_start3A_69 = tpu.memref_squeeze %dma_start3A_68 : memref<1x4x1280xf32, #tpu.memory_space<hbm>> -> memref<4x1280xf32, #tpu.memory_space<hbm>>
      %dma_start3A_70 = arith.constant 0 : i32
      %dma_start3A_71 = arith.constant 0 : i32
      %dma_start3A_72 = tpu.memref_slice %arg7[%dma_start3A_70, %dma_start3A_71] : memref<4x2048xf32, #tpu.memory_space<vmem>> -> memref<4x1280xf32, #tpu.memory_space<vmem>>
      %dma_start3A_73 = arith.constant 0 : i32
      %dma_start3A_74 = arith.constant 198656 : i32
      %dma_start3A_75 = tpu.memref_slice %arg2[%add3A, %dma_start3A_73, %dma_start3A_74] : memref<16x4x200000xf32, #tpu.memory_space<hbm>> -> memref<1x4x1280xf32, #tpu.memory_space<hbm>>
      %dma_start3A_76 = tpu.memref_squeeze %dma_start3A_75 : memref<1x4x1280xf32, #tpu.memory_space<hbm>> -> memref<4x1280xf32, #tpu.memory_space<hbm>>
      tpu.enqueue_dma source(%dma_start3A_76 : memref<4x1280xf32, #tpu.memory_space<hbm>>) target(%dma_start3A_72 : memref<4x1280xf32, #tpu.memory_space<vmem>>) target_semaphore(%arg13 : memref<!tpu.dma_semaphore, #tpu.memory_space<semaphore_mem>>)
      %dma_wait3A_77 = arith.constant 0 : i32
      %dma_wait3A_78 = arith.constant 0 : i32
      %dma_wait3A_79 = tpu.memref_slice %arg7[%dma_wait3A_77, %dma_wait3A_78] : memref<4x2048xf32, #tpu.memory_space<vmem>> -> memref<4x1280xf32, #tpu.memory_space<vmem>>
      %dma_wait3A_80 = arith.constant 0 : i32
      %dma_wait3A_81 = arith.constant 198656 : i32
      %dma_wait3A_82 = tpu.memref_slice %arg2[%add3A, %dma_wait3A_80, %dma_wait3A_81] : memref<16x4x200000xf32, #tpu.memory_space<hbm>> -> memref<1x4x1280xf32, #tpu.memory_space<hbm>>
      %dma_wait3A_83 = tpu.memref_squeeze %dma_wait3A_82 : memref<1x4x1280xf32, #tpu.memory_space<hbm>> -> memref<4x1280xf32, #tpu.memory_space<hbm>>
      %dma_wait3A_84 = arith.constant 0 : i32
      %dma_wait3A_85 = arith.constant 0 : i32
      %dma_wait3A_86 = tpu.memref_slice %arg7[%dma_wait3A_84, %dma_wait3A_85] : memref<4x2048xf32, #tpu.memory_space<vmem>> -> memref<4x1280xf32, #tpu.memory_space<vmem>>
      %dma_wait3A_87 = arith.constant 0 : i32
      %dma_wait3A_88 = arith.constant 198656 : i32
      %dma_wait3A_89 = tpu.memref_slice %arg2[%add3A, %dma_wait3A_87, %dma_wait3A_88] : memref<16x4x200000xf32, #tpu.memory_space<hbm>> -> memref<1x4x1280xf32, #tpu.memory_space<hbm>>
      %dma_wait3A_90 = tpu.memref_squeeze %dma_wait3A_89 : memref<1x4x1280xf32, #tpu.memory_space<hbm>> -> memref<4x1280xf32, #tpu.memory_space<hbm>>
      tpu.wait_dma2 semaphore(%arg13 : memref<!tpu.dma_semaphore, #tpu.memory_space<semaphore_mem>>) src(%dma_wait3A_90 : memref<4x1280xf32, #tpu.memory_space<hbm>>) dst(%dma_wait3A_86 : memref<4x1280xf32, #tpu.memory_space<vmem>>)
      %add3A_91 = arith.constant 397312 : i32
      %add3A_92 = vector.broadcast %add3A_91 : i32 to vector<16xi32>
      %add3A_93 = arith.addi %add3A_92, %mul3A_3 : vector<16xi32>
      %scan3A_94 = arith.constant 0 : i32
      %scan3A_95 = arith.constant 20 : i32
      %scan3A_96 = arith.addi %scan3A_94, %scan3A_95 : i32
      %scan3A_97 = arith.constant 1 : i32
      %scan3A_98 = scf.for %scan3A_504 = %scan3A_94 to %scan3A_96 step %scan3A_97 iter_args(%scan3A_505 = %broadcast_in_dim3A_6) -> (vector<16xi1>)  : i32 {
        %mul3A_506 = arith.constant 4 : i32
        %mul3A_507 = arith.muli %scan3A_504, %mul3A_506 : i32
        %add3A_508 = arith.constant 0 : i32
        %add3A_509 = arith.addi %mul3A_507, %add3A_508 : i32
        %mul3A_510 = arith.constant 16 : i32
        %mul3A_511 = arith.muli %add3A_509, %mul3A_510 : i32
        %get3A = arith.constant 1 : i32
        %get3A_512 = arith.index_cast %get3A : i32 to index
        %get3A_513 = arith.index_cast %mul3A_511 : i32 to index
        %get3A_514 = tpu.vector_load %arg7[%get3A_512, %get3A_513] {strides = array<i32>} : memref<4x2048xf32, #tpu.memory_space<vmem>>, vector<16xf32>,
        %get3A_515 = arith.constant 2 : i32
        %get3A_516 = arith.index_cast %get3A_515 : i32 to index
        %get3A_517 = arith.index_cast %mul3A_511 : i32 to index
        %get3A_518 = tpu.vector_load %arg7[%get3A_516, %get3A_517] {strides = array<i32>} : memref<4x2048xf32, #tpu.memory_space<vmem>>, vector<16xf32>,
        %get3A_519 = arith.constant 3 : i32
        %get3A_520 = arith.index_cast %get3A_519 : i32 to index
        %get3A_521 = arith.index_cast %mul3A_511 : i32 to index
        %get3A_522 = tpu.vector_load %arg7[%get3A_520, %get3A_521] {strides = array<i32>} : memref<4x2048xf32, #tpu.memory_space<vmem>>, vector<16xf32>,
        %convert_element_type3A_523 = arith.fptosi %get3A_518 : vector<16xf32> to vector<16xi32>
        %sub3A_524 = vector.broadcast %mul3A_0 : i32 to vector<16xi32>
        %sub3A_525 = arith.subi %convert_element_type3A_523, %sub3A_524 : vector<16xi32>
        %bitcast_convert_type3A_526 = tpu.bitcast %sub3A_525 : vector<16xi32> -> vector<16xi32>
        %lt3A_527 = vector.broadcast %scan3A_13 : i32 to vector<16xi32>
        %lt3A_528 = arith.cmpi ult, %bitcast_convert_type3A_526, %lt3A_527 : vector<16xi32>
        %mul3A_529 = arith.constant 1280 : i32
        %mul3A_530 = vector.broadcast %mul3A_529 : i32 to vector<16xi32>
        %mul3A_531 = arith.muli %sub3A_525, %mul3A_530 : vector<16xi32>
        %convert_element_type3A_532 = arith.fptosi %get3A_514 : vector<16xf32> to vector<16xi32>
        %add3A_533 = arith.addi %mul3A_531, %convert_element_type3A_532 : vector<16xi32>
        %mul3A_534 = arith.constant 32 : i32
        %mul3A_535 = arith.muli %add3A_509, %mul3A_534 : i32
        %add3A_536 = vector.broadcast %mul3A_535 : i32 to vector<16xi32>
        %add3A_537 = arith.addi %add3A_93, %add3A_536 : vector<16xi32>
        %convert_element_type3A_538 = arith.fptosi %get3A_522 : vector<16xf32> to vector<16xi32>
        %add3A_539 = arith.addi %add3A_537, %convert_element_type3A_538 : vector<16xi32>
        tpu.vector_store_idx %arg5[%add3A_533], %add3A_539 masked %lt3A_528 : memref<57600xi32, #tpu.memory_space<vmem>>[vector<16xi32>], vector<16xi32>, vector<16xi1>
        %gather3A_540 = tpu.vector_load_idx %arg5[%add3A_533] masked %lt3A_528 : memref<57600xi32, #tpu.memory_space<vmem>>[vector<16xi32>], vector<16xi32>, vector<16xi1>
        %lt3A_541 = arith.cmpi slt, %gather3A_540, %add3A_539 : vector<16xi32>
        %and3A_542 = arith.andi %lt3A_528, %lt3A_541 : vector<16xi1>
        %or3A = arith.ori %scan3A_505, %and3A_542 : vector<16xi1>
        %mul3A_543 = arith.constant 4 : i32
        %mul3A_544 = arith.muli %scan3A_504, %mul3A_543 : i32
        %add3A_545 = arith.constant 1 : i32
        %add3A_546 = arith.addi %mul3A_544, %add3A_545 : i32
        %mul3A_547 = arith.constant 16 : i32
        %mul3A_548 = arith.muli %add3A_546, %mul3A_547 : i32
        %get3A_549 = arith.constant 1 : i32
        %get3A_550 = arith.index_cast %get3A_549 : i32 to index
        %get3A_551 = arith.index_cast %mul3A_548 : i32 to index
        %get3A_552 = tpu.vector_load %arg7[%get3A_550, %get3A_551] {strides = array<i32>} : memref<4x2048xf32, #tpu.memory_space<vmem>>, vector<16xf32>,
        %get3A_553 = arith.constant 2 : i32
        %get3A_554 = arith.index_cast %get3A_553 : i32 to index
        %get3A_555 = arith.index_cast %mul3A_548 : i32 to index
        %get3A_556 = tpu.vector_load %arg7[%get3A_554, %get3A_555] {strides = array<i32>} : memref<4x2048xf32, #tpu.memory_space<vmem>>, vector<16xf32>,
        %get3A_557 = arith.constant 3 : i32
        %get3A_558 = arith.index_cast %get3A_557 : i32 to index
        %get3A_559 = arith.index_cast %mul3A_548 : i32 to index
        %get3A_560 = tpu.vector_load %arg7[%get3A_558, %get3A_559] {strides = array<i32>} : memref<4x2048xf32, #tpu.memory_space<vmem>>, vector<16xf32>,
        %convert_element_type3A_561 = arith.fptosi %get3A_556 : vector<16xf32> to vector<16xi32>
        %sub3A_562 = vector.broadcast %mul3A_0 : i32 to vector<16xi32>
        %sub3A_563 = arith.subi %convert_element_type3A_561, %sub3A_562 : vector<16xi32>
        %bitcast_convert_type3A_564 = tpu.bitcast %sub3A_563 : vector<16xi32> -> vector<16xi32>
        %lt3A_565 = vector.broadcast %scan3A_13 : i32 to vector<16xi32>
        %lt3A_566 = arith.cmpi ult, %bitcast_convert_type3A_564, %lt3A_565 : vector<16xi32>
        %mul3A_567 = arith.constant 1280 : i32
        %mul3A_568 = vector.broadcast %mul3A_567 : i32 to vector<16xi32>
        %mul3A_569 = arith.muli %sub3A_563, %mul3A_568 : vector<16xi32>
        %convert_element_type3A_570 = arith.fptosi %get3A_552 : vector<16xf32> to vector<16xi32>
        %add3A_571 = arith.addi %mul3A_569, %convert_element_type3A_570 : vector<16xi32>
        %mul3A_572 = arith.constant 32 : i32
        %mul3A_573 = arith.muli %add3A_546, %mul3A_572 : i32
        %add3A_574 = vector.broadcast %mul3A_573 : i32 to vector<16xi32>
        %add3A_575 = arith.addi %add3A_93, %add3A_574 : vector<16xi32>
        %convert_element_type3A_576 = arith.fptosi %get3A_560 : vector<16xf32> to vector<16xi32>
        %add3A_577 = arith.addi %add3A_575, %convert_element_type3A_576 : vector<16xi32>
        tpu.vector_store_idx %arg5[%add3A_571], %add3A_577 masked %lt3A_566 : memref<57600xi32, #tpu.memory_space<vmem>>[vector<16xi32>], vector<16xi32>, vector<16xi1>
        %gather3A_578 = tpu.vector_load_idx %arg5[%add3A_571] masked %lt3A_566 : memref<57600xi32, #tpu.memory_space<vmem>>[vector<16xi32>], vector<16xi32>, vector<16xi1>
        %lt3A_579 = arith.cmpi slt, %gather3A_578, %add3A_577 : vector<16xi32>
        %and3A_580 = arith.andi %lt3A_566, %lt3A_579 : vector<16xi1>
        %or3A_581 = arith.ori %or3A, %and3A_580 : vector<16xi1>
        %mul3A_582 = arith.constant 4 : i32
        %mul3A_583 = arith.muli %scan3A_504, %mul3A_582 : i32
        %add3A_584 = arith.constant 2 : i32
        %add3A_585 = arith.addi %mul3A_583, %add3A_584 : i32
        %mul3A_586 = arith.constant 16 : i32
        %mul3A_587 = arith.muli %add3A_585, %mul3A_586 : i32
        %get3A_588 = arith.constant 1 : i32
        %get3A_589 = arith.index_cast %get3A_588 : i32 to index
        %get3A_590 = arith.index_cast %mul3A_587 : i32 to index
        %get3A_591 = tpu.vector_load %arg7[%get3A_589, %get3A_590] {strides = array<i32>} : memref<4x2048xf32, #tpu.memory_space<vmem>>, vector<16xf32>,
        %get3A_592 = arith.constant 2 : i32
        %get3A_593 = arith.index_cast %get3A_592 : i32 to index
        %get3A_594 = arith.index_cast %mul3A_587 : i32 to index
        %get3A_595 = tpu.vector_load %arg7[%get3A_593, %get3A_594] {strides = array<i32>} : memref<4x2048xf32, #tpu.memory_space<vmem>>, vector<16xf32>,
        %get3A_596 = arith.constant 3 : i32
        %get3A_597 = arith.index_cast %get3A_596 : i32 to index
        %get3A_598 = arith.index_cast %mul3A_587 : i32 to index
        %get3A_599 = tpu.vector_load %arg7[%get3A_597, %get3A_598] {strides = array<i32>} : memref<4x2048xf32, #tpu.memory_space<vmem>>, vector<16xf32>,
        %convert_element_type3A_600 = arith.fptosi %get3A_595 : vector<16xf32> to vector<16xi32>
        %sub3A_601 = vector.broadcast %mul3A_0 : i32 to vector<16xi32>
        %sub3A_602 = arith.subi %convert_element_type3A_600, %sub3A_601 : vector<16xi32>
        %bitcast_convert_type3A_603 = tpu.bitcast %sub3A_602 : vector<16xi32> -> vector<16xi32>
        %lt3A_604 = vector.broadcast %scan3A_13 : i32 to vector<16xi32>
        %lt3A_605 = arith.cmpi ult, %bitcast_convert_type3A_603, %lt3A_604 : vector<16xi32>
        %mul3A_606 = arith.constant 1280 : i32
        %mul3A_607 = vector.broadcast %mul3A_606 : i32 to vector<16xi32>
        %mul3A_608 = arith.muli %sub3A_602, %mul3A_607 : vector<16xi32>
        %convert_element_type3A_609 = arith.fptosi %get3A_591 : vector<16xf32> to vector<16xi32>
        %add3A_610 = arith.addi %mul3A_608, %convert_element_type3A_609 : vector<16xi32>
        %mul3A_611 = arith.constant 32 : i32
        %mul3A_612 = arith.muli %add3A_585, %mul3A_611 : i32
        %add3A_613 = vector.broadcast %mul3A_612 : i32 to vector<16xi32>
        %add3A_614 = arith.addi %add3A_93, %add3A_613 : vector<16xi32>
        %convert_element_type3A_615 = arith.fptosi %get3A_599 : vector<16xf32> to vector<16xi32>
        %add3A_616 = arith.addi %add3A_614, %convert_element_type3A_615 : vector<16xi32>
        tpu.vector_store_idx %arg5[%add3A_610], %add3A_616 masked %lt3A_605 : memref<57600xi32, #tpu.memory_space<vmem>>[vector<16xi32>], vector<16xi32>, vector<16xi1>
        %gather3A_617 = tpu.vector_load_idx %arg5[%add3A_610] masked %lt3A_605 : memref<57600xi32, #tpu.memory_space<vmem>>[vector<16xi32>], vector<16xi32>, vector<16xi1>
        %lt3A_618 = arith.cmpi slt, %gather3A_617, %add3A_616 : vector<16xi32>
        %and3A_619 = arith.andi %lt3A_605, %lt3A_618 : vector<16xi1>
        %or3A_620 = arith.ori %or3A_581, %and3A_619 : vector<16xi1>
        %mul3A_621 = arith.constant 4 : i32
        %mul3A_622 = arith.muli %scan3A_504, %mul3A_621 : i32
        %add3A_623 = arith.constant 3 : i32
        %add3A_624 = arith.addi %mul3A_622, %add3A_623 : i32
        %mul3A_625 = arith.constant 16 : i32
        %mul3A_626 = arith.muli %add3A_624, %mul3A_625 : i32
        %get3A_627 = arith.constant 1 : i32
        %get3A_628 = arith.index_cast %get3A_627 : i32 to index
        %get3A_629 = arith.index_cast %mul3A_626 : i32 to index
        %get3A_630 = tpu.vector_load %arg7[%get3A_628, %get3A_629] {strides = array<i32>} : memref<4x2048xf32, #tpu.memory_space<vmem>>, vector<16xf32>,
        %get3A_631 = arith.constant 2 : i32
        %get3A_632 = arith.index_cast %get3A_631 : i32 to index
        %get3A_633 = arith.index_cast %mul3A_626 : i32 to index
        %get3A_634 = tpu.vector_load %arg7[%get3A_632, %get3A_633] {strides = array<i32>} : memref<4x2048xf32, #tpu.memory_space<vmem>>, vector<16xf32>,
        %get3A_635 = arith.constant 3 : i32
        %get3A_636 = arith.index_cast %get3A_635 : i32 to index
        %get3A_637 = arith.index_cast %mul3A_626 : i32 to index
        %get3A_638 = tpu.vector_load %arg7[%get3A_636, %get3A_637] {strides = array<i32>} : memref<4x2048xf32, #tpu.memory_space<vmem>>, vector<16xf32>,
        %convert_element_type3A_639 = arith.fptosi %get3A_634 : vector<16xf32> to vector<16xi32>
        %sub3A_640 = vector.broadcast %mul3A_0 : i32 to vector<16xi32>
        %sub3A_641 = arith.subi %convert_element_type3A_639, %sub3A_640 : vector<16xi32>
        %bitcast_convert_type3A_642 = tpu.bitcast %sub3A_641 : vector<16xi32> -> vector<16xi32>
        %lt3A_643 = vector.broadcast %scan3A_13 : i32 to vector<16xi32>
        %lt3A_644 = arith.cmpi ult, %bitcast_convert_type3A_642, %lt3A_643 : vector<16xi32>
        %mul3A_645 = arith.constant 1280 : i32
        %mul3A_646 = vector.broadcast %mul3A_645 : i32 to vector<16xi32>
        %mul3A_647 = arith.muli %sub3A_641, %mul3A_646 : vector<16xi32>
        %convert_element_type3A_648 = arith.fptosi %get3A_630 : vector<16xf32> to vector<16xi32>
        %add3A_649 = arith.addi %mul3A_647, %convert_element_type3A_648 : vector<16xi32>
        %mul3A_650 = arith.constant 32 : i32
        %mul3A_651 = arith.muli %add3A_624, %mul3A_650 : i32
        %add3A_652 = vector.broadcast %mul3A_651 : i32 to vector<16xi32>
        %add3A_653 = arith.addi %add3A_93, %add3A_652 : vector<16xi32>
        %convert_element_type3A_654 = arith.fptosi %get3A_638 : vector<16xf32> to vector<16xi32>
        %add3A_655 = arith.addi %add3A_653, %convert_element_type3A_654 : vector<16xi32>
        tpu.vector_store_idx %arg5[%add3A_649], %add3A_655 masked %lt3A_644 : memref<57600xi32, #tpu.memory_space<vmem>>[vector<16xi32>], vector<16xi32>, vector<16xi1>
        %gather3A_656 = tpu.vector_load_idx %arg5[%add3A_649] masked %lt3A_644 : memref<57600xi32, #tpu.memory_space<vmem>>[vector<16xi32>], vector<16xi32>, vector<16xi1>
        %lt3A_657 = arith.cmpi slt, %gather3A_656, %add3A_655 : vector<16xi32>
        %and3A_658 = arith.andi %lt3A_644, %lt3A_657 : vector<16xi1>
        %or3A_659 = arith.ori %or3A_620, %and3A_658 : vector<16xi1>
        scf.yield %or3A_659 : vector<16xi1>
      }
      %scan3A_99 = arith.constant 20 : i32
      %while3A_100 = scf.while (%while3A_504 = %scan3A_98) : (vector<16xi1>) -> vector<16xi1> {
        %reduce_or3A = arith.constant 1.000000e+00 : f32
        %reduce_or3A_505 = arith.constant 0.000000e+00 : f32
        %reduce_or3A_506 = vector.broadcast %reduce_or3A : f32 to vector<16xf32>
        %reduce_or3A_507 = vector.broadcast %reduce_or3A_505 : f32 to vector<16xf32>
        %reduce_or3A_508 = arith.select %while3A_504, %reduce_or3A_506, %reduce_or3A_507 : vector<16xi1>, vector<16xf32>
        %reduce_or3A_509 = arith.constant true
        %reduce_or3A_510 = vector.broadcast %reduce_or3A_509 : i1 to vector<16xi1>
        %reduce_or3A_511 = tpu.scan <max>, %reduce_or3A_508 masked %reduce_or3A_510 : vector<16xf32>, vector<16xi1> -> vector<16xf32>
        %reduce_or3A_512 = vector.extract %reduce_or3A_511[15] : f32 from vector<16xf32>
        %reduce_or3A_513 = arith.constant 0.000000e+00 : f32
        %reduce_or3A_514 = arith.cmpf ogt, %reduce_or3A_512, %reduce_or3A_513 : f32
        scf.condition(%reduce_or3A_514) %while3A_504 : vector<16xi1>
      } do {
      ^bb0(%while3A_504: vector<16xi1>):
        %scan3A_505 = arith.constant 0 : i32
        %scan3A_506 = arith.constant 80 : i32
        %scan3A_507 = arith.addi %scan3A_505, %scan3A_506 : i32
        %scan3A_508 = arith.constant 1 : i32
        %scan3A_509 = scf.for %scan3A_511 = %scan3A_505 to %scan3A_507 step %scan3A_508 iter_args(%scan3A_512 = %broadcast_in_dim3A_6) -> (vector<16xi1>)  : i32 {
          %mul3A_513 = arith.constant 16 : i32
          %mul3A_514 = arith.muli %scan3A_511, %mul3A_513 : i32
          %get3A = arith.constant 1 : i32
          %get3A_515 = arith.index_cast %get3A : i32 to index
          %get3A_516 = arith.index_cast %mul3A_514 : i32 to index
          %get3A_517 = tpu.vector_load %arg7[%get3A_515, %get3A_516] {strides = array<i32>} : memref<4x2048xf32, #tpu.memory_space<vmem>>, vector<16xf32>,
          %get3A_518 = arith.constant 2 : i32
          %get3A_519 = arith.index_cast %get3A_518 : i32 to index
          %get3A_520 = arith.index_cast %mul3A_514 : i32 to index
          %get3A_521 = tpu.vector_load %arg7[%get3A_519, %get3A_520] {strides = array<i32>} : memref<4x2048xf32, #tpu.memory_space<vmem>>, vector<16xf32>,
          %get3A_522 = arith.constant 3 : i32
          %get3A_523 = arith.index_cast %get3A_522 : i32 to index
          %get3A_524 = arith.index_cast %mul3A_514 : i32 to index
          %get3A_525 = tpu.vector_load %arg7[%get3A_523, %get3A_524] {strides = array<i32>} : memref<4x2048xf32, #tpu.memory_space<vmem>>, vector<16xf32>,
          %convert_element_type3A_526 = arith.fptosi %get3A_521 : vector<16xf32> to vector<16xi32>
          %sub3A_527 = vector.broadcast %mul3A_0 : i32 to vector<16xi32>
          %sub3A_528 = arith.subi %convert_element_type3A_526, %sub3A_527 : vector<16xi32>
          %bitcast_convert_type3A_529 = tpu.bitcast %sub3A_528 : vector<16xi32> -> vector<16xi32>
          %lt3A_530 = vector.broadcast %scan3A_13 : i32 to vector<16xi32>
          %lt3A_531 = arith.cmpi ult, %bitcast_convert_type3A_529, %lt3A_530 : vector<16xi32>
          %mul3A_532 = arith.constant 1280 : i32
          %mul3A_533 = vector.broadcast %mul3A_532 : i32 to vector<16xi32>
          %mul3A_534 = arith.muli %sub3A_528, %mul3A_533 : vector<16xi32>
          %convert_element_type3A_535 = arith.fptosi %get3A_517 : vector<16xf32> to vector<16xi32>
          %add3A_536 = arith.addi %mul3A_534, %convert_element_type3A_535 : vector<16xi32>
          %mul3A_537 = arith.constant 32 : i32
          %mul3A_538 = arith.muli %scan3A_511, %mul3A_537 : i32
          %add3A_539 = vector.broadcast %mul3A_538 : i32 to vector<16xi32>
          %add3A_540 = arith.addi %add3A_93, %add3A_539 : vector<16xi32>
          %convert_element_type3A_541 = arith.fptosi %get3A_525 : vector<16xf32> to vector<16xi32>
          %add3A_542 = arith.addi %add3A_540, %convert_element_type3A_541 : vector<16xi32>
          %gather3A_543 = tpu.vector_load_idx %arg5[%add3A_536] masked %lt3A_531 : memref<57600xi32, #tpu.memory_space<vmem>>[vector<16xi32>], vector<16xi32>, vector<16xi1>
          %lt3A_544 = arith.cmpi slt, %gather3A_543, %add3A_542 : vector<16xi32>
          %and3A_545 = arith.andi %lt3A_531, %lt3A_544 : vector<16xi1>
          tpu.vector_store_idx %arg5[%add3A_536], %add3A_542 masked %and3A_545 : memref<57600xi32, #tpu.memory_space<vmem>>[vector<16xi32>], vector<16xi32>, vector<16xi1>
          %gather3A_546 = tpu.vector_load_idx %arg5[%add3A_536] masked %and3A_545 : memref<57600xi32, #tpu.memory_space<vmem>>[vector<16xi32>], vector<16xi32>, vector<16xi1>
          %lt3A_547 = arith.cmpi slt, %gather3A_546, %add3A_542 : vector<16xi32>
          %and3A_548 = arith.andi %and3A_545, %lt3A_547 : vector<16xi1>
          %or3A = arith.ori %scan3A_512, %and3A_548 : vector<16xi1>
          scf.yield %or3A : vector<16xi1>
        }
        %scan3A_510 = arith.constant 80 : i32
        scf.yield %scan3A_509 : vector<16xi1>
      }
      "tpu.region"() ({
        %run_scoped3A = tpu.sem_alloc : memref<!tpu.dma_semaphore, #tpu.memory_space<semaphore_mem>>
        %dma_start3A_504 = arith.constant 0 : i32
        %dma_start3A_505 = tpu.memref_slice %arg3[%add3A, %dma_start3A_504] : memref<16x256xf32, #tpu.memory_space<hbm>> -> memref<1x256xf32, #tpu.memory_space<hbm>>
        %dma_start3A_506 = tpu.memref_squeeze %dma_start3A_505 : memref<1x256xf32, #tpu.memory_space<hbm>> -> memref<256xf32, #tpu.memory_space<hbm>>
        %dma_start3A_507 = arith.constant 0 : i32
        %dma_start3A_508 = tpu.memref_slice %arg3[%add3A, %dma_start3A_507] : memref<16x256xf32, #tpu.memory_space<hbm>> -> memref<1x256xf32, #tpu.memory_space<hbm>>
        %dma_start3A_509 = tpu.memref_squeeze %dma_start3A_508 : memref<1x256xf32, #tpu.memory_space<hbm>> -> memref<256xf32, #tpu.memory_space<hbm>>
        tpu.enqueue_dma source(%dma_start3A_509 : memref<256xf32, #tpu.memory_space<hbm>>) target(%arg8 : memref<256xf32, #tpu.memory_space<vmem>>) target_semaphore(%run_scoped3A : memref<!tpu.dma_semaphore, #tpu.memory_space<semaphore_mem>>)
        %dma_wait3A_510 = arith.constant 0 : i32
        %dma_wait3A_511 = tpu.memref_slice %arg3[%add3A, %dma_wait3A_510] : memref<16x256xf32, #tpu.memory_space<hbm>> -> memref<1x256xf32, #tpu.memory_space<hbm>>
        %dma_wait3A_512 = tpu.memref_squeeze %dma_wait3A_511 : memref<1x256xf32, #tpu.memory_space<hbm>> -> memref<256xf32, #tpu.memory_space<hbm>>
        %dma_wait3A_513 = arith.constant 0 : i32
        %dma_wait3A_514 = tpu.memref_slice %arg3[%add3A, %dma_wait3A_513] : memref<16x256xf32, #tpu.memory_space<hbm>> -> memref<1x256xf32, #tpu.memory_space<hbm>>
        %dma_wait3A_515 = tpu.memref_squeeze %dma_wait3A_514 : memref<1x256xf32, #tpu.memory_space<hbm>> -> memref<256xf32, #tpu.memory_space<hbm>>
        tpu.wait_dma2 semaphore(%run_scoped3A : memref<!tpu.dma_semaphore, #tpu.memory_space<semaphore_mem>>) src(%dma_wait3A_515 : memref<256xf32, #tpu.memory_space<hbm>>) dst(%arg8 : memref<256xf32, #tpu.memory_space<vmem>>)
        tpu.yield
      }) : () -> ()
      %mul3A_101 = arith.constant 4 : i32
      %mul3A_102 = vector.broadcast %mul3A_101 : i32 to vector<16xi32>
      %mul3A_103 = arith.muli %iota3A, %mul3A_102 : vector<16xi32>
      %add3A_104 = arith.constant 1 : i32
      %add3A_105 = vector.broadcast %add3A_104 : i32 to vector<16xi32>
      %add3A_106 = arith.addi %mul3A_103, %add3A_105 : vector<16xi32>
      %gather3A = tpu.vector_load_idx %arg8[%add3A_106] : memref<256xf32, #tpu.memory_space<vmem>>[vector<16xi32>], vector<16xf32>,
      %add3A_107 = arith.constant 1 : i32
      %add3A_108 = vector.broadcast %add3A_107 : i32 to vector<16xi32>
      %add3A_109 = arith.addi %add3A_106, %add3A_108 : vector<16xi32>
      %gather3A_110 = tpu.vector_load_idx %arg8[%add3A_109] : memref<256xf32, #tpu.memory_space<vmem>>[vector<16xi32>], vector<16xf32>,
      %add3A_111 = arith.constant 2 : i32
      %add3A_112 = vector.broadcast %add3A_111 : i32 to vector<16xi32>
      %add3A_113 = arith.addi %add3A_106, %add3A_112 : vector<16xi32>
      %gather3A_114 = tpu.vector_load_idx %arg8[%add3A_113] : memref<256xf32, #tpu.memory_space<vmem>>[vector<16xi32>], vector<16xf32>,
      %convert_element_type3A = arith.fptosi %gather3A_110 : vector<16xf32> to vector<16xi32>
      %sub3A = vector.broadcast %mul3A_0 : i32 to vector<16xi32>
      %sub3A_115 = arith.subi %convert_element_type3A, %sub3A : vector<16xi32>
      %bitcast_convert_type3A = tpu.bitcast %sub3A_115 : vector<16xi32> -> vector<16xi32>
      %lt3A = vector.broadcast %scan3A_13 : i32 to vector<16xi32>
      %lt3A_116 = arith.cmpi ult, %bitcast_convert_type3A, %lt3A : vector<16xi32>
      %mul3A_117 = arith.constant 1280 : i32
      %mul3A_118 = vector.broadcast %mul3A_117 : i32 to vector<16xi32>
      %mul3A_119 = arith.muli %sub3A_115, %mul3A_118 : vector<16xi32>
      %convert_element_type3A_120 = arith.fptosi %gather3A : vector<16xf32> to vector<16xi32>
      %add3A_121 = arith.addi %mul3A_119, %convert_element_type3A_120 : vector<16xi32>
      %add3A_122 = arith.constant 399872 : i32
      %add3A_123 = vector.broadcast %add3A_122 : i32 to vector<16xi32>
      %add3A_124 = arith.addi %add3A_123, %mul3A_3 : vector<16xi32>
      %convert_element_type3A_125 = arith.fptosi %gather3A_114 : vector<16xf32> to vector<16xi32>
      %add3A_126 = arith.addi %add3A_124, %convert_element_type3A_125 : vector<16xi32>
      tpu.vector_store_idx %arg5[%add3A_121], %add3A_126 masked %lt3A_116 : memref<57600xi32, #tpu.memory_space<vmem>>[vector<16xi32>], vector<16xi32>, vector<16xi1>
      %gather3A_127 = tpu.vector_load_idx %arg5[%add3A_121] masked %lt3A_116 : memref<57600xi32, #tpu.memory_space<vmem>>[vector<16xi32>], vector<16xi32>, vector<16xi1>
      %lt3A_128 = arith.cmpi slt, %gather3A_127, %add3A_126 : vector<16xi32>
      %and3A = arith.andi %lt3A_116, %lt3A_128 : vector<16xi1>
      %while3A_129 = scf.while (%while3A_504 = %and3A) : (vector<16xi1>) -> vector<16xi1> {
        %reduce_or3A = arith.constant 1.000000e+00 : f32
        %reduce_or3A_505 = arith.constant 0.000000e+00 : f32
        %reduce_or3A_506 = vector.broadcast %reduce_or3A : f32 to vector<16xf32>
        %reduce_or3A_507 = vector.broadcast %reduce_or3A_505 : f32 to vector<16xf32>
        %reduce_or3A_508 = arith.select %while3A_504, %reduce_or3A_506, %reduce_or3A_507 : vector<16xi1>, vector<16xf32>
        %reduce_or3A_509 = arith.constant true
        %reduce_or3A_510 = vector.broadcast %reduce_or3A_509 : i1 to vector<16xi1>
        %reduce_or3A_511 = tpu.scan <max>, %reduce_or3A_508 masked %reduce_or3A_510 : vector<16xf32>, vector<16xi1> -> vector<16xf32>
        %reduce_or3A_512 = vector.extract %reduce_or3A_511[15] : f32 from vector<16xf32>
        %reduce_or3A_513 = arith.constant 0.000000e+00 : f32
        %reduce_or3A_514 = arith.cmpf ogt, %reduce_or3A_512, %reduce_or3A_513 : f32
        scf.condition(%reduce_or3A_514) %while3A_504 : vector<16xi1>
      } do {
      ^bb0(%while3A_504: vector<16xi1>):
        tpu.vector_store_idx %arg5[%add3A_121], %add3A_126 masked %while3A_504 : memref<57600xi32, #tpu.memory_space<vmem>>[vector<16xi32>], vector<16xi32>, vector<16xi1>
        %gather3A_505 = tpu.vector_load_idx %arg5[%add3A_121] masked %while3A_504 : memref<57600xi32, #tpu.memory_space<vmem>>[vector<16xi32>], vector<16xi32>, vector<16xi1>
        %lt3A_506 = arith.cmpi slt, %gather3A_505, %add3A_126 : vector<16xi32>
        %and3A_507 = arith.andi %while3A_504, %lt3A_506 : vector<16xi1>
        scf.yield %and3A_507 : vector<16xi1>
      }
      %add3A_130 = arith.constant 65 : i32
      %add3A_131 = vector.broadcast %add3A_130 : i32 to vector<16xi32>
      %add3A_132 = arith.addi %mul3A_103, %add3A_131 : vector<16xi32>
      %gather3A_133 = tpu.vector_load_idx %arg8[%add3A_132] : memref<256xf32, #tpu.memory_space<vmem>>[vector<16xi32>], vector<16xf32>,
      %add3A_134 = arith.constant 1 : i32
      %add3A_135 = vector.broadcast %add3A_134 : i32 to vector<16xi32>
      %add3A_136 = arith.addi %add3A_132, %add3A_135 : vector<16xi32>
      %gather3A_137 = tpu.vector_load_idx %arg8[%add3A_136] : memref<256xf32, #tpu.memory_space<vmem>>[vector<16xi32>], vector<16xf32>,
      %add3A_138 = arith.constant 2 : i32
      %add3A_139 = vector.broadcast %add3A_138 : i32 to vector<16xi32>
      %add3A_140 = arith.addi %add3A_132, %add3A_139 : vector<16xi32>
      %gather3A_141 = tpu.vector_load_idx %arg8[%add3A_140] : memref<256xf32, #tpu.memory_space<vmem>>[vector<16xi32>], vector<16xf32>,
      %convert_element_type3A_142 = arith.fptosi %gather3A_137 : vector<16xf32> to vector<16xi32>
      %sub3A_143 = vector.broadcast %mul3A_0 : i32 to vector<16xi32>
      %sub3A_144 = arith.subi %convert_element_type3A_142, %sub3A_143 : vector<16xi32>
      %bitcast_convert_type3A_145 = tpu.bitcast %sub3A_144 : vector<16xi32> -> vector<16xi32>
      %lt3A_146 = vector.broadcast %scan3A_13 : i32 to vector<16xi32>
      %lt3A_147 = arith.cmpi ult, %bitcast_convert_type3A_145, %lt3A_146 : vector<16xi32>
      %mul3A_148 = arith.constant 1280 : i32
      %mul3A_149 = vector.broadcast %mul3A_148 : i32 to vector<16xi32>
      %mul3A_150 = arith.muli %sub3A_144, %mul3A_149 : vector<16xi32>
      %convert_element_type3A_151 = arith.fptosi %gather3A_133 : vector<16xf32> to vector<16xi32>
      %add3A_152 = arith.addi %mul3A_150, %convert_element_type3A_151 : vector<16xi32>
      %add3A_153 = arith.constant 399904 : i32
      %add3A_154 = vector.broadcast %add3A_153 : i32 to vector<16xi32>
      %add3A_155 = arith.addi %add3A_154, %mul3A_3 : vector<16xi32>
      %convert_element_type3A_156 = arith.fptosi %gather3A_141 : vector<16xf32> to vector<16xi32>
      %add3A_157 = arith.addi %add3A_155, %convert_element_type3A_156 : vector<16xi32>
      tpu.vector_store_idx %arg5[%add3A_152], %add3A_157 masked %lt3A_147 : memref<57600xi32, #tpu.memory_space<vmem>>[vector<16xi32>], vector<16xi32>, vector<16xi1>
      %gather3A_158 = tpu.vector_load_idx %arg5[%add3A_152] masked %lt3A_147 : memref<57600xi32, #tpu.memory_space<vmem>>[vector<16xi32>], vector<16xi32>, vector<16xi1>
      %lt3A_159 = arith.cmpi slt, %gather3A_158, %add3A_157 : vector<16xi32>
      %and3A_160 = arith.andi %lt3A_147, %lt3A_159 : vector<16xi1>
      %while3A_161 = scf.while (%while3A_504 = %and3A_160) : (vector<16xi1>) -> vector<16xi1> {
        %reduce_or3A = arith.constant 1.000000e+00 : f32
        %reduce_or3A_505 = arith.constant 0.000000e+00 : f32
        %reduce_or3A_506 = vector.broadcast %reduce_or3A : f32 to vector<16xf32>
        %reduce_or3A_507 = vector.broadcast %reduce_or3A_505 : f32 to vector<16xf32>
        %reduce_or3A_508 = arith.select %while3A_504, %reduce_or3A_506, %reduce_or3A_507 : vector<16xi1>, vector<16xf32>
        %reduce_or3A_509 = arith.constant true
        %reduce_or3A_510 = vector.broadcast %reduce_or3A_509 : i1 to vector<16xi1>
        %reduce_or3A_511 = tpu.scan <max>, %reduce_or3A_508 masked %reduce_or3A_510 : vector<16xf32>, vector<16xi1> -> vector<16xf32>
        %reduce_or3A_512 = vector.extract %reduce_or3A_511[15] : f32 from vector<16xf32>
        %reduce_or3A_513 = arith.constant 0.000000e+00 : f32
        %reduce_or3A_514 = arith.cmpf ogt, %reduce_or3A_512, %reduce_or3A_513 : f32
        scf.condition(%reduce_or3A_514) %while3A_504 : vector<16xi1>
      } do {
      ^bb0(%while3A_504: vector<16xi1>):
        tpu.vector_store_idx %arg5[%add3A_152], %add3A_157 masked %while3A_504 : memref<57600xi32, #tpu.memory_space<vmem>>[vector<16xi32>], vector<16xi32>, vector<16xi1>
        %gather3A_505 = tpu.vector_load_idx %arg5[%add3A_152] masked %while3A_504 : memref<57600xi32, #tpu.memory_space<vmem>>[vector<16xi32>], vector<16xi32>, vector<16xi1>
        %lt3A_506 = arith.cmpi slt, %gather3A_505, %add3A_157 : vector<16xi32>
        %and3A_507 = arith.andi %while3A_504, %lt3A_506 : vector<16xi1>
        scf.yield %and3A_507 : vector<16xi1>
      }
      %add3A_162 = arith.constant 129 : i32
      %add3A_163 = vector.broadcast %add3A_162 : i32 to vector<16xi32>
      %add3A_164 = arith.addi %mul3A_103, %add3A_163 : vector<16xi32>
      %gather3A_165 = tpu.vector_load_idx %arg8[%add3A_164] : memref<256xf32, #tpu.memory_space<vmem>>[vector<16xi32>], vector<16xf32>,
      %add3A_166 = arith.constant 1 : i32
      %add3A_167 = vector.broadcast %add3A_166 : i32 to vector<16xi32>
      %add3A_168 = arith.addi %add3A_164, %add3A_167 : vector<16xi32>
      %gather3A_169 = tpu.vector_load_idx %arg8[%add3A_168] : memref<256xf32, #tpu.memory_space<vmem>>[vector<16xi32>], vector<16xf32>,
      %add3A_170 = arith.constant 2 : i32
      %add3A_171 = vector.broadcast %add3A_170 : i32 to vector<16xi32>
      %add3A_172 = arith.addi %add3A_164, %add3A_171 : vector<16xi32>
      %gather3A_173 = tpu.vector_load_idx %arg8[%add3A_172] : memref<256xf32, #tpu.memory_space<vmem>>[vector<16xi32>], vector<16xf32>,
      %convert_element_type3A_174 = arith.fptosi %gather3A_169 : vector<16xf32> to vector<16xi32>
      %sub3A_175 = vector.broadcast %mul3A_0 : i32 to vector<16xi32>
      %sub3A_176 = arith.subi %convert_element_type3A_174, %sub3A_175 : vector<16xi32>
      %bitcast_convert_type3A_177 = tpu.bitcast %sub3A_176 : vector<16xi32> -> vector<16xi32>
      %lt3A_178 = vector.broadcast %scan3A_13 : i32 to vector<16xi32>
      %lt3A_179 = arith.cmpi ult, %bitcast_convert_type3A_177, %lt3A_178 : vector<16xi32>
      %mul3A_180 = arith.constant 1280 : i32
      %mul3A_181 = vector.broadcast %mul3A_180 : i32 to vector<16xi32>
      %mul3A_182 = arith.muli %sub3A_176, %mul3A_181 : vector<16xi32>
      %convert_element_type3A_183 = arith.fptosi %gather3A_165 : vector<16xf32> to vector<16xi32>
      %add3A_184 = arith.addi %mul3A_182, %convert_element_type3A_183 : vector<16xi32>
      %add3A_185 = arith.constant 399936 : i32
      %add3A_186 = vector.broadcast %add3A_185 : i32 to vector<16xi32>
      %add3A_187 = arith.addi %add3A_186, %mul3A_3 : vector<16xi32>
      %convert_element_type3A_188 = arith.fptosi %gather3A_173 : vector<16xf32> to vector<16xi32>
      %add3A_189 = arith.addi %add3A_187, %convert_element_type3A_188 : vector<16xi32>
      tpu.vector_store_idx %arg5[%add3A_184], %add3A_189 masked %lt3A_179 : memref<57600xi32, #tpu.memory_space<vmem>>[vector<16xi32>], vector<16xi32>, vector<16xi1>
      %gather3A_190 = tpu.vector_load_idx %arg5[%add3A_184] masked %lt3A_179 : memref<57600xi32, #tpu.memory_space<vmem>>[vector<16xi32>], vector<16xi32>, vector<16xi1>
      %lt3A_191 = arith.cmpi slt, %gather3A_190, %add3A_189 : vector<16xi32>
      %and3A_192 = arith.andi %lt3A_179, %lt3A_191 : vector<16xi1>
      %while3A_193 = scf.while (%while3A_504 = %and3A_192) : (vector<16xi1>) -> vector<16xi1> {
        %reduce_or3A = arith.constant 1.000000e+00 : f32
        %reduce_or3A_505 = arith.constant 0.000000e+00 : f32
        %reduce_or3A_506 = vector.broadcast %reduce_or3A : f32 to vector<16xf32>
        %reduce_or3A_507 = vector.broadcast %reduce_or3A_505 : f32 to vector<16xf32>
        %reduce_or3A_508 = arith.select %while3A_504, %reduce_or3A_506, %reduce_or3A_507 : vector<16xi1>, vector<16xf32>
        %reduce_or3A_509 = arith.constant true
        %reduce_or3A_510 = vector.broadcast %reduce_or3A_509 : i1 to vector<16xi1>
        %reduce_or3A_511 = tpu.scan <max>, %reduce_or3A_508 masked %reduce_or3A_510 : vector<16xf32>, vector<16xi1> -> vector<16xf32>
        %reduce_or3A_512 = vector.extract %reduce_or3A_511[15] : f32 from vector<16xf32>
        %reduce_or3A_513 = arith.constant 0.000000e+00 : f32
        %reduce_or3A_514 = arith.cmpf ogt, %reduce_or3A_512, %reduce_or3A_513 : f32
        scf.condition(%reduce_or3A_514) %while3A_504 : vector<16xi1>
      } do {
      ^bb0(%while3A_504: vector<16xi1>):
        tpu.vector_store_idx %arg5[%add3A_184], %add3A_189 masked %while3A_504 : memref<57600xi32, #tpu.memory_space<vmem>>[vector<16xi32>], vector<16xi32>, vector<16xi1>
        %gather3A_505 = tpu.vector_load_idx %arg5[%add3A_184] masked %while3A_504 : memref<57600xi32, #tpu.memory_space<vmem>>[vector<16xi32>], vector<16xi32>, vector<16xi1>
        %lt3A_506 = arith.cmpi slt, %gather3A_505, %add3A_189 : vector<16xi32>
        %and3A_507 = arith.andi %while3A_504, %lt3A_506 : vector<16xi1>
        scf.yield %and3A_507 : vector<16xi1>
      }
      %add3A_194 = arith.constant 193 : i32
      %add3A_195 = vector.broadcast %add3A_194 : i32 to vector<16xi32>
      %add3A_196 = arith.addi %mul3A_103, %add3A_195 : vector<16xi32>
      %gather3A_197 = tpu.vector_load_idx %arg8[%add3A_196] : memref<256xf32, #tpu.memory_space<vmem>>[vector<16xi32>], vector<16xf32>,
      %add3A_198 = arith.constant 1 : i32
      %add3A_199 = vector.broadcast %add3A_198 : i32 to vector<16xi32>
      %add3A_200 = arith.addi %add3A_196, %add3A_199 : vector<16xi32>
      %gather3A_201 = tpu.vector_load_idx %arg8[%add3A_200] : memref<256xf32, #tpu.memory_space<vmem>>[vector<16xi32>], vector<16xf32>,
      %add3A_202 = arith.constant 2 : i32
      %add3A_203 = vector.broadcast %add3A_202 : i32 to vector<16xi32>
      %add3A_204 = arith.addi %add3A_196, %add3A_203 : vector<16xi32>
      %gather3A_205 = tpu.vector_load_idx %arg8[%add3A_204] : memref<256xf32, #tpu.memory_space<vmem>>[vector<16xi32>], vector<16xf32>,
      %convert_element_type3A_206 = arith.fptosi %gather3A_201 : vector<16xf32> to vector<16xi32>
      %sub3A_207 = vector.broadcast %mul3A_0 : i32 to vector<16xi32>
      %sub3A_208 = arith.subi %convert_element_type3A_206, %sub3A_207 : vector<16xi32>
      %bitcast_convert_type3A_209 = tpu.bitcast %sub3A_208 : vector<16xi32> -> vector<16xi32>
      %lt3A_210 = vector.broadcast %scan3A_13 : i32 to vector<16xi32>
      %lt3A_211 = arith.cmpi ult, %bitcast_convert_type3A_209, %lt3A_210 : vector<16xi32>
      %mul3A_212 = arith.constant 1280 : i32
      %mul3A_213 = vector.broadcast %mul3A_212 : i32 to vector<16xi32>
      %mul3A_214 = arith.muli %sub3A_208, %mul3A_213 : vector<16xi32>
      %convert_element_type3A_215 = arith.fptosi %gather3A_197 : vector<16xf32> to vector<16xi32>
      %add3A_216 = arith.addi %mul3A_214, %convert_element_type3A_215 : vector<16xi32>
      %add3A_217 = arith.constant 399968 : i32
      %add3A_218 = vector.broadcast %add3A_217 : i32 to vector<16xi32>
      %add3A_219 = arith.addi %add3A_218, %mul3A_3 : vector<16xi32>
      %convert_element_type3A_220 = arith.fptosi %gather3A_205 : vector<16xf32> to vector<16xi32>
      %add3A_221 = arith.addi %add3A_219, %convert_element_type3A_220 : vector<16xi32>
      tpu.vector_store_idx %arg5[%add3A_216], %add3A_221 masked %lt3A_211 : memref<57600xi32, #tpu.memory_space<vmem>>[vector<16xi32>], vector<16xi32>, vector<16xi1>
      %gather3A_222 = tpu.vector_load_idx %arg5[%add3A_216] masked %lt3A_211 : memref<57600xi32, #tpu.memory_space<vmem>>[vector<16xi32>], vector<16xi32>, vector<16xi1>
      %lt3A_223 = arith.cmpi slt, %gather3A_222, %add3A_221 : vector<16xi32>
      %and3A_224 = arith.andi %lt3A_211, %lt3A_223 : vector<16xi1>
      %while3A_225 = scf.while (%while3A_504 = %and3A_224) : (vector<16xi1>) -> vector<16xi1> {
        %reduce_or3A = arith.constant 1.000000e+00 : f32
        %reduce_or3A_505 = arith.constant 0.000000e+00 : f32
        %reduce_or3A_506 = vector.broadcast %reduce_or3A : f32 to vector<16xf32>
        %reduce_or3A_507 = vector.broadcast %reduce_or3A_505 : f32 to vector<16xf32>
        %reduce_or3A_508 = arith.select %while3A_504, %reduce_or3A_506, %reduce_or3A_507 : vector<16xi1>, vector<16xf32>
        %reduce_or3A_509 = arith.constant true
        %reduce_or3A_510 = vector.broadcast %reduce_or3A_509 : i1 to vector<16xi1>
        %reduce_or3A_511 = tpu.scan <max>, %reduce_or3A_508 masked %reduce_or3A_510 : vector<16xf32>, vector<16xi1> -> vector<16xf32>
        %reduce_or3A_512 = vector.extract %reduce_or3A_511[15] : f32 from vector<16xf32>
        %reduce_or3A_513 = arith.constant 0.000000e+00 : f32
        %reduce_or3A_514 = arith.cmpf ogt, %reduce_or3A_512, %reduce_or3A_513 : f32
        scf.condition(%reduce_or3A_514) %while3A_504 : vector<16xi1>
      } do {
      ^bb0(%while3A_504: vector<16xi1>):
        tpu.vector_store_idx %arg5[%add3A_216], %add3A_221 masked %while3A_504 : memref<57600xi32, #tpu.memory_space<vmem>>[vector<16xi32>], vector<16xi32>, vector<16xi1>
        %gather3A_505 = tpu.vector_load_idx %arg5[%add3A_216] masked %while3A_504 : memref<57600xi32, #tpu.memory_space<vmem>>[vector<16xi32>], vector<16xi32>, vector<16xi1>
        %lt3A_506 = arith.cmpi slt, %gather3A_505, %add3A_221 : vector<16xi32>
        %and3A_507 = arith.andi %while3A_504, %lt3A_506 : vector<16xi1>
        scf.yield %and3A_507 : vector<16xi1>
      }
      %scan3A_226 = arith.constant 0 : i32
      %scan3A_227 = arith.constant 0 : i32
      %scan3A_228 = arith.constant 22 : i32
      %scan3A_229 = arith.addi %scan3A_227, %scan3A_228 : i32
      %scan3A_230 = arith.constant 1 : i32
      %scan3A_231 = scf.for %scan3A_504 = %scan3A_227 to %scan3A_229 step %scan3A_230 iter_args(%scan3A_505 = %scan3A_226) -> (i32)  : i32 {
        %gt3A = arith.constant 0 : i32
        %gt3A_506 = arith.cmpi sgt, %scan3A_504, %gt3A : i32
        %convert_element_type3A_507 = arith.extui %gt3A_506 : i1 to i32
        %cond3A = arith.constant 0 : i32
        %cond3A_508 = arith.cmpi ne, %convert_element_type3A_507, %cond3A : i32
        scf.if %cond3A_508 {
          %mul3A_669 = arith.constant 2 : i32
          %mul3A_670 = arith.muli %mul3A_669, %scan3A_504 : i32
          %sub3A_671 = arith.constant 2 : i32
          %sub3A_672 = arith.subi %mul3A_670, %sub3A_671 : i32
          %add3A_673 = arith.addi %mul3A_0, %sub3A_672 : i32
          %shift_right_logical3A_674 = arith.constant 3 : i32
          %shift_right_logical3A_675 = arith.shrui %add3A_673, %shift_right_logical3A_674 : i32
          %and3A_676 = arith.constant 7 : i32
          %and3A_677 = arith.andi %add3A_673, %and3A_676 : i32
          %dma_wait3A_678 = arith.constant 0 : i32
          %dma_wait3A_679 = arith.constant 0 : i32
          %dma_wait3A_680 = arith.constant 0 : i32
          %dma_wait3A_681 = arith.constant 0 : i32
          %dma_wait3A_682 = arith.constant 0 : i32
          %dma_wait3A_683 = tpu.memref_slice %arg9[%dma_wait3A_678, %dma_wait3A_680, %dma_wait3A_681, %dma_wait3A_682] : memref<2x10x1x128xf32, #tpu.memory_space<vmem>> -> memref<1x10x1x128xf32, #tpu.memory_space<vmem>>
          %dma_wait3A_684 = tpu.memref_squeeze %dma_wait3A_683 : memref<1x10x1x128xf32, #tpu.memory_space<vmem>> -> memref<10x1x128xf32, #tpu.memory_space<vmem>>
          %dma_wait3A_685 = arith.constant 0 : i32
          %dma_wait3A_686 = arith.constant 0 : i32
          %dma_wait3A_687 = tpu.memref_slice %arg4[%add3A, %dma_wait3A_679, %shift_right_logical3A_675, %dma_wait3A_685, %and3A_677, %dma_wait3A_686] : memref<16x3x90x10x8x128xf32, #tpu.memory_space<hbm>> -> memref<1x1x1x10x1x128xf32, #tpu.memory_space<hbm>>
          %dma_wait3A_688 = tpu.memref_squeeze %dma_wait3A_687 : memref<1x1x1x10x1x128xf32, #tpu.memory_space<hbm>> -> memref<10x1x128xf32, #tpu.memory_space<hbm>>
          %dma_wait3A_689 = arith.constant 0 : i32
          %dma_wait3A_690 = arith.constant 0 : i32
          %dma_wait3A_691 = tpu.memref_slice %arg4[%add3A, %dma_wait3A_679, %shift_right_logical3A_675, %dma_wait3A_689, %and3A_677, %dma_wait3A_690] : memref<16x3x90x10x8x128xf32, #tpu.memory_space<hbm>> -> memref<1x1x1x10x1x128xf32, #tpu.memory_space<hbm>>
          %dma_wait3A_692 = tpu.memref_squeeze %dma_wait3A_691 : memref<1x1x1x10x1x128xf32, #tpu.memory_space<hbm>> -> memref<10x1x128xf32, #tpu.memory_space<hbm>>
          %dma_wait3A_693 = arith.constant 0 : i32
          %dma_wait3A_694 = arith.constant 0 : i32
          %dma_wait3A_695 = arith.constant 0 : i32
          %dma_wait3A_696 = tpu.memref_slice %arg9[%dma_wait3A_678, %dma_wait3A_693, %dma_wait3A_694, %dma_wait3A_695] : memref<2x10x1x128xf32, #tpu.memory_space<vmem>> -> memref<1x10x1x128xf32, #tpu.memory_space<vmem>>
          %dma_wait3A_697 = tpu.memref_squeeze %dma_wait3A_696 : memref<1x10x1x128xf32, #tpu.memory_space<vmem>> -> memref<10x1x128xf32, #tpu.memory_space<vmem>>
          tpu.wait_dma2 semaphore(%arg14 : memref<!tpu.dma_semaphore, #tpu.memory_space<semaphore_mem>>) src(%dma_wait3A_697 : memref<10x1x128xf32, #tpu.memory_space<vmem>>) dst(%dma_wait3A_692 : memref<10x1x128xf32, #tpu.memory_space<hbm>>)
          %dma_wait3A_698 = arith.constant 0 : i32
          %dma_wait3A_699 = arith.constant 1 : i32
          %dma_wait3A_700 = arith.constant 0 : i32
          %dma_wait3A_701 = arith.constant 0 : i32
          %dma_wait3A_702 = arith.constant 0 : i32
          %dma_wait3A_703 = tpu.memref_slice %arg10[%dma_wait3A_698, %dma_wait3A_700, %dma_wait3A_701, %dma_wait3A_702] : memref<2x10x1x128xf32, #tpu.memory_space<vmem>> -> memref<1x10x1x128xf32, #tpu.memory_space<vmem>>
          %dma_wait3A_704 = tpu.memref_squeeze %dma_wait3A_703 : memref<1x10x1x128xf32, #tpu.memory_space<vmem>> -> memref<10x1x128xf32, #tpu.memory_space<vmem>>
          %dma_wait3A_705 = arith.constant 0 : i32
          %dma_wait3A_706 = arith.constant 0 : i32
          %dma_wait3A_707 = tpu.memref_slice %arg4[%add3A, %dma_wait3A_699, %shift_right_logical3A_675, %dma_wait3A_705, %and3A_677, %dma_wait3A_706] : memref<16x3x90x10x8x128xf32, #tpu.memory_space<hbm>> -> memref<1x1x1x10x1x128xf32, #tpu.memory_space<hbm>>
          %dma_wait3A_708 = tpu.memref_squeeze %dma_wait3A_707 : memref<1x1x1x10x1x128xf32, #tpu.memory_space<hbm>> -> memref<10x1x128xf32, #tpu.memory_space<hbm>>
          %dma_wait3A_709 = arith.constant 0 : i32
          %dma_wait3A_710 = arith.constant 0 : i32
          %dma_wait3A_711 = tpu.memref_slice %arg4[%add3A, %dma_wait3A_699, %shift_right_logical3A_675, %dma_wait3A_709, %and3A_677, %dma_wait3A_710] : memref<16x3x90x10x8x128xf32, #tpu.memory_space<hbm>> -> memref<1x1x1x10x1x128xf32, #tpu.memory_space<hbm>>
          %dma_wait3A_712 = tpu.memref_squeeze %dma_wait3A_711 : memref<1x1x1x10x1x128xf32, #tpu.memory_space<hbm>> -> memref<10x1x128xf32, #tpu.memory_space<hbm>>
          %dma_wait3A_713 = arith.constant 0 : i32
          %dma_wait3A_714 = arith.constant 0 : i32
          %dma_wait3A_715 = arith.constant 0 : i32
          %dma_wait3A_716 = tpu.memref_slice %arg10[%dma_wait3A_698, %dma_wait3A_713, %dma_wait3A_714, %dma_wait3A_715] : memref<2x10x1x128xf32, #tpu.memory_space<vmem>> -> memref<1x10x1x128xf32, #tpu.memory_space<vmem>>
          %dma_wait3A_717 = tpu.memref_squeeze %dma_wait3A_716 : memref<1x10x1x128xf32, #tpu.memory_space<vmem>> -> memref<10x1x128xf32, #tpu.memory_space<vmem>>
          tpu.wait_dma2 semaphore(%arg14 : memref<!tpu.dma_semaphore, #tpu.memory_space<semaphore_mem>>) src(%dma_wait3A_717 : memref<10x1x128xf32, #tpu.memory_space<vmem>>) dst(%dma_wait3A_712 : memref<10x1x128xf32, #tpu.memory_space<hbm>>)
          %dma_wait3A_718 = arith.constant 0 : i32
          %dma_wait3A_719 = arith.constant 2 : i32
          %dma_wait3A_720 = arith.constant 0 : i32
          %dma_wait3A_721 = arith.constant 0 : i32
          %dma_wait3A_722 = arith.constant 0 : i32
          %dma_wait3A_723 = tpu.memref_slice %arg11[%dma_wait3A_718, %dma_wait3A_720, %dma_wait3A_721, %dma_wait3A_722] : memref<2x10x1x128xf32, #tpu.memory_space<vmem>> -> memref<1x10x1x128xf32, #tpu.memory_space<vmem>>
          %dma_wait3A_724 = tpu.memref_squeeze %dma_wait3A_723 : memref<1x10x1x128xf32, #tpu.memory_space<vmem>> -> memref<10x1x128xf32, #tpu.memory_space<vmem>>
          %dma_wait3A_725 = arith.constant 0 : i32
          %dma_wait3A_726 = arith.constant 0 : i32
          %dma_wait3A_727 = tpu.memref_slice %arg4[%add3A, %dma_wait3A_719, %shift_right_logical3A_675, %dma_wait3A_725, %and3A_677, %dma_wait3A_726] : memref<16x3x90x10x8x128xf32, #tpu.memory_space<hbm>> -> memref<1x1x1x10x1x128xf32, #tpu.memory_space<hbm>>
          %dma_wait3A_728 = tpu.memref_squeeze %dma_wait3A_727 : memref<1x1x1x10x1x128xf32, #tpu.memory_space<hbm>> -> memref<10x1x128xf32, #tpu.memory_space<hbm>>
          %dma_wait3A_729 = arith.constant 0 : i32
          %dma_wait3A_730 = arith.constant 0 : i32
          %dma_wait3A_731 = tpu.memref_slice %arg4[%add3A, %dma_wait3A_719, %shift_right_logical3A_675, %dma_wait3A_729, %and3A_677, %dma_wait3A_730] : memref<16x3x90x10x8x128xf32, #tpu.memory_space<hbm>> -> memref<1x1x1x10x1x128xf32, #tpu.memory_space<hbm>>
          %dma_wait3A_732 = tpu.memref_squeeze %dma_wait3A_731 : memref<1x1x1x10x1x128xf32, #tpu.memory_space<hbm>> -> memref<10x1x128xf32, #tpu.memory_space<hbm>>
          %dma_wait3A_733 = arith.constant 0 : i32
          %dma_wait3A_734 = arith.constant 0 : i32
          %dma_wait3A_735 = arith.constant 0 : i32
          %dma_wait3A_736 = tpu.memref_slice %arg11[%dma_wait3A_718, %dma_wait3A_733, %dma_wait3A_734, %dma_wait3A_735] : memref<2x10x1x128xf32, #tpu.memory_space<vmem>> -> memref<1x10x1x128xf32, #tpu.memory_space<vmem>>
          %dma_wait3A_737 = tpu.memref_squeeze %dma_wait3A_736 : memref<1x10x1x128xf32, #tpu.memory_space<vmem>> -> memref<10x1x128xf32, #tpu.memory_space<vmem>>
          tpu.wait_dma2 semaphore(%arg14 : memref<!tpu.dma_semaphore, #tpu.memory_space<semaphore_mem>>) src(%dma_wait3A_737 : memref<10x1x128xf32, #tpu.memory_space<vmem>>) dst(%dma_wait3A_732 : memref<10x1x128xf32, #tpu.memory_space<hbm>>)
        } else {
        }
        %mul3A_509 = arith.constant 2 : i32
        %mul3A_510 = arith.muli %mul3A_509, %scan3A_504 : i32
        %mul3A_511 = arith.constant 1280 : i32
        %mul3A_512 = arith.muli %mul3A_510, %mul3A_511 : i32
        %scan3A_513 = arith.constant 0 : i32
        %scan3A_514 = arith.constant 0 : i32
        %scan3A_515 = arith.constant 10 : i32
        %scan3A_516 = arith.addi %scan3A_514, %scan3A_515 : i32
        %scan3A_517 = arith.constant 1 : i32
        %scan3A_518 = scf.for %scan3A_669 = %scan3A_514 to %scan3A_516 step %scan3A_517 iter_args(%scan3A_670 = %scan3A_513) -> (i32)  : i32 {
          %mul3A_671 = arith.constant 128 : i32
          %mul3A_672 = arith.muli %scan3A_669, %mul3A_671 : i32
          %add3A_673 = arith.addi %mul3A_512, %mul3A_672 : i32
          %add3A_674 = arith.constant 0 : i32
          %add3A_675 = arith.addi %add3A_673, %add3A_674 : i32
          %get3A = arith.index_cast %add3A_675 : i32 to index
          %get3A_676 = tpu.vector_load %arg5[%get3A] {strides = array<i32>} : memref<57600xi32, #tpu.memory_space<vmem>>, vector<16xi32>,
          %swap3A = arith.index_cast %add3A_675 : i32 to index
          %swap3A_677 = tpu.vector_load %arg5[%swap3A] {strides = array<i32>} : memref<57600xi32, #tpu.memory_space<vmem>>, vector<16xi32>,
          tpu.vector_store %arg5[%swap3A], %broadcast_in_dim3A_4 {strides = array<i32>} : memref<57600xi32, #tpu.memory_space<vmem>>, vector<16xi32>,
          %ge3A = arith.constant 0 : i32
          %ge3A_678 = vector.broadcast %ge3A : i32 to vector<16xi32>
          %ge3A_679 = arith.cmpi sge, %get3A_676, %ge3A_678 : vector<16xi32>
          %and3A_680 = arith.constant 1 : i32
          %and3A_681 = vector.broadcast %and3A_680 : i32 to vector<16xi32>
          %and3A_682 = arith.andi %get3A_676, %and3A_681 : vector<16xi32>
          %eq3A = arith.constant 1 : i32
          %eq3A_683 = vector.broadcast %eq3A : i32 to vector<16xi32>
          %eq3A_684 = arith.cmpi eq, %and3A_682, %eq3A_683 : vector<16xi32>
          %and3A_685 = arith.andi %ge3A_679, %eq3A_684 : vector<16xi1>
          %jit3A = arith.constant 0.000000e+00 : f32
          %jit3A_686 = arith.constant 2.550000e+02 : f32
          %broadcast_in_dim3A_687 = vector.broadcast %jit3A : f32 to vector<16xf32>
          %broadcast_in_dim3A_688 = vector.broadcast %jit3A_686 : f32 to vector<16xf32>
          %select_n3A = arith.select %and3A_685, %broadcast_in_dim3A_687, %broadcast_in_dim3A_688 : vector<16xi1>, vector<16xf32>
          %not3A = arith.constant dense<true> : vector<16xi1>
          %not3A_689 = arith.xori %eq3A_684, %not3A : vector<16xi1>
          %and3A_690 = arith.andi %ge3A_679, %not3A_689 : vector<16xi1>
          %jit3A_691 = arith.constant 0.000000e+00 : f32
          %jit3A_692 = arith.constant 2.550000e+02 : f32
          %broadcast_in_dim3A_693 = vector.broadcast %jit3A_691 : f32 to vector<16xf32>
          %broadcast_in_dim3A_694 = vector.broadcast %jit3A_692 : f32 to vector<16xf32>
          %select_n3A_695 = arith.select %and3A_690, %broadcast_in_dim3A_693, %broadcast_in_dim3A_694 : vector<16xi1>, vector<16xf32>
          %swap3A_696 = arith.constant 0 : i32
          %swap3A_697 = arith.constant 0 : i32
          %swap3A_698 = arith.index_cast %swap3A_696 : i32 to index
          %swap3A_699 = arith.index_cast %scan3A_669 : i32 to index
          %swap3A_700 = arith.index_cast %swap3A_697 : i32 to index
          %swap3A_701 = arith.constant 0 : index
          %swap3A_702 = tpu.vector_load %arg9[%swap3A_698, %swap3A_699, %swap3A_700, %swap3A_701] {strides = array<i32>} : memref<2x10x1x128xf32, #tpu.memory_space<vmem>>, vector<16xf32>,
          tpu.vector_store %arg9[%swap3A_698, %swap3A_699, %swap3A_700, %swap3A_701], %select_n3A {strides = array<i32>} : memref<2x10x1x128xf32, #tpu.memory_space<vmem>>, vector<16xf32>,
          %swap3A_703 = arith.constant 0 : i32
          %swap3A_704 = arith.constant 0 : i32
          %swap3A_705 = arith.index_cast %swap3A_703 : i32 to index
          %swap3A_706 = arith.index_cast %scan3A_669 : i32 to index
          %swap3A_707 = arith.index_cast %swap3A_704 : i32 to index
          %swap3A_708 = arith.constant 0 : index
          %swap3A_709 = tpu.vector_load %arg10[%swap3A_705, %swap3A_706, %swap3A_707, %swap3A_708] {strides = array<i32>} : memref<2x10x1x128xf32, #tpu.memory_space<vmem>>, vector<16xf32>,
          tpu.vector_store %arg10[%swap3A_705, %swap3A_706, %swap3A_707, %swap3A_708], %select_n3A_695 {strides = array<i32>} : memref<2x10x1x128xf32, #tpu.memory_space<vmem>>, vector<16xf32>,
          %add3A_710 = arith.addf %select_n3A, %select_n3A_695 : vector<16xf32>
          %swap3A_711 = arith.constant 0 : i32
          %swap3A_712 = arith.constant 0 : i32
          %swap3A_713 = arith.index_cast %swap3A_711 : i32 to index
          %swap3A_714 = arith.index_cast %scan3A_669 : i32 to index
          %swap3A_715 = arith.index_cast %swap3A_712 : i32 to index
          %swap3A_716 = arith.constant 0 : index
          %swap3A_717 = tpu.vector_load %arg11[%swap3A_713, %swap3A_714, %swap3A_715, %swap3A_716] {strides = array<i32>} : memref<2x10x1x128xf32, #tpu.memory_space<vmem>>, vector<16xf32>,
          tpu.vector_store %arg11[%swap3A_713, %swap3A_714, %swap3A_715, %swap3A_716], %add3A_710 {strides = array<i32>} : memref<2x10x1x128xf32, #tpu.memory_space<vmem>>, vector<16xf32>,
          %mul3A_718 = arith.constant 128 : i32
          %mul3A_719 = arith.muli %scan3A_669, %mul3A_718 : i32
          %add3A_720 = arith.addi %mul3A_512, %mul3A_719 : i32
          %add3A_721 = arith.constant 16 : i32
          %add3A_722 = arith.addi %add3A_720, %add3A_721 : i32
          %get3A_723 = arith.index_cast %add3A_722 : i32 to index
          %get3A_724 = tpu.vector_load %arg5[%get3A_723] {strides = array<i32>} : memref<57600xi32, #tpu.memory_space<vmem>>, vector<16xi32>,
          %swap3A_725 = arith.index_cast %add3A_722 : i32 to index
          %swap3A_726 = tpu.vector_load %arg5[%swap3A_725] {strides = array<i32>} : memref<57600xi32, #tpu.memory_space<vmem>>, vector<16xi32>,
          tpu.vector_store %arg5[%swap3A_725], %broadcast_in_dim3A_4 {strides = array<i32>} : memref<57600xi32, #tpu.memory_space<vmem>>, vector<16xi32>,
          %ge3A_727 = arith.constant 0 : i32
          %ge3A_728 = vector.broadcast %ge3A_727 : i32 to vector<16xi32>
          %ge3A_729 = arith.cmpi sge, %get3A_724, %ge3A_728 : vector<16xi32>
          %and3A_730 = arith.constant 1 : i32
          %and3A_731 = vector.broadcast %and3A_730 : i32 to vector<16xi32>
          %and3A_732 = arith.andi %get3A_724, %and3A_731 : vector<16xi32>
          %eq3A_733 = arith.constant 1 : i32
          %eq3A_734 = vector.broadcast %eq3A_733 : i32 to vector<16xi32>
          %eq3A_735 = arith.cmpi eq, %and3A_732, %eq3A_734 : vector<16xi32>
          %and3A_736 = arith.andi %ge3A_729, %eq3A_735 : vector<16xi1>
          %jit3A_737 = arith.constant 0.000000e+00 : f32
          %jit3A_738 = arith.constant 2.550000e+02 : f32
          %broadcast_in_dim3A_739 = vector.broadcast %jit3A_737 : f32 to vector<16xf32>
          %broadcast_in_dim3A_740 = vector.broadcast %jit3A_738 : f32 to vector<16xf32>
          %select_n3A_741 = arith.select %and3A_736, %broadcast_in_dim3A_739, %broadcast_in_dim3A_740 : vector<16xi1>, vector<16xf32>
          %not3A_742 = arith.constant dense<true> : vector<16xi1>
          %not3A_743 = arith.xori %eq3A_735, %not3A_742 : vector<16xi1>
          %and3A_744 = arith.andi %ge3A_729, %not3A_743 : vector<16xi1>
          %jit3A_745 = arith.constant 0.000000e+00 : f32
          %jit3A_746 = arith.constant 2.550000e+02 : f32
          %broadcast_in_dim3A_747 = vector.broadcast %jit3A_745 : f32 to vector<16xf32>
          %broadcast_in_dim3A_748 = vector.broadcast %jit3A_746 : f32 to vector<16xf32>
          %select_n3A_749 = arith.select %and3A_744, %broadcast_in_dim3A_747, %broadcast_in_dim3A_748 : vector<16xi1>, vector<16xf32>
          %swap3A_750 = arith.constant 0 : i32
          %swap3A_751 = arith.constant 0 : i32
          %swap3A_752 = arith.index_cast %swap3A_750 : i32 to index
          %swap3A_753 = arith.index_cast %scan3A_669 : i32 to index
          %swap3A_754 = arith.index_cast %swap3A_751 : i32 to index
          %swap3A_755 = arith.constant 16 : index
          %swap3A_756 = tpu.vector_load %arg9[%swap3A_752, %swap3A_753, %swap3A_754, %swap3A_755] {strides = array<i32>} : memref<2x10x1x128xf32, #tpu.memory_space<vmem>>, vector<16xf32>,
          tpu.vector_store %arg9[%swap3A_752, %swap3A_753, %swap3A_754, %swap3A_755], %select_n3A_741 {strides = array<i32>} : memref<2x10x1x128xf32, #tpu.memory_space<vmem>>, vector<16xf32>,
          %swap3A_757 = arith.constant 0 : i32
          %swap3A_758 = arith.constant 0 : i32
          %swap3A_759 = arith.index_cast %swap3A_757 : i32 to index
          %swap3A_760 = arith.index_cast %scan3A_669 : i32 to index
          %swap3A_761 = arith.index_cast %swap3A_758 : i32 to index
          %swap3A_762 = arith.constant 16 : index
          %swap3A_763 = tpu.vector_load %arg10[%swap3A_759, %swap3A_760, %swap3A_761, %swap3A_762] {strides = array<i32>} : memref<2x10x1x128xf32, #tpu.memory_space<vmem>>, vector<16xf32>,
          tpu.vector_store %arg10[%swap3A_759, %swap3A_760, %swap3A_761, %swap3A_762], %select_n3A_749 {strides = array<i32>} : memref<2x10x1x128xf32, #tpu.memory_space<vmem>>, vector<16xf32>,
          %add3A_764 = arith.addf %select_n3A_741, %select_n3A_749 : vector<16xf32>
          %swap3A_765 = arith.constant 0 : i32
          %swap3A_766 = arith.constant 0 : i32
          %swap3A_767 = arith.index_cast %swap3A_765 : i32 to index
          %swap3A_768 = arith.index_cast %scan3A_669 : i32 to index
          %swap3A_769 = arith.index_cast %swap3A_766 : i32 to index
          %swap3A_770 = arith.constant 16 : index
          %swap3A_771 = tpu.vector_load %arg11[%swap3A_767, %swap3A_768, %swap3A_769, %swap3A_770] {strides = array<i32>} : memref<2x10x1x128xf32, #tpu.memory_space<vmem>>, vector<16xf32>,
          tpu.vector_store %arg11[%swap3A_767, %swap3A_768, %swap3A_769, %swap3A_770], %add3A_764 {strides = array<i32>} : memref<2x10x1x128xf32, #tpu.memory_space<vmem>>, vector<16xf32>,
          %mul3A_772 = arith.constant 128 : i32
          %mul3A_773 = arith.muli %scan3A_669, %mul3A_772 : i32
          %add3A_774 = arith.addi %mul3A_512, %mul3A_773 : i32
          %add3A_775 = arith.constant 32 : i32
          %add3A_776 = arith.addi %add3A_774, %add3A_775 : i32
          %get3A_777 = arith.index_cast %add3A_776 : i32 to index
          %get3A_778 = tpu.vector_load %arg5[%get3A_777] {strides = array<i32>} : memref<57600xi32, #tpu.memory_space<vmem>>, vector<16xi32>,
          %swap3A_779 = arith.index_cast %add3A_776 : i32 to index
          %swap3A_780 = tpu.vector_load %arg5[%swap3A_779] {strides = array<i32>} : memref<57600xi32, #tpu.memory_space<vmem>>, vector<16xi32>,
          tpu.vector_store %arg5[%swap3A_779], %broadcast_in_dim3A_4 {strides = array<i32>} : memref<57600xi32, #tpu.memory_space<vmem>>, vector<16xi32>,
          %ge3A_781 = arith.constant 0 : i32
          %ge3A_782 = vector.broadcast %ge3A_781 : i32 to vector<16xi32>
          %ge3A_783 = arith.cmpi sge, %get3A_778, %ge3A_782 : vector<16xi32>
          %and3A_784 = arith.constant 1 : i32
          %and3A_785 = vector.broadcast %and3A_784 : i32 to vector<16xi32>
          %and3A_786 = arith.andi %get3A_778, %and3A_785 : vector<16xi32>
          %eq3A_787 = arith.constant 1 : i32
          %eq3A_788 = vector.broadcast %eq3A_787 : i32 to vector<16xi32>
          %eq3A_789 = arith.cmpi eq, %and3A_786, %eq3A_788 : vector<16xi32>
          %and3A_790 = arith.andi %ge3A_783, %eq3A_789 : vector<16xi1>
          %jit3A_791 = arith.constant 0.000000e+00 : f32
          %jit3A_792 = arith.constant 2.550000e+02 : f32
          %broadcast_in_dim3A_793 = vector.broadcast %jit3A_791 : f32 to vector<16xf32>
          %broadcast_in_dim3A_794 = vector.broadcast %jit3A_792 : f32 to vector<16xf32>
          %select_n3A_795 = arith.select %and3A_790, %broadcast_in_dim3A_793, %broadcast_in_dim3A_794 : vector<16xi1>, vector<16xf32>
          %not3A_796 = arith.constant dense<true> : vector<16xi1>
          %not3A_797 = arith.xori %eq3A_789, %not3A_796 : vector<16xi1>
          %and3A_798 = arith.andi %ge3A_783, %not3A_797 : vector<16xi1>
          %jit3A_799 = arith.constant 0.000000e+00 : f32
          %jit3A_800 = arith.constant 2.550000e+02 : f32
          %broadcast_in_dim3A_801 = vector.broadcast %jit3A_799 : f32 to vector<16xf32>
          %broadcast_in_dim3A_802 = vector.broadcast %jit3A_800 : f32 to vector<16xf32>
          %select_n3A_803 = arith.select %and3A_798, %broadcast_in_dim3A_801, %broadcast_in_dim3A_802 : vector<16xi1>, vector<16xf32>
          %swap3A_804 = arith.constant 0 : i32
          %swap3A_805 = arith.constant 0 : i32
          %swap3A_806 = arith.index_cast %swap3A_804 : i32 to index
          %swap3A_807 = arith.index_cast %scan3A_669 : i32 to index
          %swap3A_808 = arith.index_cast %swap3A_805 : i32 to index
          %swap3A_809 = arith.constant 32 : index
          %swap3A_810 = tpu.vector_load %arg9[%swap3A_806, %swap3A_807, %swap3A_808, %swap3A_809] {strides = array<i32>} : memref<2x10x1x128xf32, #tpu.memory_space<vmem>>, vector<16xf32>,
          tpu.vector_store %arg9[%swap3A_806, %swap3A_807, %swap3A_808, %swap3A_809], %select_n3A_795 {strides = array<i32>} : memref<2x10x1x128xf32, #tpu.memory_space<vmem>>, vector<16xf32>,
          %swap3A_811 = arith.constant 0 : i32
          %swap3A_812 = arith.constant 0 : i32
          %swap3A_813 = arith.index_cast %swap3A_811 : i32 to index
          %swap3A_814 = arith.index_cast %scan3A_669 : i32 to index
          %swap3A_815 = arith.index_cast %swap3A_812 : i32 to index
          %swap3A_816 = arith.constant 32 : index
          %swap3A_817 = tpu.vector_load %arg10[%swap3A_813, %swap3A_814, %swap3A_815, %swap3A_816] {strides = array<i32>} : memref<2x10x1x128xf32, #tpu.memory_space<vmem>>, vector<16xf32>,
          tpu.vector_store %arg10[%swap3A_813, %swap3A_814, %swap3A_815, %swap3A_816], %select_n3A_803 {strides = array<i32>} : memref<2x10x1x128xf32, #tpu.memory_space<vmem>>, vector<16xf32>,
          %add3A_818 = arith.addf %select_n3A_795, %select_n3A_803 : vector<16xf32>
          %swap3A_819 = arith.constant 0 : i32
          %swap3A_820 = arith.constant 0 : i32
          %swap3A_821 = arith.index_cast %swap3A_819 : i32 to index
          %swap3A_822 = arith.index_cast %scan3A_669 : i32 to index
          %swap3A_823 = arith.index_cast %swap3A_820 : i32 to index
          %swap3A_824 = arith.constant 32 : index
          %swap3A_825 = tpu.vector_load %arg11[%swap3A_821, %swap3A_822, %swap3A_823, %swap3A_824] {strides = array<i32>} : memref<2x10x1x128xf32, #tpu.memory_space<vmem>>, vector<16xf32>,
          tpu.vector_store %arg11[%swap3A_821, %swap3A_822, %swap3A_823, %swap3A_824], %add3A_818 {strides = array<i32>} : memref<2x10x1x128xf32, #tpu.memory_space<vmem>>, vector<16xf32>,
          %mul3A_826 = arith.constant 128 : i32
          %mul3A_827 = arith.muli %scan3A_669, %mul3A_826 : i32
          %add3A_828 = arith.addi %mul3A_512, %mul3A_827 : i32
          %add3A_829 = arith.constant 48 : i32
          %add3A_830 = arith.addi %add3A_828, %add3A_829 : i32
          %get3A_831 = arith.index_cast %add3A_830 : i32 to index
          %get3A_832 = tpu.vector_load %arg5[%get3A_831] {strides = array<i32>} : memref<57600xi32, #tpu.memory_space<vmem>>, vector<16xi32>,
          %swap3A_833 = arith.index_cast %add3A_830 : i32 to index
          %swap3A_834 = tpu.vector_load %arg5[%swap3A_833] {strides = array<i32>} : memref<57600xi32, #tpu.memory_space<vmem>>, vector<16xi32>,
          tpu.vector_store %arg5[%swap3A_833], %broadcast_in_dim3A_4 {strides = array<i32>} : memref<57600xi32, #tpu.memory_space<vmem>>, vector<16xi32>,
          %ge3A_835 = arith.constant 0 : i32
          %ge3A_836 = vector.broadcast %ge3A_835 : i32 to vector<16xi32>
          %ge3A_837 = arith.cmpi sge, %get3A_832, %ge3A_836 : vector<16xi32>
          %and3A_838 = arith.constant 1 : i32
          %and3A_839 = vector.broadcast %and3A_838 : i32 to vector<16xi32>
          %and3A_840 = arith.andi %get3A_832, %and3A_839 : vector<16xi32>
          %eq3A_841 = arith.constant 1 : i32
          %eq3A_842 = vector.broadcast %eq3A_841 : i32 to vector<16xi32>
          %eq3A_843 = arith.cmpi eq, %and3A_840, %eq3A_842 : vector<16xi32>
          %and3A_844 = arith.andi %ge3A_837, %eq3A_843 : vector<16xi1>
          %jit3A_845 = arith.constant 0.000000e+00 : f32
          %jit3A_846 = arith.constant 2.550000e+02 : f32
          %broadcast_in_dim3A_847 = vector.broadcast %jit3A_845 : f32 to vector<16xf32>
          %broadcast_in_dim3A_848 = vector.broadcast %jit3A_846 : f32 to vector<16xf32>
          %select_n3A_849 = arith.select %and3A_844, %broadcast_in_dim3A_847, %broadcast_in_dim3A_848 : vector<16xi1>, vector<16xf32>
          %not3A_850 = arith.constant dense<true> : vector<16xi1>
          %not3A_851 = arith.xori %eq3A_843, %not3A_850 : vector<16xi1>
          %and3A_852 = arith.andi %ge3A_837, %not3A_851 : vector<16xi1>
          %jit3A_853 = arith.constant 0.000000e+00 : f32
          %jit3A_854 = arith.constant 2.550000e+02 : f32
          %broadcast_in_dim3A_855 = vector.broadcast %jit3A_853 : f32 to vector<16xf32>
          %broadcast_in_dim3A_856 = vector.broadcast %jit3A_854 : f32 to vector<16xf32>
          %select_n3A_857 = arith.select %and3A_852, %broadcast_in_dim3A_855, %broadcast_in_dim3A_856 : vector<16xi1>, vector<16xf32>
          %swap3A_858 = arith.constant 0 : i32
          %swap3A_859 = arith.constant 0 : i32
          %swap3A_860 = arith.index_cast %swap3A_858 : i32 to index
          %swap3A_861 = arith.index_cast %scan3A_669 : i32 to index
          %swap3A_862 = arith.index_cast %swap3A_859 : i32 to index
          %swap3A_863 = arith.constant 48 : index
          %swap3A_864 = tpu.vector_load %arg9[%swap3A_860, %swap3A_861, %swap3A_862, %swap3A_863] {strides = array<i32>} : memref<2x10x1x128xf32, #tpu.memory_space<vmem>>, vector<16xf32>,
          tpu.vector_store %arg9[%swap3A_860, %swap3A_861, %swap3A_862, %swap3A_863], %select_n3A_849 {strides = array<i32>} : memref<2x10x1x128xf32, #tpu.memory_space<vmem>>, vector<16xf32>,
          %swap3A_865 = arith.constant 0 : i32
          %swap3A_866 = arith.constant 0 : i32
          %swap3A_867 = arith.index_cast %swap3A_865 : i32 to index
          %swap3A_868 = arith.index_cast %scan3A_669 : i32 to index
          %swap3A_869 = arith.index_cast %swap3A_866 : i32 to index
          %swap3A_870 = arith.constant 48 : index
          %swap3A_871 = tpu.vector_load %arg10[%swap3A_867, %swap3A_868, %swap3A_869, %swap3A_870] {strides = array<i32>} : memref<2x10x1x128xf32, #tpu.memory_space<vmem>>, vector<16xf32>,
          tpu.vector_store %arg10[%swap3A_867, %swap3A_868, %swap3A_869, %swap3A_870], %select_n3A_857 {strides = array<i32>} : memref<2x10x1x128xf32, #tpu.memory_space<vmem>>, vector<16xf32>,
          %add3A_872 = arith.addf %select_n3A_849, %select_n3A_857 : vector<16xf32>
          %swap3A_873 = arith.constant 0 : i32
          %swap3A_874 = arith.constant 0 : i32
          %swap3A_875 = arith.index_cast %swap3A_873 : i32 to index
          %swap3A_876 = arith.index_cast %scan3A_669 : i32 to index
          %swap3A_877 = arith.index_cast %swap3A_874 : i32 to index
          %swap3A_878 = arith.constant 48 : index
          %swap3A_879 = tpu.vector_load %arg11[%swap3A_875, %swap3A_876, %swap3A_877, %swap3A_878] {strides = array<i32>} : memref<2x10x1x128xf32, #tpu.memory_space<vmem>>, vector<16xf32>,
          tpu.vector_store %arg11[%swap3A_875, %swap3A_876, %swap3A_877, %swap3A_878], %add3A_872 {strides = array<i32>} : memref<2x10x1x128xf32, #tpu.memory_space<vmem>>, vector<16xf32>,
          %mul3A_880 = arith.constant 128 : i32
          %mul3A_881 = arith.muli %scan3A_669, %mul3A_880 : i32
          %add3A_882 = arith.addi %mul3A_512, %mul3A_881 : i32
          %add3A_883 = arith.constant 64 : i32
          %add3A_884 = arith.addi %add3A_882, %add3A_883 : i32
          %get3A_885 = arith.index_cast %add3A_884 : i32 to index
          %get3A_886 = tpu.vector_load %arg5[%get3A_885] {strides = array<i32>} : memref<57600xi32, #tpu.memory_space<vmem>>, vector<16xi32>,
          %swap3A_887 = arith.index_cast %add3A_884 : i32 to index
          %swap3A_888 = tpu.vector_load %arg5[%swap3A_887] {strides = array<i32>} : memref<57600xi32, #tpu.memory_space<vmem>>, vector<16xi32>,
          tpu.vector_store %arg5[%swap3A_887], %broadcast_in_dim3A_4 {strides = array<i32>} : memref<57600xi32, #tpu.memory_space<vmem>>, vector<16xi32>,
          %ge3A_889 = arith.constant 0 : i32
          %ge3A_890 = vector.broadcast %ge3A_889 : i32 to vector<16xi32>
          %ge3A_891 = arith.cmpi sge, %get3A_886, %ge3A_890 : vector<16xi32>
          %and3A_892 = arith.constant 1 : i32
          %and3A_893 = vector.broadcast %and3A_892 : i32 to vector<16xi32>
          %and3A_894 = arith.andi %get3A_886, %and3A_893 : vector<16xi32>
          %eq3A_895 = arith.constant 1 : i32
          %eq3A_896 = vector.broadcast %eq3A_895 : i32 to vector<16xi32>
          %eq3A_897 = arith.cmpi eq, %and3A_894, %eq3A_896 : vector<16xi32>
          %and3A_898 = arith.andi %ge3A_891, %eq3A_897 : vector<16xi1>
          %jit3A_899 = arith.constant 0.000000e+00 : f32
          %jit3A_900 = arith.constant 2.550000e+02 : f32
          %broadcast_in_dim3A_901 = vector.broadcast %jit3A_899 : f32 to vector<16xf32>
          %broadcast_in_dim3A_902 = vector.broadcast %jit3A_900 : f32 to vector<16xf32>
          %select_n3A_903 = arith.select %and3A_898, %broadcast_in_dim3A_901, %broadcast_in_dim3A_902 : vector<16xi1>, vector<16xf32>
          %not3A_904 = arith.constant dense<true> : vector<16xi1>
          %not3A_905 = arith.xori %eq3A_897, %not3A_904 : vector<16xi1>
          %and3A_906 = arith.andi %ge3A_891, %not3A_905 : vector<16xi1>
          %jit3A_907 = arith.constant 0.000000e+00 : f32
          %jit3A_908 = arith.constant 2.550000e+02 : f32
          %broadcast_in_dim3A_909 = vector.broadcast %jit3A_907 : f32 to vector<16xf32>
          %broadcast_in_dim3A_910 = vector.broadcast %jit3A_908 : f32 to vector<16xf32>
          %select_n3A_911 = arith.select %and3A_906, %broadcast_in_dim3A_909, %broadcast_in_dim3A_910 : vector<16xi1>, vector<16xf32>
          %swap3A_912 = arith.constant 0 : i32
          %swap3A_913 = arith.constant 0 : i32
          %swap3A_914 = arith.index_cast %swap3A_912 : i32 to index
          %swap3A_915 = arith.index_cast %scan3A_669 : i32 to index
          %swap3A_916 = arith.index_cast %swap3A_913 : i32 to index
          %swap3A_917 = arith.constant 64 : index
          %swap3A_918 = tpu.vector_load %arg9[%swap3A_914, %swap3A_915, %swap3A_916, %swap3A_917] {strides = array<i32>} : memref<2x10x1x128xf32, #tpu.memory_space<vmem>>, vector<16xf32>,
          tpu.vector_store %arg9[%swap3A_914, %swap3A_915, %swap3A_916, %swap3A_917], %select_n3A_903 {strides = array<i32>} : memref<2x10x1x128xf32, #tpu.memory_space<vmem>>, vector<16xf32>,
          %swap3A_919 = arith.constant 0 : i32
          %swap3A_920 = arith.constant 0 : i32
          %swap3A_921 = arith.index_cast %swap3A_919 : i32 to index
          %swap3A_922 = arith.index_cast %scan3A_669 : i32 to index
          %swap3A_923 = arith.index_cast %swap3A_920 : i32 to index
          %swap3A_924 = arith.constant 64 : index
          %swap3A_925 = tpu.vector_load %arg10[%swap3A_921, %swap3A_922, %swap3A_923, %swap3A_924] {strides = array<i32>} : memref<2x10x1x128xf32, #tpu.memory_space<vmem>>, vector<16xf32>,
          tpu.vector_store %arg10[%swap3A_921, %swap3A_922, %swap3A_923, %swap3A_924], %select_n3A_911 {strides = array<i32>} : memref<2x10x1x128xf32, #tpu.memory_space<vmem>>, vector<16xf32>,
          %add3A_926 = arith.addf %select_n3A_903, %select_n3A_911 : vector<16xf32>
          %swap3A_927 = arith.constant 0 : i32
          %swap3A_928 = arith.constant 0 : i32
          %swap3A_929 = arith.index_cast %swap3A_927 : i32 to index
          %swap3A_930 = arith.index_cast %scan3A_669 : i32 to index
          %swap3A_931 = arith.index_cast %swap3A_928 : i32 to index
          %swap3A_932 = arith.constant 64 : index
          %swap3A_933 = tpu.vector_load %arg11[%swap3A_929, %swap3A_930, %swap3A_931, %swap3A_932] {strides = array<i32>} : memref<2x10x1x128xf32, #tpu.memory_space<vmem>>, vector<16xf32>,
          tpu.vector_store %arg11[%swap3A_929, %swap3A_930, %swap3A_931, %swap3A_932], %add3A_926 {strides = array<i32>} : memref<2x10x1x128xf32, #tpu.memory_space<vmem>>, vector<16xf32>,
          %mul3A_934 = arith.constant 128 : i32
          %mul3A_935 = arith.muli %scan3A_669, %mul3A_934 : i32
          %add3A_936 = arith.addi %mul3A_512, %mul3A_935 : i32
          %add3A_937 = arith.constant 80 : i32
          %add3A_938 = arith.addi %add3A_936, %add3A_937 : i32
          %get3A_939 = arith.index_cast %add3A_938 : i32 to index
          %get3A_940 = tpu.vector_load %arg5[%get3A_939] {strides = array<i32>} : memref<57600xi32, #tpu.memory_space<vmem>>, vector<16xi32>,
          %swap3A_941 = arith.index_cast %add3A_938 : i32 to index
          %swap3A_942 = tpu.vector_load %arg5[%swap3A_941] {strides = array<i32>} : memref<57600xi32, #tpu.memory_space<vmem>>, vector<16xi32>,
          tpu.vector_store %arg5[%swap3A_941], %broadcast_in_dim3A_4 {strides = array<i32>} : memref<57600xi32, #tpu.memory_space<vmem>>, vector<16xi32>,
          %ge3A_943 = arith.constant 0 : i32
          %ge3A_944 = vector.broadcast %ge3A_943 : i32 to vector<16xi32>
          %ge3A_945 = arith.cmpi sge, %get3A_940, %ge3A_944 : vector<16xi32>
          %and3A_946 = arith.constant 1 : i32
          %and3A_947 = vector.broadcast %and3A_946 : i32 to vector<16xi32>
          %and3A_948 = arith.andi %get3A_940, %and3A_947 : vector<16xi32>
          %eq3A_949 = arith.constant 1 : i32
          %eq3A_950 = vector.broadcast %eq3A_949 : i32 to vector<16xi32>
          %eq3A_951 = arith.cmpi eq, %and3A_948, %eq3A_950 : vector<16xi32>
          %and3A_952 = arith.andi %ge3A_945, %eq3A_951 : vector<16xi1>
          %jit3A_953 = arith.constant 0.000000e+00 : f32
          %jit3A_954 = arith.constant 2.550000e+02 : f32
          %broadcast_in_dim3A_955 = vector.broadcast %jit3A_953 : f32 to vector<16xf32>
          %broadcast_in_dim3A_956 = vector.broadcast %jit3A_954 : f32 to vector<16xf32>
          %select_n3A_957 = arith.select %and3A_952, %broadcast_in_dim3A_955, %broadcast_in_dim3A_956 : vector<16xi1>, vector<16xf32>
          %not3A_958 = arith.constant dense<true> : vector<16xi1>
          %not3A_959 = arith.xori %eq3A_951, %not3A_958 : vector<16xi1>
          %and3A_960 = arith.andi %ge3A_945, %not3A_959 : vector<16xi1>
          %jit3A_961 = arith.constant 0.000000e+00 : f32
          %jit3A_962 = arith.constant 2.550000e+02 : f32
          %broadcast_in_dim3A_963 = vector.broadcast %jit3A_961 : f32 to vector<16xf32>
          %broadcast_in_dim3A_964 = vector.broadcast %jit3A_962 : f32 to vector<16xf32>
          %select_n3A_965 = arith.select %and3A_960, %broadcast_in_dim3A_963, %broadcast_in_dim3A_964 : vector<16xi1>, vector<16xf32>
          %swap3A_966 = arith.constant 0 : i32
          %swap3A_967 = arith.constant 0 : i32
          %swap3A_968 = arith.index_cast %swap3A_966 : i32 to index
          %swap3A_969 = arith.index_cast %scan3A_669 : i32 to index
          %swap3A_970 = arith.index_cast %swap3A_967 : i32 to index
          %swap3A_971 = arith.constant 80 : index
          %swap3A_972 = tpu.vector_load %arg9[%swap3A_968, %swap3A_969, %swap3A_970, %swap3A_971] {strides = array<i32>} : memref<2x10x1x128xf32, #tpu.memory_space<vmem>>, vector<16xf32>,
          tpu.vector_store %arg9[%swap3A_968, %swap3A_969, %swap3A_970, %swap3A_971], %select_n3A_957 {strides = array<i32>} : memref<2x10x1x128xf32, #tpu.memory_space<vmem>>, vector<16xf32>,
          %swap3A_973 = arith.constant 0 : i32
          %swap3A_974 = arith.constant 0 : i32
          %swap3A_975 = arith.index_cast %swap3A_973 : i32 to index
          %swap3A_976 = arith.index_cast %scan3A_669 : i32 to index
          %swap3A_977 = arith.index_cast %swap3A_974 : i32 to index
          %swap3A_978 = arith.constant 80 : index
          %swap3A_979 = tpu.vector_load %arg10[%swap3A_975, %swap3A_976, %swap3A_977, %swap3A_978] {strides = array<i32>} : memref<2x10x1x128xf32, #tpu.memory_space<vmem>>, vector<16xf32>,
          tpu.vector_store %arg10[%swap3A_975, %swap3A_976, %swap3A_977, %swap3A_978], %select_n3A_965 {strides = array<i32>} : memref<2x10x1x128xf32, #tpu.memory_space<vmem>>, vector<16xf32>,
          %add3A_980 = arith.addf %select_n3A_957, %select_n3A_965 : vector<16xf32>
          %swap3A_981 = arith.constant 0 : i32
          %swap3A_982 = arith.constant 0 : i32
          %swap3A_983 = arith.index_cast %swap3A_981 : i32 to index
          %swap3A_984 = arith.index_cast %scan3A_669 : i32 to index
          %swap3A_985 = arith.index_cast %swap3A_982 : i32 to index
          %swap3A_986 = arith.constant 80 : index
          %swap3A_987 = tpu.vector_load %arg11[%swap3A_983, %swap3A_984, %swap3A_985, %swap3A_986] {strides = array<i32>} : memref<2x10x1x128xf32, #tpu.memory_space<vmem>>, vector<16xf32>,
          tpu.vector_store %arg11[%swap3A_983, %swap3A_984, %swap3A_985, %swap3A_986], %add3A_980 {strides = array<i32>} : memref<2x10x1x128xf32, #tpu.memory_space<vmem>>, vector<16xf32>,
          %mul3A_988 = arith.constant 128 : i32
          %mul3A_989 = arith.muli %scan3A_669, %mul3A_988 : i32
          %add3A_990 = arith.addi %mul3A_512, %mul3A_989 : i32
          %add3A_991 = arith.constant 96 : i32
          %add3A_992 = arith.addi %add3A_990, %add3A_991 : i32
          %get3A_993 = arith.index_cast %add3A_992 : i32 to index
          %get3A_994 = tpu.vector_load %arg5[%get3A_993] {strides = array<i32>} : memref<57600xi32, #tpu.memory_space<vmem>>, vector<16xi32>,
          %swap3A_995 = arith.index_cast %add3A_992 : i32 to index
          %swap3A_996 = tpu.vector_load %arg5[%swap3A_995] {strides = array<i32>} : memref<57600xi32, #tpu.memory_space<vmem>>, vector<16xi32>,
          tpu.vector_store %arg5[%swap3A_995], %broadcast_in_dim3A_4 {strides = array<i32>} : memref<57600xi32, #tpu.memory_space<vmem>>, vector<16xi32>,
          %ge3A_997 = arith.constant 0 : i32
          %ge3A_998 = vector.broadcast %ge3A_997 : i32 to vector<16xi32>
          %ge3A_999 = arith.cmpi sge, %get3A_994, %ge3A_998 : vector<16xi32>
          %and3A_1000 = arith.constant 1 : i32
          %and3A_1001 = vector.broadcast %and3A_1000 : i32 to vector<16xi32>
          %and3A_1002 = arith.andi %get3A_994, %and3A_1001 : vector<16xi32>
          %eq3A_1003 = arith.constant 1 : i32
          %eq3A_1004 = vector.broadcast %eq3A_1003 : i32 to vector<16xi32>
          %eq3A_1005 = arith.cmpi eq, %and3A_1002, %eq3A_1004 : vector<16xi32>
          %and3A_1006 = arith.andi %ge3A_999, %eq3A_1005 : vector<16xi1>
          %jit3A_1007 = arith.constant 0.000000e+00 : f32
          %jit3A_1008 = arith.constant 2.550000e+02 : f32
          %broadcast_in_dim3A_1009 = vector.broadcast %jit3A_1007 : f32 to vector<16xf32>
          %broadcast_in_dim3A_1010 = vector.broadcast %jit3A_1008 : f32 to vector<16xf32>
          %select_n3A_1011 = arith.select %and3A_1006, %broadcast_in_dim3A_1009, %broadcast_in_dim3A_1010 : vector<16xi1>, vector<16xf32>
          %not3A_1012 = arith.constant dense<true> : vector<16xi1>
          %not3A_1013 = arith.xori %eq3A_1005, %not3A_1012 : vector<16xi1>
          %and3A_1014 = arith.andi %ge3A_999, %not3A_1013 : vector<16xi1>
          %jit3A_1015 = arith.constant 0.000000e+00 : f32
          %jit3A_1016 = arith.constant 2.550000e+02 : f32
          %broadcast_in_dim3A_1017 = vector.broadcast %jit3A_1015 : f32 to vector<16xf32>
          %broadcast_in_dim3A_1018 = vector.broadcast %jit3A_1016 : f32 to vector<16xf32>
          %select_n3A_1019 = arith.select %and3A_1014, %broadcast_in_dim3A_1017, %broadcast_in_dim3A_1018 : vector<16xi1>, vector<16xf32>
          %swap3A_1020 = arith.constant 0 : i32
          %swap3A_1021 = arith.constant 0 : i32
          %swap3A_1022 = arith.index_cast %swap3A_1020 : i32 to index
          %swap3A_1023 = arith.index_cast %scan3A_669 : i32 to index
          %swap3A_1024 = arith.index_cast %swap3A_1021 : i32 to index
          %swap3A_1025 = arith.constant 96 : index
          %swap3A_1026 = tpu.vector_load %arg9[%swap3A_1022, %swap3A_1023, %swap3A_1024, %swap3A_1025] {strides = array<i32>} : memref<2x10x1x128xf32, #tpu.memory_space<vmem>>, vector<16xf32>,
          tpu.vector_store %arg9[%swap3A_1022, %swap3A_1023, %swap3A_1024, %swap3A_1025], %select_n3A_1011 {strides = array<i32>} : memref<2x10x1x128xf32, #tpu.memory_space<vmem>>, vector<16xf32>,
          %swap3A_1027 = arith.constant 0 : i32
          %swap3A_1028 = arith.constant 0 : i32
          %swap3A_1029 = arith.index_cast %swap3A_1027 : i32 to index
          %swap3A_1030 = arith.index_cast %scan3A_669 : i32 to index
          %swap3A_1031 = arith.index_cast %swap3A_1028 : i32 to index
          %swap3A_1032 = arith.constant 96 : index
          %swap3A_1033 = tpu.vector_load %arg10[%swap3A_1029, %swap3A_1030, %swap3A_1031, %swap3A_1032] {strides = array<i32>} : memref<2x10x1x128xf32, #tpu.memory_space<vmem>>, vector<16xf32>,
          tpu.vector_store %arg10[%swap3A_1029, %swap3A_1030, %swap3A_1031, %swap3A_1032], %select_n3A_1019 {strides = array<i32>} : memref<2x10x1x128xf32, #tpu.memory_space<vmem>>, vector<16xf32>,
          %add3A_1034 = arith.addf %select_n3A_1011, %select_n3A_1019 : vector<16xf32>
          %swap3A_1035 = arith.constant 0 : i32
          %swap3A_1036 = arith.constant 0 : i32
          %swap3A_1037 = arith.index_cast %swap3A_1035 : i32 to index
          %swap3A_1038 = arith.index_cast %scan3A_669 : i32 to index
          %swap3A_1039 = arith.index_cast %swap3A_1036 : i32 to index
          %swap3A_1040 = arith.constant 96 : index
          %swap3A_1041 = tpu.vector_load %arg11[%swap3A_1037, %swap3A_1038, %swap3A_1039, %swap3A_1040] {strides = array<i32>} : memref<2x10x1x128xf32, #tpu.memory_space<vmem>>, vector<16xf32>,
          tpu.vector_store %arg11[%swap3A_1037, %swap3A_1038, %swap3A_1039, %swap3A_1040], %add3A_1034 {strides = array<i32>} : memref<2x10x1x128xf32, #tpu.memory_space<vmem>>, vector<16xf32>,
          %mul3A_1042 = arith.constant 128 : i32
          %mul3A_1043 = arith.muli %scan3A_669, %mul3A_1042 : i32
          %add3A_1044 = arith.addi %mul3A_512, %mul3A_1043 : i32
          %add3A_1045 = arith.constant 112 : i32
          %add3A_1046 = arith.addi %add3A_1044, %add3A_1045 : i32
          %get3A_1047 = arith.index_cast %add3A_1046 : i32 to index
          %get3A_1048 = tpu.vector_load %arg5[%get3A_1047] {strides = array<i32>} : memref<57600xi32, #tpu.memory_space<vmem>>, vector<16xi32>,
          %swap3A_1049 = arith.index_cast %add3A_1046 : i32 to index
          %swap3A_1050 = tpu.vector_load %arg5[%swap3A_1049] {strides = array<i32>} : memref<57600xi32, #tpu.memory_space<vmem>>, vector<16xi32>,
          tpu.vector_store %arg5[%swap3A_1049], %broadcast_in_dim3A_4 {strides = array<i32>} : memref<57600xi32, #tpu.memory_space<vmem>>, vector<16xi32>,
          %ge3A_1051 = arith.constant 0 : i32
          %ge3A_1052 = vector.broadcast %ge3A_1051 : i32 to vector<16xi32>
          %ge3A_1053 = arith.cmpi sge, %get3A_1048, %ge3A_1052 : vector<16xi32>
          %and3A_1054 = arith.constant 1 : i32
          %and3A_1055 = vector.broadcast %and3A_1054 : i32 to vector<16xi32>
          %and3A_1056 = arith.andi %get3A_1048, %and3A_1055 : vector<16xi32>
          %eq3A_1057 = arith.constant 1 : i32
          %eq3A_1058 = vector.broadcast %eq3A_1057 : i32 to vector<16xi32>
          %eq3A_1059 = arith.cmpi eq, %and3A_1056, %eq3A_1058 : vector<16xi32>
          %and3A_1060 = arith.andi %ge3A_1053, %eq3A_1059 : vector<16xi1>
          %jit3A_1061 = arith.constant 0.000000e+00 : f32
          %jit3A_1062 = arith.constant 2.550000e+02 : f32
          %broadcast_in_dim3A_1063 = vector.broadcast %jit3A_1061 : f32 to vector<16xf32>
          %broadcast_in_dim3A_1064 = vector.broadcast %jit3A_1062 : f32 to vector<16xf32>
          %select_n3A_1065 = arith.select %and3A_1060, %broadcast_in_dim3A_1063, %broadcast_in_dim3A_1064 : vector<16xi1>, vector<16xf32>
          %not3A_1066 = arith.constant dense<true> : vector<16xi1>
          %not3A_1067 = arith.xori %eq3A_1059, %not3A_1066 : vector<16xi1>
          %and3A_1068 = arith.andi %ge3A_1053, %not3A_1067 : vector<16xi1>
          %jit3A_1069 = arith.constant 0.000000e+00 : f32
          %jit3A_1070 = arith.constant 2.550000e+02 : f32
          %broadcast_in_dim3A_1071 = vector.broadcast %jit3A_1069 : f32 to vector<16xf32>
          %broadcast_in_dim3A_1072 = vector.broadcast %jit3A_1070 : f32 to vector<16xf32>
          %select_n3A_1073 = arith.select %and3A_1068, %broadcast_in_dim3A_1071, %broadcast_in_dim3A_1072 : vector<16xi1>, vector<16xf32>
          %swap3A_1074 = arith.constant 0 : i32
          %swap3A_1075 = arith.constant 0 : i32
          %swap3A_1076 = arith.index_cast %swap3A_1074 : i32 to index
          %swap3A_1077 = arith.index_cast %scan3A_669 : i32 to index
          %swap3A_1078 = arith.index_cast %swap3A_1075 : i32 to index
          %swap3A_1079 = arith.constant 112 : index
          %swap3A_1080 = tpu.vector_load %arg9[%swap3A_1076, %swap3A_1077, %swap3A_1078, %swap3A_1079] {strides = array<i32>} : memref<2x10x1x128xf32, #tpu.memory_space<vmem>>, vector<16xf32>,
          tpu.vector_store %arg9[%swap3A_1076, %swap3A_1077, %swap3A_1078, %swap3A_1079], %select_n3A_1065 {strides = array<i32>} : memref<2x10x1x128xf32, #tpu.memory_space<vmem>>, vector<16xf32>,
          %swap3A_1081 = arith.constant 0 : i32
          %swap3A_1082 = arith.constant 0 : i32
          %swap3A_1083 = arith.index_cast %swap3A_1081 : i32 to index
          %swap3A_1084 = arith.index_cast %scan3A_669 : i32 to index
          %swap3A_1085 = arith.index_cast %swap3A_1082 : i32 to index
          %swap3A_1086 = arith.constant 112 : index
          %swap3A_1087 = tpu.vector_load %arg10[%swap3A_1083, %swap3A_1084, %swap3A_1085, %swap3A_1086] {strides = array<i32>} : memref<2x10x1x128xf32, #tpu.memory_space<vmem>>, vector<16xf32>,
          tpu.vector_store %arg10[%swap3A_1083, %swap3A_1084, %swap3A_1085, %swap3A_1086], %select_n3A_1073 {strides = array<i32>} : memref<2x10x1x128xf32, #tpu.memory_space<vmem>>, vector<16xf32>,
          %add3A_1088 = arith.addf %select_n3A_1065, %select_n3A_1073 : vector<16xf32>
          %swap3A_1089 = arith.constant 0 : i32
          %swap3A_1090 = arith.constant 0 : i32
          %swap3A_1091 = arith.index_cast %swap3A_1089 : i32 to index
          %swap3A_1092 = arith.index_cast %scan3A_669 : i32 to index
          %swap3A_1093 = arith.index_cast %swap3A_1090 : i32 to index
          %swap3A_1094 = arith.constant 112 : index
          %swap3A_1095 = tpu.vector_load %arg11[%swap3A_1091, %swap3A_1092, %swap3A_1093, %swap3A_1094] {strides = array<i32>} : memref<2x10x1x128xf32, #tpu.memory_space<vmem>>, vector<16xf32>,
          tpu.vector_store %arg11[%swap3A_1091, %swap3A_1092, %swap3A_1093, %swap3A_1094], %add3A_1088 {strides = array<i32>} : memref<2x10x1x128xf32, #tpu.memory_space<vmem>>, vector<16xf32>,
          %scan3A_1096 = arith.constant 0 : i32
          scf.yield %scan3A_1096 : i32
        }
        %scan3A_519 = arith.constant 10 : i32
        %add3A_520 = arith.addi %mul3A_0, %mul3A_510 : i32
        %shift_right_logical3A_521 = arith.constant 3 : i32
        %shift_right_logical3A_522 = arith.shrui %add3A_520, %shift_right_logical3A_521 : i32
        %and3A_523 = arith.constant 7 : i32
        %and3A_524 = arith.andi %add3A_520, %and3A_523 : i32
        %dma_start3A_525 = arith.constant 0 : i32
        %dma_start3A_526 = arith.constant 0 : i32
        %dma_start3A_527 = arith.constant 0 : i32
        %dma_start3A_528 = arith.constant 0 : i32
        %dma_start3A_529 = arith.constant 0 : i32
        %dma_start3A_530 = tpu.memref_slice %arg9[%dma_start3A_525, %dma_start3A_527, %dma_start3A_528, %dma_start3A_529] : memref<2x10x1x128xf32, #tpu.memory_space<vmem>> -> memref<1x10x1x128xf32, #tpu.memory_space<vmem>>
        %dma_start3A_531 = tpu.memref_squeeze %dma_start3A_530 : memref<1x10x1x128xf32, #tpu.memory_space<vmem>> -> memref<10x1x128xf32, #tpu.memory_space<vmem>>
        %dma_start3A_532 = arith.constant 0 : i32
        %dma_start3A_533 = arith.constant 0 : i32
        %dma_start3A_534 = tpu.memref_slice %arg4[%add3A, %dma_start3A_526, %shift_right_logical3A_522, %dma_start3A_532, %and3A_524, %dma_start3A_533] : memref<16x3x90x10x8x128xf32, #tpu.memory_space<hbm>> -> memref<1x1x1x10x1x128xf32, #tpu.memory_space<hbm>>
        %dma_start3A_535 = tpu.memref_squeeze %dma_start3A_534 : memref<1x1x1x10x1x128xf32, #tpu.memory_space<hbm>> -> memref<10x1x128xf32, #tpu.memory_space<hbm>>
        %dma_start3A_536 = arith.constant 0 : i32
        %dma_start3A_537 = arith.constant 0 : i32
        %dma_start3A_538 = tpu.memref_slice %arg4[%add3A, %dma_start3A_526, %shift_right_logical3A_522, %dma_start3A_536, %and3A_524, %dma_start3A_537] : memref<16x3x90x10x8x128xf32, #tpu.memory_space<hbm>> -> memref<1x1x1x10x1x128xf32, #tpu.memory_space<hbm>>
        %dma_start3A_539 = tpu.memref_squeeze %dma_start3A_538 : memref<1x1x1x10x1x128xf32, #tpu.memory_space<hbm>> -> memref<10x1x128xf32, #tpu.memory_space<hbm>>
        %dma_start3A_540 = arith.constant 0 : i32
        %dma_start3A_541 = arith.constant 0 : i32
        %dma_start3A_542 = arith.constant 0 : i32
        %dma_start3A_543 = tpu.memref_slice %arg9[%dma_start3A_525, %dma_start3A_540, %dma_start3A_541, %dma_start3A_542] : memref<2x10x1x128xf32, #tpu.memory_space<vmem>> -> memref<1x10x1x128xf32, #tpu.memory_space<vmem>>
        %dma_start3A_544 = tpu.memref_squeeze %dma_start3A_543 : memref<1x10x1x128xf32, #tpu.memory_space<vmem>> -> memref<10x1x128xf32, #tpu.memory_space<vmem>>
        tpu.enqueue_dma source(%dma_start3A_544 : memref<10x1x128xf32, #tpu.memory_space<vmem>>) target(%dma_start3A_539 : memref<10x1x128xf32, #tpu.memory_space<hbm>>) target_semaphore(%arg14 : memref<!tpu.dma_semaphore, #tpu.memory_space<semaphore_mem>>)
        %dma_start3A_545 = arith.constant 0 : i32
        %dma_start3A_546 = arith.constant 1 : i32
        %dma_start3A_547 = arith.constant 0 : i32
        %dma_start3A_548 = arith.constant 0 : i32
        %dma_start3A_549 = arith.constant 0 : i32
        %dma_start3A_550 = tpu.memref_slice %arg10[%dma_start3A_545, %dma_start3A_547, %dma_start3A_548, %dma_start3A_549] : memref<2x10x1x128xf32, #tpu.memory_space<vmem>> -> memref<1x10x1x128xf32, #tpu.memory_space<vmem>>
        %dma_start3A_551 = tpu.memref_squeeze %dma_start3A_550 : memref<1x10x1x128xf32, #tpu.memory_space<vmem>> -> memref<10x1x128xf32, #tpu.memory_space<vmem>>
        %dma_start3A_552 = arith.constant 0 : i32
        %dma_start3A_553 = arith.constant 0 : i32
        %dma_start3A_554 = tpu.memref_slice %arg4[%add3A, %dma_start3A_546, %shift_right_logical3A_522, %dma_start3A_552, %and3A_524, %dma_start3A_553] : memref<16x3x90x10x8x128xf32, #tpu.memory_space<hbm>> -> memref<1x1x1x10x1x128xf32, #tpu.memory_space<hbm>>
        %dma_start3A_555 = tpu.memref_squeeze %dma_start3A_554 : memref<1x1x1x10x1x128xf32, #tpu.memory_space<hbm>> -> memref<10x1x128xf32, #tpu.memory_space<hbm>>
        %dma_start3A_556 = arith.constant 0 : i32
        %dma_start3A_557 = arith.constant 0 : i32
        %dma_start3A_558 = tpu.memref_slice %arg4[%add3A, %dma_start3A_546, %shift_right_logical3A_522, %dma_start3A_556, %and3A_524, %dma_start3A_557] : memref<16x3x90x10x8x128xf32, #tpu.memory_space<hbm>> -> memref<1x1x1x10x1x128xf32, #tpu.memory_space<hbm>>
        %dma_start3A_559 = tpu.memref_squeeze %dma_start3A_558 : memref<1x1x1x10x1x128xf32, #tpu.memory_space<hbm>> -> memref<10x1x128xf32, #tpu.memory_space<hbm>>
        %dma_start3A_560 = arith.constant 0 : i32
        %dma_start3A_561 = arith.constant 0 : i32
        %dma_start3A_562 = arith.constant 0 : i32
        %dma_start3A_563 = tpu.memref_slice %arg10[%dma_start3A_545, %dma_start3A_560, %dma_start3A_561, %dma_start3A_562] : memref<2x10x1x128xf32, #tpu.memory_space<vmem>> -> memref<1x10x1x128xf32, #tpu.memory_space<vmem>>
        %dma_start3A_564 = tpu.memref_squeeze %dma_start3A_563 : memref<1x10x1x128xf32, #tpu.memory_space<vmem>> -> memref<10x1x128xf32, #tpu.memory_space<vmem>>
        tpu.enqueue_dma source(%dma_start3A_564 : memref<10x1x128xf32, #tpu.memory_space<vmem>>) target(%dma_start3A_559 : memref<10x1x128xf32, #tpu.memory_space<hbm>>) target_semaphore(%arg14 : memref<!tpu.dma_semaphore, #tpu.memory_space<semaphore_mem>>)
        %dma_start3A_565 = arith.constant 0 : i32
        %dma_start3A_566 = arith.constant 2 : i32
        %dma_start3A_567 = arith.constant 0 : i32
        %dma_start3A_568 = arith.constant 0 : i32
        %dma_start3A_569 = arith.constant 0 : i32
        %dma_start3A_570 = tpu.memref_slice %arg11[%dma_start3A_565, %dma_start3A_567, %dma_start3A_568, %dma_start3A_569] : memref<2x10x1x128xf32, #tpu.memory_space<vmem>> -> memref<1x10x1x128xf32, #tpu.memory_space<vmem>>
        %dma_start3A_571 = tpu.memref_squeeze %dma_start3A_570 : memref<1x10x1x128xf32, #tpu.memory_space<vmem>> -> memref<10x1x128xf32, #tpu.memory_space<vmem>>
        %dma_start3A_572 = arith.constant 0 : i32
        %dma_start3A_573 = arith.constant 0 : i32
        %dma_start3A_574 = tpu.memref_slice %arg4[%add3A, %dma_start3A_566, %shift_right_logical3A_522, %dma_start3A_572, %and3A_524, %dma_start3A_573] : memref<16x3x90x10x8x128xf32, #tpu.memory_space<hbm>> -> memref<1x1x1x10x1x128xf32, #tpu.memory_space<hbm>>
        %dma_start3A_575 = tpu.memref_squeeze %dma_start3A_574 : memref<1x1x1x10x1x128xf32, #tpu.memory_space<hbm>> -> memref<10x1x128xf32, #tpu.memory_space<hbm>>
        %dma_start3A_576 = arith.constant 0 : i32
        %dma_start3A_577 = arith.constant 0 : i32
        %dma_start3A_578 = tpu.memref_slice %arg4[%add3A, %dma_start3A_566, %shift_right_logical3A_522, %dma_start3A_576, %and3A_524, %dma_start3A_577] : memref<16x3x90x10x8x128xf32, #tpu.memory_space<hbm>> -> memref<1x1x1x10x1x128xf32, #tpu.memory_space<hbm>>
        %dma_start3A_579 = tpu.memref_squeeze %dma_start3A_578 : memref<1x1x1x10x1x128xf32, #tpu.memory_space<hbm>> -> memref<10x1x128xf32, #tpu.memory_space<hbm>>
        %dma_start3A_580 = arith.constant 0 : i32
        %dma_start3A_581 = arith.constant 0 : i32
        %dma_start3A_582 = arith.constant 0 : i32
        %dma_start3A_583 = tpu.memref_slice %arg11[%dma_start3A_565, %dma_start3A_580, %dma_start3A_581, %dma_start3A_582] : memref<2x10x1x128xf32, #tpu.memory_space<vmem>> -> memref<1x10x1x128xf32, #tpu.memory_space<vmem>>
        %dma_start3A_584 = tpu.memref_squeeze %dma_start3A_583 : memref<1x10x1x128xf32, #tpu.memory_space<vmem>> -> memref<10x1x128xf32, #tpu.memory_space<vmem>>
        tpu.enqueue_dma source(%dma_start3A_584 : memref<10x1x128xf32, #tpu.memory_space<vmem>>) target(%dma_start3A_579 : memref<10x1x128xf32, #tpu.memory_space<hbm>>) target_semaphore(%arg14 : memref<!tpu.dma_semaphore, #tpu.memory_space<semaphore_mem>>)
        %gt3A_585 = arith.constant 0 : i32
        %gt3A_586 = arith.cmpi sgt, %scan3A_504, %gt3A_585 : i32
        %convert_element_type3A_587 = arith.extui %gt3A_586 : i1 to i32
        %cond3A_588 = arith.constant 0 : i32
        %cond3A_589 = arith.cmpi ne, %convert_element_type3A_587, %cond3A_588 : i32
        scf.if %cond3A_589 {
          %mul3A_669 = arith.constant 2 : i32
          %mul3A_670 = arith.muli %mul3A_669, %scan3A_504 : i32
          %sub3A_671 = arith.constant 1 : i32
          %sub3A_672 = arith.subi %mul3A_670, %sub3A_671 : i32
          %add3A_673 = arith.addi %mul3A_0, %sub3A_672 : i32
          %shift_right_logical3A_674 = arith.constant 3 : i32
          %shift_right_logical3A_675 = arith.shrui %add3A_673, %shift_right_logical3A_674 : i32
          %and3A_676 = arith.constant 7 : i32
          %and3A_677 = arith.andi %add3A_673, %and3A_676 : i32
          %dma_wait3A_678 = arith.constant 1 : i32
          %dma_wait3A_679 = arith.constant 0 : i32
          %dma_wait3A_680 = arith.constant 0 : i32
          %dma_wait3A_681 = arith.constant 0 : i32
          %dma_wait3A_682 = arith.constant 0 : i32
          %dma_wait3A_683 = tpu.memref_slice %arg9[%dma_wait3A_678, %dma_wait3A_680, %dma_wait3A_681, %dma_wait3A_682] : memref<2x10x1x128xf32, #tpu.memory_space<vmem>> -> memref<1x10x1x128xf32, #tpu.memory_space<vmem>>
          %dma_wait3A_684 = tpu.memref_squeeze %dma_wait3A_683 : memref<1x10x1x128xf32, #tpu.memory_space<vmem>> -> memref<10x1x128xf32, #tpu.memory_space<vmem>>
          %dma_wait3A_685 = arith.constant 0 : i32
          %dma_wait3A_686 = arith.constant 0 : i32
          %dma_wait3A_687 = tpu.memref_slice %arg4[%add3A, %dma_wait3A_679, %shift_right_logical3A_675, %dma_wait3A_685, %and3A_677, %dma_wait3A_686] : memref<16x3x90x10x8x128xf32, #tpu.memory_space<hbm>> -> memref<1x1x1x10x1x128xf32, #tpu.memory_space<hbm>>
          %dma_wait3A_688 = tpu.memref_squeeze %dma_wait3A_687 : memref<1x1x1x10x1x128xf32, #tpu.memory_space<hbm>> -> memref<10x1x128xf32, #tpu.memory_space<hbm>>
          %dma_wait3A_689 = arith.constant 0 : i32
          %dma_wait3A_690 = arith.constant 0 : i32
          %dma_wait3A_691 = tpu.memref_slice %arg4[%add3A, %dma_wait3A_679, %shift_right_logical3A_675, %dma_wait3A_689, %and3A_677, %dma_wait3A_690] : memref<16x3x90x10x8x128xf32, #tpu.memory_space<hbm>> -> memref<1x1x1x10x1x128xf32, #tpu.memory_space<hbm>>
          %dma_wait3A_692 = tpu.memref_squeeze %dma_wait3A_691 : memref<1x1x1x10x1x128xf32, #tpu.memory_space<hbm>> -> memref<10x1x128xf32, #tpu.memory_space<hbm>>
          %dma_wait3A_693 = arith.constant 0 : i32
          %dma_wait3A_694 = arith.constant 0 : i32
          %dma_wait3A_695 = arith.constant 0 : i32
          %dma_wait3A_696 = tpu.memref_slice %arg9[%dma_wait3A_678, %dma_wait3A_693, %dma_wait3A_694, %dma_wait3A_695] : memref<2x10x1x128xf32, #tpu.memory_space<vmem>> -> memref<1x10x1x128xf32, #tpu.memory_space<vmem>>
          %dma_wait3A_697 = tpu.memref_squeeze %dma_wait3A_696 : memref<1x10x1x128xf32, #tpu.memory_space<vmem>> -> memref<10x1x128xf32, #tpu.memory_space<vmem>>
          tpu.wait_dma2 semaphore(%arg15 : memref<!tpu.dma_semaphore, #tpu.memory_space<semaphore_mem>>) src(%dma_wait3A_697 : memref<10x1x128xf32, #tpu.memory_space<vmem>>) dst(%dma_wait3A_692 : memref<10x1x128xf32, #tpu.memory_space<hbm>>)
          %dma_wait3A_698 = arith.constant 1 : i32
          %dma_wait3A_699 = arith.constant 1 : i32
          %dma_wait3A_700 = arith.constant 0 : i32
          %dma_wait3A_701 = arith.constant 0 : i32
          %dma_wait3A_702 = arith.constant 0 : i32
          %dma_wait3A_703 = tpu.memref_slice %arg10[%dma_wait3A_698, %dma_wait3A_700, %dma_wait3A_701, %dma_wait3A_702] : memref<2x10x1x128xf32, #tpu.memory_space<vmem>> -> memref<1x10x1x128xf32, #tpu.memory_space<vmem>>
          %dma_wait3A_704 = tpu.memref_squeeze %dma_wait3A_703 : memref<1x10x1x128xf32, #tpu.memory_space<vmem>> -> memref<10x1x128xf32, #tpu.memory_space<vmem>>
          %dma_wait3A_705 = arith.constant 0 : i32
          %dma_wait3A_706 = arith.constant 0 : i32
          %dma_wait3A_707 = tpu.memref_slice %arg4[%add3A, %dma_wait3A_699, %shift_right_logical3A_675, %dma_wait3A_705, %and3A_677, %dma_wait3A_706] : memref<16x3x90x10x8x128xf32, #tpu.memory_space<hbm>> -> memref<1x1x1x10x1x128xf32, #tpu.memory_space<hbm>>
          %dma_wait3A_708 = tpu.memref_squeeze %dma_wait3A_707 : memref<1x1x1x10x1x128xf32, #tpu.memory_space<hbm>> -> memref<10x1x128xf32, #tpu.memory_space<hbm>>
          %dma_wait3A_709 = arith.constant 0 : i32
          %dma_wait3A_710 = arith.constant 0 : i32
          %dma_wait3A_711 = tpu.memref_slice %arg4[%add3A, %dma_wait3A_699, %shift_right_logical3A_675, %dma_wait3A_709, %and3A_677, %dma_wait3A_710] : memref<16x3x90x10x8x128xf32, #tpu.memory_space<hbm>> -> memref<1x1x1x10x1x128xf32, #tpu.memory_space<hbm>>
          %dma_wait3A_712 = tpu.memref_squeeze %dma_wait3A_711 : memref<1x1x1x10x1x128xf32, #tpu.memory_space<hbm>> -> memref<10x1x128xf32, #tpu.memory_space<hbm>>
          %dma_wait3A_713 = arith.constant 0 : i32
          %dma_wait3A_714 = arith.constant 0 : i32
          %dma_wait3A_715 = arith.constant 0 : i32
          %dma_wait3A_716 = tpu.memref_slice %arg10[%dma_wait3A_698, %dma_wait3A_713, %dma_wait3A_714, %dma_wait3A_715] : memref<2x10x1x128xf32, #tpu.memory_space<vmem>> -> memref<1x10x1x128xf32, #tpu.memory_space<vmem>>
          %dma_wait3A_717 = tpu.memref_squeeze %dma_wait3A_716 : memref<1x10x1x128xf32, #tpu.memory_space<vmem>> -> memref<10x1x128xf32, #tpu.memory_space<vmem>>
          tpu.wait_dma2 semaphore(%arg15 : memref<!tpu.dma_semaphore, #tpu.memory_space<semaphore_mem>>) src(%dma_wait3A_717 : memref<10x1x128xf32, #tpu.memory_space<vmem>>) dst(%dma_wait3A_712 : memref<10x1x128xf32, #tpu.memory_space<hbm>>)
          %dma_wait3A_718 = arith.constant 1 : i32
          %dma_wait3A_719 = arith.constant 2 : i32
          %dma_wait3A_720 = arith.constant 0 : i32
          %dma_wait3A_721 = arith.constant 0 : i32
          %dma_wait3A_722 = arith.constant 0 : i32
          %dma_wait3A_723 = tpu.memref_slice %arg11[%dma_wait3A_718, %dma_wait3A_720, %dma_wait3A_721, %dma_wait3A_722] : memref<2x10x1x128xf32, #tpu.memory_space<vmem>> -> memref<1x10x1x128xf32, #tpu.memory_space<vmem>>
          %dma_wait3A_724 = tpu.memref_squeeze %dma_wait3A_723 : memref<1x10x1x128xf32, #tpu.memory_space<vmem>> -> memref<10x1x128xf32, #tpu.memory_space<vmem>>
          %dma_wait3A_725 = arith.constant 0 : i32
          %dma_wait3A_726 = arith.constant 0 : i32
          %dma_wait3A_727 = tpu.memref_slice %arg4[%add3A, %dma_wait3A_719, %shift_right_logical3A_675, %dma_wait3A_725, %and3A_677, %dma_wait3A_726] : memref<16x3x90x10x8x128xf32, #tpu.memory_space<hbm>> -> memref<1x1x1x10x1x128xf32, #tpu.memory_space<hbm>>
          %dma_wait3A_728 = tpu.memref_squeeze %dma_wait3A_727 : memref<1x1x1x10x1x128xf32, #tpu.memory_space<hbm>> -> memref<10x1x128xf32, #tpu.memory_space<hbm>>
          %dma_wait3A_729 = arith.constant 0 : i32
          %dma_wait3A_730 = arith.constant 0 : i32
          %dma_wait3A_731 = tpu.memref_slice %arg4[%add3A, %dma_wait3A_719, %shift_right_logical3A_675, %dma_wait3A_729, %and3A_677, %dma_wait3A_730] : memref<16x3x90x10x8x128xf32, #tpu.memory_space<hbm>> -> memref<1x1x1x10x1x128xf32, #tpu.memory_space<hbm>>
          %dma_wait3A_732 = tpu.memref_squeeze %dma_wait3A_731 : memref<1x1x1x10x1x128xf32, #tpu.memory_space<hbm>> -> memref<10x1x128xf32, #tpu.memory_space<hbm>>
          %dma_wait3A_733 = arith.constant 0 : i32
          %dma_wait3A_734 = arith.constant 0 : i32
          %dma_wait3A_735 = arith.constant 0 : i32
          %dma_wait3A_736 = tpu.memref_slice %arg11[%dma_wait3A_718, %dma_wait3A_733, %dma_wait3A_734, %dma_wait3A_735] : memref<2x10x1x128xf32, #tpu.memory_space<vmem>> -> memref<1x10x1x128xf32, #tpu.memory_space<vmem>>
          %dma_wait3A_737 = tpu.memref_squeeze %dma_wait3A_736 : memref<1x10x1x128xf32, #tpu.memory_space<vmem>> -> memref<10x1x128xf32, #tpu.memory_space<vmem>>
          tpu.wait_dma2 semaphore(%arg15 : memref<!tpu.dma_semaphore, #tpu.memory_space<semaphore_mem>>) src(%dma_wait3A_737 : memref<10x1x128xf32, #tpu.memory_space<vmem>>) dst(%dma_wait3A_732 : memref<10x1x128xf32, #tpu.memory_space<hbm>>)
        } else {
        }
        %mul3A_590 = arith.constant 2 : i32
        %mul3A_591 = arith.muli %mul3A_590, %scan3A_504 : i32
        %add3A_592 = arith.constant 1 : i32
        %add3A_593 = arith.addi %mul3A_591, %add3A_592 : i32
        %mul3A_594 = arith.constant 1280 : i32
        %mul3A_595 = arith.muli %add3A_593, %mul3A_594 : i32
        %scan3A_596 = arith.constant 0 : i32
        %scan3A_597 = arith.constant 0 : i32
        %scan3A_598 = arith.constant 10 : i32
        %scan3A_599 = arith.addi %scan3A_597, %scan3A_598 : i32
        %scan3A_600 = arith.constant 1 : i32
        %scan3A_601 = scf.for %scan3A_669 = %scan3A_597 to %scan3A_599 step %scan3A_600 iter_args(%scan3A_670 = %scan3A_596) -> (i32)  : i32 {
          %mul3A_671 = arith.constant 128 : i32
          %mul3A_672 = arith.muli %scan3A_669, %mul3A_671 : i32
          %add3A_673 = arith.addi %mul3A_595, %mul3A_672 : i32
          %add3A_674 = arith.constant 0 : i32
          %add3A_675 = arith.addi %add3A_673, %add3A_674 : i32
          %get3A = arith.index_cast %add3A_675 : i32 to index
          %get3A_676 = tpu.vector_load %arg5[%get3A] {strides = array<i32>} : memref<57600xi32, #tpu.memory_space<vmem>>, vector<16xi32>,
          %swap3A = arith.index_cast %add3A_675 : i32 to index
          %swap3A_677 = tpu.vector_load %arg5[%swap3A] {strides = array<i32>} : memref<57600xi32, #tpu.memory_space<vmem>>, vector<16xi32>,
          tpu.vector_store %arg5[%swap3A], %broadcast_in_dim3A_4 {strides = array<i32>} : memref<57600xi32, #tpu.memory_space<vmem>>, vector<16xi32>,
          %ge3A = arith.constant 0 : i32
          %ge3A_678 = vector.broadcast %ge3A : i32 to vector<16xi32>
          %ge3A_679 = arith.cmpi sge, %get3A_676, %ge3A_678 : vector<16xi32>
          %and3A_680 = arith.constant 1 : i32
          %and3A_681 = vector.broadcast %and3A_680 : i32 to vector<16xi32>
          %and3A_682 = arith.andi %get3A_676, %and3A_681 : vector<16xi32>
          %eq3A = arith.constant 1 : i32
          %eq3A_683 = vector.broadcast %eq3A : i32 to vector<16xi32>
          %eq3A_684 = arith.cmpi eq, %and3A_682, %eq3A_683 : vector<16xi32>
          %and3A_685 = arith.andi %ge3A_679, %eq3A_684 : vector<16xi1>
          %jit3A = arith.constant 0.000000e+00 : f32
          %jit3A_686 = arith.constant 2.550000e+02 : f32
          %broadcast_in_dim3A_687 = vector.broadcast %jit3A : f32 to vector<16xf32>
          %broadcast_in_dim3A_688 = vector.broadcast %jit3A_686 : f32 to vector<16xf32>
          %select_n3A = arith.select %and3A_685, %broadcast_in_dim3A_687, %broadcast_in_dim3A_688 : vector<16xi1>, vector<16xf32>
          %not3A = arith.constant dense<true> : vector<16xi1>
          %not3A_689 = arith.xori %eq3A_684, %not3A : vector<16xi1>
          %and3A_690 = arith.andi %ge3A_679, %not3A_689 : vector<16xi1>
          %jit3A_691 = arith.constant 0.000000e+00 : f32
          %jit3A_692 = arith.constant 2.550000e+02 : f32
          %broadcast_in_dim3A_693 = vector.broadcast %jit3A_691 : f32 to vector<16xf32>
          %broadcast_in_dim3A_694 = vector.broadcast %jit3A_692 : f32 to vector<16xf32>
          %select_n3A_695 = arith.select %and3A_690, %broadcast_in_dim3A_693, %broadcast_in_dim3A_694 : vector<16xi1>, vector<16xf32>
          %swap3A_696 = arith.constant 1 : i32
          %swap3A_697 = arith.constant 0 : i32
          %swap3A_698 = arith.index_cast %swap3A_696 : i32 to index
          %swap3A_699 = arith.index_cast %scan3A_669 : i32 to index
          %swap3A_700 = arith.index_cast %swap3A_697 : i32 to index
          %swap3A_701 = arith.constant 0 : index
          %swap3A_702 = tpu.vector_load %arg9[%swap3A_698, %swap3A_699, %swap3A_700, %swap3A_701] {strides = array<i32>} : memref<2x10x1x128xf32, #tpu.memory_space<vmem>>, vector<16xf32>,
          tpu.vector_store %arg9[%swap3A_698, %swap3A_699, %swap3A_700, %swap3A_701], %select_n3A {strides = array<i32>} : memref<2x10x1x128xf32, #tpu.memory_space<vmem>>, vector<16xf32>,
          %swap3A_703 = arith.constant 1 : i32
          %swap3A_704 = arith.constant 0 : i32
          %swap3A_705 = arith.index_cast %swap3A_703 : i32 to index
          %swap3A_706 = arith.index_cast %scan3A_669 : i32 to index
          %swap3A_707 = arith.index_cast %swap3A_704 : i32 to index
          %swap3A_708 = arith.constant 0 : index
          %swap3A_709 = tpu.vector_load %arg10[%swap3A_705, %swap3A_706, %swap3A_707, %swap3A_708] {strides = array<i32>} : memref<2x10x1x128xf32, #tpu.memory_space<vmem>>, vector<16xf32>,
          tpu.vector_store %arg10[%swap3A_705, %swap3A_706, %swap3A_707, %swap3A_708], %select_n3A_695 {strides = array<i32>} : memref<2x10x1x128xf32, #tpu.memory_space<vmem>>, vector<16xf32>,
          %add3A_710 = arith.addf %select_n3A, %select_n3A_695 : vector<16xf32>
          %swap3A_711 = arith.constant 1 : i32
          %swap3A_712 = arith.constant 0 : i32
          %swap3A_713 = arith.index_cast %swap3A_711 : i32 to index
          %swap3A_714 = arith.index_cast %scan3A_669 : i32 to index
          %swap3A_715 = arith.index_cast %swap3A_712 : i32 to index
          %swap3A_716 = arith.constant 0 : index
          %swap3A_717 = tpu.vector_load %arg11[%swap3A_713, %swap3A_714, %swap3A_715, %swap3A_716] {strides = array<i32>} : memref<2x10x1x128xf32, #tpu.memory_space<vmem>>, vector<16xf32>,
          tpu.vector_store %arg11[%swap3A_713, %swap3A_714, %swap3A_715, %swap3A_716], %add3A_710 {strides = array<i32>} : memref<2x10x1x128xf32, #tpu.memory_space<vmem>>, vector<16xf32>,
          %mul3A_718 = arith.constant 128 : i32
          %mul3A_719 = arith.muli %scan3A_669, %mul3A_718 : i32
          %add3A_720 = arith.addi %mul3A_595, %mul3A_719 : i32
          %add3A_721 = arith.constant 16 : i32
          %add3A_722 = arith.addi %add3A_720, %add3A_721 : i32
          %get3A_723 = arith.index_cast %add3A_722 : i32 to index
          %get3A_724 = tpu.vector_load %arg5[%get3A_723] {strides = array<i32>} : memref<57600xi32, #tpu.memory_space<vmem>>, vector<16xi32>,
          %swap3A_725 = arith.index_cast %add3A_722 : i32 to index
          %swap3A_726 = tpu.vector_load %arg5[%swap3A_725] {strides = array<i32>} : memref<57600xi32, #tpu.memory_space<vmem>>, vector<16xi32>,
          tpu.vector_store %arg5[%swap3A_725], %broadcast_in_dim3A_4 {strides = array<i32>} : memref<57600xi32, #tpu.memory_space<vmem>>, vector<16xi32>,
          %ge3A_727 = arith.constant 0 : i32
          %ge3A_728 = vector.broadcast %ge3A_727 : i32 to vector<16xi32>
          %ge3A_729 = arith.cmpi sge, %get3A_724, %ge3A_728 : vector<16xi32>
          %and3A_730 = arith.constant 1 : i32
          %and3A_731 = vector.broadcast %and3A_730 : i32 to vector<16xi32>
          %and3A_732 = arith.andi %get3A_724, %and3A_731 : vector<16xi32>
          %eq3A_733 = arith.constant 1 : i32
          %eq3A_734 = vector.broadcast %eq3A_733 : i32 to vector<16xi32>
          %eq3A_735 = arith.cmpi eq, %and3A_732, %eq3A_734 : vector<16xi32>
          %and3A_736 = arith.andi %ge3A_729, %eq3A_735 : vector<16xi1>
          %jit3A_737 = arith.constant 0.000000e+00 : f32
          %jit3A_738 = arith.constant 2.550000e+02 : f32
          %broadcast_in_dim3A_739 = vector.broadcast %jit3A_737 : f32 to vector<16xf32>
          %broadcast_in_dim3A_740 = vector.broadcast %jit3A_738 : f32 to vector<16xf32>
          %select_n3A_741 = arith.select %and3A_736, %broadcast_in_dim3A_739, %broadcast_in_dim3A_740 : vector<16xi1>, vector<16xf32>
          %not3A_742 = arith.constant dense<true> : vector<16xi1>
          %not3A_743 = arith.xori %eq3A_735, %not3A_742 : vector<16xi1>
          %and3A_744 = arith.andi %ge3A_729, %not3A_743 : vector<16xi1>
          %jit3A_745 = arith.constant 0.000000e+00 : f32
          %jit3A_746 = arith.constant 2.550000e+02 : f32
          %broadcast_in_dim3A_747 = vector.broadcast %jit3A_745 : f32 to vector<16xf32>
          %broadcast_in_dim3A_748 = vector.broadcast %jit3A_746 : f32 to vector<16xf32>
          %select_n3A_749 = arith.select %and3A_744, %broadcast_in_dim3A_747, %broadcast_in_dim3A_748 : vector<16xi1>, vector<16xf32>
          %swap3A_750 = arith.constant 1 : i32
          %swap3A_751 = arith.constant 0 : i32
          %swap3A_752 = arith.index_cast %swap3A_750 : i32 to index
          %swap3A_753 = arith.index_cast %scan3A_669 : i32 to index
          %swap3A_754 = arith.index_cast %swap3A_751 : i32 to index
          %swap3A_755 = arith.constant 16 : index
          %swap3A_756 = tpu.vector_load %arg9[%swap3A_752, %swap3A_753, %swap3A_754, %swap3A_755] {strides = array<i32>} : memref<2x10x1x128xf32, #tpu.memory_space<vmem>>, vector<16xf32>,
          tpu.vector_store %arg9[%swap3A_752, %swap3A_753, %swap3A_754, %swap3A_755], %select_n3A_741 {strides = array<i32>} : memref<2x10x1x128xf32, #tpu.memory_space<vmem>>, vector<16xf32>,
          %swap3A_757 = arith.constant 1 : i32
          %swap3A_758 = arith.constant 0 : i32
          %swap3A_759 = arith.index_cast %swap3A_757 : i32 to index
          %swap3A_760 = arith.index_cast %scan3A_669 : i32 to index
          %swap3A_761 = arith.index_cast %swap3A_758 : i32 to index
          %swap3A_762 = arith.constant 16 : index
          %swap3A_763 = tpu.vector_load %arg10[%swap3A_759, %swap3A_760, %swap3A_761, %swap3A_762] {strides = array<i32>} : memref<2x10x1x128xf32, #tpu.memory_space<vmem>>, vector<16xf32>,
          tpu.vector_store %arg10[%swap3A_759, %swap3A_760, %swap3A_761, %swap3A_762], %select_n3A_749 {strides = array<i32>} : memref<2x10x1x128xf32, #tpu.memory_space<vmem>>, vector<16xf32>,
          %add3A_764 = arith.addf %select_n3A_741, %select_n3A_749 : vector<16xf32>
          %swap3A_765 = arith.constant 1 : i32
          %swap3A_766 = arith.constant 0 : i32
          %swap3A_767 = arith.index_cast %swap3A_765 : i32 to index
          %swap3A_768 = arith.index_cast %scan3A_669 : i32 to index
          %swap3A_769 = arith.index_cast %swap3A_766 : i32 to index
          %swap3A_770 = arith.constant 16 : index
          %swap3A_771 = tpu.vector_load %arg11[%swap3A_767, %swap3A_768, %swap3A_769, %swap3A_770] {strides = array<i32>} : memref<2x10x1x128xf32, #tpu.memory_space<vmem>>, vector<16xf32>,
          tpu.vector_store %arg11[%swap3A_767, %swap3A_768, %swap3A_769, %swap3A_770], %add3A_764 {strides = array<i32>} : memref<2x10x1x128xf32, #tpu.memory_space<vmem>>, vector<16xf32>,
          %mul3A_772 = arith.constant 128 : i32
          %mul3A_773 = arith.muli %scan3A_669, %mul3A_772 : i32
          %add3A_774 = arith.addi %mul3A_595, %mul3A_773 : i32
          %add3A_775 = arith.constant 32 : i32
          %add3A_776 = arith.addi %add3A_774, %add3A_775 : i32
          %get3A_777 = arith.index_cast %add3A_776 : i32 to index
          %get3A_778 = tpu.vector_load %arg5[%get3A_777] {strides = array<i32>} : memref<57600xi32, #tpu.memory_space<vmem>>, vector<16xi32>,
          %swap3A_779 = arith.index_cast %add3A_776 : i32 to index
          %swap3A_780 = tpu.vector_load %arg5[%swap3A_779] {strides = array<i32>} : memref<57600xi32, #tpu.memory_space<vmem>>, vector<16xi32>,
          tpu.vector_store %arg5[%swap3A_779], %broadcast_in_dim3A_4 {strides = array<i32>} : memref<57600xi32, #tpu.memory_space<vmem>>, vector<16xi32>,
          %ge3A_781 = arith.constant 0 : i32
          %ge3A_782 = vector.broadcast %ge3A_781 : i32 to vector<16xi32>
          %ge3A_783 = arith.cmpi sge, %get3A_778, %ge3A_782 : vector<16xi32>
          %and3A_784 = arith.constant 1 : i32
          %and3A_785 = vector.broadcast %and3A_784 : i32 to vector<16xi32>
          %and3A_786 = arith.andi %get3A_778, %and3A_785 : vector<16xi32>
          %eq3A_787 = arith.constant 1 : i32
          %eq3A_788 = vector.broadcast %eq3A_787 : i32 to vector<16xi32>
          %eq3A_789 = arith.cmpi eq, %and3A_786, %eq3A_788 : vector<16xi32>
          %and3A_790 = arith.andi %ge3A_783, %eq3A_789 : vector<16xi1>
          %jit3A_791 = arith.constant 0.000000e+00 : f32
          %jit3A_792 = arith.constant 2.550000e+02 : f32
          %broadcast_in_dim3A_793 = vector.broadcast %jit3A_791 : f32 to vector<16xf32>
          %broadcast_in_dim3A_794 = vector.broadcast %jit3A_792 : f32 to vector<16xf32>
          %select_n3A_795 = arith.select %and3A_790, %broadcast_in_dim3A_793, %broadcast_in_dim3A_794 : vector<16xi1>, vector<16xf32>
          %not3A_796 = arith.constant dense<true> : vector<16xi1>
          %not3A_797 = arith.xori %eq3A_789, %not3A_796 : vector<16xi1>
          %and3A_798 = arith.andi %ge3A_783, %not3A_797 : vector<16xi1>
          %jit3A_799 = arith.constant 0.000000e+00 : f32
          %jit3A_800 = arith.constant 2.550000e+02 : f32
          %broadcast_in_dim3A_801 = vector.broadcast %jit3A_799 : f32 to vector<16xf32>
          %broadcast_in_dim3A_802 = vector.broadcast %jit3A_800 : f32 to vector<16xf32>
          %select_n3A_803 = arith.select %and3A_798, %broadcast_in_dim3A_801, %broadcast_in_dim3A_802 : vector<16xi1>, vector<16xf32>
          %swap3A_804 = arith.constant 1 : i32
          %swap3A_805 = arith.constant 0 : i32
          %swap3A_806 = arith.index_cast %swap3A_804 : i32 to index
          %swap3A_807 = arith.index_cast %scan3A_669 : i32 to index
          %swap3A_808 = arith.index_cast %swap3A_805 : i32 to index
          %swap3A_809 = arith.constant 32 : index
          %swap3A_810 = tpu.vector_load %arg9[%swap3A_806, %swap3A_807, %swap3A_808, %swap3A_809] {strides = array<i32>} : memref<2x10x1x128xf32, #tpu.memory_space<vmem>>, vector<16xf32>,
          tpu.vector_store %arg9[%swap3A_806, %swap3A_807, %swap3A_808, %swap3A_809], %select_n3A_795 {strides = array<i32>} : memref<2x10x1x128xf32, #tpu.memory_space<vmem>>, vector<16xf32>,
          %swap3A_811 = arith.constant 1 : i32
          %swap3A_812 = arith.constant 0 : i32
          %swap3A_813 = arith.index_cast %swap3A_811 : i32 to index
          %swap3A_814 = arith.index_cast %scan3A_669 : i32 to index
          %swap3A_815 = arith.index_cast %swap3A_812 : i32 to index
          %swap3A_816 = arith.constant 32 : index
          %swap3A_817 = tpu.vector_load %arg10[%swap3A_813, %swap3A_814, %swap3A_815, %swap3A_816] {strides = array<i32>} : memref<2x10x1x128xf32, #tpu.memory_space<vmem>>, vector<16xf32>,
          tpu.vector_store %arg10[%swap3A_813, %swap3A_814, %swap3A_815, %swap3A_816], %select_n3A_803 {strides = array<i32>} : memref<2x10x1x128xf32, #tpu.memory_space<vmem>>, vector<16xf32>,
          %add3A_818 = arith.addf %select_n3A_795, %select_n3A_803 : vector<16xf32>
          %swap3A_819 = arith.constant 1 : i32
          %swap3A_820 = arith.constant 0 : i32
          %swap3A_821 = arith.index_cast %swap3A_819 : i32 to index
          %swap3A_822 = arith.index_cast %scan3A_669 : i32 to index
          %swap3A_823 = arith.index_cast %swap3A_820 : i32 to index
          %swap3A_824 = arith.constant 32 : index
          %swap3A_825 = tpu.vector_load %arg11[%swap3A_821, %swap3A_822, %swap3A_823, %swap3A_824] {strides = array<i32>} : memref<2x10x1x128xf32, #tpu.memory_space<vmem>>, vector<16xf32>,
          tpu.vector_store %arg11[%swap3A_821, %swap3A_822, %swap3A_823, %swap3A_824], %add3A_818 {strides = array<i32>} : memref<2x10x1x128xf32, #tpu.memory_space<vmem>>, vector<16xf32>,
          %mul3A_826 = arith.constant 128 : i32
          %mul3A_827 = arith.muli %scan3A_669, %mul3A_826 : i32
          %add3A_828 = arith.addi %mul3A_595, %mul3A_827 : i32
          %add3A_829 = arith.constant 48 : i32
          %add3A_830 = arith.addi %add3A_828, %add3A_829 : i32
          %get3A_831 = arith.index_cast %add3A_830 : i32 to index
          %get3A_832 = tpu.vector_load %arg5[%get3A_831] {strides = array<i32>} : memref<57600xi32, #tpu.memory_space<vmem>>, vector<16xi32>,
          %swap3A_833 = arith.index_cast %add3A_830 : i32 to index
          %swap3A_834 = tpu.vector_load %arg5[%swap3A_833] {strides = array<i32>} : memref<57600xi32, #tpu.memory_space<vmem>>, vector<16xi32>,
          tpu.vector_store %arg5[%swap3A_833], %broadcast_in_dim3A_4 {strides = array<i32>} : memref<57600xi32, #tpu.memory_space<vmem>>, vector<16xi32>,
          %ge3A_835 = arith.constant 0 : i32
          %ge3A_836 = vector.broadcast %ge3A_835 : i32 to vector<16xi32>
          %ge3A_837 = arith.cmpi sge, %get3A_832, %ge3A_836 : vector<16xi32>
          %and3A_838 = arith.constant 1 : i32
          %and3A_839 = vector.broadcast %and3A_838 : i32 to vector<16xi32>
          %and3A_840 = arith.andi %get3A_832, %and3A_839 : vector<16xi32>
          %eq3A_841 = arith.constant 1 : i32
          %eq3A_842 = vector.broadcast %eq3A_841 : i32 to vector<16xi32>
          %eq3A_843 = arith.cmpi eq, %and3A_840, %eq3A_842 : vector<16xi32>
          %and3A_844 = arith.andi %ge3A_837, %eq3A_843 : vector<16xi1>
          %jit3A_845 = arith.constant 0.000000e+00 : f32
          %jit3A_846 = arith.constant 2.550000e+02 : f32
          %broadcast_in_dim3A_847 = vector.broadcast %jit3A_845 : f32 to vector<16xf32>
          %broadcast_in_dim3A_848 = vector.broadcast %jit3A_846 : f32 to vector<16xf32>
          %select_n3A_849 = arith.select %and3A_844, %broadcast_in_dim3A_847, %broadcast_in_dim3A_848 : vector<16xi1>, vector<16xf32>
          %not3A_850 = arith.constant dense<true> : vector<16xi1>
          %not3A_851 = arith.xori %eq3A_843, %not3A_850 : vector<16xi1>
          %and3A_852 = arith.andi %ge3A_837, %not3A_851 : vector<16xi1>
          %jit3A_853 = arith.constant 0.000000e+00 : f32
          %jit3A_854 = arith.constant 2.550000e+02 : f32
          %broadcast_in_dim3A_855 = vector.broadcast %jit3A_853 : f32 to vector<16xf32>
          %broadcast_in_dim3A_856 = vector.broadcast %jit3A_854 : f32 to vector<16xf32>
          %select_n3A_857 = arith.select %and3A_852, %broadcast_in_dim3A_855, %broadcast_in_dim3A_856 : vector<16xi1>, vector<16xf32>
          %swap3A_858 = arith.constant 1 : i32
          %swap3A_859 = arith.constant 0 : i32
          %swap3A_860 = arith.index_cast %swap3A_858 : i32 to index
          %swap3A_861 = arith.index_cast %scan3A_669 : i32 to index
          %swap3A_862 = arith.index_cast %swap3A_859 : i32 to index
          %swap3A_863 = arith.constant 48 : index
          %swap3A_864 = tpu.vector_load %arg9[%swap3A_860, %swap3A_861, %swap3A_862, %swap3A_863] {strides = array<i32>} : memref<2x10x1x128xf32, #tpu.memory_space<vmem>>, vector<16xf32>,
          tpu.vector_store %arg9[%swap3A_860, %swap3A_861, %swap3A_862, %swap3A_863], %select_n3A_849 {strides = array<i32>} : memref<2x10x1x128xf32, #tpu.memory_space<vmem>>, vector<16xf32>,
          %swap3A_865 = arith.constant 1 : i32
          %swap3A_866 = arith.constant 0 : i32
          %swap3A_867 = arith.index_cast %swap3A_865 : i32 to index
          %swap3A_868 = arith.index_cast %scan3A_669 : i32 to index
          %swap3A_869 = arith.index_cast %swap3A_866 : i32 to index
          %swap3A_870 = arith.constant 48 : index
          %swap3A_871 = tpu.vector_load %arg10[%swap3A_867, %swap3A_868, %swap3A_869, %swap3A_870] {strides = array<i32>} : memref<2x10x1x128xf32, #tpu.memory_space<vmem>>, vector<16xf32>,
          tpu.vector_store %arg10[%swap3A_867, %swap3A_868, %swap3A_869, %swap3A_870], %select_n3A_857 {strides = array<i32>} : memref<2x10x1x128xf32, #tpu.memory_space<vmem>>, vector<16xf32>,
          %add3A_872 = arith.addf %select_n3A_849, %select_n3A_857 : vector<16xf32>
          %swap3A_873 = arith.constant 1 : i32
          %swap3A_874 = arith.constant 0 : i32
          %swap3A_875 = arith.index_cast %swap3A_873 : i32 to index
          %swap3A_876 = arith.index_cast %scan3A_669 : i32 to index
          %swap3A_877 = arith.index_cast %swap3A_874 : i32 to index
          %swap3A_878 = arith.constant 48 : index
          %swap3A_879 = tpu.vector_load %arg11[%swap3A_875, %swap3A_876, %swap3A_877, %swap3A_878] {strides = array<i32>} : memref<2x10x1x128xf32, #tpu.memory_space<vmem>>, vector<16xf32>,
          tpu.vector_store %arg11[%swap3A_875, %swap3A_876, %swap3A_877, %swap3A_878], %add3A_872 {strides = array<i32>} : memref<2x10x1x128xf32, #tpu.memory_space<vmem>>, vector<16xf32>,
          %mul3A_880 = arith.constant 128 : i32
          %mul3A_881 = arith.muli %scan3A_669, %mul3A_880 : i32
          %add3A_882 = arith.addi %mul3A_595, %mul3A_881 : i32
          %add3A_883 = arith.constant 64 : i32
          %add3A_884 = arith.addi %add3A_882, %add3A_883 : i32
          %get3A_885 = arith.index_cast %add3A_884 : i32 to index
          %get3A_886 = tpu.vector_load %arg5[%get3A_885] {strides = array<i32>} : memref<57600xi32, #tpu.memory_space<vmem>>, vector<16xi32>,
          %swap3A_887 = arith.index_cast %add3A_884 : i32 to index
          %swap3A_888 = tpu.vector_load %arg5[%swap3A_887] {strides = array<i32>} : memref<57600xi32, #tpu.memory_space<vmem>>, vector<16xi32>,
          tpu.vector_store %arg5[%swap3A_887], %broadcast_in_dim3A_4 {strides = array<i32>} : memref<57600xi32, #tpu.memory_space<vmem>>, vector<16xi32>,
          %ge3A_889 = arith.constant 0 : i32
          %ge3A_890 = vector.broadcast %ge3A_889 : i32 to vector<16xi32>
          %ge3A_891 = arith.cmpi sge, %get3A_886, %ge3A_890 : vector<16xi32>
          %and3A_892 = arith.constant 1 : i32
          %and3A_893 = vector.broadcast %and3A_892 : i32 to vector<16xi32>
          %and3A_894 = arith.andi %get3A_886, %and3A_893 : vector<16xi32>
          %eq3A_895 = arith.constant 1 : i32
          %eq3A_896 = vector.broadcast %eq3A_895 : i32 to vector<16xi32>
          %eq3A_897 = arith.cmpi eq, %and3A_894, %eq3A_896 : vector<16xi32>
          %and3A_898 = arith.andi %ge3A_891, %eq3A_897 : vector<16xi1>
          %jit3A_899 = arith.constant 0.000000e+00 : f32
          %jit3A_900 = arith.constant 2.550000e+02 : f32
          %broadcast_in_dim3A_901 = vector.broadcast %jit3A_899 : f32 to vector<16xf32>
          %broadcast_in_dim3A_902 = vector.broadcast %jit3A_900 : f32 to vector<16xf32>
          %select_n3A_903 = arith.select %and3A_898, %broadcast_in_dim3A_901, %broadcast_in_dim3A_902 : vector<16xi1>, vector<16xf32>
          %not3A_904 = arith.constant dense<true> : vector<16xi1>
          %not3A_905 = arith.xori %eq3A_897, %not3A_904 : vector<16xi1>
          %and3A_906 = arith.andi %ge3A_891, %not3A_905 : vector<16xi1>
          %jit3A_907 = arith.constant 0.000000e+00 : f32
          %jit3A_908 = arith.constant 2.550000e+02 : f32
          %broadcast_in_dim3A_909 = vector.broadcast %jit3A_907 : f32 to vector<16xf32>
          %broadcast_in_dim3A_910 = vector.broadcast %jit3A_908 : f32 to vector<16xf32>
          %select_n3A_911 = arith.select %and3A_906, %broadcast_in_dim3A_909, %broadcast_in_dim3A_910 : vector<16xi1>, vector<16xf32>
          %swap3A_912 = arith.constant 1 : i32
          %swap3A_913 = arith.constant 0 : i32
          %swap3A_914 = arith.index_cast %swap3A_912 : i32 to index
          %swap3A_915 = arith.index_cast %scan3A_669 : i32 to index
          %swap3A_916 = arith.index_cast %swap3A_913 : i32 to index
          %swap3A_917 = arith.constant 64 : index
          %swap3A_918 = tpu.vector_load %arg9[%swap3A_914, %swap3A_915, %swap3A_916, %swap3A_917] {strides = array<i32>} : memref<2x10x1x128xf32, #tpu.memory_space<vmem>>, vector<16xf32>,
          tpu.vector_store %arg9[%swap3A_914, %swap3A_915, %swap3A_916, %swap3A_917], %select_n3A_903 {strides = array<i32>} : memref<2x10x1x128xf32, #tpu.memory_space<vmem>>, vector<16xf32>,
          %swap3A_919 = arith.constant 1 : i32
          %swap3A_920 = arith.constant 0 : i32
          %swap3A_921 = arith.index_cast %swap3A_919 : i32 to index
          %swap3A_922 = arith.index_cast %scan3A_669 : i32 to index
          %swap3A_923 = arith.index_cast %swap3A_920 : i32 to index
          %swap3A_924 = arith.constant 64 : index
          %swap3A_925 = tpu.vector_load %arg10[%swap3A_921, %swap3A_922, %swap3A_923, %swap3A_924] {strides = array<i32>} : memref<2x10x1x128xf32, #tpu.memory_space<vmem>>, vector<16xf32>,
          tpu.vector_store %arg10[%swap3A_921, %swap3A_922, %swap3A_923, %swap3A_924], %select_n3A_911 {strides = array<i32>} : memref<2x10x1x128xf32, #tpu.memory_space<vmem>>, vector<16xf32>,
          %add3A_926 = arith.addf %select_n3A_903, %select_n3A_911 : vector<16xf32>
          %swap3A_927 = arith.constant 1 : i32
          %swap3A_928 = arith.constant 0 : i32
          %swap3A_929 = arith.index_cast %swap3A_927 : i32 to index
          %swap3A_930 = arith.index_cast %scan3A_669 : i32 to index
          %swap3A_931 = arith.index_cast %swap3A_928 : i32 to index
          %swap3A_932 = arith.constant 64 : index
          %swap3A_933 = tpu.vector_load %arg11[%swap3A_929, %swap3A_930, %swap3A_931, %swap3A_932] {strides = array<i32>} : memref<2x10x1x128xf32, #tpu.memory_space<vmem>>, vector<16xf32>,
          tpu.vector_store %arg11[%swap3A_929, %swap3A_930, %swap3A_931, %swap3A_932], %add3A_926 {strides = array<i32>} : memref<2x10x1x128xf32, #tpu.memory_space<vmem>>, vector<16xf32>,
          %mul3A_934 = arith.constant 128 : i32
          %mul3A_935 = arith.muli %scan3A_669, %mul3A_934 : i32
          %add3A_936 = arith.addi %mul3A_595, %mul3A_935 : i32
          %add3A_937 = arith.constant 80 : i32
          %add3A_938 = arith.addi %add3A_936, %add3A_937 : i32
          %get3A_939 = arith.index_cast %add3A_938 : i32 to index
          %get3A_940 = tpu.vector_load %arg5[%get3A_939] {strides = array<i32>} : memref<57600xi32, #tpu.memory_space<vmem>>, vector<16xi32>,
          %swap3A_941 = arith.index_cast %add3A_938 : i32 to index
          %swap3A_942 = tpu.vector_load %arg5[%swap3A_941] {strides = array<i32>} : memref<57600xi32, #tpu.memory_space<vmem>>, vector<16xi32>,
          tpu.vector_store %arg5[%swap3A_941], %broadcast_in_dim3A_4 {strides = array<i32>} : memref<57600xi32, #tpu.memory_space<vmem>>, vector<16xi32>,
          %ge3A_943 = arith.constant 0 : i32
          %ge3A_944 = vector.broadcast %ge3A_943 : i32 to vector<16xi32>
          %ge3A_945 = arith.cmpi sge, %get3A_940, %ge3A_944 : vector<16xi32>
          %and3A_946 = arith.constant 1 : i32
          %and3A_947 = vector.broadcast %and3A_946 : i32 to vector<16xi32>
          %and3A_948 = arith.andi %get3A_940, %and3A_947 : vector<16xi32>
          %eq3A_949 = arith.constant 1 : i32
          %eq3A_950 = vector.broadcast %eq3A_949 : i32 to vector<16xi32>
          %eq3A_951 = arith.cmpi eq, %and3A_948, %eq3A_950 : vector<16xi32>
          %and3A_952 = arith.andi %ge3A_945, %eq3A_951 : vector<16xi1>
          %jit3A_953 = arith.constant 0.000000e+00 : f32
          %jit3A_954 = arith.constant 2.550000e+02 : f32
          %broadcast_in_dim3A_955 = vector.broadcast %jit3A_953 : f32 to vector<16xf32>
          %broadcast_in_dim3A_956 = vector.broadcast %jit3A_954 : f32 to vector<16xf32>
          %select_n3A_957 = arith.select %and3A_952, %broadcast_in_dim3A_955, %broadcast_in_dim3A_956 : vector<16xi1>, vector<16xf32>
          %not3A_958 = arith.constant dense<true> : vector<16xi1>
          %not3A_959 = arith.xori %eq3A_951, %not3A_958 : vector<16xi1>
          %and3A_960 = arith.andi %ge3A_945, %not3A_959 : vector<16xi1>
          %jit3A_961 = arith.constant 0.000000e+00 : f32
          %jit3A_962 = arith.constant 2.550000e+02 : f32
          %broadcast_in_dim3A_963 = vector.broadcast %jit3A_961 : f32 to vector<16xf32>
          %broadcast_in_dim3A_964 = vector.broadcast %jit3A_962 : f32 to vector<16xf32>
          %select_n3A_965 = arith.select %and3A_960, %broadcast_in_dim3A_963, %broadcast_in_dim3A_964 : vector<16xi1>, vector<16xf32>
          %swap3A_966 = arith.constant 1 : i32
          %swap3A_967 = arith.constant 0 : i32
          %swap3A_968 = arith.index_cast %swap3A_966 : i32 to index
          %swap3A_969 = arith.index_cast %scan3A_669 : i32 to index
          %swap3A_970 = arith.index_cast %swap3A_967 : i32 to index
          %swap3A_971 = arith.constant 80 : index
          %swap3A_972 = tpu.vector_load %arg9[%swap3A_968, %swap3A_969, %swap3A_970, %swap3A_971] {strides = array<i32>} : memref<2x10x1x128xf32, #tpu.memory_space<vmem>>, vector<16xf32>,
          tpu.vector_store %arg9[%swap3A_968, %swap3A_969, %swap3A_970, %swap3A_971], %select_n3A_957 {strides = array<i32>} : memref<2x10x1x128xf32, #tpu.memory_space<vmem>>, vector<16xf32>,
          %swap3A_973 = arith.constant 1 : i32
          %swap3A_974 = arith.constant 0 : i32
          %swap3A_975 = arith.index_cast %swap3A_973 : i32 to index
          %swap3A_976 = arith.index_cast %scan3A_669 : i32 to index
          %swap3A_977 = arith.index_cast %swap3A_974 : i32 to index
          %swap3A_978 = arith.constant 80 : index
          %swap3A_979 = tpu.vector_load %arg10[%swap3A_975, %swap3A_976, %swap3A_977, %swap3A_978] {strides = array<i32>} : memref<2x10x1x128xf32, #tpu.memory_space<vmem>>, vector<16xf32>,
          tpu.vector_store %arg10[%swap3A_975, %swap3A_976, %swap3A_977, %swap3A_978], %select_n3A_965 {strides = array<i32>} : memref<2x10x1x128xf32, #tpu.memory_space<vmem>>, vector<16xf32>,
          %add3A_980 = arith.addf %select_n3A_957, %select_n3A_965 : vector<16xf32>
          %swap3A_981 = arith.constant 1 : i32
          %swap3A_982 = arith.constant 0 : i32
          %swap3A_983 = arith.index_cast %swap3A_981 : i32 to index
          %swap3A_984 = arith.index_cast %scan3A_669 : i32 to index
          %swap3A_985 = arith.index_cast %swap3A_982 : i32 to index
          %swap3A_986 = arith.constant 80 : index
          %swap3A_987 = tpu.vector_load %arg11[%swap3A_983, %swap3A_984, %swap3A_985, %swap3A_986] {strides = array<i32>} : memref<2x10x1x128xf32, #tpu.memory_space<vmem>>, vector<16xf32>,
          tpu.vector_store %arg11[%swap3A_983, %swap3A_984, %swap3A_985, %swap3A_986], %add3A_980 {strides = array<i32>} : memref<2x10x1x128xf32, #tpu.memory_space<vmem>>, vector<16xf32>,
          %mul3A_988 = arith.constant 128 : i32
          %mul3A_989 = arith.muli %scan3A_669, %mul3A_988 : i32
          %add3A_990 = arith.addi %mul3A_595, %mul3A_989 : i32
          %add3A_991 = arith.constant 96 : i32
          %add3A_992 = arith.addi %add3A_990, %add3A_991 : i32
          %get3A_993 = arith.index_cast %add3A_992 : i32 to index
          %get3A_994 = tpu.vector_load %arg5[%get3A_993] {strides = array<i32>} : memref<57600xi32, #tpu.memory_space<vmem>>, vector<16xi32>,
          %swap3A_995 = arith.index_cast %add3A_992 : i32 to index
          %swap3A_996 = tpu.vector_load %arg5[%swap3A_995] {strides = array<i32>} : memref<57600xi32, #tpu.memory_space<vmem>>, vector<16xi32>,
          tpu.vector_store %arg5[%swap3A_995], %broadcast_in_dim3A_4 {strides = array<i32>} : memref<57600xi32, #tpu.memory_space<vmem>>, vector<16xi32>,
          %ge3A_997 = arith.constant 0 : i32
          %ge3A_998 = vector.broadcast %ge3A_997 : i32 to vector<16xi32>
          %ge3A_999 = arith.cmpi sge, %get3A_994, %ge3A_998 : vector<16xi32>
          %and3A_1000 = arith.constant 1 : i32
          %and3A_1001 = vector.broadcast %and3A_1000 : i32 to vector<16xi32>
          %and3A_1002 = arith.andi %get3A_994, %and3A_1001 : vector<16xi32>
          %eq3A_1003 = arith.constant 1 : i32
          %eq3A_1004 = vector.broadcast %eq3A_1003 : i32 to vector<16xi32>
          %eq3A_1005 = arith.cmpi eq, %and3A_1002, %eq3A_1004 : vector<16xi32>
          %and3A_1006 = arith.andi %ge3A_999, %eq3A_1005 : vector<16xi1>
          %jit3A_1007 = arith.constant 0.000000e+00 : f32
          %jit3A_1008 = arith.constant 2.550000e+02 : f32
          %broadcast_in_dim3A_1009 = vector.broadcast %jit3A_1007 : f32 to vector<16xf32>
          %broadcast_in_dim3A_1010 = vector.broadcast %jit3A_1008 : f32 to vector<16xf32>
          %select_n3A_1011 = arith.select %and3A_1006, %broadcast_in_dim3A_1009, %broadcast_in_dim3A_1010 : vector<16xi1>, vector<16xf32>
          %not3A_1012 = arith.constant dense<true> : vector<16xi1>
          %not3A_1013 = arith.xori %eq3A_1005, %not3A_1012 : vector<16xi1>
          %and3A_1014 = arith.andi %ge3A_999, %not3A_1013 : vector<16xi1>
          %jit3A_1015 = arith.constant 0.000000e+00 : f32
          %jit3A_1016 = arith.constant 2.550000e+02 : f32
          %broadcast_in_dim3A_1017 = vector.broadcast %jit3A_1015 : f32 to vector<16xf32>
          %broadcast_in_dim3A_1018 = vector.broadcast %jit3A_1016 : f32 to vector<16xf32>
          %select_n3A_1019 = arith.select %and3A_1014, %broadcast_in_dim3A_1017, %broadcast_in_dim3A_1018 : vector<16xi1>, vector<16xf32>
          %swap3A_1020 = arith.constant 1 : i32
          %swap3A_1021 = arith.constant 0 : i32
          %swap3A_1022 = arith.index_cast %swap3A_1020 : i32 to index
          %swap3A_1023 = arith.index_cast %scan3A_669 : i32 to index
          %swap3A_1024 = arith.index_cast %swap3A_1021 : i32 to index
          %swap3A_1025 = arith.constant 96 : index
          %swap3A_1026 = tpu.vector_load %arg9[%swap3A_1022, %swap3A_1023, %swap3A_1024, %swap3A_1025] {strides = array<i32>} : memref<2x10x1x128xf32, #tpu.memory_space<vmem>>, vector<16xf32>,
          tpu.vector_store %arg9[%swap3A_1022, %swap3A_1023, %swap3A_1024, %swap3A_1025], %select_n3A_1011 {strides = array<i32>} : memref<2x10x1x128xf32, #tpu.memory_space<vmem>>, vector<16xf32>,
          %swap3A_1027 = arith.constant 1 : i32
          %swap3A_1028 = arith.constant 0 : i32
          %swap3A_1029 = arith.index_cast %swap3A_1027 : i32 to index
          %swap3A_1030 = arith.index_cast %scan3A_669 : i32 to index
          %swap3A_1031 = arith.index_cast %swap3A_1028 : i32 to index
          %swap3A_1032 = arith.constant 96 : index
          %swap3A_1033 = tpu.vector_load %arg10[%swap3A_1029, %swap3A_1030, %swap3A_1031, %swap3A_1032] {strides = array<i32>} : memref<2x10x1x128xf32, #tpu.memory_space<vmem>>, vector<16xf32>,
          tpu.vector_store %arg10[%swap3A_1029, %swap3A_1030, %swap3A_1031, %swap3A_1032], %select_n3A_1019 {strides = array<i32>} : memref<2x10x1x128xf32, #tpu.memory_space<vmem>>, vector<16xf32>,
          %add3A_1034 = arith.addf %select_n3A_1011, %select_n3A_1019 : vector<16xf32>
          %swap3A_1035 = arith.constant 1 : i32
          %swap3A_1036 = arith.constant 0 : i32
          %swap3A_1037 = arith.index_cast %swap3A_1035 : i32 to index
          %swap3A_1038 = arith.index_cast %scan3A_669 : i32 to index
          %swap3A_1039 = arith.index_cast %swap3A_1036 : i32 to index
          %swap3A_1040 = arith.constant 96 : index
          %swap3A_1041 = tpu.vector_load %arg11[%swap3A_1037, %swap3A_1038, %swap3A_1039, %swap3A_1040] {strides = array<i32>} : memref<2x10x1x128xf32, #tpu.memory_space<vmem>>, vector<16xf32>,
          tpu.vector_store %arg11[%swap3A_1037, %swap3A_1038, %swap3A_1039, %swap3A_1040], %add3A_1034 {strides = array<i32>} : memref<2x10x1x128xf32, #tpu.memory_space<vmem>>, vector<16xf32>,
          %mul3A_1042 = arith.constant 128 : i32
          %mul3A_1043 = arith.muli %scan3A_669, %mul3A_1042 : i32
          %add3A_1044 = arith.addi %mul3A_595, %mul3A_1043 : i32
          %add3A_1045 = arith.constant 112 : i32
          %add3A_1046 = arith.addi %add3A_1044, %add3A_1045 : i32
          %get3A_1047 = arith.index_cast %add3A_1046 : i32 to index
          %get3A_1048 = tpu.vector_load %arg5[%get3A_1047] {strides = array<i32>} : memref<57600xi32, #tpu.memory_space<vmem>>, vector<16xi32>,
          %swap3A_1049 = arith.index_cast %add3A_1046 : i32 to index
          %swap3A_1050 = tpu.vector_load %arg5[%swap3A_1049] {strides = array<i32>} : memref<57600xi32, #tpu.memory_space<vmem>>, vector<16xi32>,
          tpu.vector_store %arg5[%swap3A_1049], %broadcast_in_dim3A_4 {strides = array<i32>} : memref<57600xi32, #tpu.memory_space<vmem>>, vector<16xi32>,
          %ge3A_1051 = arith.constant 0 : i32
          %ge3A_1052 = vector.broadcast %ge3A_1051 : i32 to vector<16xi32>
          %ge3A_1053 = arith.cmpi sge, %get3A_1048, %ge3A_1052 : vector<16xi32>
          %and3A_1054 = arith.constant 1 : i32
          %and3A_1055 = vector.broadcast %and3A_1054 : i32 to vector<16xi32>
          %and3A_1056 = arith.andi %get3A_1048, %and3A_1055 : vector<16xi32>
          %eq3A_1057 = arith.constant 1 : i32
          %eq3A_1058 = vector.broadcast %eq3A_1057 : i32 to vector<16xi32>
          %eq3A_1059 = arith.cmpi eq, %and3A_1056, %eq3A_1058 : vector<16xi32>
          %and3A_1060 = arith.andi %ge3A_1053, %eq3A_1059 : vector<16xi1>
          %jit3A_1061 = arith.constant 0.000000e+00 : f32
          %jit3A_1062 = arith.constant 2.550000e+02 : f32
          %broadcast_in_dim3A_1063 = vector.broadcast %jit3A_1061 : f32 to vector<16xf32>
          %broadcast_in_dim3A_1064 = vector.broadcast %jit3A_1062 : f32 to vector<16xf32>
          %select_n3A_1065 = arith.select %and3A_1060, %broadcast_in_dim3A_1063, %broadcast_in_dim3A_1064 : vector<16xi1>, vector<16xf32>
          %not3A_1066 = arith.constant dense<true> : vector<16xi1>
          %not3A_1067 = arith.xori %eq3A_1059, %not3A_1066 : vector<16xi1>
          %and3A_1068 = arith.andi %ge3A_1053, %not3A_1067 : vector<16xi1>
          %jit3A_1069 = arith.constant 0.000000e+00 : f32
          %jit3A_1070 = arith.constant 2.550000e+02 : f32
          %broadcast_in_dim3A_1071 = vector.broadcast %jit3A_1069 : f32 to vector<16xf32>
          %broadcast_in_dim3A_1072 = vector.broadcast %jit3A_1070 : f32 to vector<16xf32>
          %select_n3A_1073 = arith.select %and3A_1068, %broadcast_in_dim3A_1071, %broadcast_in_dim3A_1072 : vector<16xi1>, vector<16xf32>
          %swap3A_1074 = arith.constant 1 : i32
          %swap3A_1075 = arith.constant 0 : i32
          %swap3A_1076 = arith.index_cast %swap3A_1074 : i32 to index
          %swap3A_1077 = arith.index_cast %scan3A_669 : i32 to index
          %swap3A_1078 = arith.index_cast %swap3A_1075 : i32 to index
          %swap3A_1079 = arith.constant 112 : index
          %swap3A_1080 = tpu.vector_load %arg9[%swap3A_1076, %swap3A_1077, %swap3A_1078, %swap3A_1079] {strides = array<i32>} : memref<2x10x1x128xf32, #tpu.memory_space<vmem>>, vector<16xf32>,
          tpu.vector_store %arg9[%swap3A_1076, %swap3A_1077, %swap3A_1078, %swap3A_1079], %select_n3A_1065 {strides = array<i32>} : memref<2x10x1x128xf32, #tpu.memory_space<vmem>>, vector<16xf32>,
          %swap3A_1081 = arith.constant 1 : i32
          %swap3A_1082 = arith.constant 0 : i32
          %swap3A_1083 = arith.index_cast %swap3A_1081 : i32 to index
          %swap3A_1084 = arith.index_cast %scan3A_669 : i32 to index
          %swap3A_1085 = arith.index_cast %swap3A_1082 : i32 to index
          %swap3A_1086 = arith.constant 112 : index
          %swap3A_1087 = tpu.vector_load %arg10[%swap3A_1083, %swap3A_1084, %swap3A_1085, %swap3A_1086] {strides = array<i32>} : memref<2x10x1x128xf32, #tpu.memory_space<vmem>>, vector<16xf32>,
          tpu.vector_store %arg10[%swap3A_1083, %swap3A_1084, %swap3A_1085, %swap3A_1086], %select_n3A_1073 {strides = array<i32>} : memref<2x10x1x128xf32, #tpu.memory_space<vmem>>, vector<16xf32>,
          %add3A_1088 = arith.addf %select_n3A_1065, %select_n3A_1073 : vector<16xf32>
          %swap3A_1089 = arith.constant 1 : i32
          %swap3A_1090 = arith.constant 0 : i32
          %swap3A_1091 = arith.index_cast %swap3A_1089 : i32 to index
          %swap3A_1092 = arith.index_cast %scan3A_669 : i32 to index
          %swap3A_1093 = arith.index_cast %swap3A_1090 : i32 to index
          %swap3A_1094 = arith.constant 112 : index
          %swap3A_1095 = tpu.vector_load %arg11[%swap3A_1091, %swap3A_1092, %swap3A_1093, %swap3A_1094] {strides = array<i32>} : memref<2x10x1x128xf32, #tpu.memory_space<vmem>>, vector<16xf32>,
          tpu.vector_store %arg11[%swap3A_1091, %swap3A_1092, %swap3A_1093, %swap3A_1094], %add3A_1088 {strides = array<i32>} : memref<2x10x1x128xf32, #tpu.memory_space<vmem>>, vector<16xf32>,
          %scan3A_1096 = arith.constant 0 : i32
          scf.yield %scan3A_1096 : i32
        }
        %scan3A_602 = arith.constant 10 : i32
        %add3A_603 = arith.addi %mul3A_0, %add3A_593 : i32
        %shift_right_logical3A_604 = arith.constant 3 : i32
        %shift_right_logical3A_605 = arith.shrui %add3A_603, %shift_right_logical3A_604 : i32
        %and3A_606 = arith.constant 7 : i32
        %and3A_607 = arith.andi %add3A_603, %and3A_606 : i32
        %dma_start3A_608 = arith.constant 1 : i32
        %dma_start3A_609 = arith.constant 0 : i32
        %dma_start3A_610 = arith.constant 0 : i32
        %dma_start3A_611 = arith.constant 0 : i32
        %dma_start3A_612 = arith.constant 0 : i32
        %dma_start3A_613 = tpu.memref_slice %arg9[%dma_start3A_608, %dma_start3A_610, %dma_start3A_611, %dma_start3A_612] : memref<2x10x1x128xf32, #tpu.memory_space<vmem>> -> memref<1x10x1x128xf32, #tpu.memory_space<vmem>>
        %dma_start3A_614 = tpu.memref_squeeze %dma_start3A_613 : memref<1x10x1x128xf32, #tpu.memory_space<vmem>> -> memref<10x1x128xf32, #tpu.memory_space<vmem>>
        %dma_start3A_615 = arith.constant 0 : i32
        %dma_start3A_616 = arith.constant 0 : i32
        %dma_start3A_617 = tpu.memref_slice %arg4[%add3A, %dma_start3A_609, %shift_right_logical3A_605, %dma_start3A_615, %and3A_607, %dma_start3A_616] : memref<16x3x90x10x8x128xf32, #tpu.memory_space<hbm>> -> memref<1x1x1x10x1x128xf32, #tpu.memory_space<hbm>>
        %dma_start3A_618 = tpu.memref_squeeze %dma_start3A_617 : memref<1x1x1x10x1x128xf32, #tpu.memory_space<hbm>> -> memref<10x1x128xf32, #tpu.memory_space<hbm>>
        %dma_start3A_619 = arith.constant 0 : i32
        %dma_start3A_620 = arith.constant 0 : i32
        %dma_start3A_621 = tpu.memref_slice %arg4[%add3A, %dma_start3A_609, %shift_right_logical3A_605, %dma_start3A_619, %and3A_607, %dma_start3A_620] : memref<16x3x90x10x8x128xf32, #tpu.memory_space<hbm>> -> memref<1x1x1x10x1x128xf32, #tpu.memory_space<hbm>>
        %dma_start3A_622 = tpu.memref_squeeze %dma_start3A_621 : memref<1x1x1x10x1x128xf32, #tpu.memory_space<hbm>> -> memref<10x1x128xf32, #tpu.memory_space<hbm>>
        %dma_start3A_623 = arith.constant 0 : i32
        %dma_start3A_624 = arith.constant 0 : i32
        %dma_start3A_625 = arith.constant 0 : i32
        %dma_start3A_626 = tpu.memref_slice %arg9[%dma_start3A_608, %dma_start3A_623, %dma_start3A_624, %dma_start3A_625] : memref<2x10x1x128xf32, #tpu.memory_space<vmem>> -> memref<1x10x1x128xf32, #tpu.memory_space<vmem>>
        %dma_start3A_627 = tpu.memref_squeeze %dma_start3A_626 : memref<1x10x1x128xf32, #tpu.memory_space<vmem>> -> memref<10x1x128xf32, #tpu.memory_space<vmem>>
        tpu.enqueue_dma source(%dma_start3A_627 : memref<10x1x128xf32, #tpu.memory_space<vmem>>) target(%dma_start3A_622 : memref<10x1x128xf32, #tpu.memory_space<hbm>>) target_semaphore(%arg15 : memref<!tpu.dma_semaphore, #tpu.memory_space<semaphore_mem>>)
        %dma_start3A_628 = arith.constant 1 : i32
        %dma_start3A_629 = arith.constant 1 : i32
        %dma_start3A_630 = arith.constant 0 : i32
        %dma_start3A_631 = arith.constant 0 : i32
        %dma_start3A_632 = arith.constant 0 : i32
        %dma_start3A_633 = tpu.memref_slice %arg10[%dma_start3A_628, %dma_start3A_630, %dma_start3A_631, %dma_start3A_632] : memref<2x10x1x128xf32, #tpu.memory_space<vmem>> -> memref<1x10x1x128xf32, #tpu.memory_space<vmem>>
        %dma_start3A_634 = tpu.memref_squeeze %dma_start3A_633 : memref<1x10x1x128xf32, #tpu.memory_space<vmem>> -> memref<10x1x128xf32, #tpu.memory_space<vmem>>
        %dma_start3A_635 = arith.constant 0 : i32
        %dma_start3A_636 = arith.constant 0 : i32
        %dma_start3A_637 = tpu.memref_slice %arg4[%add3A, %dma_start3A_629, %shift_right_logical3A_605, %dma_start3A_635, %and3A_607, %dma_start3A_636] : memref<16x3x90x10x8x128xf32, #tpu.memory_space<hbm>> -> memref<1x1x1x10x1x128xf32, #tpu.memory_space<hbm>>
        %dma_start3A_638 = tpu.memref_squeeze %dma_start3A_637 : memref<1x1x1x10x1x128xf32, #tpu.memory_space<hbm>> -> memref<10x1x128xf32, #tpu.memory_space<hbm>>
        %dma_start3A_639 = arith.constant 0 : i32
        %dma_start3A_640 = arith.constant 0 : i32
        %dma_start3A_641 = tpu.memref_slice %arg4[%add3A, %dma_start3A_629, %shift_right_logical3A_605, %dma_start3A_639, %and3A_607, %dma_start3A_640] : memref<16x3x90x10x8x128xf32, #tpu.memory_space<hbm>> -> memref<1x1x1x10x1x128xf32, #tpu.memory_space<hbm>>
        %dma_start3A_642 = tpu.memref_squeeze %dma_start3A_641 : memref<1x1x1x10x1x128xf32, #tpu.memory_space<hbm>> -> memref<10x1x128xf32, #tpu.memory_space<hbm>>
        %dma_start3A_643 = arith.constant 0 : i32
        %dma_start3A_644 = arith.constant 0 : i32
        %dma_start3A_645 = arith.constant 0 : i32
        %dma_start3A_646 = tpu.memref_slice %arg10[%dma_start3A_628, %dma_start3A_643, %dma_start3A_644, %dma_start3A_645] : memref<2x10x1x128xf32, #tpu.memory_space<vmem>> -> memref<1x10x1x128xf32, #tpu.memory_space<vmem>>
        %dma_start3A_647 = tpu.memref_squeeze %dma_start3A_646 : memref<1x10x1x128xf32, #tpu.memory_space<vmem>> -> memref<10x1x128xf32, #tpu.memory_space<vmem>>
        tpu.enqueue_dma source(%dma_start3A_647 : memref<10x1x128xf32, #tpu.memory_space<vmem>>) target(%dma_start3A_642 : memref<10x1x128xf32, #tpu.memory_space<hbm>>) target_semaphore(%arg15 : memref<!tpu.dma_semaphore, #tpu.memory_space<semaphore_mem>>)
        %dma_start3A_648 = arith.constant 1 : i32
        %dma_start3A_649 = arith.constant 2 : i32
        %dma_start3A_650 = arith.constant 0 : i32
        %dma_start3A_651 = arith.constant 0 : i32
        %dma_start3A_652 = arith.constant 0 : i32
        %dma_start3A_653 = tpu.memref_slice %arg11[%dma_start3A_648, %dma_start3A_650, %dma_start3A_651, %dma_start3A_652] : memref<2x10x1x128xf32, #tpu.memory_space<vmem>> -> memref<1x10x1x128xf32, #tpu.memory_space<vmem>>
        %dma_start3A_654 = tpu.memref_squeeze %dma_start3A_653 : memref<1x10x1x128xf32, #tpu.memory_space<vmem>> -> memref<10x1x128xf32, #tpu.memory_space<vmem>>
        %dma_start3A_655 = arith.constant 0 : i32
        %dma_start3A_656 = arith.constant 0 : i32
        %dma_start3A_657 = tpu.memref_slice %arg4[%add3A, %dma_start3A_649, %shift_right_logical3A_605, %dma_start3A_655, %and3A_607, %dma_start3A_656] : memref<16x3x90x10x8x128xf32, #tpu.memory_space<hbm>> -> memref<1x1x1x10x1x128xf32, #tpu.memory_space<hbm>>
        %dma_start3A_658 = tpu.memref_squeeze %dma_start3A_657 : memref<1x1x1x10x1x128xf32, #tpu.memory_space<hbm>> -> memref<10x1x128xf32, #tpu.memory_space<hbm>>
        %dma_start3A_659 = arith.constant 0 : i32
        %dma_start3A_660 = arith.constant 0 : i32
        %dma_start3A_661 = tpu.memref_slice %arg4[%add3A, %dma_start3A_649, %shift_right_logical3A_605, %dma_start3A_659, %and3A_607, %dma_start3A_660] : memref<16x3x90x10x8x128xf32, #tpu.memory_space<hbm>> -> memref<1x1x1x10x1x128xf32, #tpu.memory_space<hbm>>
        %dma_start3A_662 = tpu.memref_squeeze %dma_start3A_661 : memref<1x1x1x10x1x128xf32, #tpu.memory_space<hbm>> -> memref<10x1x128xf32, #tpu.memory_space<hbm>>
        %dma_start3A_663 = arith.constant 0 : i32
        %dma_start3A_664 = arith.constant 0 : i32
        %dma_start3A_665 = arith.constant 0 : i32
        %dma_start3A_666 = tpu.memref_slice %arg11[%dma_start3A_648, %dma_start3A_663, %dma_start3A_664, %dma_start3A_665] : memref<2x10x1x128xf32, #tpu.memory_space<vmem>> -> memref<1x10x1x128xf32, #tpu.memory_space<vmem>>
        %dma_start3A_667 = tpu.memref_squeeze %dma_start3A_666 : memref<1x10x1x128xf32, #tpu.memory_space<vmem>> -> memref<10x1x128xf32, #tpu.memory_space<vmem>>
        tpu.enqueue_dma source(%dma_start3A_667 : memref<10x1x128xf32, #tpu.memory_space<vmem>>) target(%dma_start3A_662 : memref<10x1x128xf32, #tpu.memory_space<hbm>>) target_semaphore(%arg15 : memref<!tpu.dma_semaphore, #tpu.memory_space<semaphore_mem>>)
        %scan3A_668 = arith.constant 0 : i32
        scf.yield %scan3A_668 : i32
      }
      %scan3A_232 = arith.constant 22 : i32
      %add3A_233 = arith.constant 42 : i32
      %add3A_234 = arith.addi %mul3A_0, %add3A_233 : i32
      %shift_right_logical3A = arith.constant 3 : i32
      %shift_right_logical3A_235 = arith.shrui %add3A_234, %shift_right_logical3A : i32
      %and3A_236 = arith.constant 7 : i32
      %and3A_237 = arith.andi %add3A_234, %and3A_236 : i32
      %dma_wait3A_238 = arith.constant 0 : i32
      %dma_wait3A_239 = arith.constant 0 : i32
      %dma_wait3A_240 = arith.constant 0 : i32
      %dma_wait3A_241 = arith.constant 0 : i32
      %dma_wait3A_242 = arith.constant 0 : i32
      %dma_wait3A_243 = tpu.memref_slice %arg9[%dma_wait3A_238, %dma_wait3A_240, %dma_wait3A_241, %dma_wait3A_242] : memref<2x10x1x128xf32, #tpu.memory_space<vmem>> -> memref<1x10x1x128xf32, #tpu.memory_space<vmem>>
      %dma_wait3A_244 = tpu.memref_squeeze %dma_wait3A_243 : memref<1x10x1x128xf32, #tpu.memory_space<vmem>> -> memref<10x1x128xf32, #tpu.memory_space<vmem>>
      %dma_wait3A_245 = arith.constant 0 : i32
      %dma_wait3A_246 = arith.constant 0 : i32
      %dma_wait3A_247 = tpu.memref_slice %arg4[%add3A, %dma_wait3A_239, %shift_right_logical3A_235, %dma_wait3A_245, %and3A_237, %dma_wait3A_246] : memref<16x3x90x10x8x128xf32, #tpu.memory_space<hbm>> -> memref<1x1x1x10x1x128xf32, #tpu.memory_space<hbm>>
      %dma_wait3A_248 = tpu.memref_squeeze %dma_wait3A_247 : memref<1x1x1x10x1x128xf32, #tpu.memory_space<hbm>> -> memref<10x1x128xf32, #tpu.memory_space<hbm>>
      %dma_wait3A_249 = arith.constant 0 : i32
      %dma_wait3A_250 = arith.constant 0 : i32
      %dma_wait3A_251 = tpu.memref_slice %arg4[%add3A, %dma_wait3A_239, %shift_right_logical3A_235, %dma_wait3A_249, %and3A_237, %dma_wait3A_250] : memref<16x3x90x10x8x128xf32, #tpu.memory_space<hbm>> -> memref<1x1x1x10x1x128xf32, #tpu.memory_space<hbm>>
      %dma_wait3A_252 = tpu.memref_squeeze %dma_wait3A_251 : memref<1x1x1x10x1x128xf32, #tpu.memory_space<hbm>> -> memref<10x1x128xf32, #tpu.memory_space<hbm>>
      %dma_wait3A_253 = arith.constant 0 : i32
      %dma_wait3A_254 = arith.constant 0 : i32
      %dma_wait3A_255 = arith.constant 0 : i32
      %dma_wait3A_256 = tpu.memref_slice %arg9[%dma_wait3A_238, %dma_wait3A_253, %dma_wait3A_254, %dma_wait3A_255] : memref<2x10x1x128xf32, #tpu.memory_space<vmem>> -> memref<1x10x1x128xf32, #tpu.memory_space<vmem>>
      %dma_wait3A_257 = tpu.memref_squeeze %dma_wait3A_256 : memref<1x10x1x128xf32, #tpu.memory_space<vmem>> -> memref<10x1x128xf32, #tpu.memory_space<vmem>>
      tpu.wait_dma2 semaphore(%arg14 : memref<!tpu.dma_semaphore, #tpu.memory_space<semaphore_mem>>) src(%dma_wait3A_257 : memref<10x1x128xf32, #tpu.memory_space<vmem>>) dst(%dma_wait3A_252 : memref<10x1x128xf32, #tpu.memory_space<hbm>>)
      %dma_wait3A_258 = arith.constant 0 : i32
      %dma_wait3A_259 = arith.constant 1 : i32
      %dma_wait3A_260 = arith.constant 0 : i32
      %dma_wait3A_261 = arith.constant 0 : i32
      %dma_wait3A_262 = arith.constant 0 : i32
      %dma_wait3A_263 = tpu.memref_slice %arg10[%dma_wait3A_258, %dma_wait3A_260, %dma_wait3A_261, %dma_wait3A_262] : memref<2x10x1x128xf32, #tpu.memory_space<vmem>> -> memref<1x10x1x128xf32, #tpu.memory_space<vmem>>
      %dma_wait3A_264 = tpu.memref_squeeze %dma_wait3A_263 : memref<1x10x1x128xf32, #tpu.memory_space<vmem>> -> memref<10x1x128xf32, #tpu.memory_space<vmem>>
      %dma_wait3A_265 = arith.constant 0 : i32
      %dma_wait3A_266 = arith.constant 0 : i32
      %dma_wait3A_267 = tpu.memref_slice %arg4[%add3A, %dma_wait3A_259, %shift_right_logical3A_235, %dma_wait3A_265, %and3A_237, %dma_wait3A_266] : memref<16x3x90x10x8x128xf32, #tpu.memory_space<hbm>> -> memref<1x1x1x10x1x128xf32, #tpu.memory_space<hbm>>
      %dma_wait3A_268 = tpu.memref_squeeze %dma_wait3A_267 : memref<1x1x1x10x1x128xf32, #tpu.memory_space<hbm>> -> memref<10x1x128xf32, #tpu.memory_space<hbm>>
      %dma_wait3A_269 = arith.constant 0 : i32
      %dma_wait3A_270 = arith.constant 0 : i32
      %dma_wait3A_271 = tpu.memref_slice %arg4[%add3A, %dma_wait3A_259, %shift_right_logical3A_235, %dma_wait3A_269, %and3A_237, %dma_wait3A_270] : memref<16x3x90x10x8x128xf32, #tpu.memory_space<hbm>> -> memref<1x1x1x10x1x128xf32, #tpu.memory_space<hbm>>
      %dma_wait3A_272 = tpu.memref_squeeze %dma_wait3A_271 : memref<1x1x1x10x1x128xf32, #tpu.memory_space<hbm>> -> memref<10x1x128xf32, #tpu.memory_space<hbm>>
      %dma_wait3A_273 = arith.constant 0 : i32
      %dma_wait3A_274 = arith.constant 0 : i32
      %dma_wait3A_275 = arith.constant 0 : i32
      %dma_wait3A_276 = tpu.memref_slice %arg10[%dma_wait3A_258, %dma_wait3A_273, %dma_wait3A_274, %dma_wait3A_275] : memref<2x10x1x128xf32, #tpu.memory_space<vmem>> -> memref<1x10x1x128xf32, #tpu.memory_space<vmem>>
      %dma_wait3A_277 = tpu.memref_squeeze %dma_wait3A_276 : memref<1x10x1x128xf32, #tpu.memory_space<vmem>> -> memref<10x1x128xf32, #tpu.memory_space<vmem>>
      tpu.wait_dma2 semaphore(%arg14 : memref<!tpu.dma_semaphore, #tpu.memory_space<semaphore_mem>>) src(%dma_wait3A_277 : memref<10x1x128xf32, #tpu.memory_space<vmem>>) dst(%dma_wait3A_272 : memref<10x1x128xf32, #tpu.memory_space<hbm>>)
      %dma_wait3A_278 = arith.constant 0 : i32
      %dma_wait3A_279 = arith.constant 2 : i32
      %dma_wait3A_280 = arith.constant 0 : i32
      %dma_wait3A_281 = arith.constant 0 : i32
      %dma_wait3A_282 = arith.constant 0 : i32
      %dma_wait3A_283 = tpu.memref_slice %arg11[%dma_wait3A_278, %dma_wait3A_280, %dma_wait3A_281, %dma_wait3A_282] : memref<2x10x1x128xf32, #tpu.memory_space<vmem>> -> memref<1x10x1x128xf32, #tpu.memory_space<vmem>>
      %dma_wait3A_284 = tpu.memref_squeeze %dma_wait3A_283 : memref<1x10x1x128xf32, #tpu.memory_space<vmem>> -> memref<10x1x128xf32, #tpu.memory_space<vmem>>
      %dma_wait3A_285 = arith.constant 0 : i32
      %dma_wait3A_286 = arith.constant 0 : i32
      %dma_wait3A_287 = tpu.memref_slice %arg4[%add3A, %dma_wait3A_279, %shift_right_logical3A_235, %dma_wait3A_285, %and3A_237, %dma_wait3A_286] : memref<16x3x90x10x8x128xf32, #tpu.memory_space<hbm>> -> memref<1x1x1x10x1x128xf32, #tpu.memory_space<hbm>>
      %dma_wait3A_288 = tpu.memref_squeeze %dma_wait3A_287 : memref<1x1x1x10x1x128xf32, #tpu.memory_space<hbm>> -> memref<10x1x128xf32, #tpu.memory_space<hbm>>
      %dma_wait3A_289 = arith.constant 0 : i32
      %dma_wait3A_290 = arith.constant 0 : i32
      %dma_wait3A_291 = tpu.memref_slice %arg4[%add3A, %dma_wait3A_279, %shift_right_logical3A_235, %dma_wait3A_289, %and3A_237, %dma_wait3A_290] : memref<16x3x90x10x8x128xf32, #tpu.memory_space<hbm>> -> memref<1x1x1x10x1x128xf32, #tpu.memory_space<hbm>>
      %dma_wait3A_292 = tpu.memref_squeeze %dma_wait3A_291 : memref<1x1x1x10x1x128xf32, #tpu.memory_space<hbm>> -> memref<10x1x128xf32, #tpu.memory_space<hbm>>
      %dma_wait3A_293 = arith.constant 0 : i32
      %dma_wait3A_294 = arith.constant 0 : i32
      %dma_wait3A_295 = arith.constant 0 : i32
      %dma_wait3A_296 = tpu.memref_slice %arg11[%dma_wait3A_278, %dma_wait3A_293, %dma_wait3A_294, %dma_wait3A_295] : memref<2x10x1x128xf32, #tpu.memory_space<vmem>> -> memref<1x10x1x128xf32, #tpu.memory_space<vmem>>
      %dma_wait3A_297 = tpu.memref_squeeze %dma_wait3A_296 : memref<1x10x1x128xf32, #tpu.memory_space<vmem>> -> memref<10x1x128xf32, #tpu.memory_space<vmem>>
      tpu.wait_dma2 semaphore(%arg14 : memref<!tpu.dma_semaphore, #tpu.memory_space<semaphore_mem>>) src(%dma_wait3A_297 : memref<10x1x128xf32, #tpu.memory_space<vmem>>) dst(%dma_wait3A_292 : memref<10x1x128xf32, #tpu.memory_space<hbm>>)
      %scan3A_298 = arith.constant 0 : i32
      %scan3A_299 = arith.constant 0 : i32
      %scan3A_300 = arith.constant 10 : i32
      %scan3A_301 = arith.addi %scan3A_299, %scan3A_300 : i32
      %scan3A_302 = arith.constant 1 : i32
      %scan3A_303 = scf.for %scan3A_504 = %scan3A_299 to %scan3A_301 step %scan3A_302 iter_args(%scan3A_505 = %scan3A_298) -> (i32)  : i32 {
        %mul3A_506 = arith.constant 128 : i32
        %mul3A_507 = arith.muli %scan3A_504, %mul3A_506 : i32
        %add3A_508 = arith.constant 56320 : i32
        %add3A_509 = arith.addi %add3A_508, %mul3A_507 : i32
        %add3A_510 = arith.constant 0 : i32
        %add3A_511 = arith.addi %add3A_509, %add3A_510 : i32
        %get3A = arith.index_cast %add3A_511 : i32 to index
        %get3A_512 = tpu.vector_load %arg5[%get3A] {strides = array<i32>} : memref<57600xi32, #tpu.memory_space<vmem>>, vector<16xi32>,
        %swap3A = arith.index_cast %add3A_511 : i32 to index
        %swap3A_513 = tpu.vector_load %arg5[%swap3A] {strides = array<i32>} : memref<57600xi32, #tpu.memory_space<vmem>>, vector<16xi32>,
        tpu.vector_store %arg5[%swap3A], %broadcast_in_dim3A_4 {strides = array<i32>} : memref<57600xi32, #tpu.memory_space<vmem>>, vector<16xi32>,
        %ge3A = arith.constant 0 : i32
        %ge3A_514 = vector.broadcast %ge3A : i32 to vector<16xi32>
        %ge3A_515 = arith.cmpi sge, %get3A_512, %ge3A_514 : vector<16xi32>
        %and3A_516 = arith.constant 1 : i32
        %and3A_517 = vector.broadcast %and3A_516 : i32 to vector<16xi32>
        %and3A_518 = arith.andi %get3A_512, %and3A_517 : vector<16xi32>
        %eq3A = arith.constant 1 : i32
        %eq3A_519 = vector.broadcast %eq3A : i32 to vector<16xi32>
        %eq3A_520 = arith.cmpi eq, %and3A_518, %eq3A_519 : vector<16xi32>
        %and3A_521 = arith.andi %ge3A_515, %eq3A_520 : vector<16xi1>
        %jit3A = arith.constant 0.000000e+00 : f32
        %jit3A_522 = arith.constant 2.550000e+02 : f32
        %broadcast_in_dim3A_523 = vector.broadcast %jit3A : f32 to vector<16xf32>
        %broadcast_in_dim3A_524 = vector.broadcast %jit3A_522 : f32 to vector<16xf32>
        %select_n3A = arith.select %and3A_521, %broadcast_in_dim3A_523, %broadcast_in_dim3A_524 : vector<16xi1>, vector<16xf32>
        %not3A = arith.constant dense<true> : vector<16xi1>
        %not3A_525 = arith.xori %eq3A_520, %not3A : vector<16xi1>
        %and3A_526 = arith.andi %ge3A_515, %not3A_525 : vector<16xi1>
        %jit3A_527 = arith.constant 0.000000e+00 : f32
        %jit3A_528 = arith.constant 2.550000e+02 : f32
        %broadcast_in_dim3A_529 = vector.broadcast %jit3A_527 : f32 to vector<16xf32>
        %broadcast_in_dim3A_530 = vector.broadcast %jit3A_528 : f32 to vector<16xf32>
        %select_n3A_531 = arith.select %and3A_526, %broadcast_in_dim3A_529, %broadcast_in_dim3A_530 : vector<16xi1>, vector<16xf32>
        %swap3A_532 = arith.constant 0 : i32
        %swap3A_533 = arith.constant 0 : i32
        %swap3A_534 = arith.index_cast %swap3A_532 : i32 to index
        %swap3A_535 = arith.index_cast %scan3A_504 : i32 to index
        %swap3A_536 = arith.index_cast %swap3A_533 : i32 to index
        %swap3A_537 = arith.constant 0 : index
        %swap3A_538 = tpu.vector_load %arg9[%swap3A_534, %swap3A_535, %swap3A_536, %swap3A_537] {strides = array<i32>} : memref<2x10x1x128xf32, #tpu.memory_space<vmem>>, vector<16xf32>,
        tpu.vector_store %arg9[%swap3A_534, %swap3A_535, %swap3A_536, %swap3A_537], %select_n3A {strides = array<i32>} : memref<2x10x1x128xf32, #tpu.memory_space<vmem>>, vector<16xf32>,
        %swap3A_539 = arith.constant 0 : i32
        %swap3A_540 = arith.constant 0 : i32
        %swap3A_541 = arith.index_cast %swap3A_539 : i32 to index
        %swap3A_542 = arith.index_cast %scan3A_504 : i32 to index
        %swap3A_543 = arith.index_cast %swap3A_540 : i32 to index
        %swap3A_544 = arith.constant 0 : index
        %swap3A_545 = tpu.vector_load %arg10[%swap3A_541, %swap3A_542, %swap3A_543, %swap3A_544] {strides = array<i32>} : memref<2x10x1x128xf32, #tpu.memory_space<vmem>>, vector<16xf32>,
        tpu.vector_store %arg10[%swap3A_541, %swap3A_542, %swap3A_543, %swap3A_544], %select_n3A_531 {strides = array<i32>} : memref<2x10x1x128xf32, #tpu.memory_space<vmem>>, vector<16xf32>,
        %add3A_546 = arith.addf %select_n3A, %select_n3A_531 : vector<16xf32>
        %swap3A_547 = arith.constant 0 : i32
        %swap3A_548 = arith.constant 0 : i32
        %swap3A_549 = arith.index_cast %swap3A_547 : i32 to index
        %swap3A_550 = arith.index_cast %scan3A_504 : i32 to index
        %swap3A_551 = arith.index_cast %swap3A_548 : i32 to index
        %swap3A_552 = arith.constant 0 : index
        %swap3A_553 = tpu.vector_load %arg11[%swap3A_549, %swap3A_550, %swap3A_551, %swap3A_552] {strides = array<i32>} : memref<2x10x1x128xf32, #tpu.memory_space<vmem>>, vector<16xf32>,
        tpu.vector_store %arg11[%swap3A_549, %swap3A_550, %swap3A_551, %swap3A_552], %add3A_546 {strides = array<i32>} : memref<2x10x1x128xf32, #tpu.memory_space<vmem>>, vector<16xf32>,
        %mul3A_554 = arith.constant 128 : i32
        %mul3A_555 = arith.muli %scan3A_504, %mul3A_554 : i32
        %add3A_556 = arith.constant 56320 : i32
        %add3A_557 = arith.addi %add3A_556, %mul3A_555 : i32
        %add3A_558 = arith.constant 16 : i32
        %add3A_559 = arith.addi %add3A_557, %add3A_558 : i32
        %get3A_560 = arith.index_cast %add3A_559 : i32 to index
        %get3A_561 = tpu.vector_load %arg5[%get3A_560] {strides = array<i32>} : memref<57600xi32, #tpu.memory_space<vmem>>, vector<16xi32>,
        %swap3A_562 = arith.index_cast %add3A_559 : i32 to index
        %swap3A_563 = tpu.vector_load %arg5[%swap3A_562] {strides = array<i32>} : memref<57600xi32, #tpu.memory_space<vmem>>, vector<16xi32>,
        tpu.vector_store %arg5[%swap3A_562], %broadcast_in_dim3A_4 {strides = array<i32>} : memref<57600xi32, #tpu.memory_space<vmem>>, vector<16xi32>,
        %ge3A_564 = arith.constant 0 : i32
        %ge3A_565 = vector.broadcast %ge3A_564 : i32 to vector<16xi32>
        %ge3A_566 = arith.cmpi sge, %get3A_561, %ge3A_565 : vector<16xi32>
        %and3A_567 = arith.constant 1 : i32
        %and3A_568 = vector.broadcast %and3A_567 : i32 to vector<16xi32>
        %and3A_569 = arith.andi %get3A_561, %and3A_568 : vector<16xi32>
        %eq3A_570 = arith.constant 1 : i32
        %eq3A_571 = vector.broadcast %eq3A_570 : i32 to vector<16xi32>
        %eq3A_572 = arith.cmpi eq, %and3A_569, %eq3A_571 : vector<16xi32>
        %and3A_573 = arith.andi %ge3A_566, %eq3A_572 : vector<16xi1>
        %jit3A_574 = arith.constant 0.000000e+00 : f32
        %jit3A_575 = arith.constant 2.550000e+02 : f32
        %broadcast_in_dim3A_576 = vector.broadcast %jit3A_574 : f32 to vector<16xf32>
        %broadcast_in_dim3A_577 = vector.broadcast %jit3A_575 : f32 to vector<16xf32>
        %select_n3A_578 = arith.select %and3A_573, %broadcast_in_dim3A_576, %broadcast_in_dim3A_577 : vector<16xi1>, vector<16xf32>
        %not3A_579 = arith.constant dense<true> : vector<16xi1>
        %not3A_580 = arith.xori %eq3A_572, %not3A_579 : vector<16xi1>
        %and3A_581 = arith.andi %ge3A_566, %not3A_580 : vector<16xi1>
        %jit3A_582 = arith.constant 0.000000e+00 : f32
        %jit3A_583 = arith.constant 2.550000e+02 : f32
        %broadcast_in_dim3A_584 = vector.broadcast %jit3A_582 : f32 to vector<16xf32>
        %broadcast_in_dim3A_585 = vector.broadcast %jit3A_583 : f32 to vector<16xf32>
        %select_n3A_586 = arith.select %and3A_581, %broadcast_in_dim3A_584, %broadcast_in_dim3A_585 : vector<16xi1>, vector<16xf32>
        %swap3A_587 = arith.constant 0 : i32
        %swap3A_588 = arith.constant 0 : i32
        %swap3A_589 = arith.index_cast %swap3A_587 : i32 to index
        %swap3A_590 = arith.index_cast %scan3A_504 : i32 to index
        %swap3A_591 = arith.index_cast %swap3A_588 : i32 to index
        %swap3A_592 = arith.constant 16 : index
        %swap3A_593 = tpu.vector_load %arg9[%swap3A_589, %swap3A_590, %swap3A_591, %swap3A_592] {strides = array<i32>} : memref<2x10x1x128xf32, #tpu.memory_space<vmem>>, vector<16xf32>,
        tpu.vector_store %arg9[%swap3A_589, %swap3A_590, %swap3A_591, %swap3A_592], %select_n3A_578 {strides = array<i32>} : memref<2x10x1x128xf32, #tpu.memory_space<vmem>>, vector<16xf32>,
        %swap3A_594 = arith.constant 0 : i32
        %swap3A_595 = arith.constant 0 : i32
        %swap3A_596 = arith.index_cast %swap3A_594 : i32 to index
        %swap3A_597 = arith.index_cast %scan3A_504 : i32 to index
        %swap3A_598 = arith.index_cast %swap3A_595 : i32 to index
        %swap3A_599 = arith.constant 16 : index
        %swap3A_600 = tpu.vector_load %arg10[%swap3A_596, %swap3A_597, %swap3A_598, %swap3A_599] {strides = array<i32>} : memref<2x10x1x128xf32, #tpu.memory_space<vmem>>, vector<16xf32>,
        tpu.vector_store %arg10[%swap3A_596, %swap3A_597, %swap3A_598, %swap3A_599], %select_n3A_586 {strides = array<i32>} : memref<2x10x1x128xf32, #tpu.memory_space<vmem>>, vector<16xf32>,
        %add3A_601 = arith.addf %select_n3A_578, %select_n3A_586 : vector<16xf32>
        %swap3A_602 = arith.constant 0 : i32
        %swap3A_603 = arith.constant 0 : i32
        %swap3A_604 = arith.index_cast %swap3A_602 : i32 to index
        %swap3A_605 = arith.index_cast %scan3A_504 : i32 to index
        %swap3A_606 = arith.index_cast %swap3A_603 : i32 to index
        %swap3A_607 = arith.constant 16 : index
        %swap3A_608 = tpu.vector_load %arg11[%swap3A_604, %swap3A_605, %swap3A_606, %swap3A_607] {strides = array<i32>} : memref<2x10x1x128xf32, #tpu.memory_space<vmem>>, vector<16xf32>,
        tpu.vector_store %arg11[%swap3A_604, %swap3A_605, %swap3A_606, %swap3A_607], %add3A_601 {strides = array<i32>} : memref<2x10x1x128xf32, #tpu.memory_space<vmem>>, vector<16xf32>,
        %mul3A_609 = arith.constant 128 : i32
        %mul3A_610 = arith.muli %scan3A_504, %mul3A_609 : i32
        %add3A_611 = arith.constant 56320 : i32
        %add3A_612 = arith.addi %add3A_611, %mul3A_610 : i32
        %add3A_613 = arith.constant 32 : i32
        %add3A_614 = arith.addi %add3A_612, %add3A_613 : i32
        %get3A_615 = arith.index_cast %add3A_614 : i32 to index
        %get3A_616 = tpu.vector_load %arg5[%get3A_615] {strides = array<i32>} : memref<57600xi32, #tpu.memory_space<vmem>>, vector<16xi32>,
        %swap3A_617 = arith.index_cast %add3A_614 : i32 to index
        %swap3A_618 = tpu.vector_load %arg5[%swap3A_617] {strides = array<i32>} : memref<57600xi32, #tpu.memory_space<vmem>>, vector<16xi32>,
        tpu.vector_store %arg5[%swap3A_617], %broadcast_in_dim3A_4 {strides = array<i32>} : memref<57600xi32, #tpu.memory_space<vmem>>, vector<16xi32>,
        %ge3A_619 = arith.constant 0 : i32
        %ge3A_620 = vector.broadcast %ge3A_619 : i32 to vector<16xi32>
        %ge3A_621 = arith.cmpi sge, %get3A_616, %ge3A_620 : vector<16xi32>
        %and3A_622 = arith.constant 1 : i32
        %and3A_623 = vector.broadcast %and3A_622 : i32 to vector<16xi32>
        %and3A_624 = arith.andi %get3A_616, %and3A_623 : vector<16xi32>
        %eq3A_625 = arith.constant 1 : i32
        %eq3A_626 = vector.broadcast %eq3A_625 : i32 to vector<16xi32>
        %eq3A_627 = arith.cmpi eq, %and3A_624, %eq3A_626 : vector<16xi32>
        %and3A_628 = arith.andi %ge3A_621, %eq3A_627 : vector<16xi1>
        %jit3A_629 = arith.constant 0.000000e+00 : f32
        %jit3A_630 = arith.constant 2.550000e+02 : f32
        %broadcast_in_dim3A_631 = vector.broadcast %jit3A_629 : f32 to vector<16xf32>
        %broadcast_in_dim3A_632 = vector.broadcast %jit3A_630 : f32 to vector<16xf32>
        %select_n3A_633 = arith.select %and3A_628, %broadcast_in_dim3A_631, %broadcast_in_dim3A_632 : vector<16xi1>, vector<16xf32>
        %not3A_634 = arith.constant dense<true> : vector<16xi1>
        %not3A_635 = arith.xori %eq3A_627, %not3A_634 : vector<16xi1>
        %and3A_636 = arith.andi %ge3A_621, %not3A_635 : vector<16xi1>
        %jit3A_637 = arith.constant 0.000000e+00 : f32
        %jit3A_638 = arith.constant 2.550000e+02 : f32
        %broadcast_in_dim3A_639 = vector.broadcast %jit3A_637 : f32 to vector<16xf32>
        %broadcast_in_dim3A_640 = vector.broadcast %jit3A_638 : f32 to vector<16xf32>
        %select_n3A_641 = arith.select %and3A_636, %broadcast_in_dim3A_639, %broadcast_in_dim3A_640 : vector<16xi1>, vector<16xf32>
        %swap3A_642 = arith.constant 0 : i32
        %swap3A_643 = arith.constant 0 : i32
        %swap3A_644 = arith.index_cast %swap3A_642 : i32 to index
        %swap3A_645 = arith.index_cast %scan3A_504 : i32 to index
        %swap3A_646 = arith.index_cast %swap3A_643 : i32 to index
        %swap3A_647 = arith.constant 32 : index
        %swap3A_648 = tpu.vector_load %arg9[%swap3A_644, %swap3A_645, %swap3A_646, %swap3A_647] {strides = array<i32>} : memref<2x10x1x128xf32, #tpu.memory_space<vmem>>, vector<16xf32>,
        tpu.vector_store %arg9[%swap3A_644, %swap3A_645, %swap3A_646, %swap3A_647], %select_n3A_633 {strides = array<i32>} : memref<2x10x1x128xf32, #tpu.memory_space<vmem>>, vector<16xf32>,
        %swap3A_649 = arith.constant 0 : i32
        %swap3A_650 = arith.constant 0 : i32
        %swap3A_651 = arith.index_cast %swap3A_649 : i32 to index
        %swap3A_652 = arith.index_cast %scan3A_504 : i32 to index
        %swap3A_653 = arith.index_cast %swap3A_650 : i32 to index
        %swap3A_654 = arith.constant 32 : index
        %swap3A_655 = tpu.vector_load %arg10[%swap3A_651, %swap3A_652, %swap3A_653, %swap3A_654] {strides = array<i32>} : memref<2x10x1x128xf32, #tpu.memory_space<vmem>>, vector<16xf32>,
        tpu.vector_store %arg10[%swap3A_651, %swap3A_652, %swap3A_653, %swap3A_654], %select_n3A_641 {strides = array<i32>} : memref<2x10x1x128xf32, #tpu.memory_space<vmem>>, vector<16xf32>,
        %add3A_656 = arith.addf %select_n3A_633, %select_n3A_641 : vector<16xf32>
        %swap3A_657 = arith.constant 0 : i32
        %swap3A_658 = arith.constant 0 : i32
        %swap3A_659 = arith.index_cast %swap3A_657 : i32 to index
        %swap3A_660 = arith.index_cast %scan3A_504 : i32 to index
        %swap3A_661 = arith.index_cast %swap3A_658 : i32 to index
        %swap3A_662 = arith.constant 32 : index
        %swap3A_663 = tpu.vector_load %arg11[%swap3A_659, %swap3A_660, %swap3A_661, %swap3A_662] {strides = array<i32>} : memref<2x10x1x128xf32, #tpu.memory_space<vmem>>, vector<16xf32>,
        tpu.vector_store %arg11[%swap3A_659, %swap3A_660, %swap3A_661, %swap3A_662], %add3A_656 {strides = array<i32>} : memref<2x10x1x128xf32, #tpu.memory_space<vmem>>, vector<16xf32>,
        %mul3A_664 = arith.constant 128 : i32
        %mul3A_665 = arith.muli %scan3A_504, %mul3A_664 : i32
        %add3A_666 = arith.constant 56320 : i32
        %add3A_667 = arith.addi %add3A_666, %mul3A_665 : i32
        %add3A_668 = arith.constant 48 : i32
        %add3A_669 = arith.addi %add3A_667, %add3A_668 : i32
        %get3A_670 = arith.index_cast %add3A_669 : i32 to index
        %get3A_671 = tpu.vector_load %arg5[%get3A_670] {strides = array<i32>} : memref<57600xi32, #tpu.memory_space<vmem>>, vector<16xi32>,
        %swap3A_672 = arith.index_cast %add3A_669 : i32 to index
        %swap3A_673 = tpu.vector_load %arg5[%swap3A_672] {strides = array<i32>} : memref<57600xi32, #tpu.memory_space<vmem>>, vector<16xi32>,
        tpu.vector_store %arg5[%swap3A_672], %broadcast_in_dim3A_4 {strides = array<i32>} : memref<57600xi32, #tpu.memory_space<vmem>>, vector<16xi32>,
        %ge3A_674 = arith.constant 0 : i32
        %ge3A_675 = vector.broadcast %ge3A_674 : i32 to vector<16xi32>
        %ge3A_676 = arith.cmpi sge, %get3A_671, %ge3A_675 : vector<16xi32>
        %and3A_677 = arith.constant 1 : i32
        %and3A_678 = vector.broadcast %and3A_677 : i32 to vector<16xi32>
        %and3A_679 = arith.andi %get3A_671, %and3A_678 : vector<16xi32>
        %eq3A_680 = arith.constant 1 : i32
        %eq3A_681 = vector.broadcast %eq3A_680 : i32 to vector<16xi32>
        %eq3A_682 = arith.cmpi eq, %and3A_679, %eq3A_681 : vector<16xi32>
        %and3A_683 = arith.andi %ge3A_676, %eq3A_682 : vector<16xi1>
        %jit3A_684 = arith.constant 0.000000e+00 : f32
        %jit3A_685 = arith.constant 2.550000e+02 : f32
        %broadcast_in_dim3A_686 = vector.broadcast %jit3A_684 : f32 to vector<16xf32>
        %broadcast_in_dim3A_687 = vector.broadcast %jit3A_685 : f32 to vector<16xf32>
        %select_n3A_688 = arith.select %and3A_683, %broadcast_in_dim3A_686, %broadcast_in_dim3A_687 : vector<16xi1>, vector<16xf32>
        %not3A_689 = arith.constant dense<true> : vector<16xi1>
        %not3A_690 = arith.xori %eq3A_682, %not3A_689 : vector<16xi1>
        %and3A_691 = arith.andi %ge3A_676, %not3A_690 : vector<16xi1>
        %jit3A_692 = arith.constant 0.000000e+00 : f32
        %jit3A_693 = arith.constant 2.550000e+02 : f32
        %broadcast_in_dim3A_694 = vector.broadcast %jit3A_692 : f32 to vector<16xf32>
        %broadcast_in_dim3A_695 = vector.broadcast %jit3A_693 : f32 to vector<16xf32>
        %select_n3A_696 = arith.select %and3A_691, %broadcast_in_dim3A_694, %broadcast_in_dim3A_695 : vector<16xi1>, vector<16xf32>
        %swap3A_697 = arith.constant 0 : i32
        %swap3A_698 = arith.constant 0 : i32
        %swap3A_699 = arith.index_cast %swap3A_697 : i32 to index
        %swap3A_700 = arith.index_cast %scan3A_504 : i32 to index
        %swap3A_701 = arith.index_cast %swap3A_698 : i32 to index
        %swap3A_702 = arith.constant 48 : index
        %swap3A_703 = tpu.vector_load %arg9[%swap3A_699, %swap3A_700, %swap3A_701, %swap3A_702] {strides = array<i32>} : memref<2x10x1x128xf32, #tpu.memory_space<vmem>>, vector<16xf32>,
        tpu.vector_store %arg9[%swap3A_699, %swap3A_700, %swap3A_701, %swap3A_702], %select_n3A_688 {strides = array<i32>} : memref<2x10x1x128xf32, #tpu.memory_space<vmem>>, vector<16xf32>,
        %swap3A_704 = arith.constant 0 : i32
        %swap3A_705 = arith.constant 0 : i32
        %swap3A_706 = arith.index_cast %swap3A_704 : i32 to index
        %swap3A_707 = arith.index_cast %scan3A_504 : i32 to index
        %swap3A_708 = arith.index_cast %swap3A_705 : i32 to index
        %swap3A_709 = arith.constant 48 : index
        %swap3A_710 = tpu.vector_load %arg10[%swap3A_706, %swap3A_707, %swap3A_708, %swap3A_709] {strides = array<i32>} : memref<2x10x1x128xf32, #tpu.memory_space<vmem>>, vector<16xf32>,
        tpu.vector_store %arg10[%swap3A_706, %swap3A_707, %swap3A_708, %swap3A_709], %select_n3A_696 {strides = array<i32>} : memref<2x10x1x128xf32, #tpu.memory_space<vmem>>, vector<16xf32>,
        %add3A_711 = arith.addf %select_n3A_688, %select_n3A_696 : vector<16xf32>
        %swap3A_712 = arith.constant 0 : i32
        %swap3A_713 = arith.constant 0 : i32
        %swap3A_714 = arith.index_cast %swap3A_712 : i32 to index
        %swap3A_715 = arith.index_cast %scan3A_504 : i32 to index
        %swap3A_716 = arith.index_cast %swap3A_713 : i32 to index
        %swap3A_717 = arith.constant 48 : index
        %swap3A_718 = tpu.vector_load %arg11[%swap3A_714, %swap3A_715, %swap3A_716, %swap3A_717] {strides = array<i32>} : memref<2x10x1x128xf32, #tpu.memory_space<vmem>>, vector<16xf32>,
        tpu.vector_store %arg11[%swap3A_714, %swap3A_715, %swap3A_716, %swap3A_717], %add3A_711 {strides = array<i32>} : memref<2x10x1x128xf32, #tpu.memory_space<vmem>>, vector<16xf32>,
        %mul3A_719 = arith.constant 128 : i32
        %mul3A_720 = arith.muli %scan3A_504, %mul3A_719 : i32
        %add3A_721 = arith.constant 56320 : i32
        %add3A_722 = arith.addi %add3A_721, %mul3A_720 : i32
        %add3A_723 = arith.constant 64 : i32
        %add3A_724 = arith.addi %add3A_722, %add3A_723 : i32
        %get3A_725 = arith.index_cast %add3A_724 : i32 to index
        %get3A_726 = tpu.vector_load %arg5[%get3A_725] {strides = array<i32>} : memref<57600xi32, #tpu.memory_space<vmem>>, vector<16xi32>,
        %swap3A_727 = arith.index_cast %add3A_724 : i32 to index
        %swap3A_728 = tpu.vector_load %arg5[%swap3A_727] {strides = array<i32>} : memref<57600xi32, #tpu.memory_space<vmem>>, vector<16xi32>,
        tpu.vector_store %arg5[%swap3A_727], %broadcast_in_dim3A_4 {strides = array<i32>} : memref<57600xi32, #tpu.memory_space<vmem>>, vector<16xi32>,
        %ge3A_729 = arith.constant 0 : i32
        %ge3A_730 = vector.broadcast %ge3A_729 : i32 to vector<16xi32>
        %ge3A_731 = arith.cmpi sge, %get3A_726, %ge3A_730 : vector<16xi32>
        %and3A_732 = arith.constant 1 : i32
        %and3A_733 = vector.broadcast %and3A_732 : i32 to vector<16xi32>
        %and3A_734 = arith.andi %get3A_726, %and3A_733 : vector<16xi32>
        %eq3A_735 = arith.constant 1 : i32
        %eq3A_736 = vector.broadcast %eq3A_735 : i32 to vector<16xi32>
        %eq3A_737 = arith.cmpi eq, %and3A_734, %eq3A_736 : vector<16xi32>
        %and3A_738 = arith.andi %ge3A_731, %eq3A_737 : vector<16xi1>
        %jit3A_739 = arith.constant 0.000000e+00 : f32
        %jit3A_740 = arith.constant 2.550000e+02 : f32
        %broadcast_in_dim3A_741 = vector.broadcast %jit3A_739 : f32 to vector<16xf32>
        %broadcast_in_dim3A_742 = vector.broadcast %jit3A_740 : f32 to vector<16xf32>
        %select_n3A_743 = arith.select %and3A_738, %broadcast_in_dim3A_741, %broadcast_in_dim3A_742 : vector<16xi1>, vector<16xf32>
        %not3A_744 = arith.constant dense<true> : vector<16xi1>
        %not3A_745 = arith.xori %eq3A_737, %not3A_744 : vector<16xi1>
        %and3A_746 = arith.andi %ge3A_731, %not3A_745 : vector<16xi1>
        %jit3A_747 = arith.constant 0.000000e+00 : f32
        %jit3A_748 = arith.constant 2.550000e+02 : f32
        %broadcast_in_dim3A_749 = vector.broadcast %jit3A_747 : f32 to vector<16xf32>
        %broadcast_in_dim3A_750 = vector.broadcast %jit3A_748 : f32 to vector<16xf32>
        %select_n3A_751 = arith.select %and3A_746, %broadcast_in_dim3A_749, %broadcast_in_dim3A_750 : vector<16xi1>, vector<16xf32>
        %swap3A_752 = arith.constant 0 : i32
        %swap3A_753 = arith.constant 0 : i32
        %swap3A_754 = arith.index_cast %swap3A_752 : i32 to index
        %swap3A_755 = arith.index_cast %scan3A_504 : i32 to index
        %swap3A_756 = arith.index_cast %swap3A_753 : i32 to index
        %swap3A_757 = arith.constant 64 : index
        %swap3A_758 = tpu.vector_load %arg9[%swap3A_754, %swap3A_755, %swap3A_756, %swap3A_757] {strides = array<i32>} : memref<2x10x1x128xf32, #tpu.memory_space<vmem>>, vector<16xf32>,
        tpu.vector_store %arg9[%swap3A_754, %swap3A_755, %swap3A_756, %swap3A_757], %select_n3A_743 {strides = array<i32>} : memref<2x10x1x128xf32, #tpu.memory_space<vmem>>, vector<16xf32>,
        %swap3A_759 = arith.constant 0 : i32
        %swap3A_760 = arith.constant 0 : i32
        %swap3A_761 = arith.index_cast %swap3A_759 : i32 to index
        %swap3A_762 = arith.index_cast %scan3A_504 : i32 to index
        %swap3A_763 = arith.index_cast %swap3A_760 : i32 to index
        %swap3A_764 = arith.constant 64 : index
        %swap3A_765 = tpu.vector_load %arg10[%swap3A_761, %swap3A_762, %swap3A_763, %swap3A_764] {strides = array<i32>} : memref<2x10x1x128xf32, #tpu.memory_space<vmem>>, vector<16xf32>,
        tpu.vector_store %arg10[%swap3A_761, %swap3A_762, %swap3A_763, %swap3A_764], %select_n3A_751 {strides = array<i32>} : memref<2x10x1x128xf32, #tpu.memory_space<vmem>>, vector<16xf32>,
        %add3A_766 = arith.addf %select_n3A_743, %select_n3A_751 : vector<16xf32>
        %swap3A_767 = arith.constant 0 : i32
        %swap3A_768 = arith.constant 0 : i32
        %swap3A_769 = arith.index_cast %swap3A_767 : i32 to index
        %swap3A_770 = arith.index_cast %scan3A_504 : i32 to index
        %swap3A_771 = arith.index_cast %swap3A_768 : i32 to index
        %swap3A_772 = arith.constant 64 : index
        %swap3A_773 = tpu.vector_load %arg11[%swap3A_769, %swap3A_770, %swap3A_771, %swap3A_772] {strides = array<i32>} : memref<2x10x1x128xf32, #tpu.memory_space<vmem>>, vector<16xf32>,
        tpu.vector_store %arg11[%swap3A_769, %swap3A_770, %swap3A_771, %swap3A_772], %add3A_766 {strides = array<i32>} : memref<2x10x1x128xf32, #tpu.memory_space<vmem>>, vector<16xf32>,
        %mul3A_774 = arith.constant 128 : i32
        %mul3A_775 = arith.muli %scan3A_504, %mul3A_774 : i32
        %add3A_776 = arith.constant 56320 : i32
        %add3A_777 = arith.addi %add3A_776, %mul3A_775 : i32
        %add3A_778 = arith.constant 80 : i32
        %add3A_779 = arith.addi %add3A_777, %add3A_778 : i32
        %get3A_780 = arith.index_cast %add3A_779 : i32 to index
        %get3A_781 = tpu.vector_load %arg5[%get3A_780] {strides = array<i32>} : memref<57600xi32, #tpu.memory_space<vmem>>, vector<16xi32>,
        %swap3A_782 = arith.index_cast %add3A_779 : i32 to index
        %swap3A_783 = tpu.vector_load %arg5[%swap3A_782] {strides = array<i32>} : memref<57600xi32, #tpu.memory_space<vmem>>, vector<16xi32>,
        tpu.vector_store %arg5[%swap3A_782], %broadcast_in_dim3A_4 {strides = array<i32>} : memref<57600xi32, #tpu.memory_space<vmem>>, vector<16xi32>,
        %ge3A_784 = arith.constant 0 : i32
        %ge3A_785 = vector.broadcast %ge3A_784 : i32 to vector<16xi32>
        %ge3A_786 = arith.cmpi sge, %get3A_781, %ge3A_785 : vector<16xi32>
        %and3A_787 = arith.constant 1 : i32
        %and3A_788 = vector.broadcast %and3A_787 : i32 to vector<16xi32>
        %and3A_789 = arith.andi %get3A_781, %and3A_788 : vector<16xi32>
        %eq3A_790 = arith.constant 1 : i32
        %eq3A_791 = vector.broadcast %eq3A_790 : i32 to vector<16xi32>
        %eq3A_792 = arith.cmpi eq, %and3A_789, %eq3A_791 : vector<16xi32>
        %and3A_793 = arith.andi %ge3A_786, %eq3A_792 : vector<16xi1>
        %jit3A_794 = arith.constant 0.000000e+00 : f32
        %jit3A_795 = arith.constant 2.550000e+02 : f32
        %broadcast_in_dim3A_796 = vector.broadcast %jit3A_794 : f32 to vector<16xf32>
        %broadcast_in_dim3A_797 = vector.broadcast %jit3A_795 : f32 to vector<16xf32>
        %select_n3A_798 = arith.select %and3A_793, %broadcast_in_dim3A_796, %broadcast_in_dim3A_797 : vector<16xi1>, vector<16xf32>
        %not3A_799 = arith.constant dense<true> : vector<16xi1>
        %not3A_800 = arith.xori %eq3A_792, %not3A_799 : vector<16xi1>
        %and3A_801 = arith.andi %ge3A_786, %not3A_800 : vector<16xi1>
        %jit3A_802 = arith.constant 0.000000e+00 : f32
        %jit3A_803 = arith.constant 2.550000e+02 : f32
        %broadcast_in_dim3A_804 = vector.broadcast %jit3A_802 : f32 to vector<16xf32>
        %broadcast_in_dim3A_805 = vector.broadcast %jit3A_803 : f32 to vector<16xf32>
        %select_n3A_806 = arith.select %and3A_801, %broadcast_in_dim3A_804, %broadcast_in_dim3A_805 : vector<16xi1>, vector<16xf32>
        %swap3A_807 = arith.constant 0 : i32
        %swap3A_808 = arith.constant 0 : i32
        %swap3A_809 = arith.index_cast %swap3A_807 : i32 to index
        %swap3A_810 = arith.index_cast %scan3A_504 : i32 to index
        %swap3A_811 = arith.index_cast %swap3A_808 : i32 to index
        %swap3A_812 = arith.constant 80 : index
        %swap3A_813 = tpu.vector_load %arg9[%swap3A_809, %swap3A_810, %swap3A_811, %swap3A_812] {strides = array<i32>} : memref<2x10x1x128xf32, #tpu.memory_space<vmem>>, vector<16xf32>,
        tpu.vector_store %arg9[%swap3A_809, %swap3A_810, %swap3A_811, %swap3A_812], %select_n3A_798 {strides = array<i32>} : memref<2x10x1x128xf32, #tpu.memory_space<vmem>>, vector<16xf32>,
        %swap3A_814 = arith.constant 0 : i32
        %swap3A_815 = arith.constant 0 : i32
        %swap3A_816 = arith.index_cast %swap3A_814 : i32 to index
        %swap3A_817 = arith.index_cast %scan3A_504 : i32 to index
        %swap3A_818 = arith.index_cast %swap3A_815 : i32 to index
        %swap3A_819 = arith.constant 80 : index
        %swap3A_820 = tpu.vector_load %arg10[%swap3A_816, %swap3A_817, %swap3A_818, %swap3A_819] {strides = array<i32>} : memref<2x10x1x128xf32, #tpu.memory_space<vmem>>, vector<16xf32>,
        tpu.vector_store %arg10[%swap3A_816, %swap3A_817, %swap3A_818, %swap3A_819], %select_n3A_806 {strides = array<i32>} : memref<2x10x1x128xf32, #tpu.memory_space<vmem>>, vector<16xf32>,
        %add3A_821 = arith.addf %select_n3A_798, %select_n3A_806 : vector<16xf32>
        %swap3A_822 = arith.constant 0 : i32
        %swap3A_823 = arith.constant 0 : i32
        %swap3A_824 = arith.index_cast %swap3A_822 : i32 to index
        %swap3A_825 = arith.index_cast %scan3A_504 : i32 to index
        %swap3A_826 = arith.index_cast %swap3A_823 : i32 to index
        %swap3A_827 = arith.constant 80 : index
        %swap3A_828 = tpu.vector_load %arg11[%swap3A_824, %swap3A_825, %swap3A_826, %swap3A_827] {strides = array<i32>} : memref<2x10x1x128xf32, #tpu.memory_space<vmem>>, vector<16xf32>,
        tpu.vector_store %arg11[%swap3A_824, %swap3A_825, %swap3A_826, %swap3A_827], %add3A_821 {strides = array<i32>} : memref<2x10x1x128xf32, #tpu.memory_space<vmem>>, vector<16xf32>,
        %mul3A_829 = arith.constant 128 : i32
        %mul3A_830 = arith.muli %scan3A_504, %mul3A_829 : i32
        %add3A_831 = arith.constant 56320 : i32
        %add3A_832 = arith.addi %add3A_831, %mul3A_830 : i32
        %add3A_833 = arith.constant 96 : i32
        %add3A_834 = arith.addi %add3A_832, %add3A_833 : i32
        %get3A_835 = arith.index_cast %add3A_834 : i32 to index
        %get3A_836 = tpu.vector_load %arg5[%get3A_835] {strides = array<i32>} : memref<57600xi32, #tpu.memory_space<vmem>>, vector<16xi32>,
        %swap3A_837 = arith.index_cast %add3A_834 : i32 to index
        %swap3A_838 = tpu.vector_load %arg5[%swap3A_837] {strides = array<i32>} : memref<57600xi32, #tpu.memory_space<vmem>>, vector<16xi32>,
        tpu.vector_store %arg5[%swap3A_837], %broadcast_in_dim3A_4 {strides = array<i32>} : memref<57600xi32, #tpu.memory_space<vmem>>, vector<16xi32>,
        %ge3A_839 = arith.constant 0 : i32
        %ge3A_840 = vector.broadcast %ge3A_839 : i32 to vector<16xi32>
        %ge3A_841 = arith.cmpi sge, %get3A_836, %ge3A_840 : vector<16xi32>
        %and3A_842 = arith.constant 1 : i32
        %and3A_843 = vector.broadcast %and3A_842 : i32 to vector<16xi32>
        %and3A_844 = arith.andi %get3A_836, %and3A_843 : vector<16xi32>
        %eq3A_845 = arith.constant 1 : i32
        %eq3A_846 = vector.broadcast %eq3A_845 : i32 to vector<16xi32>
        %eq3A_847 = arith.cmpi eq, %and3A_844, %eq3A_846 : vector<16xi32>
        %and3A_848 = arith.andi %ge3A_841, %eq3A_847 : vector<16xi1>
        %jit3A_849 = arith.constant 0.000000e+00 : f32
        %jit3A_850 = arith.constant 2.550000e+02 : f32
        %broadcast_in_dim3A_851 = vector.broadcast %jit3A_849 : f32 to vector<16xf32>
        %broadcast_in_dim3A_852 = vector.broadcast %jit3A_850 : f32 to vector<16xf32>
        %select_n3A_853 = arith.select %and3A_848, %broadcast_in_dim3A_851, %broadcast_in_dim3A_852 : vector<16xi1>, vector<16xf32>
        %not3A_854 = arith.constant dense<true> : vector<16xi1>
        %not3A_855 = arith.xori %eq3A_847, %not3A_854 : vector<16xi1>
        %and3A_856 = arith.andi %ge3A_841, %not3A_855 : vector<16xi1>
        %jit3A_857 = arith.constant 0.000000e+00 : f32
        %jit3A_858 = arith.constant 2.550000e+02 : f32
        %broadcast_in_dim3A_859 = vector.broadcast %jit3A_857 : f32 to vector<16xf32>
        %broadcast_in_dim3A_860 = vector.broadcast %jit3A_858 : f32 to vector<16xf32>
        %select_n3A_861 = arith.select %and3A_856, %broadcast_in_dim3A_859, %broadcast_in_dim3A_860 : vector<16xi1>, vector<16xf32>
        %swap3A_862 = arith.constant 0 : i32
        %swap3A_863 = arith.constant 0 : i32
        %swap3A_864 = arith.index_cast %swap3A_862 : i32 to index
        %swap3A_865 = arith.index_cast %scan3A_504 : i32 to index
        %swap3A_866 = arith.index_cast %swap3A_863 : i32 to index
        %swap3A_867 = arith.constant 96 : index
        %swap3A_868 = tpu.vector_load %arg9[%swap3A_864, %swap3A_865, %swap3A_866, %swap3A_867] {strides = array<i32>} : memref<2x10x1x128xf32, #tpu.memory_space<vmem>>, vector<16xf32>,
        tpu.vector_store %arg9[%swap3A_864, %swap3A_865, %swap3A_866, %swap3A_867], %select_n3A_853 {strides = array<i32>} : memref<2x10x1x128xf32, #tpu.memory_space<vmem>>, vector<16xf32>,
        %swap3A_869 = arith.constant 0 : i32
        %swap3A_870 = arith.constant 0 : i32
        %swap3A_871 = arith.index_cast %swap3A_869 : i32 to index
        %swap3A_872 = arith.index_cast %scan3A_504 : i32 to index
        %swap3A_873 = arith.index_cast %swap3A_870 : i32 to index
        %swap3A_874 = arith.constant 96 : index
        %swap3A_875 = tpu.vector_load %arg10[%swap3A_871, %swap3A_872, %swap3A_873, %swap3A_874] {strides = array<i32>} : memref<2x10x1x128xf32, #tpu.memory_space<vmem>>, vector<16xf32>,
        tpu.vector_store %arg10[%swap3A_871, %swap3A_872, %swap3A_873, %swap3A_874], %select_n3A_861 {strides = array<i32>} : memref<2x10x1x128xf32, #tpu.memory_space<vmem>>, vector<16xf32>,
        %add3A_876 = arith.addf %select_n3A_853, %select_n3A_861 : vector<16xf32>
        %swap3A_877 = arith.constant 0 : i32
        %swap3A_878 = arith.constant 0 : i32
        %swap3A_879 = arith.index_cast %swap3A_877 : i32 to index
        %swap3A_880 = arith.index_cast %scan3A_504 : i32 to index
        %swap3A_881 = arith.index_cast %swap3A_878 : i32 to index
        %swap3A_882 = arith.constant 96 : index
        %swap3A_883 = tpu.vector_load %arg11[%swap3A_879, %swap3A_880, %swap3A_881, %swap3A_882] {strides = array<i32>} : memref<2x10x1x128xf32, #tpu.memory_space<vmem>>, vector<16xf32>,
        tpu.vector_store %arg11[%swap3A_879, %swap3A_880, %swap3A_881, %swap3A_882], %add3A_876 {strides = array<i32>} : memref<2x10x1x128xf32, #tpu.memory_space<vmem>>, vector<16xf32>,
        %mul3A_884 = arith.constant 128 : i32
        %mul3A_885 = arith.muli %scan3A_504, %mul3A_884 : i32
        %add3A_886 = arith.constant 56320 : i32
        %add3A_887 = arith.addi %add3A_886, %mul3A_885 : i32
        %add3A_888 = arith.constant 112 : i32
        %add3A_889 = arith.addi %add3A_887, %add3A_888 : i32
        %get3A_890 = arith.index_cast %add3A_889 : i32 to index
        %get3A_891 = tpu.vector_load %arg5[%get3A_890] {strides = array<i32>} : memref<57600xi32, #tpu.memory_space<vmem>>, vector<16xi32>,
        %swap3A_892 = arith.index_cast %add3A_889 : i32 to index
        %swap3A_893 = tpu.vector_load %arg5[%swap3A_892] {strides = array<i32>} : memref<57600xi32, #tpu.memory_space<vmem>>, vector<16xi32>,
        tpu.vector_store %arg5[%swap3A_892], %broadcast_in_dim3A_4 {strides = array<i32>} : memref<57600xi32, #tpu.memory_space<vmem>>, vector<16xi32>,
        %ge3A_894 = arith.constant 0 : i32
        %ge3A_895 = vector.broadcast %ge3A_894 : i32 to vector<16xi32>
        %ge3A_896 = arith.cmpi sge, %get3A_891, %ge3A_895 : vector<16xi32>
        %and3A_897 = arith.constant 1 : i32
        %and3A_898 = vector.broadcast %and3A_897 : i32 to vector<16xi32>
        %and3A_899 = arith.andi %get3A_891, %and3A_898 : vector<16xi32>
        %eq3A_900 = arith.constant 1 : i32
        %eq3A_901 = vector.broadcast %eq3A_900 : i32 to vector<16xi32>
        %eq3A_902 = arith.cmpi eq, %and3A_899, %eq3A_901 : vector<16xi32>
        %and3A_903 = arith.andi %ge3A_896, %eq3A_902 : vector<16xi1>
        %jit3A_904 = arith.constant 0.000000e+00 : f32
        %jit3A_905 = arith.constant 2.550000e+02 : f32
        %broadcast_in_dim3A_906 = vector.broadcast %jit3A_904 : f32 to vector<16xf32>
        %broadcast_in_dim3A_907 = vector.broadcast %jit3A_905 : f32 to vector<16xf32>
        %select_n3A_908 = arith.select %and3A_903, %broadcast_in_dim3A_906, %broadcast_in_dim3A_907 : vector<16xi1>, vector<16xf32>
        %not3A_909 = arith.constant dense<true> : vector<16xi1>
        %not3A_910 = arith.xori %eq3A_902, %not3A_909 : vector<16xi1>
        %and3A_911 = arith.andi %ge3A_896, %not3A_910 : vector<16xi1>
        %jit3A_912 = arith.constant 0.000000e+00 : f32
        %jit3A_913 = arith.constant 2.550000e+02 : f32
        %broadcast_in_dim3A_914 = vector.broadcast %jit3A_912 : f32 to vector<16xf32>
        %broadcast_in_dim3A_915 = vector.broadcast %jit3A_913 : f32 to vector<16xf32>
        %select_n3A_916 = arith.select %and3A_911, %broadcast_in_dim3A_914, %broadcast_in_dim3A_915 : vector<16xi1>, vector<16xf32>
        %swap3A_917 = arith.constant 0 : i32
        %swap3A_918 = arith.constant 0 : i32
        %swap3A_919 = arith.index_cast %swap3A_917 : i32 to index
        %swap3A_920 = arith.index_cast %scan3A_504 : i32 to index
        %swap3A_921 = arith.index_cast %swap3A_918 : i32 to index
        %swap3A_922 = arith.constant 112 : index
        %swap3A_923 = tpu.vector_load %arg9[%swap3A_919, %swap3A_920, %swap3A_921, %swap3A_922] {strides = array<i32>} : memref<2x10x1x128xf32, #tpu.memory_space<vmem>>, vector<16xf32>,
        tpu.vector_store %arg9[%swap3A_919, %swap3A_920, %swap3A_921, %swap3A_922], %select_n3A_908 {strides = array<i32>} : memref<2x10x1x128xf32, #tpu.memory_space<vmem>>, vector<16xf32>,
        %swap3A_924 = arith.constant 0 : i32
        %swap3A_925 = arith.constant 0 : i32
        %swap3A_926 = arith.index_cast %swap3A_924 : i32 to index
        %swap3A_927 = arith.index_cast %scan3A_504 : i32 to index
        %swap3A_928 = arith.index_cast %swap3A_925 : i32 to index
        %swap3A_929 = arith.constant 112 : index
        %swap3A_930 = tpu.vector_load %arg10[%swap3A_926, %swap3A_927, %swap3A_928, %swap3A_929] {strides = array<i32>} : memref<2x10x1x128xf32, #tpu.memory_space<vmem>>, vector<16xf32>,
        tpu.vector_store %arg10[%swap3A_926, %swap3A_927, %swap3A_928, %swap3A_929], %select_n3A_916 {strides = array<i32>} : memref<2x10x1x128xf32, #tpu.memory_space<vmem>>, vector<16xf32>,
        %add3A_931 = arith.addf %select_n3A_908, %select_n3A_916 : vector<16xf32>
        %swap3A_932 = arith.constant 0 : i32
        %swap3A_933 = arith.constant 0 : i32
        %swap3A_934 = arith.index_cast %swap3A_932 : i32 to index
        %swap3A_935 = arith.index_cast %scan3A_504 : i32 to index
        %swap3A_936 = arith.index_cast %swap3A_933 : i32 to index
        %swap3A_937 = arith.constant 112 : index
        %swap3A_938 = tpu.vector_load %arg11[%swap3A_934, %swap3A_935, %swap3A_936, %swap3A_937] {strides = array<i32>} : memref<2x10x1x128xf32, #tpu.memory_space<vmem>>, vector<16xf32>,
        tpu.vector_store %arg11[%swap3A_934, %swap3A_935, %swap3A_936, %swap3A_937], %add3A_931 {strides = array<i32>} : memref<2x10x1x128xf32, #tpu.memory_space<vmem>>, vector<16xf32>,
        %scan3A_939 = arith.constant 0 : i32
        scf.yield %scan3A_939 : i32
      }
      %scan3A_304 = arith.constant 10 : i32
      %add3A_305 = arith.constant 44 : i32
      %add3A_306 = arith.addi %mul3A_0, %add3A_305 : i32
      %shift_right_logical3A_307 = arith.constant 3 : i32
      %shift_right_logical3A_308 = arith.shrui %add3A_306, %shift_right_logical3A_307 : i32
      %and3A_309 = arith.constant 7 : i32
      %and3A_310 = arith.andi %add3A_306, %and3A_309 : i32
      %dma_start3A_311 = arith.constant 0 : i32
      %dma_start3A_312 = arith.constant 0 : i32
      %dma_start3A_313 = arith.constant 0 : i32
      %dma_start3A_314 = arith.constant 0 : i32
      %dma_start3A_315 = arith.constant 0 : i32
      %dma_start3A_316 = tpu.memref_slice %arg9[%dma_start3A_311, %dma_start3A_313, %dma_start3A_314, %dma_start3A_315] : memref<2x10x1x128xf32, #tpu.memory_space<vmem>> -> memref<1x10x1x128xf32, #tpu.memory_space<vmem>>
      %dma_start3A_317 = tpu.memref_squeeze %dma_start3A_316 : memref<1x10x1x128xf32, #tpu.memory_space<vmem>> -> memref<10x1x128xf32, #tpu.memory_space<vmem>>
      %dma_start3A_318 = arith.constant 0 : i32
      %dma_start3A_319 = arith.constant 0 : i32
      %dma_start3A_320 = tpu.memref_slice %arg4[%add3A, %dma_start3A_312, %shift_right_logical3A_308, %dma_start3A_318, %and3A_310, %dma_start3A_319] : memref<16x3x90x10x8x128xf32, #tpu.memory_space<hbm>> -> memref<1x1x1x10x1x128xf32, #tpu.memory_space<hbm>>
      %dma_start3A_321 = tpu.memref_squeeze %dma_start3A_320 : memref<1x1x1x10x1x128xf32, #tpu.memory_space<hbm>> -> memref<10x1x128xf32, #tpu.memory_space<hbm>>
      %dma_start3A_322 = arith.constant 0 : i32
      %dma_start3A_323 = arith.constant 0 : i32
      %dma_start3A_324 = tpu.memref_slice %arg4[%add3A, %dma_start3A_312, %shift_right_logical3A_308, %dma_start3A_322, %and3A_310, %dma_start3A_323] : memref<16x3x90x10x8x128xf32, #tpu.memory_space<hbm>> -> memref<1x1x1x10x1x128xf32, #tpu.memory_space<hbm>>
      %dma_start3A_325 = tpu.memref_squeeze %dma_start3A_324 : memref<1x1x1x10x1x128xf32, #tpu.memory_space<hbm>> -> memref<10x1x128xf32, #tpu.memory_space<hbm>>
      %dma_start3A_326 = arith.constant 0 : i32
      %dma_start3A_327 = arith.constant 0 : i32
      %dma_start3A_328 = arith.constant 0 : i32
      %dma_start3A_329 = tpu.memref_slice %arg9[%dma_start3A_311, %dma_start3A_326, %dma_start3A_327, %dma_start3A_328] : memref<2x10x1x128xf32, #tpu.memory_space<vmem>> -> memref<1x10x1x128xf32, #tpu.memory_space<vmem>>
      %dma_start3A_330 = tpu.memref_squeeze %dma_start3A_329 : memref<1x10x1x128xf32, #tpu.memory_space<vmem>> -> memref<10x1x128xf32, #tpu.memory_space<vmem>>
      tpu.enqueue_dma source(%dma_start3A_330 : memref<10x1x128xf32, #tpu.memory_space<vmem>>) target(%dma_start3A_325 : memref<10x1x128xf32, #tpu.memory_space<hbm>>) target_semaphore(%arg14 : memref<!tpu.dma_semaphore, #tpu.memory_space<semaphore_mem>>)
      %dma_start3A_331 = arith.constant 0 : i32
      %dma_start3A_332 = arith.constant 1 : i32
      %dma_start3A_333 = arith.constant 0 : i32
      %dma_start3A_334 = arith.constant 0 : i32
      %dma_start3A_335 = arith.constant 0 : i32
      %dma_start3A_336 = tpu.memref_slice %arg10[%dma_start3A_331, %dma_start3A_333, %dma_start3A_334, %dma_start3A_335] : memref<2x10x1x128xf32, #tpu.memory_space<vmem>> -> memref<1x10x1x128xf32, #tpu.memory_space<vmem>>
      %dma_start3A_337 = tpu.memref_squeeze %dma_start3A_336 : memref<1x10x1x128xf32, #tpu.memory_space<vmem>> -> memref<10x1x128xf32, #tpu.memory_space<vmem>>
      %dma_start3A_338 = arith.constant 0 : i32
      %dma_start3A_339 = arith.constant 0 : i32
      %dma_start3A_340 = tpu.memref_slice %arg4[%add3A, %dma_start3A_332, %shift_right_logical3A_308, %dma_start3A_338, %and3A_310, %dma_start3A_339] : memref<16x3x90x10x8x128xf32, #tpu.memory_space<hbm>> -> memref<1x1x1x10x1x128xf32, #tpu.memory_space<hbm>>
      %dma_start3A_341 = tpu.memref_squeeze %dma_start3A_340 : memref<1x1x1x10x1x128xf32, #tpu.memory_space<hbm>> -> memref<10x1x128xf32, #tpu.memory_space<hbm>>
      %dma_start3A_342 = arith.constant 0 : i32
      %dma_start3A_343 = arith.constant 0 : i32
      %dma_start3A_344 = tpu.memref_slice %arg4[%add3A, %dma_start3A_332, %shift_right_logical3A_308, %dma_start3A_342, %and3A_310, %dma_start3A_343] : memref<16x3x90x10x8x128xf32, #tpu.memory_space<hbm>> -> memref<1x1x1x10x1x128xf32, #tpu.memory_space<hbm>>
      %dma_start3A_345 = tpu.memref_squeeze %dma_start3A_344 : memref<1x1x1x10x1x128xf32, #tpu.memory_space<hbm>> -> memref<10x1x128xf32, #tpu.memory_space<hbm>>
      %dma_start3A_346 = arith.constant 0 : i32
      %dma_start3A_347 = arith.constant 0 : i32
      %dma_start3A_348 = arith.constant 0 : i32
      %dma_start3A_349 = tpu.memref_slice %arg10[%dma_start3A_331, %dma_start3A_346, %dma_start3A_347, %dma_start3A_348] : memref<2x10x1x128xf32, #tpu.memory_space<vmem>> -> memref<1x10x1x128xf32, #tpu.memory_space<vmem>>
      %dma_start3A_350 = tpu.memref_squeeze %dma_start3A_349 : memref<1x10x1x128xf32, #tpu.memory_space<vmem>> -> memref<10x1x128xf32, #tpu.memory_space<vmem>>
      tpu.enqueue_dma source(%dma_start3A_350 : memref<10x1x128xf32, #tpu.memory_space<vmem>>) target(%dma_start3A_345 : memref<10x1x128xf32, #tpu.memory_space<hbm>>) target_semaphore(%arg14 : memref<!tpu.dma_semaphore, #tpu.memory_space<semaphore_mem>>)
      %dma_start3A_351 = arith.constant 0 : i32
      %dma_start3A_352 = arith.constant 2 : i32
      %dma_start3A_353 = arith.constant 0 : i32
      %dma_start3A_354 = arith.constant 0 : i32
      %dma_start3A_355 = arith.constant 0 : i32
      %dma_start3A_356 = tpu.memref_slice %arg11[%dma_start3A_351, %dma_start3A_353, %dma_start3A_354, %dma_start3A_355] : memref<2x10x1x128xf32, #tpu.memory_space<vmem>> -> memref<1x10x1x128xf32, #tpu.memory_space<vmem>>
      %dma_start3A_357 = tpu.memref_squeeze %dma_start3A_356 : memref<1x10x1x128xf32, #tpu.memory_space<vmem>> -> memref<10x1x128xf32, #tpu.memory_space<vmem>>
      %dma_start3A_358 = arith.constant 0 : i32
      %dma_start3A_359 = arith.constant 0 : i32
      %dma_start3A_360 = tpu.memref_slice %arg4[%add3A, %dma_start3A_352, %shift_right_logical3A_308, %dma_start3A_358, %and3A_310, %dma_start3A_359] : memref<16x3x90x10x8x128xf32, #tpu.memory_space<hbm>> -> memref<1x1x1x10x1x128xf32, #tpu.memory_space<hbm>>
      %dma_start3A_361 = tpu.memref_squeeze %dma_start3A_360 : memref<1x1x1x10x1x128xf32, #tpu.memory_space<hbm>> -> memref<10x1x128xf32, #tpu.memory_space<hbm>>
      %dma_start3A_362 = arith.constant 0 : i32
      %dma_start3A_363 = arith.constant 0 : i32
      %dma_start3A_364 = tpu.memref_slice %arg4[%add3A, %dma_start3A_352, %shift_right_logical3A_308, %dma_start3A_362, %and3A_310, %dma_start3A_363] : memref<16x3x90x10x8x128xf32, #tpu.memory_space<hbm>> -> memref<1x1x1x10x1x128xf32, #tpu.memory_space<hbm>>
      %dma_start3A_365 = tpu.memref_squeeze %dma_start3A_364 : memref<1x1x1x10x1x128xf32, #tpu.memory_space<hbm>> -> memref<10x1x128xf32, #tpu.memory_space<hbm>>
      %dma_start3A_366 = arith.constant 0 : i32
      %dma_start3A_367 = arith.constant 0 : i32
      %dma_start3A_368 = arith.constant 0 : i32
      %dma_start3A_369 = tpu.memref_slice %arg11[%dma_start3A_351, %dma_start3A_366, %dma_start3A_367, %dma_start3A_368] : memref<2x10x1x128xf32, #tpu.memory_space<vmem>> -> memref<1x10x1x128xf32, #tpu.memory_space<vmem>>
      %dma_start3A_370 = tpu.memref_squeeze %dma_start3A_369 : memref<1x10x1x128xf32, #tpu.memory_space<vmem>> -> memref<10x1x128xf32, #tpu.memory_space<vmem>>
      tpu.enqueue_dma source(%dma_start3A_370 : memref<10x1x128xf32, #tpu.memory_space<vmem>>) target(%dma_start3A_365 : memref<10x1x128xf32, #tpu.memory_space<hbm>>) target_semaphore(%arg14 : memref<!tpu.dma_semaphore, #tpu.memory_space<semaphore_mem>>)
      %add3A_371 = arith.constant 43 : i32
      %add3A_372 = arith.addi %mul3A_0, %add3A_371 : i32
      %shift_right_logical3A_373 = arith.constant 3 : i32
      %shift_right_logical3A_374 = arith.shrui %add3A_372, %shift_right_logical3A_373 : i32
      %and3A_375 = arith.constant 7 : i32
      %and3A_376 = arith.andi %add3A_372, %and3A_375 : i32
      %dma_wait3A_377 = arith.constant 1 : i32
      %dma_wait3A_378 = arith.constant 0 : i32
      %dma_wait3A_379 = arith.constant 0 : i32
      %dma_wait3A_380 = arith.constant 0 : i32
      %dma_wait3A_381 = arith.constant 0 : i32
      %dma_wait3A_382 = tpu.memref_slice %arg9[%dma_wait3A_377, %dma_wait3A_379, %dma_wait3A_380, %dma_wait3A_381] : memref<2x10x1x128xf32, #tpu.memory_space<vmem>> -> memref<1x10x1x128xf32, #tpu.memory_space<vmem>>
      %dma_wait3A_383 = tpu.memref_squeeze %dma_wait3A_382 : memref<1x10x1x128xf32, #tpu.memory_space<vmem>> -> memref<10x1x128xf32, #tpu.memory_space<vmem>>
      %dma_wait3A_384 = arith.constant 0 : i32
      %dma_wait3A_385 = arith.constant 0 : i32
      %dma_wait3A_386 = tpu.memref_slice %arg4[%add3A, %dma_wait3A_378, %shift_right_logical3A_374, %dma_wait3A_384, %and3A_376, %dma_wait3A_385] : memref<16x3x90x10x8x128xf32, #tpu.memory_space<hbm>> -> memref<1x1x1x10x1x128xf32, #tpu.memory_space<hbm>>
      %dma_wait3A_387 = tpu.memref_squeeze %dma_wait3A_386 : memref<1x1x1x10x1x128xf32, #tpu.memory_space<hbm>> -> memref<10x1x128xf32, #tpu.memory_space<hbm>>
      %dma_wait3A_388 = arith.constant 0 : i32
      %dma_wait3A_389 = arith.constant 0 : i32
      %dma_wait3A_390 = tpu.memref_slice %arg4[%add3A, %dma_wait3A_378, %shift_right_logical3A_374, %dma_wait3A_388, %and3A_376, %dma_wait3A_389] : memref<16x3x90x10x8x128xf32, #tpu.memory_space<hbm>> -> memref<1x1x1x10x1x128xf32, #tpu.memory_space<hbm>>
      %dma_wait3A_391 = tpu.memref_squeeze %dma_wait3A_390 : memref<1x1x1x10x1x128xf32, #tpu.memory_space<hbm>> -> memref<10x1x128xf32, #tpu.memory_space<hbm>>
      %dma_wait3A_392 = arith.constant 0 : i32
      %dma_wait3A_393 = arith.constant 0 : i32
      %dma_wait3A_394 = arith.constant 0 : i32
      %dma_wait3A_395 = tpu.memref_slice %arg9[%dma_wait3A_377, %dma_wait3A_392, %dma_wait3A_393, %dma_wait3A_394] : memref<2x10x1x128xf32, #tpu.memory_space<vmem>> -> memref<1x10x1x128xf32, #tpu.memory_space<vmem>>
      %dma_wait3A_396 = tpu.memref_squeeze %dma_wait3A_395 : memref<1x10x1x128xf32, #tpu.memory_space<vmem>> -> memref<10x1x128xf32, #tpu.memory_space<vmem>>
      tpu.wait_dma2 semaphore(%arg15 : memref<!tpu.dma_semaphore, #tpu.memory_space<semaphore_mem>>) src(%dma_wait3A_396 : memref<10x1x128xf32, #tpu.memory_space<vmem>>) dst(%dma_wait3A_391 : memref<10x1x128xf32, #tpu.memory_space<hbm>>)
      %dma_wait3A_397 = arith.constant 1 : i32
      %dma_wait3A_398 = arith.constant 1 : i32
      %dma_wait3A_399 = arith.constant 0 : i32
      %dma_wait3A_400 = arith.constant 0 : i32
      %dma_wait3A_401 = arith.constant 0 : i32
      %dma_wait3A_402 = tpu.memref_slice %arg10[%dma_wait3A_397, %dma_wait3A_399, %dma_wait3A_400, %dma_wait3A_401] : memref<2x10x1x128xf32, #tpu.memory_space<vmem>> -> memref<1x10x1x128xf32, #tpu.memory_space<vmem>>
      %dma_wait3A_403 = tpu.memref_squeeze %dma_wait3A_402 : memref<1x10x1x128xf32, #tpu.memory_space<vmem>> -> memref<10x1x128xf32, #tpu.memory_space<vmem>>
      %dma_wait3A_404 = arith.constant 0 : i32
      %dma_wait3A_405 = arith.constant 0 : i32
      %dma_wait3A_406 = tpu.memref_slice %arg4[%add3A, %dma_wait3A_398, %shift_right_logical3A_374, %dma_wait3A_404, %and3A_376, %dma_wait3A_405] : memref<16x3x90x10x8x128xf32, #tpu.memory_space<hbm>> -> memref<1x1x1x10x1x128xf32, #tpu.memory_space<hbm>>
      %dma_wait3A_407 = tpu.memref_squeeze %dma_wait3A_406 : memref<1x1x1x10x1x128xf32, #tpu.memory_space<hbm>> -> memref<10x1x128xf32, #tpu.memory_space<hbm>>
      %dma_wait3A_408 = arith.constant 0 : i32
      %dma_wait3A_409 = arith.constant 0 : i32
      %dma_wait3A_410 = tpu.memref_slice %arg4[%add3A, %dma_wait3A_398, %shift_right_logical3A_374, %dma_wait3A_408, %and3A_376, %dma_wait3A_409] : memref<16x3x90x10x8x128xf32, #tpu.memory_space<hbm>> -> memref<1x1x1x10x1x128xf32, #tpu.memory_space<hbm>>
      %dma_wait3A_411 = tpu.memref_squeeze %dma_wait3A_410 : memref<1x1x1x10x1x128xf32, #tpu.memory_space<hbm>> -> memref<10x1x128xf32, #tpu.memory_space<hbm>>
      %dma_wait3A_412 = arith.constant 0 : i32
      %dma_wait3A_413 = arith.constant 0 : i32
      %dma_wait3A_414 = arith.constant 0 : i32
      %dma_wait3A_415 = tpu.memref_slice %arg10[%dma_wait3A_397, %dma_wait3A_412, %dma_wait3A_413, %dma_wait3A_414] : memref<2x10x1x128xf32, #tpu.memory_space<vmem>> -> memref<1x10x1x128xf32, #tpu.memory_space<vmem>>
      %dma_wait3A_416 = tpu.memref_squeeze %dma_wait3A_415 : memref<1x10x1x128xf32, #tpu.memory_space<vmem>> -> memref<10x1x128xf32, #tpu.memory_space<vmem>>
      tpu.wait_dma2 semaphore(%arg15 : memref<!tpu.dma_semaphore, #tpu.memory_space<semaphore_mem>>) src(%dma_wait3A_416 : memref<10x1x128xf32, #tpu.memory_space<vmem>>) dst(%dma_wait3A_411 : memref<10x1x128xf32, #tpu.memory_space<hbm>>)
      %dma_wait3A_417 = arith.constant 1 : i32
      %dma_wait3A_418 = arith.constant 2 : i32
      %dma_wait3A_419 = arith.constant 0 : i32
      %dma_wait3A_420 = arith.constant 0 : i32
      %dma_wait3A_421 = arith.constant 0 : i32
      %dma_wait3A_422 = tpu.memref_slice %arg11[%dma_wait3A_417, %dma_wait3A_419, %dma_wait3A_420, %dma_wait3A_421] : memref<2x10x1x128xf32, #tpu.memory_space<vmem>> -> memref<1x10x1x128xf32, #tpu.memory_space<vmem>>
      %dma_wait3A_423 = tpu.memref_squeeze %dma_wait3A_422 : memref<1x10x1x128xf32, #tpu.memory_space<vmem>> -> memref<10x1x128xf32, #tpu.memory_space<vmem>>
      %dma_wait3A_424 = arith.constant 0 : i32
      %dma_wait3A_425 = arith.constant 0 : i32
      %dma_wait3A_426 = tpu.memref_slice %arg4[%add3A, %dma_wait3A_418, %shift_right_logical3A_374, %dma_wait3A_424, %and3A_376, %dma_wait3A_425] : memref<16x3x90x10x8x128xf32, #tpu.memory_space<hbm>> -> memref<1x1x1x10x1x128xf32, #tpu.memory_space<hbm>>
      %dma_wait3A_427 = tpu.memref_squeeze %dma_wait3A_426 : memref<1x1x1x10x1x128xf32, #tpu.memory_space<hbm>> -> memref<10x1x128xf32, #tpu.memory_space<hbm>>
      %dma_wait3A_428 = arith.constant 0 : i32
      %dma_wait3A_429 = arith.constant 0 : i32
      %dma_wait3A_430 = tpu.memref_slice %arg4[%add3A, %dma_wait3A_418, %shift_right_logical3A_374, %dma_wait3A_428, %and3A_376, %dma_wait3A_429] : memref<16x3x90x10x8x128xf32, #tpu.memory_space<hbm>> -> memref<1x1x1x10x1x128xf32, #tpu.memory_space<hbm>>
      %dma_wait3A_431 = tpu.memref_squeeze %dma_wait3A_430 : memref<1x1x1x10x1x128xf32, #tpu.memory_space<hbm>> -> memref<10x1x128xf32, #tpu.memory_space<hbm>>
      %dma_wait3A_432 = arith.constant 0 : i32
      %dma_wait3A_433 = arith.constant 0 : i32
      %dma_wait3A_434 = arith.constant 0 : i32
      %dma_wait3A_435 = tpu.memref_slice %arg11[%dma_wait3A_417, %dma_wait3A_432, %dma_wait3A_433, %dma_wait3A_434] : memref<2x10x1x128xf32, #tpu.memory_space<vmem>> -> memref<1x10x1x128xf32, #tpu.memory_space<vmem>>
      %dma_wait3A_436 = tpu.memref_squeeze %dma_wait3A_435 : memref<1x10x1x128xf32, #tpu.memory_space<vmem>> -> memref<10x1x128xf32, #tpu.memory_space<vmem>>
      tpu.wait_dma2 semaphore(%arg15 : memref<!tpu.dma_semaphore, #tpu.memory_space<semaphore_mem>>) src(%dma_wait3A_436 : memref<10x1x128xf32, #tpu.memory_space<vmem>>) dst(%dma_wait3A_431 : memref<10x1x128xf32, #tpu.memory_space<hbm>>)
      %add3A_437 = arith.constant 44 : i32
      %add3A_438 = arith.addi %mul3A_0, %add3A_437 : i32
      %shift_right_logical3A_439 = arith.constant 3 : i32
      %shift_right_logical3A_440 = arith.shrui %add3A_438, %shift_right_logical3A_439 : i32
      %and3A_441 = arith.constant 7 : i32
      %and3A_442 = arith.andi %add3A_438, %and3A_441 : i32
      %dma_wait3A_443 = arith.constant 0 : i32
      %dma_wait3A_444 = arith.constant 0 : i32
      %dma_wait3A_445 = arith.constant 0 : i32
      %dma_wait3A_446 = arith.constant 0 : i32
      %dma_wait3A_447 = arith.constant 0 : i32
      %dma_wait3A_448 = tpu.memref_slice %arg9[%dma_wait3A_443, %dma_wait3A_445, %dma_wait3A_446, %dma_wait3A_447] : memref<2x10x1x128xf32, #tpu.memory_space<vmem>> -> memref<1x10x1x128xf32, #tpu.memory_space<vmem>>
      %dma_wait3A_449 = tpu.memref_squeeze %dma_wait3A_448 : memref<1x10x1x128xf32, #tpu.memory_space<vmem>> -> memref<10x1x128xf32, #tpu.memory_space<vmem>>
      %dma_wait3A_450 = arith.constant 0 : i32
      %dma_wait3A_451 = arith.constant 0 : i32
      %dma_wait3A_452 = tpu.memref_slice %arg4[%add3A, %dma_wait3A_444, %shift_right_logical3A_440, %dma_wait3A_450, %and3A_442, %dma_wait3A_451] : memref<16x3x90x10x8x128xf32, #tpu.memory_space<hbm>> -> memref<1x1x1x10x1x128xf32, #tpu.memory_space<hbm>>
      %dma_wait3A_453 = tpu.memref_squeeze %dma_wait3A_452 : memref<1x1x1x10x1x128xf32, #tpu.memory_space<hbm>> -> memref<10x1x128xf32, #tpu.memory_space<hbm>>
      %dma_wait3A_454 = arith.constant 0 : i32
      %dma_wait3A_455 = arith.constant 0 : i32
      %dma_wait3A_456 = tpu.memref_slice %arg4[%add3A, %dma_wait3A_444, %shift_right_logical3A_440, %dma_wait3A_454, %and3A_442, %dma_wait3A_455] : memref<16x3x90x10x8x128xf32, #tpu.memory_space<hbm>> -> memref<1x1x1x10x1x128xf32, #tpu.memory_space<hbm>>
      %dma_wait3A_457 = tpu.memref_squeeze %dma_wait3A_456 : memref<1x1x1x10x1x128xf32, #tpu.memory_space<hbm>> -> memref<10x1x128xf32, #tpu.memory_space<hbm>>
      %dma_wait3A_458 = arith.constant 0 : i32
      %dma_wait3A_459 = arith.constant 0 : i32
      %dma_wait3A_460 = arith.constant 0 : i32
      %dma_wait3A_461 = tpu.memref_slice %arg9[%dma_wait3A_443, %dma_wait3A_458, %dma_wait3A_459, %dma_wait3A_460] : memref<2x10x1x128xf32, #tpu.memory_space<vmem>> -> memref<1x10x1x128xf32, #tpu.memory_space<vmem>>
      %dma_wait3A_462 = tpu.memref_squeeze %dma_wait3A_461 : memref<1x10x1x128xf32, #tpu.memory_space<vmem>> -> memref<10x1x128xf32, #tpu.memory_space<vmem>>
      tpu.wait_dma2 semaphore(%arg14 : memref<!tpu.dma_semaphore, #tpu.memory_space<semaphore_mem>>) src(%dma_wait3A_462 : memref<10x1x128xf32, #tpu.memory_space<vmem>>) dst(%dma_wait3A_457 : memref<10x1x128xf32, #tpu.memory_space<hbm>>)
      %dma_wait3A_463 = arith.constant 0 : i32
      %dma_wait3A_464 = arith.constant 1 : i32
      %dma_wait3A_465 = arith.constant 0 : i32
      %dma_wait3A_466 = arith.constant 0 : i32
      %dma_wait3A_467 = arith.constant 0 : i32
      %dma_wait3A_468 = tpu.memref_slice %arg10[%dma_wait3A_463, %dma_wait3A_465, %dma_wait3A_466, %dma_wait3A_467] : memref<2x10x1x128xf32, #tpu.memory_space<vmem>> -> memref<1x10x1x128xf32, #tpu.memory_space<vmem>>
      %dma_wait3A_469 = tpu.memref_squeeze %dma_wait3A_468 : memref<1x10x1x128xf32, #tpu.memory_space<vmem>> -> memref<10x1x128xf32, #tpu.memory_space<vmem>>
      %dma_wait3A_470 = arith.constant 0 : i32
      %dma_wait3A_471 = arith.constant 0 : i32
      %dma_wait3A_472 = tpu.memref_slice %arg4[%add3A, %dma_wait3A_464, %shift_right_logical3A_440, %dma_wait3A_470, %and3A_442, %dma_wait3A_471] : memref<16x3x90x10x8x128xf32, #tpu.memory_space<hbm>> -> memref<1x1x1x10x1x128xf32, #tpu.memory_space<hbm>>
      %dma_wait3A_473 = tpu.memref_squeeze %dma_wait3A_472 : memref<1x1x1x10x1x128xf32, #tpu.memory_space<hbm>> -> memref<10x1x128xf32, #tpu.memory_space<hbm>>
      %dma_wait3A_474 = arith.constant 0 : i32
      %dma_wait3A_475 = arith.constant 0 : i32
      %dma_wait3A_476 = tpu.memref_slice %arg4[%add3A, %dma_wait3A_464, %shift_right_logical3A_440, %dma_wait3A_474, %and3A_442, %dma_wait3A_475] : memref<16x3x90x10x8x128xf32, #tpu.memory_space<hbm>> -> memref<1x1x1x10x1x128xf32, #tpu.memory_space<hbm>>
      %dma_wait3A_477 = tpu.memref_squeeze %dma_wait3A_476 : memref<1x1x1x10x1x128xf32, #tpu.memory_space<hbm>> -> memref<10x1x128xf32, #tpu.memory_space<hbm>>
      %dma_wait3A_478 = arith.constant 0 : i32
      %dma_wait3A_479 = arith.constant 0 : i32
      %dma_wait3A_480 = arith.constant 0 : i32
      %dma_wait3A_481 = tpu.memref_slice %arg10[%dma_wait3A_463, %dma_wait3A_478, %dma_wait3A_479, %dma_wait3A_480] : memref<2x10x1x128xf32, #tpu.memory_space<vmem>> -> memref<1x10x1x128xf32, #tpu.memory_space<vmem>>
      %dma_wait3A_482 = tpu.memref_squeeze %dma_wait3A_481 : memref<1x10x1x128xf32, #tpu.memory_space<vmem>> -> memref<10x1x128xf32, #tpu.memory_space<vmem>>
      tpu.wait_dma2 semaphore(%arg14 : memref<!tpu.dma_semaphore, #tpu.memory_space<semaphore_mem>>) src(%dma_wait3A_482 : memref<10x1x128xf32, #tpu.memory_space<vmem>>) dst(%dma_wait3A_477 : memref<10x1x128xf32, #tpu.memory_space<hbm>>)
      %dma_wait3A_483 = arith.constant 0 : i32
      %dma_wait3A_484 = arith.constant 2 : i32
      %dma_wait3A_485 = arith.constant 0 : i32
      %dma_wait3A_486 = arith.constant 0 : i32
      %dma_wait3A_487 = arith.constant 0 : i32
      %dma_wait3A_488 = tpu.memref_slice %arg11[%dma_wait3A_483, %dma_wait3A_485, %dma_wait3A_486, %dma_wait3A_487] : memref<2x10x1x128xf32, #tpu.memory_space<vmem>> -> memref<1x10x1x128xf32, #tpu.memory_space<vmem>>
      %dma_wait3A_489 = tpu.memref_squeeze %dma_wait3A_488 : memref<1x10x1x128xf32, #tpu.memory_space<vmem>> -> memref<10x1x128xf32, #tpu.memory_space<vmem>>
      %dma_wait3A_490 = arith.constant 0 : i32
      %dma_wait3A_491 = arith.constant 0 : i32
      %dma_wait3A_492 = tpu.memref_slice %arg4[%add3A, %dma_wait3A_484, %shift_right_logical3A_440, %dma_wait3A_490, %and3A_442, %dma_wait3A_491] : memref<16x3x90x10x8x128xf32, #tpu.memory_space<hbm>> -> memref<1x1x1x10x1x128xf32, #tpu.memory_space<hbm>>
      %dma_wait3A_493 = tpu.memref_squeeze %dma_wait3A_492 : memref<1x1x1x10x1x128xf32, #tpu.memory_space<hbm>> -> memref<10x1x128xf32, #tpu.memory_space<hbm>>
      %dma_wait3A_494 = arith.constant 0 : i32
      %dma_wait3A_495 = arith.constant 0 : i32
      %dma_wait3A_496 = tpu.memref_slice %arg4[%add3A, %dma_wait3A_484, %shift_right_logical3A_440, %dma_wait3A_494, %and3A_442, %dma_wait3A_495] : memref<16x3x90x10x8x128xf32, #tpu.memory_space<hbm>> -> memref<1x1x1x10x1x128xf32, #tpu.memory_space<hbm>>
      %dma_wait3A_497 = tpu.memref_squeeze %dma_wait3A_496 : memref<1x1x1x10x1x128xf32, #tpu.memory_space<hbm>> -> memref<10x1x128xf32, #tpu.memory_space<hbm>>
      %dma_wait3A_498 = arith.constant 0 : i32
      %dma_wait3A_499 = arith.constant 0 : i32
      %dma_wait3A_500 = arith.constant 0 : i32
      %dma_wait3A_501 = tpu.memref_slice %arg11[%dma_wait3A_483, %dma_wait3A_498, %dma_wait3A_499, %dma_wait3A_500] : memref<2x10x1x128xf32, #tpu.memory_space<vmem>> -> memref<1x10x1x128xf32, #tpu.memory_space<vmem>>
      %dma_wait3A_502 = tpu.memref_squeeze %dma_wait3A_501 : memref<1x10x1x128xf32, #tpu.memory_space<vmem>> -> memref<10x1x128xf32, #tpu.memory_space<vmem>>
      tpu.wait_dma2 semaphore(%arg14 : memref<!tpu.dma_semaphore, #tpu.memory_space<semaphore_mem>>) src(%dma_wait3A_502 : memref<10x1x128xf32, #tpu.memory_space<vmem>>) dst(%dma_wait3A_497 : memref<10x1x128xf32, #tpu.memory_space<hbm>>)
      %scan3A_503 = arith.constant 0 : i32
      scf.yield %scan3A_503 : i32
    }
    %scan3A_20 = arith.constant 8 : i32
    return
  }
}

</mosaic_0001>

<sc_bundles>
// kernel: _e2img.3.cloned.1.call-start
scs
__scs_entry_jumppad:
0x0: {  	(pc) =	sbr.rel $0x88, $3  }
0x1: {  	(tag) =	ssettag $0x0;
	lr =	simm.s32 $0x1  }
0x2: {  	[smem:$0x3F9F] =	sst lr;
	_ =	strace $0xD0000000  }
0x3: {  	_ = 	snop  }
0x4: {  	_ = 	snop  }
0x5: {  	_ = 	snop  }
0x6: {  	_ = 	snop  }
0x7: {  	_ = 	snop  }
__scs_overlays_trampoline_lowered:
0x8: {  	[smem:$0x3FAE] =	sst s0  }
0x9: {  	[smem:$0x3FAF] =	sst s1  }
0xa: {  	[smem:$0x3FB0] =	sst s2  }
0xb: {  	[smem:$0x3FB1] =	sst s3  }
0xc: {  	[smem:$0x3FB2] =	sst s4  }
0xd: {  	[smem:$0x3FB3] =	sst s5  }
0xe: {  	[smem:$0x3FB4] =	sst s6  }
0xf: {  	[smem:$0x3FB5] =	sst s7  }
0x10: {  	[smem:$0x3FB6] =	sst s8  }
0x11: {  	[smem:$0x3FB7] =	sst s9;
	s0 =	simm.s32 @!p0 $0x0  }
0x12: {  	s1 =	sld [smem:$0x3F9D];
	s0 =	simm.s32 @p0 $0x1  }
0x13: {  	[smem:$0x3FB8] =	sst s0;
	s0 =	simm.s32 @!p1 $0x0  }
0x14: {  	s2 =	sld [smem:$0x3F9C];
	s0 =	simm.s32 @p1 $0x1  }
0x15: {  	[smem:$0x3FB9] =	sst s0;
	s0 =	simm.s32 @!p2 $0x0  }
0x16: {  	s3 =	sld [smem:$0x3FDB];
	s0 =	simm.s32 @p2 $0x1  }
0x17: {  	s4 =	simm.s32 $0x1BF5;
	[smem:$0x3FBB] =	sst s0  }
0x18: {  	s0 =	sld [smem:$0x3F9E];
	_ =	swait.ge [sflag:s4], $0x0  }
0x19: {  	s7 =	sld [smem:$0x3F9F]  }
0x1a: {  	s8 =	sadd.s32 $0xFFFFE003, lr  }
0x1b: {  	s9 =	sadd.s32 $0xFFFFFEF7, lr;
	s5 =	simm.s32 $0xFFFFFFFF;
	p2 =	slt.u32 s8, $0xFFFFF086  }
0x1c: {  	p1 =	slt.u32 s9, $0xF7A;
	s5 =	simm.s32 @!p2 $0x0  }
0x1d: {  	s5 =	simm.s32 @p1 $0x1;
	p0 =	seq.s32 s7, s2  }
0x1e: {  	s7 =	smul.u32 @!p0 $0xF7A, s2;
	p2 =	seq.s32 @!p0 s5, $0x0  }
0x1f: {  	s9 =	smul.u32 $0xF7A, s1;
	s8 =	simm.s32 @!p0 $0x1BF5;
	p2 =	por !p2, p0  }
0x20: {  	[sflag:s8] =	ssyncset.s32 @!p0 $0xFFFFF086;
	s6 =	sadd.s32 @!p0 s3, s7;
	s7 =	simm.s32 @!p0 $0x108  }
0x21: {  	s3 =	sadd.s32 s3, s9;
	s6 =	sadd.s32 @!p0 $0x88, s6;
	s7 =	simm.s32 @p2 $0x1082  }
0x22: {  	[simem:s7], [sflag:s8] =	dma.local @!p0 [hbm:s6], $0xF7A  }
0x23: {  	s9 =	sor.u32 $0xD0000000, s2;
	s6 =	simm.s32 $0x108;
	_ =	swait.ge @!p0 [sflag:s8], $0x0  }
0x24: {  	s3 =	sadd.s32 $0x88, s3;
	s6 =	simm.s32 @!p1 $0x1082;
	[sflag:s4] =	ssyncset.s32 $0xFFFFF086  }
0x25: {  	[simem:s6], [sflag:s4] =	dma.local [hbm:s3], $0xF7A  }
0x26: {  	[smem:$0x3F9F] =	sst s1;
	(tag) =	ssettag s2;
	_ =	strace s9  }
0x27: {  	s1 =	sld [smem:$0x3FAF]  }
0x28: {  	s2 =	sld [smem:$0x3FB0]  }
0x29: {  	s4 =	sld [smem:$0x3FB2]  }
0x2a: {  	p0 =	seq.s32 s5, $0x0;
	s5 =	sld [smem:$0x3FB3]  }
0x2b: {  	s6 =	sld [smem:$0x3FB4]  }
0x2c: {  	s7 =	sld [smem:$0x3FB5]  }
0x2d: {  	s3 =	simm.s32 $0x108;
	s8 =	sld [smem:$0x3FB6]  }
0x2e: {  	s3 =	simm.s32 @!p0 $0x1082;
	s9 =	sld [smem:$0x3FB7]  }
0x2f: {  	lr =	sadd.s32 s0, s3;
	s0 =	sld [smem:$0x3FAE]  }
0x30: {  	s3 =	sld [smem:$0x3FB1]  }
0x31: {  	[smem:$0x3FBA] =	sst s10  }
0x32: {  	s10 =	sld [smem:$0x3FB8];
	_ =	sdelay $0x3  }
0x33: {  	p0 =	seq.s32 s10, $0x1;
	s10 =	sld [smem:$0x3FBA];
	_ =	sdelay $0x3  }
0x34: {  	[smem:$0x3FBA] =	sst s10  }
0x35: {  	s10 =	sld [smem:$0x3FB9];
	_ =	sdelay $0x3  }
0x36: {  	p1 =	seq.s32 s10, $0x1;
	s10 =	sld [smem:$0x3FBA];
	_ =	sdelay $0x3  }
0x37: {  	[smem:$0x3FBA] =	sst s10  }
0x38: {  	s10 =	sld [smem:$0x3FBB]  }
0x39: {  	_ = 	snop;
	(pc) =	sbr.ind lr, $3  }
0x3a: {  	_ = 	snop  }
0x3b: {  	_ = 	snop  }
0x3c: {  	p2 =	seq.s32 s10, $0x1;
	s10 =	sld [smem:$0x3FBA]  }
0x3d: {  	_ =	shalt  }
0x3e: {  	_ =	shalt  }
0x3f: {  	_ =	shalt  }
0x40: {  	_ =	shalt  }
0x41: {  	_ =	shalt  }
0x42: {  	_ =	shalt  }
0x43: {  	_ =	shalt  }
0x44: {  	_ =	shalt  }
0x45: {  	_ =	shalt  }
0x46: {  	_ =	shalt  }
0x47: {  	_ =	shalt  }
0x48: {  	_ =	shalt  }
0x49: {  	_ =	shalt  }
0x4a: {  	_ =	shalt  }
0x4b: {  	_ =	shalt  }
0x4c: {  	_ =	shalt  }
0x4d: {  	_ =	shalt  }
0x4e: {  	_ =	shalt  }
0x4f: {  	_ =	shalt  }
0x50: {  	_ =	shalt  }
0x51: {  	_ =	shalt  }
0x52: {  	_ =	shalt  }
0x53: {  	_ =	shalt  }
0x54: {  	_ =	shalt  }
0x55: {  	_ =	shalt  }
0x56: {  	_ =	shalt  }
0x57: {  	_ =	shalt  }
0x58: {  	_ =	shalt  }
0x59: {  	_ =	shalt  }
0x5a: {  	_ =	shalt  }
0x5b: {  	_ =	shalt  }
0x5c: {  	_ =	shalt  }
0x5d: {  	_ =	shalt  }
0x5e: {  	_ =	shalt  }
0x5f: {  	_ =	shalt  }
0x60: {  	_ =	shalt  }
0x61: {  	_ =	shalt  }
0x62: {  	_ =	shalt  }
0x63: {  	_ =	shalt  }
0x64: {  	_ =	shalt  }
0x65: {  	_ =	shalt  }
0x66: {  	_ =	shalt  }
0x67: {  	_ =	shalt  }
0x68: {  	_ =	shalt  }
0x69: {  	_ =	shalt  }
0x6a: {  	_ =	shalt  }
0x6b: {  	_ =	shalt  }
0x6c: {  	_ =	shalt  }
0x6d: {  	_ =	shalt  }
0x6e: {  	_ =	shalt  }
0x6f: {  	_ =	shalt  }
0x70: {  	_ =	shalt  }
0x71: {  	_ =	shalt  }
0x72: {  	_ =	shalt  }
0x73: {  	_ =	shalt  }
0x74: {  	_ =	shalt  }
0x75: {  	_ =	shalt  }
0x76: {  	_ =	shalt  }
0x77: {  	_ =	shalt  }
0x78: {  	_ =	shalt  }
0x79: {  	_ =	shalt  }
0x7a: {  	_ =	shalt  }
0x7b: {  	_ =	shalt  }
0x7c: {  	_ =	shalt  }
0x7d: {  	_ =	shalt  }
0x7e: {  	_ =	shalt  }
0x7f: {  	_ =	shalt  }
0x80: {  	_ =	shalt  }
0x81: {  	_ =	shalt  }
0x82: {  	_ =	shalt  }
0x83: {  	_ =	shalt  }
0x84: {  	_ =	shalt  }
0x85: {  	_ =	shalt  }
0x86: {  	_ =	shalt  }
0x87: {  	_ =	shalt  }
.Lfunc_end0:
.L_simem_size_0:
called_computation_lowered:
.L_overlay_start_0:
0x88: {  	s2 =	sld [smem:$0x3FD9]  }
0x89: {  	s3 =	sld [smem:$0x3FFE];
	_ =	sdelay $0x1  }
0x8a: {  	s1 =	srdreg.scid  }
0x8b: {  	s0 =	sand.u32 $0x1, s1  }
0x8c: {  	s18 =	sshll.u32 s0, $0xA;
	s2 =	sadd.s32 s3, s2  }
0x8d: {  	s2 =	sadd.s32 s2, s18  }
0x8e: {  	[smem:$0x3FC6] =	sst s2  }
0x8f: {  	_ = 	snop  }
0x90: {  	s2 =	sld [smem:$0x3FC9]  }
0x91: {  	s19 =	sld [smem:$0x3FC8]  }
0x92: {  	s4 =	sld [smem:$0x3FD0];
	(tm) =	ssettm $0x1  }
0x93: {  	s5 =	sld [smem:$0x3FFB];
	_ =	sdelay $0x3  }
0x94: {  	_ =	strace s5  }
0x95: {  	s5 =	sld [smem:$0x3FFC];
	_ =	sdelay $0x3  }
0x96: {  	_ =	strace s5  }
0x97: {  	s5 =	sld [smem:$0x3FFD];
	_ =	sdelay $0x3  }
0x98: {  	_ =	strace s5  }
0x99: {  	_ =	strace $0x8FFFFFFF  }
0x9a: {  	s20 =	sld [smem:$0x3FDB];
	_ =	sdelay $0x1  }
0x9b: {  	s6 =	simm.s32 $_scs_section_size  }
0x9c: {  	s7 =	simm.s32 $_size__tile_overlayer_lowered;
	s8 =	simm.s32 $_tile_overlayer_lowered  }
0x9d: {  	s23 =	simm.s32 $0x1BFF;
	s22 =	sshll.u32 s8, $0x1;
	s5 =	sadd.s32 s6, s20  }
0x9e: {  	s9 =	simm.s32 $0x0;
	s21 =	sshll.u32 s7, $0x1;
	s7 =	sadd.s32 s22, s5  }
0x9f: {  	[timem:s9], [sflag:s23] =	dma.local [hbm:s7], s21  }
0xa0: {  	_ =	swait.ge [sflag:s23], s21  }
0xa1: {  	s6 =	ssub.s32 $0x0, s21;
	[sflag:s23] =	ssyncset.done $0x0  }
0xa2: {  	[sflag:s23] =	ssyncadd.s32 s6;
	_ =	sdelay $0x1  }
0xa3: {  	s24 =	simm.s32 $0x1B8B  }
0xa4: {  	_ =	swait.ge [sflag:s24], $0x1  }
0xa5: {  	[sflag:s24] =	ssyncset.done $0x0  }
0xa6: {  	s25 =	simm.s32 $0x1B8E;
	[sflag:s24] =	ssyncadd.s32 $0xFFFFFFFF  }
0xa7: {  	s26 =	simm.s32 $execute0_lowered;
	[smem:$0x3FD2] =	sst s25  }
0xa8: {  	s6 =	sshll.u32 s26, $0x1;
	_ =	strace $0x80000046;
	[dreg:$0x1] =	wrdreg $0xFFFFFFFF  }
0xa9: {  	s28 =	simm.s32 $_size_execute0_lowered;
	s5 =	sadd.s32 s5, s6;
	[dreg:$0x0] =	wrdreg $0x0  }
0xaa: {  	s6 =	sshll.u32 s28, $0x1;
	[dreg:$0x2] =	wrdreg s5  }
0xab: {  	[dreg:$0x3] =	wrdreg s6  }
0xac: {  	[dreg:$0x4] =	wrdreg $0xC0  }
0xad: {  	_ =	task [dreg:s9], $0x5FFFF  }
0xae: {  	[dreg:$0x1] =	wrdreg $0xFFFFFFFF  }
0xaf: {  	[dreg:$0x0] =	wrdreg $0x60  }
0xb0: {  	[dreg:$0x2] =	wrdreg s2  }
0xb1: {  	[dreg:$0x3] =	wrdreg s19  }
0xb2: {  	[dreg:$0x4] =	wrdreg s4  }
0xb3: {  	[dreg:$0x5] =	wrdreg $0x9  }
0xb4: {  	_ =	task.clear_ibuf [dreg:s9], $0x6FFFF;
	_ =	strace $0x90000046  }
0xb5: {  	s29 =	simm.s32 $0x9;
	_ =	strace $0x80000048  }
0xb6: {  	_ =	swait.ge [sflag:s29], $0x1  }
0xb7: {  	[sflag:s29] =	ssyncadd.s32 $0xFFFFFFFF  }
0xb8: {  	_ =	strace $0x90000048  }
0xb9: {  	_ =	sfence  }
0xba: {  	s30 =	sld [smem:$0x0];
	_ =	sdelay $0x2  }
0xbb: {  	s31 =	sshll.u32 s1, $0xD;
	s1 =	sshrl.u32 s1, $0x2  }
0xbc: {  	s3 =	sand.u32 $0x4000, s31;
	s1 =	sadd.s32 s1, s30  }
0xbd: {  	s0 =	sor.u32 s3, s0;
	s1 =	sshll.u32 s1, $0x11  }
0xbe: {  	s0 =	sor.u32 s1, s0  }
0xbf: {  	s0 =	sadd.s32 $0x8F2B, s0  }
0xc0: {  	[sflag:s0] =	ssyncadd.remote.s32 $0x1  }
0xc1: {  	_ =	sfence.sel $0xFFFF  }
0xc2: {  	[dreg:$0x0] =	wrdreg $0xFFFFFFFF;
	(pc) =	sbr.abs _section_cstart, $3  }
0xc3: {  	[dreg:$0x1] =	wrdreg $0xFFFFFFFF  }
0xc4: {  	_ =	task.clear_ibuf [dreg:s9], $0x2FFFF;
	_ =	strace $0x9FFFFFFF  }
0xc5: {  	(tm) =	ssettm $0x7FFFFFFF  }
tec
execute0_lowered:
.L_overlay_start_1:
0x0: {  	(tag) =	ssettag $0x1  }
0x1: {  	s2 =	rddreg [dreg:$0x0]  }
0x2: {  	s0 =	rddreg [dreg:$0x1]  }
0x3: {  	s1 =	stileid.u32;
	s3 =	rddreg [dreg:$0x2]  }
0x4: {  	s26 =	srdreg.scid;
	s5 =	simm.s32 $0x0;
	s12 =	simm.s32 $0xE100  }
0x5: {  	s13 =	simm.s32 $0x10100;
	s14 =	simm.s32 $0x1;
	s15 =	simm.s32 $0x2  }
0x6: {  	s16 =	simm.s32 $0x80;
	s17 =	simm.s32 $0x400;
	s20 =	simm.s32 $0x12200  }
0x7: {  	s4 =	smul.u32 $0x2D, s1;
	s1 =	sand.u32 $0x1, s26;
	[smem:$0x7FF] =	sst s5  }
0x8: {  	s7 =	ssub.s32 $0x2, s1;
	_ =	strace $0x80000047;
	s28 =	sshll.u32 s1, $0x3  }
0x9: {  	s1 =	sshll.u32 s1, $0x8;
	s6 =	sadd.s32 $0x2C, s4;
	s9 =	sshrl.u32 s7, $0x1  }
0xa: {  	[dreg:$0x4] =	wrdreg s28;
	s0 =	sadd.s32 s0, s1;
	s8 =	sshrl.u32 s6, $0x3  }
0xb: {  	s6 =	sshll.u32 s6, $0x7;
	s7 =	ssub.s32 s7, s9;
	s8 =	smul.u32 $0x2800, s8  }
0xc: {  	[dreg:$0x6] =	wrdreg s0;
	s6 =	sand.u32 $0x380, s6;
	s31 =	smax.u32 s7, $0x1  }
0xd: {  	v0 =	vlaneseq.u32;
	s21 =	simm.s32 $0x12C00;
	[dreg:$0x9] =	wrdreg s31;
	s6 =	sor.u32 s6, s8  }
0xe: {  	s22 =	simm.s32 $0x13600;
	v3 =	vimm.s32 $0xFFFFFFFF;
	v2 =	vmul.u32 $0x2, v0;
	s29 =	sadd.s32 $0xE1000, s6;
	[dreg:$0x5] =	wrdreg s6  }
0xf: {  	vm0 =	vmxor vm0, vm0;
	v4 =	vimm.f32 $0.0e+00;
	s24 =	simm.s32 $0x13100;
	v7 =	vimm.f32 $2.550000000e+02;
	s30 =	sadd.s32 $0x1C2000, s6;
	[dreg:$0x7] =	wrdreg s29  }
0x10: {  	s25 =	simm.s32 $0x13B00;
	v1 =	vmov s4;
	v5 =	vor.u32 $0x60000, v2;
	v6 =	vor.u32 $0x61000, v2;
	s1 =	simm.s32 $0x0;
	[dreg:$0x8] =	wrdreg s30  }
.LBB2_1:
0x11: {  	[dreg:$0xa] =	wrdreg s1;
	s0 =	simm.s32 $0x0;
	s1 =	simm.s32 $0x200  }
.LBB2_2:
0x12: {  	p0 =	sne.s32 s1, $0x38200;
	[tilespmem:s0+$0x70] =	vst v3  }
0x13: {  	[tilespmem:s0+$0x0] =	vst v3  }
0x14: {  	[tilespmem:s0+$0x10] =	vst v3  }
.Ltmp0:
0x15: {  	[tilespmem:s0+$0x20] =	vst v3;
	(pc) =	sbr.rel @p0 .LBB2_2-.Ltmp0, $4  }
0x16: {  	[tilespmem:s0+$0x30] =	vst v3  }
0x17: {  	[tilespmem:s0+$0x40] =	vst v3  }
0x18: {  	[tilespmem:s0+$0x50] =	vst v3  }
0x19: {  	[tilespmem:s0+$0x60] =	vst v3;
	s0 =	sshra.s32 s1, $0x2;
	s1 =	sadd.s32 $0x200, s1  }
0x1a: {  	[tilespmem:s0+$0x70] =	vst v3  }
0x1b: {  	[tilespmem:s0+$0x0] =	vst v3  }
0x1c: {  	[tilespmem:s0+$0x10] =	vst v3  }
0x1d: {  	[tilespmem:s0+$0x20] =	vst v3  }
0x1e: {  	[tilespmem:s0+$0x30] =	vst v3  }
0x1f: {  	[tilespmem:s0+$0x40] =	vst v3  }
0x20: {  	[tilespmem:s0+$0x50] =	vst v3  }
0x21: {  	[tilespmem:s0+$0x60] =	vst v3;
	s1 =	simm.s32 $0x0  }
.LBB2_4:
0x22: {  	s0 =	rddreg [dreg:$0x4]  }
0x23: {  	s0 =	sadd.s32 s0, s1  }
0x24: {  	[dreg:$0xb] =	wrdreg s1;
	s1 =	smul.u32 $0xC3600, s0  }
0x25: {  	_ = 	snop  }
0x26: {  	[dreg:$0xc] =	wrdreg s0;
	s0 =	sshrl.u32 s1, $0x3  }
0x27: {  	s31 =	simm.s32 $0x0;
	s6 =	sadd.s32 s2, s0  }
0x28: {  	[tilespmem:s12], [sflag:$0x1] =	stream.linear.gather [hbm4b:s6+s31], $0x2000, $0x38;
	[tilespmem:$0x14000] =	vst v63  }
0x29: {  	[dreg:$0xd] =	wrdreg s6;
	s6 =	sadd.s32 $0x400, s6  }
0x2a: {  	[tilespmem:s13], [sflag:$0x2] =	stream.linear.gather [hbm4b:s6+s31], $0x2000, $0x38;
	[tilespmem:$0x14000] =	vst v63  }
0x2b: {  	s11 =	sadd.s32 $0x4000, s1;
	s29 =	sadd.s32 $0x6000, s1;
	s6 =	simm.s32 $0x0  }
.LBB2_5:
0x2c: {  	p0 =	por $0x0, $0x0;
	s7 =	simm.s32 $0x1  }
0x2d: {  	s7 =	simm.s32 @!p0 $0x0  }
0x2e: {  	_ =	swait.ge [sflag:s14], $0x2000;
	s7 =	sshll.u32 s7, $0x6  }
0x2f: {  	[sflag:s14] =	ssyncset.done $0x0;
	s18 =	sadd.s32 $0x0, s7  }
0x30: {  	s10 =	simm.s32 $0x0;
	[sflag:s14] =	ssyncadd.s32 $0xFFFFE000;
	s7 =	sor.u32 $0x100, s18  }
0x31: {  	s19 =	simm.s32 $0x0;
	s28 =	sand.u32 $0x1E00, s10;
	v9 =	vld [tilespmem:s7+$0xE100]  }
0x32: {  	s19 =	sand.u32 $0x40, s19;
	s7 =	sor.u32 $0xE100, s28  }
0x33: {  	s19 =	sor.u32 s19, s7  }
0x34: {  	v10 =	vld [tilespmem:s19+$0x80];
	_ =	sdelay $0x1  }
0x35: {  	v9 =	vtrunc.f32 v9  }
0x36: {  	s18 =	sor.u32 $0x180, s18;
	v9 =	vcvt.f32.s32 v9  }
0x37: {  	v11 =	vld [tilespmem:s18+$0xE100]  }
0x38: {  	v10 =	vtrunc.f32 v10;
	v9 =	vsub.s32 v9, v1  }
0x39: {  	v10 =	vcvt.f32.s32 v10;
	v12 =	vmul.u32 $0x500, v9  }
0x3a: {  	vm1 =	vlt.u32 v9, $0x2D  }
0x3b: {  	v9 =	vadd.s32 v10, v12  }
0x3c: {  	s9 =	sshll.u32 s6, $0xD;
	s31 =	sand.u32 $0x7, s10;
	v10 =	vtrunc.f32 v11  }
0x3d: {  	s0 =	simm.s32 $0x0;
	v8 =	vor.u32 s9, v2;
	s18 =	sshll.u32 s31, $0x4;
	v10 =	vcvt.f32.s32 v10  }
0x3e: {  	s18 =	sadd.s32 $0x0, s18;
	v11 =	vor.u32 s0, v8  }
0x3f: {  	s23 =	sadd.s32 $0x10, s18;
	v10 =	vadd.s32 v10, v11  }
0x40: {  	s28 =	sor.u32 $0x100, s23;
	[tilespmem:v9+s5+$0x0] =	vst.idx.msk vm1, v10  }
0x41: {  	s30 =	simm.s32 $0x10;
	v11 =	vld [tilespmem:s28+$0xE100]  }
0x42: {  	s28 =	sand.u32 $0x50, s30  }
0x43: {  	s28 =	sor.u32 s28, s7  }
0x44: {  	v49 =	vld [tilespmem:s28+$0x80];
	_ =	sdelay $0x1  }
0x45: {  	v11 =	vtrunc.f32 v11  }
0x46: {  	s19 =	sor.u32 $0x180, s23;
	v11 =	vcvt.f32.s32 v11  }
0x47: {  	v13 =	vld [tilespmem:s19+$0xE100]  }
0x48: {  	v12 =	vtrunc.f32 v49;
	v11 =	vsub.s32 v11, v1  }
0x49: {  	v12 =	vcvt.f32.s32 v12;
	v14 =	vmul.u32 $0x500, v11  }
0x4a: {  	vm2 =	vlt.u32 v11, $0x2D  }
0x4b: {  	v11 =	vadd.s32 v12, v14  }
0x4c: {  	s26 =	sand.u32 $0x3, s10;
	v50 =	vtrunc.f32 v13  }
0x4d: {  	s19 =	sshll.u32 s26, $0x5;
	s28 =	simm.s32 $0x20;
	v12 =	vcvt.f32.s32 v50  }
0x4e: {  	s19 =	sadd.s32 $0x0, s19;
	v51 =	vor.u32 s28, v8  }
0x4f: {  	s19 =	sadd.s32 $0x20, s19;
	v12 =	vadd.s32 v12, v51  }
0x50: {  	v9 =	vld.idx.msk [tilespmem:v9+s5+$0x0], vm1;
	s28 =	sor.u32 $0x100, s19;
	[tilespmem:v11+s5+$0x0] =	vst.idx.msk vm2, v12  }
0x51: {  	s30 =	simm.s32 $0x20;
	v52 =	vld [tilespmem:s28+$0xE100]  }
0x52: {  	s28 =	sand.u32 $0x60, s30  }
0x53: {  	s28 =	sor.u32 s28, s7  }
0x54: {  	v53 =	vld [tilespmem:s28+$0x80];
	_ =	sdelay $0x1  }
0x55: {  	v13 =	vtrunc.f32 v52  }
0x56: {  	s19 =	sor.u32 $0x180, s19;
	v13 =	vcvt.f32.s32 v13  }
0x57: {  	v15 =	vld [tilespmem:s19+$0xE100]  }
0x58: {  	v14 =	vtrunc.f32 v53;
	v13 =	vsub.s32 v13, v1  }
0x59: {  	v14 =	vcvt.f32.s32 v14;
	v16 =	vmul.u32 $0x500, v13  }
0x5a: {  	vm3 =	vlt.u32 v13, $0x2D  }
0x5b: {  	v54 =	vadd.s32 v14, v16  }
0x5c: {  	v55 =	vtrunc.f32 v15  }
0x5d: {  	s31 =	simm.s32 $0x40;
	v14 =	vcvt.f32.s32 v55  }
0x5e: {  	v56 =	vor.u32 s31, v8  }
0x5f: {  	s18 =	sadd.s32 $0x30, s18;
	v14 =	vadd.s32 v14, v56  }
0x60: {  	s0 =	sor.u32 $0x100, s18;
	v11 =	vld.idx.msk [tilespmem:v11+s5+$0x0], vm2;
	[tilespmem:v54+s5+$0x0] =	vst.idx.msk vm3, v14  }
0x61: {  	s1 =	simm.s32 $0x30;
	v57 =	vld [tilespmem:s0+$0xE100]  }
0x62: {  	s1 =	sand.u32 $0x70, s1  }
0x63: {  	s1 =	sor.u32 s1, s7  }
0x64: {  	v58 =	vld [tilespmem:s1+$0x80];
	_ =	sdelay $0x1  }
0x65: {  	v15 =	vtrunc.f32 v57  }
0x66: {  	s18 =	sor.u32 $0x180, s18;
	v15 =	vcvt.f32.s32 v15  }
0x67: {  	v17 =	vld [tilespmem:s18+$0xE100]  }
0x68: {  	v16 =	vtrunc.f32 v58;
	v15 =	vsub.s32 v15, v1  }
0x69: {  	v16 =	vcvt.f32.s32 v16;
	v18 =	vmul.u32 $0x500, v15  }
0x6a: {  	vm4 =	vlt.u32 v15, $0x2D  }
0x6b: {  	v59 =	vadd.s32 v16, v18  }
0x6c: {  	p0 =	por !p0, !p0;
	s1 =	simm.s32 $0x1;
	v60 =	vtrunc.f32 v17  }
0x6d: {  	s8 =	simm.s32 $0x60;
	s1 =	simm.s32 @!p0 $0x0;
	v16 =	vcvt.f32.s32 v60  }
0x6e: {  	v61 =	vor.u32 s8, v8;
	s1 =	sshll.u32 s1, $0x6  }
0x6f: {  	s1 =	sadd.s32 $0x100, s1;
	v16 =	vadd.s32 v16, v61  }
0x70: {  	s30 =	simm.s32 $0x100;
	v13 =	vld.idx.msk [tilespmem:v54+s5+$0x0], vm3;
	s19 =	sor.u32 $0x100, s1;
	[tilespmem:v59+s5+$0x0] =	vst.idx.msk vm4, v16  }
0x71: {  	s23 =	simm.s32 $0x40;
	s26 =	sand.u32 $0x1E00, s30;
	v62 =	vld [tilespmem:s19+$0xE100]  }
0x72: {  	s31 =	sand.u32 $0x40, s23;
	s19 =	sor.u32 $0xE100, s26;
	v15 =	vld.idx.msk [tilespmem:v59+s5+$0x0], vm4  }
0x73: {  	vm5 =	vlt.s32 v9, v10;
	s7 =	sor.u32 s31, s19  }
0x74: {  	vm1 =	vmand vm1, vm5;
	vm5 =	vlt.s32 v11, v12;
	v63 =	vld [tilespmem:s7+$0x80]  }
0x75: {  	vm2 =	vmand vm2, vm5;
	vm5 =	vlt.s32 v13, v14  }
0x76: {  	vm1 =	vmor vm1, vm2;
	vm3 =	vmand vm3, vm5;
	v9 =	vtrunc.f32 v62  }
0x77: {  	vm2 =	vmor vm1, vm3;
	vm1 =	vlt.s32 v15, v16;
	v10 =	vcvt.f32.s32 v9  }
0x78: {  	s1 =	sor.u32 $0x180, s1;
	vm3 =	vmand vm4, vm1  }
0x79: {  	s28 =	simm.s32 $0x2;
	s18 =	simm.s32 $0x200;
	s7 =	simm.s32 $0x70;
	v9 =	vld [tilespmem:s1+$0xE100];
	vm1 =	vmmov vm0;
	v11 =	vtrunc.f32 v63;
	v10 =	vsub.s32 v10, v1  }
.LBB2_6:
0x7a: {  	s8 =	sadd.s32 $0x80, s8  }
0x7b: {  	v12 =	vmul.u32 $0x500, v10;
	v11 =	vcvt.f32.s32 v11;
	vm3 =	vmor vm2, vm3;
	s10 =	sadd.s32 $0x4, s10;
	s0 =	smov.u32 s18;
	s1 =	sadd.s32 $0x100, s18  }
0x7c: {  	p1 =	seq.s32 s18, $0x1F00;
	vm2 =	vlt.u32 v10, $0x2D;
	vm1 =	vmor vm1, vm3  }
0x7d: {  	v10 =	vadd.s32 v11, v12  }
0x7e: {  	s18 =	sand.u32 $0x7, s10;
	v9 =	vtrunc.f32 v9  }
0x7f: {  	s26 =	sadd.s32 $0xFFFFFFA0, s8;
	s18 =	sshll.u32 s18, $0x4;
	v9 =	vcvt.f32.s32 v9  }
0x80: {  	v11 =	vor.u32 s26, v8;
	s18 =	sadd.s32 s30, s18  }
0x81: {  	s26 =	sadd.s32 $0x10, s18;
	v9 =	vadd.s32 v9, v11  }
0x82: {  	s31 =	sor.u32 $0x100, s26;
	[tilespmem:v10+s5+$0x0] =	vst.idx.msk vm2, v9  }
0x83: {  	s23 =	sadd.s32 $0xFFFFFFE0, s7;
	v11 =	vld [tilespmem:s31+$0xE100]  }
0x84: {  	s23 =	sand.u32 $0x50, s23  }
0x85: {  	s23 =	sor.u32 s23, s19  }
0x86: {  	v12 =	vld [tilespmem:s23+$0x80];
	_ =	sdelay $0x1  }
0x87: {  	v11 =	vtrunc.f32 v11  }
0x88: {  	s23 =	sor.u32 $0x180, s26;
	v11 =	vcvt.f32.s32 v11  }
0x89: {  	v13 =	vld [tilespmem:s23+$0xE100]  }
0x8a: {  	v11 =	vsub.s32 v11, v1;
	v12 =	vtrunc.f32 v12  }
0x8b: {  	v14 =	vmul.u32 $0x500, v11;
	v12 =	vcvt.f32.s32 v12  }
0x8c: {  	vm3 =	vlt.u32 v11, $0x2D  }
0x8d: {  	v11 =	vadd.s32 v12, v14  }
0x8e: {  	s23 =	sand.u32 $0x3, s28;
	v12 =	vtrunc.f32 v13  }
0x8f: {  	s26 =	sadd.s32 $0xFFFFFFC0, s8;
	s23 =	sshll.u32 s23, $0x5;
	v12 =	vcvt.f32.s32 v12  }
0x90: {  	s23 =	sadd.s32 s30, s23;
	s30 =	smov.u32 s0;
	v13 =	vor.u32 s26, v8  }
0x91: {  	s0 =	sadd.s32 $0x20, s23;
	v10 =	vld.idx.msk [tilespmem:v10+s5+$0x0], vm2;
	v12 =	vadd.s32 v12, v13  }
0x92: {  	s23 =	sor.u32 $0x100, s0;
	[tilespmem:v11+s5+$0x0] =	vst.idx.msk vm3, v12  }
0x93: {  	s26 =	sadd.s32 $0xFFFFFFF0, s7;
	v13 =	vld [tilespmem:s23+$0xE100]  }
0x94: {  	s23 =	sand.u32 $0x60, s26;
	v11 =	vld.idx.msk [tilespmem:v11+s5+$0x0], vm3  }
0x95: {  	s23 =	sor.u32 s23, s19  }
0x96: {  	v14 =	vld [tilespmem:s23+$0x80]  }
0x97: {  	vm4 =	vlt.s32 v10, v9  }
0x98: {  	vm2 =	vmand vm2, vm4;
	v9 =	vtrunc.f32 v13  }
0x99: {  	s0 =	sor.u32 $0x180, s0;
	v9 =	vcvt.f32.s32 v9  }
0x9a: {  	vm4 =	vlt.s32 v11, v12;
	v10 =	vld [tilespmem:s0+$0xE100]  }
0x9b: {  	vm3 =	vmand vm3, vm4;
	v9 =	vsub.s32 v9, v1;
	v11 =	vtrunc.f32 v14  }
0x9c: {  	v12 =	vmul.u32 $0x500, v9;
	v11 =	vcvt.f32.s32 v11  }
0x9d: {  	vm4 =	vlt.u32 v9, $0x2D  }
0x9e: {  	v9 =	vadd.s32 v11, v12  }
0x9f: {  	v10 =	vtrunc.f32 v10  }
0xa0: {  	s0 =	sadd.s32 $0xFFFFFFE0, s8;
	v10 =	vcvt.f32.s32 v10  }
0xa1: {  	v11 =	vor.u32 s0, v8  }
0xa2: {  	s0 =	sadd.s32 $0x30, s18;
	v10 =	vadd.s32 v10, v11  }
0xa3: {  	s18 =	sand.u32 $0x70, s7;
	s23 =	sor.u32 $0x100, s0;
	[tilespmem:v9+s5+$0x0] =	vst.idx.msk vm4, v10  }
0xa4: {  	s18 =	sor.u32 s18, s19;
	v11 =	vld [tilespmem:s23+$0xE100]  }
0xa5: {  	s0 =	sor.u32 $0x180, s0;
	v12 =	vld [tilespmem:s18+$0x80]  }
0xa6: {  	v13 =	vld [tilespmem:s0+$0xE100]  }
0xa7: {  	v9 =	vld.idx.msk [tilespmem:v9+s5+$0x0], vm4;
	_ =	sdelay $0x1  }
0xa8: {  	v11 =	vtrunc.f32 v11  }
0xa9: {  	v11 =	vcvt.f32.s32 v11;
	v12 =	vtrunc.f32 v12  }
0xaa: {  	v13 =	vtrunc.f32 v13  }
0xab: {  	v11 =	vsub.s32 v11, v1;
	v13 =	vcvt.f32.s32 v13  }
0xac: {  	vm5 =	vlt.s32 v9, v10;
	v10 =	vcvt.f32.s32 v12;
	v9 =	vmul.u32 $0x500, v11  }
0xad: {  	vm5 =	vmand vm4, vm5;
	vm4 =	vlt.u32 v11, $0x2D  }
0xae: {  	v9 =	vadd.s32 v10, v9  }
0xaf: {  	p0 =	por !p0, !p0;
	s0 =	simm.s32 $0x1  }
0xb0: {  	s0 =	simm.s32 @!p0 $0x0  }
0xb1: {  	s0 =	sshll.u32 s0, $0x6;
	v10 =	vor.u32 s8, v8  }
0xb2: {  	s0 =	sadd.s32 s0, s30;
	v10 =	vadd.s32 v13, v10  }
0xb3: {  	s7 =	sadd.s32 $0x40, s7;
	s18 =	sor.u32 $0x100, s0;
	s0 =	sor.u32 $0x180, s0;
	[tilespmem:v9+s5+$0x0] =	vst.idx.msk vm4, v10  }
0xb4: {  	s19 =	sadd.s32 $0xFFFFFFD0, s7;
	s23 =	sand.u32 $0x1E00, s30;
	v11 =	vld [tilespmem:s18+$0xE100]  }
0xb5: {  	s18 =	sand.u32 $0x40, s19;
	s19 =	sor.u32 $0xE100, s23;
	v12 =	vld.idx.msk [tilespmem:v9+s5+$0x0], vm4  }
0xb6: {  	s18 =	sor.u32 s18, s19  }
0xb7: {  	v13 =	vld [tilespmem:s18+$0x80]  }
.Ltmp1:
0xb8: {  	(pc) =	sbr.rel @!p1 .LBB2_6-.Ltmp1, $4  }
0xb9: {  	v9 =	vtrunc.f32 v11  }
0xba: {  	vm2 =	vmor vm2, vm3;
	v11 =	vcvt.f32.s32 v9  }
0xbb: {  	vm2 =	vmor vm2, vm5;
	vm3 =	vlt.s32 v12, v10;
	v9 =	vld [tilespmem:s0+$0xE100]  }
0xbc: {  	s28 =	sadd.s32 $0x2, s28;
	s18 =	smov.u32 s1;
	vm3 =	vmand vm4, vm3;
	v10 =	vsub.s32 v11, v1;
	v11 =	vtrunc.f32 v13  }
0xbd: {  	v12 =	vmul.u32 $0x500, v10;
	v11 =	vcvt.f32.s32 v11  }
0xbe: {  	vm4 =	vlt.u32 v10, $0x2D  }
0xbf: {  	s0 =	sadd.s32 $0x4, s10;
	v10 =	vadd.s32 v11, v12  }
0xc0: {  	s1 =	sadd.s32 $0x80, s8;
	s0 =	sand.u32 $0x7, s0;
	v9 =	vtrunc.f32 v9  }
0xc1: {  	s8 =	sadd.s32 $0xFFFFFFA0, s1;
	s0 =	sshll.u32 s0, $0x4;
	v9 =	vcvt.f32.s32 v9  }
0xc2: {  	v11 =	vor.u32 s8, v8;
	s0 =	sadd.s32 s30, s0  }
0xc3: {  	s26 =	sadd.s32 $0x10, s0;
	v9 =	vadd.s32 v9, v11  }
0xc4: {  	s31 =	sor.u32 $0x100, s26;
	[tilespmem:v10+s5+$0x0] =	vst.idx.msk vm4, v9  }
0xc5: {  	s18 =	sadd.s32 $0xFFFFFFE0, s7;
	v11 =	vld [tilespmem:s31+$0xE100]  }
0xc6: {  	s23 =	sand.u32 $0x50, s18  }
0xc7: {  	s10 =	sor.u32 s23, s19  }
0xc8: {  	v51 =	vld [tilespmem:s10+$0x80];
	_ =	sdelay $0x1  }
0xc9: {  	v11 =	vtrunc.f32 v11  }
0xca: {  	s8 =	sor.u32 $0x180, s26;
	v11 =	vcvt.f32.s32 v11  }
0xcb: {  	v13 =	vld [tilespmem:s8+$0xE100]  }
0xcc: {  	v12 =	vtrunc.f32 v51;
	v11 =	vsub.s32 v11, v1  }
0xcd: {  	v12 =	vcvt.f32.s32 v12;
	v14 =	vmul.u32 $0x500, v11  }
0xce: {  	vm5 =	vlt.u32 v11, $0x2D  }
0xcf: {  	v11 =	vadd.s32 v12, v14  }
0xd0: {  	s26 =	sand.u32 $0x3, s28;
	v52 =	vtrunc.f32 v13  }
0xd1: {  	s28 =	sadd.s32 $0xFFFFFFC0, s1;
	s8 =	sshll.u32 s26, $0x5;
	v12 =	vcvt.f32.s32 v52  }
0xd2: {  	v53 =	vor.u32 s28, v8;
	s8 =	sadd.s32 s30, s8  }
0xd3: {  	s8 =	sadd.s32 $0x20, s8;
	v12 =	vadd.s32 v12, v53  }
0xd4: {  	v10 =	vld.idx.msk [tilespmem:v10+s5+$0x0], vm4;
	s30 =	sor.u32 $0x100, s8;
	[tilespmem:v11+s5+$0x0] =	vst.idx.msk vm5, v12  }
0xd5: {  	s31 =	sadd.s32 $0xFFFFFFF0, s7;
	v54 =	vld [tilespmem:s30+$0xE100]  }
0xd6: {  	s23 =	sand.u32 $0x60, s31  }
0xd7: {  	s10 =	sor.u32 s23, s19  }
0xd8: {  	v55 =	vld [tilespmem:s10+$0x80];
	_ =	sdelay $0x1  }
0xd9: {  	v13 =	vtrunc.f32 v54  }
0xda: {  	s8 =	sor.u32 $0x180, s8;
	v13 =	vcvt.f32.s32 v13  }
0xdb: {  	v15 =	vld [tilespmem:s8+$0xE100]  }
0xdc: {  	v14 =	vtrunc.f32 v55;
	v13 =	vsub.s32 v13, v1  }
0xdd: {  	v14 =	vcvt.f32.s32 v14;
	v16 =	vmul.u32 $0x500, v13  }
0xde: {  	vm6 =	vlt.u32 v13, $0x2D  }
0xdf: {  	v56 =	vadd.s32 v14, v16  }
0xe0: {  	v57 =	vtrunc.f32 v15  }
0xe1: {  	s26 =	sadd.s32 $0xFFFFFFE0, s1;
	v14 =	vcvt.f32.s32 v57  }
0xe2: {  	v58 =	vor.u32 s26, v8  }
0xe3: {  	s0 =	sadd.s32 $0x30, s0;
	v14 =	vadd.s32 v14, v58  }
0xe4: {  	s28 =	sor.u32 $0x100, s0;
	v11 =	vld.idx.msk [tilespmem:v11+s5+$0x0], vm5;
	[tilespmem:v56+s5+$0x0] =	vst.idx.msk vm6, v14  }
0xe5: {  	v59 =	vld [tilespmem:s28+$0xE100]  }
0xe6: {  	s30 =	sand.u32 $0x70, s7  }
0xe7: {  	s7 =	sor.u32 s30, s19  }
0xe8: {  	v60 =	vld [tilespmem:s7+$0x80];
	_ =	sdelay $0x1  }
0xe9: {  	v15 =	vtrunc.f32 v59  }
0xea: {  	s0 =	sor.u32 $0x180, s0;
	v15 =	vcvt.f32.s32 v15  }
0xeb: {  	v17 =	vld [tilespmem:s0+$0xE100]  }
0xec: {  	v16 =	vtrunc.f32 v60;
	v15 =	vsub.s32 v15, v1  }
0xed: {  	v16 =	vcvt.f32.s32 v16;
	v18 =	vmul.u32 $0x500, v15  }
0xee: {  	vm7 =	vlt.u32 v15, $0x2D  }
0xef: {  	v61 =	vadd.s32 v16, v18  }
0xf0: {  	v62 =	vtrunc.f32 v17  }
0xf1: {  	v16 =	vcvt.f32.s32 v62  }
0xf2: {  	v63 =	vor.u32 s1, v8  }
0xf3: {  	v16 =	vadd.s32 v16, v63  }
0xf4: {  	v13 =	vld.idx.msk [tilespmem:v56+s5+$0x0], vm6;
	[tilespmem:v61+s5+$0x0] =	vst.idx.msk vm7, v16  }
0xf5: {  	v15 =	vld.idx.msk [tilespmem:v61+s5+$0x0], vm7;
	_ =	sdelay $0x2  }
0xf6: {  	vm8 =	vlt.s32 v10, v9;
	vm9 =	vlt.s32 v11, v12  }
0xf7: {  	vm4 =	vmand vm4, vm8;
	vm5 =	vmand vm5, vm9;
	vm13 =	vlt.s32 v13, v14  }
0xf8: {  	vm4 =	vmor vm4, vm5;
	vm6 =	vmand vm6, vm13;
	vm14 =	vlt.s32 v15, v16  }
0xf9: {  	vm2 =	vmor vm2, vm3;
	vm3 =	vmor vm4, vm6;
	vm15 =	vmand vm7, vm14  }
0xfa: {  	vm1 =	vmor vm1, vm2;
	vm2 =	vmor vm3, vm15  }
0xfb: {  	vm1 =	vmor vm1, vm2  }
0xfc: {  	v9 =	vsel vm1, $0x3F800000, v4  }
0xfd: {  	(xrf0) =	vmax.scan.msk.f32 $0xffff, v9;
	_ =	sdelay $0x5  }
0xfe: {  	v9, _, _ =	vpop (xrf0)  }
0xff: {  	(v2sf) =	vpush v9, $0xF;
	_ =	sdelay $0xe  }
0x100: {  	s31 =	spop (v2sf)  }
0x101: {  	p0 =	sgt.f32 s31, $0.0e+00  }
.Ltmp2:
0x102: {  	_ = 	snop;
	(pc) =	sbr.rel @!p0 .LBB2_9-.Ltmp2, $2  }
0x103: {  	_ =	sdelay $0x2  }
0x104: {  	s1 =	simm.s32 $0x0;
	vm1 =	vmmov vm0  }
.LBB2_8:
0x105: {  	s0 =	sshll.u32 s1, $0x4;
	s7 =	sshll.u32 s1, $0x6  }
0x106: {  	s0 =	sand.u32 $0x70, s0;
	s7 =	sand.u32 $0x1E00, s7  }
0x107: {  	s0 =	sor.u32 s0, s7  }
0x108: {  	v9 =	vld [tilespmem:s0+$0xE200];
	_ =	sdelay $0x2  }
0x109: {  	v10 =	vld [tilespmem:s0+$0xE180];
	_ =	sdelay $0x1  }
0x10a: {  	v9 =	vtrunc.f32 v9  }
0x10b: {  	v9 =	vcvt.f32.s32 v9;
	_ =	sdelay $0x1  }
0x10c: {  	v10 =	vtrunc.f32 v10;
	v9 =	vsub.s32 v9, v1  }
0x10d: {  	v10 =	vcvt.f32.s32 v10;
	v11 =	vmul.u32 $0x500, v9  }
0x10e: {  	vm2 =	vlt.u32 v9, $0x2D  }
0x10f: {  	v9 =	vadd.s32 v10, v11  }
0x110: {  	v10 =	vld [tilespmem:s0+$0xE280];
	_ =	sdelay $0x3  }
0x111: {  	v11 =	vld.idx.msk [tilespmem:v9+s5+$0x0], vm2  }
0x112: {  	v10 =	vtrunc.f32 v10  }
0x113: {  	s31 =	sshll.u32 s1, $0x5;
	v10 =	vcvt.f32.s32 v10  }
0x114: {  	v12 =	vor.u32 s31, v8  }
0x115: {  	v10 =	vadd.s32 v10, v12  }
0x116: {  	vm3 =	vlt.s32 v11, v10  }
0x117: {  	vm2 =	vmand vm2, vm3;
	_ =	sdelay $0x5  }
0x118: {  	[tilespmem:v9+s5+$0x0] =	vst.idx.msk vm2, v10  }
0x119: {  	v9 =	vld.idx.msk [tilespmem:v9+s5+$0x0], vm2;
	_ =	sdelay $0x4  }
0x11a: {  	s1 =	sadd.s32 $0x1, s1;
	vm3 =	vlt.s32 v9, v10  }
0x11b: {  	p0 =	seq.s32 s1, $0x80;
	vm2 =	vmand vm2, vm3  }
0x11c: {  	v9 =	vimm.f32 @p0 $0.0e+00;
	vm1 =	vmor vm1, vm2  }
0x11d: {  	v9 =	vsel @p0 vm1, $0x3F800000, v9  }
0x11e: {  	(xrf0) =	vmax.scan.msk.f32 @p0 $0xffff, v9;
	_ =	sdelay $0x5  }
0x11f: {  	v9, _, _ =	vpop @p0 (xrf0)  }
0x120: {  	(v2sf) =	vpush @p0 v9, $0xF;
	_ =	sdelay $0xe  }
0x121: {  	s0 =	spop @p0 (v2sf)  }
0x122: {  	p1 =	sgt.f32 @p0 s0, $0.0e+00;
	_ =	sdelay $0x1  }
0x123: {  	p1 =	por !p0, p1  }
.Ltmp3:
0x124: {  	_ = 	snop;
	(pc) =	sbr.rel @p1 .LBB2_8-.Ltmp3, $3  }
0x125: {  	_ =	sdelay $0x1  }
0x126: {  	vm2 =	vmxor @p0 vm2, vm2  }
0x127: {  	s1 =	simm.s32 @p0 $0x0;
	vm1 =	vmmov @p0 vm2  }
.LBB2_9:
0x128: {  	s8 =	sshll.u32 s6, $0xE  }
0x129: {  	s0 =	sadd.s32 s8, s11  }
0x12a: {  	s0 =	sshrl.u32 s0, $0x3  }
0x12b: {  	s10 =	simm.s32 $0x0;
	s0 =	sadd.s32 s2, s0  }
0x12c: {  	[tilespmem:s12], [sflag:$0x1] =	stream.linear.gather [hbm4b:s0+s10], $0x2000, $0x38;
	[tilespmem:$0x14000] =	vst v63  }
0x12d: {  	p0 =	por $0x0, $0x0;
	s0 =	simm.s32 $0x1  }
0x12e: {  	s0 =	simm.s32 @!p0 $0x0  }
0x12f: {  	_ =	swait.ge [sflag:s15], $0x2000;
	s0 =	sshll.u32 s0, $0x6  }
0x130: {  	[sflag:s15] =	ssyncset.done $0x0;
	s0 =	sadd.s32 $0x0, s0  }
0x131: {  	s18 =	sor.u32 $0x1000, s9;
	[sflag:s15] =	ssyncadd.s32 $0xFFFFE000;
	s7 =	sor.u32 $0x100, s0  }
0x132: {  	v8 =	vor.u32 s18, v2;
	s18 =	simm.s32 $0x0;
	s19 =	sand.u32 $0x1E00, s10;
	v9 =	vld [tilespmem:s7+$0x10100]  }
0x133: {  	s18 =	sand.u32 $0x40, s18;
	s7 =	sor.u32 $0x10100, s19  }
0x134: {  	s18 =	sor.u32 s18, s7  }
0x135: {  	v10 =	vld [tilespmem:s18+$0x80];
	_ =	sdelay $0x1  }
0x136: {  	v9 =	vtrunc.f32 v9  }
0x137: {  	s0 =	sor.u32 $0x180, s0;
	v9 =	vcvt.f32.s32 v9  }
0x138: {  	v11 =	vld [tilespmem:s0+$0x10100]  }
0x139: {  	v10 =	vtrunc.f32 v10;
	v9 =	vsub.s32 v9, v1  }
0x13a: {  	v10 =	vcvt.f32.s32 v10;
	v12 =	vmul.u32 $0x500, v9  }
0x13b: {  	vm1 =	vlt.u32 v9, $0x2D  }
0x13c: {  	v9 =	vadd.s32 v10, v12  }
0x13d: {  	s19 =	sand.u32 $0x7, s10;
	v10 =	vtrunc.f32 v11  }
0x13e: {  	s23 =	simm.s32 $0x0;
	s0 =	sshll.u32 s19, $0x4;
	v10 =	vcvt.f32.s32 v10  }
0x13f: {  	s0 =	sadd.s32 $0x0, s0;
	v11 =	vor.u32 s23, v8  }
0x140: {  	s18 =	sadd.s32 $0x10, s0;
	v10 =	vadd.s32 v10, v11  }
0x141: {  	s26 =	sor.u32 $0x100, s18;
	[tilespmem:v9+s5+$0x0] =	vst.idx.msk vm1, v10  }
0x142: {  	s23 =	simm.s32 $0x10;
	v11 =	vld [tilespmem:s26+$0x10100]  }
0x143: {  	s31 =	sand.u32 $0x50, s23  }
0x144: {  	s19 =	sor.u32 s31, s7  }
0x145: {  	v49 =	vld [tilespmem:s19+$0x80];
	_ =	sdelay $0x1  }
0x146: {  	v11 =	vtrunc.f32 v11  }
0x147: {  	s18 =	sor.u32 $0x180, s18;
	v11 =	vcvt.f32.s32 v11  }
0x148: {  	v13 =	vld [tilespmem:s18+$0x10100]  }
0x149: {  	v12 =	vtrunc.f32 v49;
	v11 =	vsub.s32 v11, v1  }
0x14a: {  	v12 =	vcvt.f32.s32 v12;
	v14 =	vmul.u32 $0x500, v11  }
0x14b: {  	vm2 =	vlt.u32 v11, $0x2D  }
0x14c: {  	v11 =	vadd.s32 v12, v14  }
0x14d: {  	s19 =	sand.u32 $0x3, s10;
	v50 =	vtrunc.f32 v13  }
0x14e: {  	s23 =	simm.s32 $0x20;
	s18 =	sshll.u32 s19, $0x5;
	v12 =	vcvt.f32.s32 v50  }
0x14f: {  	v51 =	vor.u32 s23, v8;
	s18 =	sadd.s32 $0x0, s18  }
0x150: {  	s18 =	sadd.s32 $0x20, s18;
	v12 =	vadd.s32 v12, v51  }
0x151: {  	v9 =	vld.idx.msk [tilespmem:v9+s5+$0x0], vm1;
	s26 =	sor.u32 $0x100, s18;
	[tilespmem:v11+s5+$0x0] =	vst.idx.msk vm2, v12  }
0x152: {  	s31 =	simm.s32 $0x20;
	v52 =	vld [tilespmem:s26+$0x10100]  }
0x153: {  	s23 =	sand.u32 $0x60, s31  }
0x154: {  	s19 =	sor.u32 s23, s7  }
0x155: {  	v53 =	vld [tilespmem:s19+$0x80];
	_ =	sdelay $0x1  }
0x156: {  	v13 =	vtrunc.f32 v52  }
0x157: {  	s18 =	sor.u32 $0x180, s18;
	v13 =	vcvt.f32.s32 v13  }
0x158: {  	v15 =	vld [tilespmem:s18+$0x10100]  }
0x159: {  	v14 =	vtrunc.f32 v53;
	v13 =	vsub.s32 v13, v1  }
0x15a: {  	v14 =	vcvt.f32.s32 v14;
	v16 =	vmul.u32 $0x500, v13  }
0x15b: {  	vm3 =	vlt.u32 v13, $0x2D  }
0x15c: {  	v54 =	vadd.s32 v14, v16  }
0x15d: {  	v55 =	vtrunc.f32 v15  }
0x15e: {  	s26 =	simm.s32 $0x40;
	v14 =	vcvt.f32.s32 v55  }
0x15f: {  	v56 =	vor.u32 s26, v8  }
0x160: {  	s0 =	sadd.s32 $0x30, s0;
	v14 =	vadd.s32 v14, v56  }
0x161: {  	s31 =	sor.u32 $0x100, s0;
	v11 =	vld.idx.msk [tilespmem:v11+s5+$0x0], vm2;
	[tilespmem:v54+s5+$0x0] =	vst.idx.msk vm3, v14  }
0x162: {  	s1 =	simm.s32 $0x30;
	v57 =	vld [tilespmem:s31+$0x10100]  }
0x163: {  	s1 =	sand.u32 $0x70, s1  }
0x164: {  	s1 =	sor.u32 s1, s7  }
0x165: {  	v58 =	vld [tilespmem:s1+$0x80];
	_ =	sdelay $0x1  }
0x166: {  	v15 =	vtrunc.f32 v57  }
0x167: {  	s0 =	sor.u32 $0x180, s0;
	v15 =	vcvt.f32.s32 v15  }
0x168: {  	v17 =	vld [tilespmem:s0+$0x10100]  }
0x169: {  	v16 =	vtrunc.f32 v58;
	v15 =	vsub.s32 v15, v1  }
0x16a: {  	v16 =	vcvt.f32.s32 v16;
	v18 =	vmul.u32 $0x500, v15  }
0x16b: {  	vm4 =	vlt.u32 v15, $0x2D  }
0x16c: {  	v59 =	vadd.s32 v16, v18  }
0x16d: {  	p0 =	por !p0, !p0;
	s0 =	simm.s32 $0x1;
	v60 =	vtrunc.f32 v17  }
0x16e: {  	s9 =	simm.s32 $0x60;
	s0 =	simm.s32 @!p0 $0x0;
	v16 =	vcvt.f32.s32 v60  }
0x16f: {  	v61 =	vor.u32 s9, v8;
	s0 =	sshll.u32 s0, $0x6  }
0x170: {  	s0 =	sadd.s32 $0x100, s0;
	v16 =	vadd.s32 v16, v61  }
0x171: {  	s30 =	simm.s32 $0x100;
	v13 =	vld.idx.msk [tilespmem:v54+s5+$0x0], vm3;
	s19 =	sor.u32 $0x100, s0;
	[tilespmem:v59+s5+$0x0] =	vst.idx.msk vm4, v16  }
0x172: {  	s23 =	simm.s32 $0x40;
	s26 =	sand.u32 $0x1E00, s30;
	v62 =	vld [tilespmem:s19+$0x10100]  }
0x173: {  	s31 =	sand.u32 $0x40, s23;
	s19 =	sor.u32 $0x10100, s26;
	v15 =	vld.idx.msk [tilespmem:v59+s5+$0x0], vm4  }
0x174: {  	vm5 =	vlt.s32 v9, v10;
	s1 =	sor.u32 s31, s19  }
0x175: {  	vm1 =	vmand vm1, vm5;
	vm5 =	vlt.s32 v11, v12;
	v63 =	vld [tilespmem:s1+$0x80]  }
0x176: {  	vm2 =	vmand vm2, vm5;
	vm5 =	vlt.s32 v13, v14  }
0x177: {  	vm1 =	vmor vm1, vm2;
	vm3 =	vmand vm3, vm5;
	v9 =	vtrunc.f32 v62  }
0x178: {  	vm2 =	vmor vm1, vm3;
	vm1 =	vlt.s32 v15, v16;
	v10 =	vcvt.f32.s32 v9  }
0x179: {  	s0 =	sor.u32 $0x180, s0;
	vm3 =	vmand vm4, vm1  }
0x17a: {  	s28 =	simm.s32 $0x2;
	s7 =	simm.s32 $0x70;
	s18 =	simm.s32 $0x200;
	v9 =	vld [tilespmem:s0+$0x10100];
	vm1 =	vmmov vm0;
	v11 =	vtrunc.f32 v63;
	v10 =	vsub.s32 v10, v1  }
.LBB2_10:
0x17b: {  	s9 =	sadd.s32 $0x80, s9  }
0x17c: {  	v12 =	vmul.u32 $0x500, v10;
	v11 =	vcvt.f32.s32 v11;
	vm3 =	vmor vm2, vm3;
	s10 =	sadd.s32 $0x4, s10;
	s0 =	smov.u32 s18;
	s1 =	sadd.s32 $0x100, s18  }
0x17d: {  	p1 =	seq.s32 s18, $0x1F00;
	vm2 =	vlt.u32 v10, $0x2D;
	vm1 =	vmor vm1, vm3  }
0x17e: {  	v10 =	vadd.s32 v11, v12  }
0x17f: {  	s18 =	sand.u32 $0x7, s10;
	v9 =	vtrunc.f32 v9  }
0x180: {  	s23 =	sadd.s32 $0xFFFFFFA0, s9;
	s18 =	sshll.u32 s18, $0x4;
	v9 =	vcvt.f32.s32 v9  }
0x181: {  	v11 =	vor.u32 s23, v8;
	s18 =	sadd.s32 s30, s18  }
0x182: {  	s23 =	sadd.s32 $0x10, s18;
	v9 =	vadd.s32 v9, v11  }
0x183: {  	s26 =	sor.u32 $0x100, s23;
	[tilespmem:v10+s5+$0x0] =	vst.idx.msk vm2, v9  }
0x184: {  	s31 =	sadd.s32 $0xFFFFFFE0, s7;
	v11 =	vld [tilespmem:s26+$0x10100]  }
0x185: {  	s26 =	sand.u32 $0x50, s31  }
0x186: {  	s26 =	sor.u32 s26, s19  }
0x187: {  	v12 =	vld [tilespmem:s26+$0x80];
	_ =	sdelay $0x1  }
0x188: {  	v11 =	vtrunc.f32 v11  }
0x189: {  	s23 =	sor.u32 $0x180, s23;
	v11 =	vcvt.f32.s32 v11  }
0x18a: {  	v13 =	vld [tilespmem:s23+$0x10100]  }
0x18b: {  	v11 =	vsub.s32 v11, v1;
	v12 =	vtrunc.f32 v12  }
0x18c: {  	v14 =	vmul.u32 $0x500, v11;
	v12 =	vcvt.f32.s32 v12  }
0x18d: {  	vm3 =	vlt.u32 v11, $0x2D  }
0x18e: {  	v11 =	vadd.s32 v12, v14  }
0x18f: {  	s23 =	sand.u32 $0x3, s28;
	v12 =	vtrunc.f32 v13  }
0x190: {  	s26 =	sadd.s32 $0xFFFFFFC0, s9;
	s23 =	sshll.u32 s23, $0x5;
	v12 =	vcvt.f32.s32 v12  }
0x191: {  	s23 =	sadd.s32 s30, s23;
	s30 =	smov.u32 s0;
	v13 =	vor.u32 s26, v8  }
0x192: {  	s0 =	sadd.s32 $0x20, s23;
	v10 =	vld.idx.msk [tilespmem:v10+s5+$0x0], vm2;
	v12 =	vadd.s32 v12, v13  }
0x193: {  	s23 =	sor.u32 $0x100, s0;
	[tilespmem:v11+s5+$0x0] =	vst.idx.msk vm3, v12  }
0x194: {  	s26 =	sadd.s32 $0xFFFFFFF0, s7;
	v13 =	vld [tilespmem:s23+$0x10100]  }
0x195: {  	s23 =	sand.u32 $0x60, s26;
	v11 =	vld.idx.msk [tilespmem:v11+s5+$0x0], vm3  }
0x196: {  	s23 =	sor.u32 s23, s19  }
0x197: {  	v14 =	vld [tilespmem:s23+$0x80]  }
0x198: {  	vm4 =	vlt.s32 v10, v9  }
0x199: {  	vm2 =	vmand vm2, vm4;
	v9 =	vtrunc.f32 v13  }
0x19a: {  	s0 =	sor.u32 $0x180, s0;
	v9 =	vcvt.f32.s32 v9  }
0x19b: {  	vm4 =	vlt.s32 v11, v12;
	v10 =	vld [tilespmem:s0+$0x10100]  }
0x19c: {  	vm3 =	vmand vm3, vm4;
	v9 =	vsub.s32 v9, v1;
	v11 =	vtrunc.f32 v14  }
0x19d: {  	v12 =	vmul.u32 $0x500, v9;
	v11 =	vcvt.f32.s32 v11  }
0x19e: {  	vm4 =	vlt.u32 v9, $0x2D  }
0x19f: {  	v9 =	vadd.s32 v11, v12  }
0x1a0: {  	v10 =	vtrunc.f32 v10  }
0x1a1: {  	s0 =	sadd.s32 $0xFFFFFFE0, s9;
	v10 =	vcvt.f32.s32 v10  }
0x1a2: {  	v11 =	vor.u32 s0, v8  }
0x1a3: {  	s0 =	sadd.s32 $0x30, s18;
	v10 =	vadd.s32 v10, v11  }
0x1a4: {  	s18 =	sand.u32 $0x70, s7;
	s23 =	sor.u32 $0x100, s0;
	[tilespmem:v9+s5+$0x0] =	vst.idx.msk vm4, v10  }
0x1a5: {  	s18 =	sor.u32 s18, s19;
	v11 =	vld [tilespmem:s23+$0x10100]  }
0x1a6: {  	s0 =	sor.u32 $0x180, s0;
	v12 =	vld [tilespmem:s18+$0x80]  }
0x1a7: {  	v13 =	vld [tilespmem:s0+$0x10100]  }
0x1a8: {  	v9 =	vld.idx.msk [tilespmem:v9+s5+$0x0], vm4;
	_ =	sdelay $0x1  }
0x1a9: {  	v11 =	vtrunc.f32 v11  }
0x1aa: {  	v11 =	vcvt.f32.s32 v11;
	v12 =	vtrunc.f32 v12  }
0x1ab: {  	v13 =	vtrunc.f32 v13  }
0x1ac: {  	v11 =	vsub.s32 v11, v1;
	v13 =	vcvt.f32.s32 v13  }
0x1ad: {  	vm5 =	vlt.s32 v9, v10;
	v10 =	vcvt.f32.s32 v12;
	v9 =	vmul.u32 $0x500, v11  }
0x1ae: {  	vm5 =	vmand vm4, vm5;
	vm4 =	vlt.u32 v11, $0x2D  }
0x1af: {  	v9 =	vadd.s32 v10, v9  }
0x1b0: {  	p0 =	por !p0, !p0;
	s0 =	simm.s32 $0x1  }
0x1b1: {  	s0 =	simm.s32 @!p0 $0x0  }
0x1b2: {  	s0 =	sshll.u32 s0, $0x6;
	v10 =	vor.u32 s9, v8  }
0x1b3: {  	s0 =	sadd.s32 s0, s30;
	v10 =	vadd.s32 v13, v10  }
0x1b4: {  	s7 =	sadd.s32 $0x40, s7;
	s18 =	sor.u32 $0x100, s0;
	s0 =	sor.u32 $0x180, s0;
	[tilespmem:v9+s5+$0x0] =	vst.idx.msk vm4, v10  }
0x1b5: {  	s19 =	sadd.s32 $0xFFFFFFD0, s7;
	s23 =	sand.u32 $0x1E00, s30;
	v11 =	vld [tilespmem:s18+$0x10100]  }
0x1b6: {  	s18 =	sand.u32 $0x40, s19;
	s19 =	sor.u32 $0x10100, s23;
	v12 =	vld.idx.msk [tilespmem:v9+s5+$0x0], vm4  }
0x1b7: {  	s18 =	sor.u32 s18, s19  }
0x1b8: {  	v13 =	vld [tilespmem:s18+$0x80]  }
.Ltmp4:
0x1b9: {  	(pc) =	sbr.rel @!p1 .LBB2_10-.Ltmp4, $4  }
0x1ba: {  	v9 =	vtrunc.f32 v11  }
0x1bb: {  	vm2 =	vmor vm2, vm3;
	v11 =	vcvt.f32.s32 v9  }
0x1bc: {  	vm2 =	vmor vm2, vm5;
	vm3 =	vlt.s32 v12, v10;
	v9 =	vld [tilespmem:s0+$0x10100]  }
0x1bd: {  	s28 =	sadd.s32 $0x2, s28;
	s18 =	smov.u32 s1;
	vm3 =	vmand vm4, vm3;
	v10 =	vsub.s32 v11, v1;
	v11 =	vtrunc.f32 v13  }
0x1be: {  	v12 =	vmul.u32 $0x500, v10;
	v11 =	vcvt.f32.s32 v11  }
0x1bf: {  	vm4 =	vlt.u32 v10, $0x2D  }
0x1c0: {  	s0 =	sadd.s32 $0x4, s10;
	v10 =	vadd.s32 v11, v12  }
0x1c1: {  	s1 =	sadd.s32 $0x80, s9;
	s0 =	sand.u32 $0x7, s0;
	v9 =	vtrunc.f32 v9  }
0x1c2: {  	s9 =	sadd.s32 $0xFFFFFFA0, s1;
	s0 =	sshll.u32 s0, $0x4;
	v9 =	vcvt.f32.s32 v9  }
0x1c3: {  	v11 =	vor.u32 s9, v8;
	s0 =	sadd.s32 s30, s0  }
0x1c4: {  	s26 =	sadd.s32 $0x10, s0;
	v9 =	vadd.s32 v9, v11  }
0x1c5: {  	s31 =	sor.u32 $0x100, s26;
	[tilespmem:v10+s5+$0x0] =	vst.idx.msk vm4, v9  }
0x1c6: {  	s18 =	sadd.s32 $0xFFFFFFE0, s7;
	v11 =	vld [tilespmem:s31+$0x10100]  }
0x1c7: {  	s23 =	sand.u32 $0x50, s18  }
0x1c8: {  	s10 =	sor.u32 s23, s19  }
0x1c9: {  	v51 =	vld [tilespmem:s10+$0x80];
	_ =	sdelay $0x1  }
0x1ca: {  	v11 =	vtrunc.f32 v11  }
0x1cb: {  	s9 =	sor.u32 $0x180, s26;
	v11 =	vcvt.f32.s32 v11  }
0x1cc: {  	v13 =	vld [tilespmem:s9+$0x10100]  }
0x1cd: {  	v12 =	vtrunc.f32 v51;
	v11 =	vsub.s32 v11, v1  }
0x1ce: {  	v12 =	vcvt.f32.s32 v12;
	v14 =	vmul.u32 $0x500, v11  }
0x1cf: {  	vm5 =	vlt.u32 v11, $0x2D  }
0x1d0: {  	v11 =	vadd.s32 v12, v14  }
0x1d1: {  	s26 =	sand.u32 $0x3, s28;
	v52 =	vtrunc.f32 v13  }
0x1d2: {  	s28 =	sadd.s32 $0xFFFFFFC0, s1;
	s9 =	sshll.u32 s26, $0x5;
	v12 =	vcvt.f32.s32 v52  }
0x1d3: {  	v53 =	vor.u32 s28, v8;
	s9 =	sadd.s32 s30, s9  }
0x1d4: {  	s9 =	sadd.s32 $0x20, s9;
	v12 =	vadd.s32 v12, v53  }
0x1d5: {  	v10 =	vld.idx.msk [tilespmem:v10+s5+$0x0], vm4;
	s30 =	sor.u32 $0x100, s9;
	[tilespmem:v11+s5+$0x0] =	vst.idx.msk vm5, v12  }
0x1d6: {  	s31 =	sadd.s32 $0xFFFFFFF0, s7;
	v54 =	vld [tilespmem:s30+$0x10100]  }
0x1d7: {  	s23 =	sand.u32 $0x60, s31  }
0x1d8: {  	s10 =	sor.u32 s23, s19  }
0x1d9: {  	v55 =	vld [tilespmem:s10+$0x80];
	_ =	sdelay $0x1  }
0x1da: {  	v13 =	vtrunc.f32 v54  }
0x1db: {  	s9 =	sor.u32 $0x180, s9;
	v13 =	vcvt.f32.s32 v13  }
0x1dc: {  	v15 =	vld [tilespmem:s9+$0x10100]  }
0x1dd: {  	v14 =	vtrunc.f32 v55;
	v13 =	vsub.s32 v13, v1  }
0x1de: {  	v14 =	vcvt.f32.s32 v14;
	v16 =	vmul.u32 $0x500, v13  }
0x1df: {  	vm6 =	vlt.u32 v13, $0x2D  }
0x1e0: {  	v56 =	vadd.s32 v14, v16  }
0x1e1: {  	v57 =	vtrunc.f32 v15  }
0x1e2: {  	s26 =	sadd.s32 $0xFFFFFFE0, s1;
	v14 =	vcvt.f32.s32 v57  }
0x1e3: {  	v58 =	vor.u32 s26, v8  }
0x1e4: {  	s0 =	sadd.s32 $0x30, s0;
	v14 =	vadd.s32 v14, v58  }
0x1e5: {  	s28 =	sor.u32 $0x100, s0;
	v11 =	vld.idx.msk [tilespmem:v11+s5+$0x0], vm5;
	[tilespmem:v56+s5+$0x0] =	vst.idx.msk vm6, v14  }
0x1e6: {  	v59 =	vld [tilespmem:s28+$0x10100]  }
0x1e7: {  	s30 =	sand.u32 $0x70, s7  }
0x1e8: {  	s7 =	sor.u32 s30, s19  }
0x1e9: {  	v60 =	vld [tilespmem:s7+$0x80];
	_ =	sdelay $0x1  }
0x1ea: {  	v15 =	vtrunc.f32 v59  }
0x1eb: {  	s0 =	sor.u32 $0x180, s0;
	v15 =	vcvt.f32.s32 v15  }
0x1ec: {  	v17 =	vld [tilespmem:s0+$0x10100]  }
0x1ed: {  	v16 =	vtrunc.f32 v60;
	v15 =	vsub.s32 v15, v1  }
0x1ee: {  	v16 =	vcvt.f32.s32 v16;
	v18 =	vmul.u32 $0x500, v15  }
0x1ef: {  	vm7 =	vlt.u32 v15, $0x2D  }
0x1f0: {  	v61 =	vadd.s32 v16, v18  }
0x1f1: {  	v62 =	vtrunc.f32 v17  }
0x1f2: {  	v16 =	vcvt.f32.s32 v62  }
0x1f3: {  	v63 =	vor.u32 s1, v8  }
0x1f4: {  	v16 =	vadd.s32 v16, v63  }
0x1f5: {  	v13 =	vld.idx.msk [tilespmem:v56+s5+$0x0], vm6;
	[tilespmem:v61+s5+$0x0] =	vst.idx.msk vm7, v16  }
0x1f6: {  	v15 =	vld.idx.msk [tilespmem:v61+s5+$0x0], vm7;
	_ =	sdelay $0x2  }
0x1f7: {  	vm8 =	vlt.s32 v10, v9;
	vm9 =	vlt.s32 v11, v12  }
0x1f8: {  	vm4 =	vmand vm4, vm8;
	vm5 =	vmand vm5, vm9;
	vm13 =	vlt.s32 v13, v14  }
0x1f9: {  	vm4 =	vmor vm4, vm5;
	vm6 =	vmand vm6, vm13;
	vm14 =	vlt.s32 v15, v16  }
0x1fa: {  	vm2 =	vmor vm2, vm3;
	vm3 =	vmor vm4, vm6;
	vm15 =	vmand vm7, vm14  }
0x1fb: {  	vm1 =	vmor vm1, vm2;
	vm2 =	vmor vm3, vm15  }
0x1fc: {  	vm1 =	vmor vm1, vm2  }
0x1fd: {  	v9 =	vsel vm1, $0x3F800000, v4  }
0x1fe: {  	(xrf0) =	vmax.scan.msk.f32 $0xffff, v9;
	_ =	sdelay $0x5  }
0x1ff: {  	v9, _, _ =	vpop (xrf0)  }
0x200: {  	(v2sf) =	vpush v9, $0xF;
	_ =	sdelay $0xe  }
0x201: {  	s31 =	spop (v2sf)  }
0x202: {  	p0 =	sgt.f32 s31, $0.0e+00  }
.Ltmp5:
0x203: {  	_ = 	snop;
	(pc) =	sbr.rel @!p0 .LBB2_13-.Ltmp5, $2  }
0x204: {  	_ =	sdelay $0x2  }
0x205: {  	s1 =	simm.s32 $0x0;
	vm1 =	vmmov vm0  }
.LBB2_12:
0x206: {  	s0 =	sshll.u32 s1, $0x4;
	s7 =	sshll.u32 s1, $0x6  }
0x207: {  	s0 =	sand.u32 $0x70, s0;
	s7 =	sand.u32 $0x1E00, s7  }
0x208: {  	s0 =	sor.u32 s0, s7  }
0x209: {  	v9 =	vld [tilespmem:s0+$0x10200];
	_ =	sdelay $0x2  }
0x20a: {  	v10 =	vld [tilespmem:s0+$0x10180];
	_ =	sdelay $0x1  }
0x20b: {  	v9 =	vtrunc.f32 v9  }
0x20c: {  	v9 =	vcvt.f32.s32 v9;
	_ =	sdelay $0x1  }
0x20d: {  	v10 =	vtrunc.f32 v10;
	v9 =	vsub.s32 v9, v1  }
0x20e: {  	v10 =	vcvt.f32.s32 v10;
	v11 =	vmul.u32 $0x500, v9  }
0x20f: {  	vm2 =	vlt.u32 v9, $0x2D  }
0x210: {  	v9 =	vadd.s32 v10, v11  }
0x211: {  	v10 =	vld [tilespmem:s0+$0x10280];
	_ =	sdelay $0x3  }
0x212: {  	v11 =	vld.idx.msk [tilespmem:v9+s5+$0x0], vm2  }
0x213: {  	v10 =	vtrunc.f32 v10  }
0x214: {  	s31 =	sshll.u32 s1, $0x5;
	v10 =	vcvt.f32.s32 v10  }
0x215: {  	v12 =	vor.u32 s31, v8  }
0x216: {  	v10 =	vadd.s32 v10, v12  }
0x217: {  	vm3 =	vlt.s32 v11, v10  }
0x218: {  	vm2 =	vmand vm2, vm3;
	_ =	sdelay $0x5  }
0x219: {  	[tilespmem:v9+s5+$0x0] =	vst.idx.msk vm2, v10  }
0x21a: {  	v9 =	vld.idx.msk [tilespmem:v9+s5+$0x0], vm2;
	_ =	sdelay $0x4  }
0x21b: {  	s1 =	sadd.s32 $0x1, s1;
	vm3 =	vlt.s32 v9, v10  }
0x21c: {  	p0 =	seq.s32 s1, $0x80;
	vm2 =	vmand vm2, vm3  }
0x21d: {  	v9 =	vimm.f32 @p0 $0.0e+00;
	vm1 =	vmor vm1, vm2  }
0x21e: {  	v9 =	vsel @p0 vm1, $0x3F800000, v9  }
0x21f: {  	(xrf0) =	vmax.scan.msk.f32 @p0 $0xffff, v9;
	_ =	sdelay $0x5  }
0x220: {  	v9, _, _ =	vpop @p0 (xrf0)  }
0x221: {  	(v2sf) =	vpush @p0 v9, $0xF;
	_ =	sdelay $0xe  }
0x222: {  	s0 =	spop @p0 (v2sf)  }
0x223: {  	p1 =	sgt.f32 @p0 s0, $0.0e+00;
	_ =	sdelay $0x1  }
0x224: {  	p1 =	por !p0, p1  }
.Ltmp6:
0x225: {  	_ = 	snop;
	(pc) =	sbr.rel @p1 .LBB2_12-.Ltmp6, $3  }
0x226: {  	_ =	sdelay $0x1  }
0x227: {  	vm2 =	vmxor @p0 vm2, vm2  }
0x228: {  	s1 =	simm.s32 @p0 $0x0;
	vm1 =	vmmov @p0 vm2  }
.LBB2_13:
0x229: {  	p0 =	seq.s32 s6, $0x2F  }
.Ltmp7:
0x22a: {  	_ = 	snop;
	(pc) =	sbr.rel @p0 .LBB2_15-.Ltmp7, $1  }
0x22b: {  	_ =	sdelay $0x3  }
.Ltmp8:
0x22c: {  	(pc) =	sbr.rel .LBB2_5-.Ltmp8, $4  }
0x22d: {  	s0 =	sadd.s32 s8, s29  }
0x22e: {  	s0 =	sshrl.u32 s0, $0x3  }
0x22f: {  	s6 =	sadd.s32 $0x1, s6;
	s0 =	sadd.s32 s2, s0  }
0x230: {  	[tilespmem:s13], [sflag:$0x2] =	stream.linear.gather [hbm4b:s0+s5], $0x2000, $0x38;
	[tilespmem:$0x14000] =	vst v63  }
.LBB2_15:
0x231: {  	p0 =	por $0x0, $0x0;
	s0 =	simm.s32 $0x1  }
0x232: {  	s0 =	simm.s32 @!p0 $0x0  }
0x233: {  	_ =	swait.ge [sflag:s14], $0x2000;
	s0 =	sshll.u32 s0, $0x6  }
0x234: {  	[sflag:s14] =	ssyncset.done $0x0;
	s0 =	sadd.s32 $0x0, s0  }
0x235: {  	s8 =	simm.s32 $0x0;
	[sflag:s14] =	ssyncadd.s32 $0xFFFFE000;
	s7 =	sor.u32 $0x100, s0  }
0x236: {  	s9 =	simm.s32 $0x0;
	s10 =	sand.u32 $0x1E00, s8;
	v8 =	vld [tilespmem:s7+$0xE100]  }
0x237: {  	s9 =	sand.u32 $0x40, s9;
	s7 =	sor.u32 $0xE100, s10  }
0x238: {  	s9 =	sor.u32 s9, s7  }
0x239: {  	v9 =	vld [tilespmem:s9+$0x80];
	_ =	sdelay $0x1  }
0x23a: {  	s0 =	sor.u32 $0x180, s0;
	v8 =	vtrunc.f32 v8  }
0x23b: {  	v10 =	vld [tilespmem:s0+$0xE100];
	v8 =	vcvt.f32.s32 v8;
	_ =	sdelay $0x1  }
0x23c: {  	v9 =	vtrunc.f32 v9;
	v8 =	vsub.s32 v8, v1  }
0x23d: {  	v9 =	vcvt.f32.s32 v9;
	v11 =	vmul.u32 $0x500, v8  }
0x23e: {  	vm1 =	vlt.u32 v8, $0x2D  }
0x23f: {  	v8 =	vadd.s32 v9, v11;
	v9 =	vtrunc.f32 v10  }
0x240: {  	s19 =	sand.u32 $0x7, s8;
	v9 =	vcvt.f32.s32 v9  }
0x241: {  	s23 =	simm.s32 $0x0;
	s0 =	sshll.u32 s19, $0x4  }
0x242: {  	s0 =	sadd.s32 $0x0, s0;
	v9 =	vadd.s32 s23, v9  }
0x243: {  	s26 =	sadd.s32 $0x10, s0;
	v9 =	vadd.s32 v5, v9  }
0x244: {  	s28 =	sor.u32 $0x100, s26;
	[tilespmem:v8+s5+$0x0] =	vst.idx.msk vm1, v9  }
0x245: {  	s11 =	simm.s32 $0x10;
	v10 =	vld [tilespmem:s28+$0xE100]  }
0x246: {  	s29 =	sand.u32 $0x50, s11  }
0x247: {  	s10 =	sor.u32 s29, s7  }
0x248: {  	v11 =	vld [tilespmem:s10+$0x80];
	_ =	sdelay $0x1  }
0x249: {  	s9 =	sor.u32 $0x180, s26;
	v10 =	vtrunc.f32 v10  }
0x24a: {  	v12 =	vld [tilespmem:s9+$0xE100];
	v10 =	vcvt.f32.s32 v10;
	_ =	sdelay $0x1  }
0x24b: {  	v11 =	vtrunc.f32 v11;
	v10 =	vsub.s32 v10, v1  }
0x24c: {  	v11 =	vcvt.f32.s32 v11;
	v13 =	vmul.u32 $0x500, v10  }
0x24d: {  	vm2 =	vlt.u32 v10, $0x2D  }
0x24e: {  	v10 =	vadd.s32 v11, v13;
	v11 =	vtrunc.f32 v12  }
0x24f: {  	s30 =	sand.u32 $0x3, s8;
	v11 =	vcvt.f32.s32 v11  }
0x250: {  	s31 =	simm.s32 $0x20;
	s9 =	sshll.u32 s30, $0x5  }
0x251: {  	s9 =	sadd.s32 $0x0, s9;
	v11 =	vadd.s32 s31, v11  }
0x252: {  	s9 =	sadd.s32 $0x20, s9;
	v11 =	vadd.s32 v5, v11  }
0x253: {  	v8 =	vld.idx.msk [tilespmem:v8+s5+$0x0], vm1;
	s11 =	sor.u32 $0x100, s9;
	[tilespmem:v10+s5+$0x0] =	vst.idx.msk vm2, v11  }
0x254: {  	s18 =	simm.s32 $0x20;
	v55 =	vld [tilespmem:s11+$0xE100]  }
0x255: {  	s19 =	sand.u32 $0x60, s18  }
0x256: {  	s10 =	sor.u32 s19, s7  }
0x257: {  	v56 =	vld [tilespmem:s10+$0x80];
	_ =	sdelay $0x1  }
0x258: {  	s9 =	sor.u32 $0x180, s9;
	v12 =	vtrunc.f32 v55  }
0x259: {  	v14 =	vld [tilespmem:s9+$0xE100];
	v12 =	vcvt.f32.s32 v12;
	_ =	sdelay $0x1  }
0x25a: {  	v13 =	vtrunc.f32 v56;
	v12 =	vsub.s32 v12, v1  }
0x25b: {  	v13 =	vcvt.f32.s32 v13;
	v15 =	vmul.u32 $0x500, v12  }
0x25c: {  	vm3 =	vlt.u32 v12, $0x2D  }
0x25d: {  	v58 =	vtrunc.f32 v14;
	v57 =	vadd.s32 v13, v15  }
0x25e: {  	v13 =	vcvt.f32.s32 v58  }
0x25f: {  	s23 =	simm.s32 $0x40  }
0x260: {  	v13 =	vadd.s32 s23, v13  }
0x261: {  	s0 =	sadd.s32 $0x30, s0;
	v13 =	vadd.s32 v5, v13  }
0x262: {  	s26 =	sor.u32 $0x100, s0;
	v10 =	vld.idx.msk [tilespmem:v10+s5+$0x0], vm2;
	[tilespmem:v57+s5+$0x0] =	vst.idx.msk vm3, v13  }
0x263: {  	s1 =	simm.s32 $0x30;
	v59 =	vld [tilespmem:s26+$0xE100]  }
0x264: {  	s1 =	sand.u32 $0x70, s1  }
0x265: {  	s1 =	sor.u32 s1, s7  }
0x266: {  	v60 =	vld [tilespmem:s1+$0x80];
	_ =	sdelay $0x1  }
0x267: {  	s0 =	sor.u32 $0x180, s0;
	v14 =	vtrunc.f32 v59  }
0x268: {  	v16 =	vld [tilespmem:s0+$0xE100];
	v14 =	vcvt.f32.s32 v14;
	_ =	sdelay $0x1  }
0x269: {  	v15 =	vtrunc.f32 v60;
	v14 =	vsub.s32 v14, v1  }
0x26a: {  	v15 =	vcvt.f32.s32 v15;
	v17 =	vmul.u32 $0x500, v14  }
0x26b: {  	vm4 =	vlt.u32 v14, $0x2D  }
0x26c: {  	v61 =	vtrunc.f32 v16;
	v15 =	vadd.s32 v15, v17  }
0x26d: {  	p0 =	por !p0, !p0;
	s0 =	simm.s32 $0x1;
	v14 =	vcvt.f32.s32 v61  }
0x26e: {  	s6 =	simm.s32 $0x60;
	s0 =	simm.s32 @!p0 $0x0  }
0x26f: {  	s0 =	sshll.u32 s0, $0x6;
	v14 =	vadd.s32 s6, v14  }
0x270: {  	s9 =	simm.s32 $0x100;
	s0 =	sadd.s32 $0x100, s0;
	v14 =	vadd.s32 v5, v14  }
0x271: {  	s29 =	simm.s32 $0x40;
	s30 =	sand.u32 $0x1E00, s9;
	v12 =	vld.idx.msk [tilespmem:v57+s5+$0x0], vm3;
	s28 =	sor.u32 $0x100, s0;
	[tilespmem:v15+s5+$0x0] =	vst.idx.msk vm4, v14  }
0x272: {  	s31 =	sand.u32 $0x40, s29;
	s10 =	sor.u32 $0xE100, s30;
	v62 =	vld [tilespmem:s28+$0xE100]  }
0x273: {  	s1 =	sor.u32 s31, s10;
	v15 =	vld.idx.msk [tilespmem:v15+s5+$0x0], vm4  }
0x274: {  	v63 =	vld [tilespmem:s1+$0x80]  }
0x275: {  	vm5 =	vlt.s32 v8, v9  }
0x276: {  	vm1 =	vmand vm1, vm5;
	vm5 =	vlt.s32 v10, v11  }
0x277: {  	vm2 =	vmand vm2, vm5;
	vm5 =	vlt.s32 v12, v13;
	v8 =	vtrunc.f32 v62  }
0x278: {  	vm1 =	vmor vm1, vm2;
	s0 =	sor.u32 $0x180, s0;
	vm3 =	vmand vm3, vm5;
	v9 =	vcvt.f32.s32 v8  }
0x279: {  	vm2 =	vmor vm1, vm3;
	vm1 =	vlt.s32 v15, v14;
	v10 =	vtrunc.f32 v63;
	v8 =	vld [tilespmem:s0+$0xE100]  }
0x27a: {  	s18 =	simm.s32 $0x200;
	s7 =	simm.s32 $0x70;
	s11 =	simm.s32 $0x2;
	vm3 =	vmand vm4, vm1;
	vm1 =	vmmov vm0;
	v9 =	vsub.s32 v9, v1  }
.LBB2_16:
0x27b: {  	s6 =	sadd.s32 $0x80, s6  }
0x27c: {  	v11 =	vmul.u32 $0x500, v9;
	v10 =	vcvt.f32.s32 v10;
	vm3 =	vmor vm2, vm3;
	s8 =	sadd.s32 $0x4, s8;
	s0 =	smov.u32 s18;
	s1 =	sadd.s32 $0x100, s18  }
0x27d: {  	p1 =	seq.s32 s18, $0x1F00;
	vm2 =	vlt.u32 v9, $0x2D;
	vm1 =	vmor vm1, vm3  }
0x27e: {  	v9 =	vadd.s32 v10, v11;
	v8 =	vtrunc.f32 v8  }
0x27f: {  	s18 =	sand.u32 $0x7, s8;
	v8 =	vcvt.f32.s32 v8  }
0x280: {  	s19 =	sadd.s32 $0xFFFFFFA0, s6;
	s18 =	sshll.u32 s18, $0x4  }
0x281: {  	s18 =	sadd.s32 s9, s18;
	v8 =	vadd.s32 s19, v8  }
0x282: {  	s19 =	sadd.s32 $0x10, s18;
	v8 =	vadd.s32 v5, v8  }
0x283: {  	s23 =	sor.u32 $0x100, s19;
	[tilespmem:v9+s5+$0x0] =	vst.idx.msk vm2, v8  }
0x284: {  	s26 =	sadd.s32 $0xFFFFFFE0, s7;
	v10 =	vld [tilespmem:s23+$0xE100]  }
0x285: {  	s23 =	sand.u32 $0x50, s26  }
0x286: {  	s23 =	sor.u32 s23, s10  }
0x287: {  	v11 =	vld [tilespmem:s23+$0x80];
	_ =	sdelay $0x1  }
0x288: {  	s19 =	sor.u32 $0x180, s19;
	v10 =	vtrunc.f32 v10  }
0x289: {  	v12 =	vld [tilespmem:s19+$0xE100];
	v10 =	vcvt.f32.s32 v10;
	_ =	sdelay $0x1  }
0x28a: {  	v10 =	vsub.s32 v10, v1;
	v11 =	vtrunc.f32 v11  }
0x28b: {  	v13 =	vmul.u32 $0x500, v10;
	v11 =	vcvt.f32.s32 v11  }
0x28c: {  	vm3 =	vlt.u32 v10, $0x2D  }
0x28d: {  	v10 =	vadd.s32 v11, v13;
	v11 =	vtrunc.f32 v12  }
0x28e: {  	s19 =	sand.u32 $0x3, s11;
	v11 =	vcvt.f32.s32 v11  }
0x28f: {  	s23 =	sadd.s32 $0xFFFFFFC0, s6;
	s19 =	sshll.u32 s19, $0x5  }
0x290: {  	s19 =	sadd.s32 s9, s19;
	s9 =	smov.u32 s0;
	v11 =	vadd.s32 s23, v11  }
0x291: {  	s0 =	sadd.s32 $0x20, s19;
	v9 =	vld.idx.msk [tilespmem:v9+s5+$0x0], vm2;
	v11 =	vadd.s32 v5, v11  }
0x292: {  	s19 =	sor.u32 $0x100, s0;
	[tilespmem:v10+s5+$0x0] =	vst.idx.msk vm3, v11  }
0x293: {  	s23 =	sadd.s32 $0xFFFFFFF0, s7;
	v12 =	vld [tilespmem:s19+$0xE100]  }
0x294: {  	s19 =	sand.u32 $0x60, s23;
	v10 =	vld.idx.msk [tilespmem:v10+s5+$0x0], vm3  }
0x295: {  	s19 =	sor.u32 s19, s10  }
0x296: {  	v13 =	vld [tilespmem:s19+$0x80]  }
0x297: {  	vm4 =	vlt.s32 v9, v8  }
0x298: {  	s0 =	sor.u32 $0x180, s0;
	vm2 =	vmand vm2, vm4;
	v8 =	vtrunc.f32 v12  }
0x299: {  	v9 =	vld [tilespmem:s0+$0xE100];
	v8 =	vcvt.f32.s32 v8  }
0x29a: {  	vm4 =	vlt.s32 v10, v11  }
0x29b: {  	vm3 =	vmand vm3, vm4;
	v8 =	vsub.s32 v8, v1;
	v10 =	vtrunc.f32 v13  }
0x29c: {  	v11 =	vmul.u32 $0x500, v8;
	v10 =	vcvt.f32.s32 v10  }
0x29d: {  	vm4 =	vlt.u32 v8, $0x2D  }
0x29e: {  	v8 =	vadd.s32 v10, v11;
	v9 =	vtrunc.f32 v9  }
0x29f: {  	v9 =	vcvt.f32.s32 v9  }
0x2a0: {  	s0 =	sadd.s32 $0xFFFFFFE0, s6  }
0x2a1: {  	v9 =	vadd.s32 s0, v9  }
0x2a2: {  	s0 =	sadd.s32 $0x30, s18;
	v9 =	vadd.s32 v5, v9  }
0x2a3: {  	s18 =	sand.u32 $0x70, s7;
	s19 =	sor.u32 $0x100, s0;
	[tilespmem:v8+s5+$0x0] =	vst.idx.msk vm4, v9  }
0x2a4: {  	s10 =	sor.u32 s18, s10;
	v10 =	vld [tilespmem:s19+$0xE100]  }
0x2a5: {  	s0 =	sor.u32 $0x180, s0;
	v11 =	vld [tilespmem:s10+$0x80]  }
0x2a6: {  	v12 =	vld [tilespmem:s0+$0xE100]  }
0x2a7: {  	v8 =	vld.idx.msk [tilespmem:v8+s5+$0x0], vm4;
	_ =	sdelay $0x1  }
0x2a8: {  	v10 =	vtrunc.f32 v10  }
0x2a9: {  	v10 =	vcvt.f32.s32 v10;
	v11 =	vtrunc.f32 v11  }
0x2aa: {  	v12 =	vtrunc.f32 v12  }
0x2ab: {  	v10 =	vsub.s32 v10, v1;
	v12 =	vcvt.f32.s32 v12  }
0x2ac: {  	vm5 =	vlt.s32 v8, v9;
	v9 =	vcvt.f32.s32 v11;
	v8 =	vmul.u32 $0x500, v10  }
0x2ad: {  	vm5 =	vmand vm4, vm5;
	vm4 =	vlt.u32 v10, $0x2D;
	v10 =	vadd.s32 s6, v12  }
0x2ae: {  	v8 =	vadd.s32 v9, v8  }
0x2af: {  	p0 =	por !p0, !p0;
	s0 =	simm.s32 $0x1  }
0x2b0: {  	s0 =	simm.s32 @!p0 $0x0  }
0x2b1: {  	s0 =	sshll.u32 s0, $0x6  }
0x2b2: {  	s0 =	sadd.s32 s0, s9;
	v9 =	vadd.s32 v5, v10  }
0x2b3: {  	s7 =	sadd.s32 $0x40, s7;
	s10 =	sor.u32 $0x100, s0;
	s0 =	sor.u32 $0x180, s0;
	[tilespmem:v8+s5+$0x0] =	vst.idx.msk vm4, v9  }
0x2b4: {  	s18 =	sadd.s32 $0xFFFFFFD0, s7;
	s19 =	sand.u32 $0x1E00, s9;
	v10 =	vld [tilespmem:s10+$0xE100]  }
0x2b5: {  	s18 =	sand.u32 $0x40, s18;
	s10 =	sor.u32 $0xE100, s19;
	v11 =	vld.idx.msk [tilespmem:v8+s5+$0x0], vm4  }
0x2b6: {  	s18 =	sor.u32 s18, s10  }
0x2b7: {  	v12 =	vld [tilespmem:s18+$0x80]  }
.Ltmp9:
0x2b8: {  	(pc) =	sbr.rel @!p1 .LBB2_16-.Ltmp9, $4  }
0x2b9: {  	v10 =	vtrunc.f32 v10  }
0x2ba: {  	vm2 =	vmor vm2, vm3;
	v8 =	vld [tilespmem:s0+$0xE100];
	v10 =	vcvt.f32.s32 v10  }
0x2bb: {  	vm2 =	vmor vm2, vm5;
	vm3 =	vlt.s32 v11, v9  }
0x2bc: {  	s11 =	sadd.s32 $0x2, s11;
	s18 =	smov.u32 s1;
	vm3 =	vmand vm4, vm3;
	v9 =	vsub.s32 v10, v1;
	v10 =	vtrunc.f32 v12  }
0x2bd: {  	v11 =	vmul.u32 $0x500, v9;
	v10 =	vcvt.f32.s32 v10  }
0x2be: {  	vm4 =	vlt.u32 v9, $0x2D  }
0x2bf: {  	s0 =	sadd.s32 $0x4, s8;
	v51 =	vadd.s32 v10, v11;
	v8 =	vtrunc.f32 v8  }
0x2c0: {  	s1 =	sadd.s32 $0x80, s6;
	s0 =	sand.u32 $0x7, s0;
	v8 =	vcvt.f32.s32 v8  }
0x2c1: {  	s6 =	sadd.s32 $0xFFFFFFA0, s1;
	s0 =	sshll.u32 s0, $0x4  }
0x2c2: {  	s0 =	sadd.s32 s9, s0;
	v8 =	vadd.s32 s6, v8  }
0x2c3: {  	s29 =	sadd.s32 $0x10, s0;
	v8 =	vadd.s32 v5, v8  }
0x2c4: {  	s30 =	sor.u32 $0x100, s29;
	[tilespmem:v51+s5+$0x0] =	vst.idx.msk vm4, v8  }
0x2c5: {  	s18 =	sadd.s32 $0xFFFFFFE0, s7;
	v52 =	vld [tilespmem:s30+$0xE100]  }
0x2c6: {  	s31 =	sand.u32 $0x50, s18  }
0x2c7: {  	s8 =	sor.u32 s31, s10  }
0x2c8: {  	v53 =	vld [tilespmem:s8+$0x80];
	_ =	sdelay $0x1  }
0x2c9: {  	s6 =	sor.u32 $0x180, s29;
	v10 =	vtrunc.f32 v52  }
0x2ca: {  	v12 =	vld [tilespmem:s6+$0xE100];
	v10 =	vcvt.f32.s32 v10;
	_ =	sdelay $0x1  }
0x2cb: {  	v11 =	vtrunc.f32 v53;
	v10 =	vsub.s32 v10, v1  }
0x2cc: {  	v11 =	vcvt.f32.s32 v11;
	v13 =	vmul.u32 $0x500, v10  }
0x2cd: {  	vm5 =	vlt.u32 v10, $0x2D  }
0x2ce: {  	v55 =	vtrunc.f32 v12;
	v54 =	vadd.s32 v11, v13  }
0x2cf: {  	s11 =	sand.u32 $0x3, s11;
	v11 =	vcvt.f32.s32 v55  }
0x2d0: {  	s18 =	sadd.s32 $0xFFFFFFC0, s1;
	s6 =	sshll.u32 s11, $0x5  }
0x2d1: {  	s6 =	sadd.s32 s9, s6;
	v11 =	vadd.s32 s18, v11  }
0x2d2: {  	s6 =	sadd.s32 $0x20, s6;
	v11 =	vadd.s32 v5, v11  }
0x2d3: {  	v9 =	vld.idx.msk [tilespmem:v51+s5+$0x0], vm4;
	s19 =	sor.u32 $0x100, s6;
	[tilespmem:v54+s5+$0x0] =	vst.idx.msk vm5, v11  }
0x2d4: {  	s23 =	sadd.s32 $0xFFFFFFF0, s7;
	v56 =	vld [tilespmem:s19+$0xE100]  }
0x2d5: {  	s26 =	sand.u32 $0x60, s23  }
0x2d6: {  	s8 =	sor.u32 s26, s10  }
0x2d7: {  	v57 =	vld [tilespmem:s8+$0x80];
	_ =	sdelay $0x1  }
0x2d8: {  	s6 =	sor.u32 $0x180, s6;
	v12 =	vtrunc.f32 v56  }
0x2d9: {  	v14 =	vld [tilespmem:s6+$0xE100];
	v12 =	vcvt.f32.s32 v12;
	_ =	sdelay $0x1  }
0x2da: {  	v13 =	vtrunc.f32 v57;
	v12 =	vsub.s32 v12, v1  }
0x2db: {  	v13 =	vcvt.f32.s32 v13;
	v15 =	vmul.u32 $0x500, v12  }
0x2dc: {  	vm6 =	vlt.u32 v12, $0x2D  }
0x2dd: {  	v59 =	vtrunc.f32 v14;
	v58 =	vadd.s32 v13, v15  }
0x2de: {  	v13 =	vcvt.f32.s32 v59  }
0x2df: {  	s28 =	sadd.s32 $0xFFFFFFE0, s1  }
0x2e0: {  	v13 =	vadd.s32 s28, v13  }
0x2e1: {  	s0 =	sadd.s32 $0x30, s0;
	v13 =	vadd.s32 v5, v13  }
0x2e2: {  	s29 =	sor.u32 $0x100, s0;
	v10 =	vld.idx.msk [tilespmem:v54+s5+$0x0], vm5;
	[tilespmem:v58+s5+$0x0] =	vst.idx.msk vm6, v13  }
0x2e3: {  	v60 =	vld [tilespmem:s29+$0xE100]  }
0x2e4: {  	s30 =	sand.u32 $0x70, s7  }
0x2e5: {  	s6 =	sor.u32 s30, s10  }
0x2e6: {  	v61 =	vld [tilespmem:s6+$0x80];
	_ =	sdelay $0x1  }
0x2e7: {  	s0 =	sor.u32 $0x180, s0;
	v14 =	vtrunc.f32 v60  }
0x2e8: {  	v16 =	vld [tilespmem:s0+$0xE100];
	v14 =	vcvt.f32.s32 v14;
	_ =	sdelay $0x1  }
0x2e9: {  	v15 =	vtrunc.f32 v61;
	v14 =	vsub.s32 v14, v1  }
0x2ea: {  	v15 =	vcvt.f32.s32 v15;
	v17 =	vmul.u32 $0x500, v14  }
0x2eb: {  	vm7 =	vlt.u32 v14, $0x2D  }
0x2ec: {  	v63 =	vtrunc.f32 v16;
	v62 =	vadd.s32 v15, v17  }
0x2ed: {  	v15 =	vcvt.f32.s32 v63;
	_ =	sdelay $0x1  }
0x2ee: {  	v15 =	vadd.s32 s1, v15  }
0x2ef: {  	v15 =	vadd.s32 v5, v15  }
0x2f0: {  	v12 =	vld.idx.msk [tilespmem:v58+s5+$0x0], vm6;
	[tilespmem:v62+s5+$0x0] =	vst.idx.msk vm7, v15  }
0x2f1: {  	v14 =	vld.idx.msk [tilespmem:v62+s5+$0x0], vm7;
	_ =	sdelay $0x2  }
0x2f2: {  	vm8 =	vlt.s32 v9, v8;
	vm9 =	vlt.s32 v10, v11  }
0x2f3: {  	vm4 =	vmand vm4, vm8;
	vm5 =	vmand vm5, vm9;
	vm13 =	vlt.s32 v12, v13  }
0x2f4: {  	vm4 =	vmor vm4, vm5;
	vm6 =	vmand vm6, vm13;
	vm14 =	vlt.s32 v14, v15  }
0x2f5: {  	vm2 =	vmor vm2, vm3;
	vm3 =	vmor vm4, vm6;
	vm15 =	vmand vm7, vm14  }
0x2f6: {  	vm1 =	vmor vm1, vm2;
	vm2 =	vmor vm3, vm15  }
0x2f7: {  	vm1 =	vmor vm1, vm2  }
0x2f8: {  	v8 =	vsel vm1, $0x3F800000, v4  }
0x2f9: {  	(xrf0) =	vmax.scan.msk.f32 $0xffff, v8;
	_ =	sdelay $0x5  }
0x2fa: {  	v8, _, _ =	vpop (xrf0)  }
0x2fb: {  	(v2sf) =	vpush v8, $0xF;
	_ =	sdelay $0xe  }
0x2fc: {  	s31 =	spop (v2sf)  }
0x2fd: {  	p0 =	sgt.f32 s31, $0.0e+00  }
.Ltmp10:
0x2fe: {  	_ = 	snop;
	(pc) =	sbr.rel @!p0 .LBB2_19-.Ltmp10, $2  }
0x2ff: {  	_ =	sdelay $0x2  }
0x300: {  	s1 =	simm.s32 $0x0;
	vm1 =	vmmov vm0  }
.LBB2_18:
0x301: {  	s0 =	sshll.u32 s1, $0x4;
	s6 =	sshll.u32 s1, $0x6  }
0x302: {  	s0 =	sand.u32 $0x70, s0;
	s6 =	sand.u32 $0x1E00, s6  }
0x303: {  	s0 =	sor.u32 s0, s6  }
0x304: {  	v8 =	vld [tilespmem:s0+$0xE200];
	_ =	sdelay $0x2  }
0x305: {  	v9 =	vld [tilespmem:s0+$0xE180];
	_ =	sdelay $0x1  }
0x306: {  	v8 =	vtrunc.f32 v8  }
0x307: {  	v8 =	vcvt.f32.s32 v8;
	_ =	sdelay $0x1  }
0x308: {  	v9 =	vtrunc.f32 v9;
	v8 =	vsub.s32 v8, v1  }
0x309: {  	v9 =	vcvt.f32.s32 v9;
	v10 =	vmul.u32 $0x500, v8  }
0x30a: {  	vm2 =	vlt.u32 v8, $0x2D  }
0x30b: {  	v8 =	vld [tilespmem:s0+$0xE280];
	v9 =	vadd.s32 v9, v10;
	_ =	sdelay $0x4  }
0x30c: {  	v8 =	vtrunc.f32 v8;
	v10 =	vld.idx.msk [tilespmem:v9+s5+$0x0], vm2  }
0x30d: {  	v8 =	vcvt.f32.s32 v8  }
0x30e: {  	s31 =	sshll.u32 s1, $0x5  }
0x30f: {  	v8 =	vadd.s32 s31, v8  }
0x310: {  	v8 =	vadd.s32 v5, v8  }
0x311: {  	vm3 =	vlt.s32 v10, v8  }
0x312: {  	vm2 =	vmand vm2, vm3;
	_ =	sdelay $0x5  }
0x313: {  	[tilespmem:v9+s5+$0x0] =	vst.idx.msk vm2, v8  }
0x314: {  	v9 =	vld.idx.msk [tilespmem:v9+s5+$0x0], vm2;
	_ =	sdelay $0x4  }
0x315: {  	s1 =	sadd.s32 $0x1, s1;
	vm3 =	vlt.s32 v9, v8  }
0x316: {  	p0 =	seq.s32 s1, $0x80;
	vm2 =	vmand vm2, vm3  }
0x317: {  	v8 =	vimm.f32 @p0 $0.0e+00;
	vm1 =	vmor vm1, vm2  }
0x318: {  	v8 =	vsel @p0 vm1, $0x3F800000, v8  }
0x319: {  	(xrf0) =	vmax.scan.msk.f32 @p0 $0xffff, v8;
	_ =	sdelay $0x5  }
0x31a: {  	v8, _, _ =	vpop @p0 (xrf0)  }
0x31b: {  	(v2sf) =	vpush @p0 v8, $0xF;
	_ =	sdelay $0xe  }
0x31c: {  	s0 =	spop @p0 (v2sf)  }
0x31d: {  	p1 =	sgt.f32 @p0 s0, $0.0e+00;
	_ =	sdelay $0x1  }
0x31e: {  	p1 =	por !p0, p1  }
.Ltmp11:
0x31f: {  	_ = 	snop;
	(pc) =	sbr.rel @p1 .LBB2_18-.Ltmp11, $3  }
0x320: {  	_ =	sdelay $0x1  }
0x321: {  	vm2 =	vmxor @p0 vm2, vm2  }
0x322: {  	s1 =	simm.s32 @p0 $0x0;
	vm1 =	vmmov @p0 vm2  }
.LBB2_19:
0x323: {  	s0 =	rddreg [dreg:$0xd];
	p0 =	por $0x0, $0x0;
	s7 =	simm.s32 $0x1  }
0x324: {  	s1 =	sadd.s32 $0x18400, s0;
	s0 =	simm.s32 $0x0;
	s7 =	simm.s32 @!p0 $0x0  }
0x325: {  	[tilespmem:s13], [sflag:$0x2] =	stream.linear.gather [hbm4b:s1+s0], $0x1400, $0x38;
	[tilespmem:$0x14000] =	vst v63  }
0x326: {  	s7 =	sshll.u32 s7, $0x6;
	_ =	swait.ge [sflag:s15], $0x1400  }
0x327: {  	s8 =	sadd.s32 $0x0, s7;
	[sflag:s15] =	ssyncset.done $0x0  }
0x328: {  	s7 =	sor.u32 $0x100, s8;
	[sflag:s15] =	ssyncadd.s32 $0xFFFFEC00  }
0x329: {  	s9 =	simm.s32 $0x0;
	s10 =	sand.u32 $0x1E00, s0;
	v8 =	vld [tilespmem:s7+$0x10100]  }
0x32a: {  	s9 =	sand.u32 $0x40, s9;
	s7 =	sor.u32 $0x10100, s10  }
0x32b: {  	s9 =	sor.u32 s9, s7  }
0x32c: {  	v9 =	vld [tilespmem:s9+$0x80];
	_ =	sdelay $0x1  }
0x32d: {  	s8 =	sor.u32 $0x180, s8;
	v8 =	vtrunc.f32 v8  }
0x32e: {  	v10 =	vld [tilespmem:s8+$0x10100];
	v8 =	vcvt.f32.s32 v8;
	_ =	sdelay $0x1  }
0x32f: {  	v9 =	vtrunc.f32 v9;
	v8 =	vsub.s32 v8, v1  }
0x330: {  	v9 =	vcvt.f32.s32 v9;
	v11 =	vmul.u32 $0x500, v8  }
0x331: {  	vm1 =	vlt.u32 v8, $0x2D  }
0x332: {  	v8 =	vadd.s32 v9, v11;
	v9 =	vtrunc.f32 v10  }
0x333: {  	s11 =	sand.u32 $0x7, s0;
	v9 =	vcvt.f32.s32 v9  }
0x334: {  	s18 =	simm.s32 $0x0;
	s8 =	sshll.u32 s11, $0x4  }
0x335: {  	s8 =	sadd.s32 $0x0, s8;
	v9 =	vadd.s32 s18, v9  }
0x336: {  	s19 =	sadd.s32 $0x10, s8;
	v9 =	vadd.s32 v6, v9  }
0x337: {  	s23 =	sor.u32 $0x100, s19;
	[tilespmem:v8+s5+$0x0] =	vst.idx.msk vm1, v9  }
0x338: {  	s11 =	simm.s32 $0x10;
	v10 =	vld [tilespmem:s23+$0x10100]  }
0x339: {  	s26 =	sand.u32 $0x50, s11  }
0x33a: {  	s10 =	sor.u32 s26, s7  }
0x33b: {  	v11 =	vld [tilespmem:s10+$0x80];
	_ =	sdelay $0x1  }
0x33c: {  	s9 =	sor.u32 $0x180, s19;
	v10 =	vtrunc.f32 v10  }
0x33d: {  	v12 =	vld [tilespmem:s9+$0x10100];
	v10 =	vcvt.f32.s32 v10;
	_ =	sdelay $0x1  }
0x33e: {  	v11 =	vtrunc.f32 v11;
	v10 =	vsub.s32 v10, v1  }
0x33f: {  	v11 =	vcvt.f32.s32 v11;
	v13 =	vmul.u32 $0x500, v10  }
0x340: {  	vm2 =	vlt.u32 v10, $0x2D  }
0x341: {  	v10 =	vadd.s32 v11, v13;
	v11 =	vtrunc.f32 v12  }
0x342: {  	s28 =	sand.u32 $0x3, s0;
	v11 =	vcvt.f32.s32 v11  }
0x343: {  	s29 =	simm.s32 $0x20;
	s9 =	sshll.u32 s28, $0x5  }
0x344: {  	s9 =	sadd.s32 $0x0, s9;
	v11 =	vadd.s32 s29, v11  }
0x345: {  	s9 =	sadd.s32 $0x20, s9;
	v11 =	vadd.s32 v6, v11  }
0x346: {  	v8 =	vld.idx.msk [tilespmem:v8+s5+$0x0], vm1;
	s30 =	sor.u32 $0x100, s9;
	[tilespmem:v10+s5+$0x0] =	vst.idx.msk vm2, v11  }
0x347: {  	s31 =	simm.s32 $0x20;
	v55 =	vld [tilespmem:s30+$0x10100]  }
0x348: {  	s18 =	sand.u32 $0x60, s31  }
0x349: {  	s10 =	sor.u32 s18, s7  }
0x34a: {  	v56 =	vld [tilespmem:s10+$0x80];
	_ =	sdelay $0x1  }
0x34b: {  	s9 =	sor.u32 $0x180, s9;
	v12 =	vtrunc.f32 v55  }
0x34c: {  	v14 =	vld [tilespmem:s9+$0x10100];
	v12 =	vcvt.f32.s32 v12;
	_ =	sdelay $0x1  }
0x34d: {  	v13 =	vtrunc.f32 v56;
	v12 =	vsub.s32 v12, v1  }
0x34e: {  	v13 =	vcvt.f32.s32 v13;
	v15 =	vmul.u32 $0x500, v12  }
0x34f: {  	vm3 =	vlt.u32 v12, $0x2D  }
0x350: {  	v58 =	vtrunc.f32 v14;
	v57 =	vadd.s32 v13, v15  }
0x351: {  	v13 =	vcvt.f32.s32 v58  }
0x352: {  	s19 =	simm.s32 $0x40  }
0x353: {  	v13 =	vadd.s32 s19, v13  }
0x354: {  	s8 =	sadd.s32 $0x30, s8;
	v13 =	vadd.s32 v6, v13  }
0x355: {  	s23 =	sor.u32 $0x100, s8;
	v10 =	vld.idx.msk [tilespmem:v10+s5+$0x0], vm2;
	[tilespmem:v57+s5+$0x0] =	vst.idx.msk vm3, v13  }
0x356: {  	s1 =	simm.s32 $0x30;
	v59 =	vld [tilespmem:s23+$0x10100]  }
0x357: {  	s1 =	sand.u32 $0x70, s1  }
0x358: {  	s1 =	sor.u32 s1, s7  }
0x359: {  	v60 =	vld [tilespmem:s1+$0x80];
	_ =	sdelay $0x1  }
0x35a: {  	s26 =	sor.u32 $0x180, s8;
	v14 =	vtrunc.f32 v59  }
0x35b: {  	v16 =	vld [tilespmem:s26+$0x10100];
	v14 =	vcvt.f32.s32 v14;
	_ =	sdelay $0x1  }
0x35c: {  	v15 =	vtrunc.f32 v60;
	v14 =	vsub.s32 v14, v1  }
0x35d: {  	v15 =	vcvt.f32.s32 v15;
	v17 =	vmul.u32 $0x500, v14  }
0x35e: {  	vm4 =	vlt.u32 v14, $0x2D  }
0x35f: {  	v61 =	vtrunc.f32 v16;
	v15 =	vadd.s32 v15, v17  }
0x360: {  	p0 =	por !p0, !p0;
	s1 =	simm.s32 $0x1;
	v14 =	vcvt.f32.s32 v61  }
0x361: {  	s6 =	simm.s32 $0x60;
	s1 =	simm.s32 @!p0 $0x0  }
0x362: {  	s1 =	sshll.u32 s1, $0x6;
	v14 =	vadd.s32 s6, v14  }
0x363: {  	s8 =	simm.s32 $0x100;
	s1 =	sadd.s32 $0x100, s1;
	v14 =	vadd.s32 v6, v14  }
0x364: {  	s29 =	simm.s32 $0x40;
	s30 =	sand.u32 $0x1E00, s8;
	v12 =	vld.idx.msk [tilespmem:v57+s5+$0x0], vm3;
	s28 =	sor.u32 $0x100, s1;
	[tilespmem:v15+s5+$0x0] =	vst.idx.msk vm4, v14  }
0x365: {  	s31 =	sand.u32 $0x40, s29;
	s9 =	sor.u32 $0x10100, s30;
	v62 =	vld [tilespmem:s28+$0x10100]  }
0x366: {  	s7 =	sor.u32 s31, s9;
	v15 =	vld.idx.msk [tilespmem:v15+s5+$0x0], vm4  }
0x367: {  	v63 =	vld [tilespmem:s7+$0x80]  }
0x368: {  	vm5 =	vlt.s32 v8, v9  }
0x369: {  	vm1 =	vmand vm1, vm5;
	vm5 =	vlt.s32 v10, v11  }
0x36a: {  	vm2 =	vmand vm2, vm5;
	vm5 =	vlt.s32 v12, v13;
	v8 =	vtrunc.f32 v62  }
0x36b: {  	vm1 =	vmor vm1, vm2;
	s1 =	sor.u32 $0x180, s1;
	vm3 =	vmand vm3, vm5;
	v9 =	vcvt.f32.s32 v8  }
0x36c: {  	vm2 =	vmor vm1, vm3;
	vm1 =	vlt.s32 v15, v14;
	v10 =	vtrunc.f32 v63;
	v8 =	vld [tilespmem:s1+$0x10100]  }
0x36d: {  	s11 =	simm.s32 $0x200;
	s10 =	simm.s32 $0x2;
	s7 =	simm.s32 $0x70;
	vm3 =	vmand vm4, vm1;
	vm1 =	vmmov vm0;
	v9 =	vsub.s32 v9, v1  }
.LBB2_20:
0x36e: {  	s6 =	sadd.s32 $0x80, s6  }
0x36f: {  	v11 =	vmul.u32 $0x500, v9;
	v10 =	vcvt.f32.s32 v10;
	vm3 =	vmor vm2, vm3;
	s0 =	sadd.s32 $0x4, s0;
	s18 =	smov.u32 s11;
	s1 =	sadd.s32 $0x100, s11  }
0x370: {  	p1 =	seq.s32 s11, $0x1300;
	vm2 =	vlt.u32 v9, $0x2D;
	vm1 =	vmor vm1, vm3  }
0x371: {  	v9 =	vadd.s32 v10, v11;
	v8 =	vtrunc.f32 v8  }
0x372: {  	s11 =	sand.u32 $0x7, s0;
	v8 =	vcvt.f32.s32 v8  }
0x373: {  	s19 =	sadd.s32 $0xFFFFFFA0, s6;
	s11 =	sshll.u32 s11, $0x4  }
0x374: {  	s11 =	sadd.s32 s8, s11;
	v8 =	vadd.s32 s19, v8  }
0x375: {  	s19 =	sadd.s32 $0x10, s11;
	v8 =	vadd.s32 v6, v8  }
0x376: {  	s23 =	sor.u32 $0x100, s19;
	[tilespmem:v9+s5+$0x0] =	vst.idx.msk vm2, v8  }
0x377: {  	s26 =	sadd.s32 $0xFFFFFFE0, s7;
	v10 =	vld [tilespmem:s23+$0x10100]  }
0x378: {  	s23 =	sand.u32 $0x50, s26  }
0x379: {  	s23 =	sor.u32 s23, s9  }
0x37a: {  	v11 =	vld [tilespmem:s23+$0x80];
	_ =	sdelay $0x1  }
0x37b: {  	s19 =	sor.u32 $0x180, s19;
	v10 =	vtrunc.f32 v10  }
0x37c: {  	v12 =	vld [tilespmem:s19+$0x10100];
	v10 =	vcvt.f32.s32 v10;
	_ =	sdelay $0x1  }
0x37d: {  	v10 =	vsub.s32 v10, v1;
	v11 =	vtrunc.f32 v11  }
0x37e: {  	v13 =	vmul.u32 $0x500, v10;
	v11 =	vcvt.f32.s32 v11  }
0x37f: {  	vm3 =	vlt.u32 v10, $0x2D  }
0x380: {  	v10 =	vadd.s32 v11, v13;
	v11 =	vtrunc.f32 v12  }
0x381: {  	s19 =	sand.u32 $0x3, s10;
	v11 =	vcvt.f32.s32 v11  }
0x382: {  	s23 =	sadd.s32 $0xFFFFFFC0, s6;
	s19 =	sshll.u32 s19, $0x5  }
0x383: {  	s19 =	sadd.s32 s8, s19;
	s8 =	smov.u32 s18;
	v11 =	vadd.s32 s23, v11  }
0x384: {  	s18 =	sadd.s32 $0x20, s19;
	v9 =	vld.idx.msk [tilespmem:v9+s5+$0x0], vm2;
	v11 =	vadd.s32 v6, v11  }
0x385: {  	s19 =	sor.u32 $0x100, s18;
	[tilespmem:v10+s5+$0x0] =	vst.idx.msk vm3, v11  }
0x386: {  	s23 =	sadd.s32 $0xFFFFFFF0, s7;
	v12 =	vld [tilespmem:s19+$0x10100]  }
0x387: {  	s19 =	sand.u32 $0x60, s23;
	v10 =	vld.idx.msk [tilespmem:v10+s5+$0x0], vm3  }
0x388: {  	s19 =	sor.u32 s19, s9  }
0x389: {  	v13 =	vld [tilespmem:s19+$0x80]  }
0x38a: {  	vm4 =	vlt.s32 v9, v8  }
0x38b: {  	s18 =	sor.u32 $0x180, s18;
	vm2 =	vmand vm2, vm4;
	v8 =	vtrunc.f32 v12  }
0x38c: {  	v9 =	vld [tilespmem:s18+$0x10100];
	v8 =	vcvt.f32.s32 v8  }
0x38d: {  	vm4 =	vlt.s32 v10, v11  }
0x38e: {  	vm3 =	vmand vm3, vm4;
	v8 =	vsub.s32 v8, v1;
	v10 =	vtrunc.f32 v13  }
0x38f: {  	v11 =	vmul.u32 $0x500, v8;
	v10 =	vcvt.f32.s32 v10  }
0x390: {  	vm4 =	vlt.u32 v8, $0x2D  }
0x391: {  	v8 =	vadd.s32 v10, v11;
	v9 =	vtrunc.f32 v9  }
0x392: {  	v9 =	vcvt.f32.s32 v9  }
0x393: {  	s18 =	sadd.s32 $0xFFFFFFE0, s6  }
0x394: {  	v9 =	vadd.s32 s18, v9  }
0x395: {  	s11 =	sadd.s32 $0x30, s11;
	v9 =	vadd.s32 v6, v9  }
0x396: {  	s19 =	sor.u32 $0x100, s11;
	s18 =	sand.u32 $0x70, s7;
	[tilespmem:v8+s5+$0x0] =	vst.idx.msk vm4, v9  }
0x397: {  	s9 =	sor.u32 s18, s9;
	v10 =	vld [tilespmem:s19+$0x10100]  }
0x398: {  	v11 =	vld [tilespmem:s9+$0x80];
	s9 =	sor.u32 $0x180, s11  }
0x399: {  	v12 =	vld [tilespmem:s9+$0x10100]  }
0x39a: {  	v8 =	vld.idx.msk [tilespmem:v8+s5+$0x0], vm4;
	_ =	sdelay $0x1  }
0x39b: {  	v10 =	vtrunc.f32 v10  }
0x39c: {  	v10 =	vcvt.f32.s32 v10;
	v11 =	vtrunc.f32 v11  }
0x39d: {  	v12 =	vtrunc.f32 v12  }
0x39e: {  	v10 =	vsub.s32 v10, v1;
	v12 =	vcvt.f32.s32 v12  }
0x39f: {  	vm5 =	vlt.s32 v8, v9;
	v9 =	vcvt.f32.s32 v11;
	v8 =	vmul.u32 $0x500, v10  }
0x3a0: {  	vm5 =	vmand vm4, vm5;
	vm4 =	vlt.u32 v10, $0x2D;
	v10 =	vadd.s32 s6, v12  }
0x3a1: {  	v8 =	vadd.s32 v9, v8  }
0x3a2: {  	p0 =	por !p0, !p0;
	s9 =	simm.s32 $0x1  }
0x3a3: {  	s9 =	simm.s32 @!p0 $0x0  }
0x3a4: {  	s9 =	sshll.u32 s9, $0x6  }
0x3a5: {  	s9 =	sadd.s32 s9, s8;
	v9 =	vadd.s32 v6, v10  }
0x3a6: {  	s7 =	sadd.s32 $0x40, s7;
	s11 =	sor.u32 $0x100, s9;
	s18 =	sor.u32 $0x180, s9;
	[tilespmem:v8+s5+$0x0] =	vst.idx.msk vm4, v9  }
0x3a7: {  	s19 =	sand.u32 $0x1E00, s8;
	s9 =	sadd.s32 $0xFFFFFFD0, s7;
	v10 =	vld [tilespmem:s11+$0x10100]  }
0x3a8: {  	s11 =	sand.u32 $0x40, s9;
	s9 =	sor.u32 $0x10100, s19;
	v11 =	vld.idx.msk [tilespmem:v8+s5+$0x0], vm4  }
0x3a9: {  	s11 =	sor.u32 s11, s9  }
0x3aa: {  	v12 =	vld [tilespmem:s11+$0x80]  }
.Ltmp12:
0x3ab: {  	(pc) =	sbr.rel @!p1 .LBB2_20-.Ltmp12, $4  }
0x3ac: {  	v10 =	vtrunc.f32 v10  }
0x3ad: {  	vm2 =	vmor vm2, vm3;
	v8 =	vld [tilespmem:s18+$0x10100];
	v10 =	vcvt.f32.s32 v10  }
0x3ae: {  	vm2 =	vmor vm2, vm5;
	vm3 =	vlt.s32 v11, v9  }
0x3af: {  	s10 =	sadd.s32 $0x2, s10;
	s11 =	smov.u32 s1;
	vm3 =	vmand vm4, vm3;
	v9 =	vsub.s32 v10, v1;
	v10 =	vtrunc.f32 v12  }
0x3b0: {  	v11 =	vmul.u32 $0x500, v9;
	v10 =	vcvt.f32.s32 v10  }
0x3b1: {  	vm4 =	vlt.u32 v9, $0x2D  }
0x3b2: {  	s1 =	sadd.s32 $0x4, s0;
	v51 =	vadd.s32 v10, v11;
	v8 =	vtrunc.f32 v8  }
0x3b3: {  	s0 =	sadd.s32 $0x80, s6;
	s1 =	sand.u32 $0x7, s1;
	v8 =	vcvt.f32.s32 v8  }
0x3b4: {  	s6 =	sadd.s32 $0xFFFFFFA0, s0;
	s1 =	sshll.u32 s1, $0x4  }
0x3b5: {  	s1 =	sadd.s32 s8, s1;
	v8 =	vadd.s32 s6, v8  }
0x3b6: {  	s30 =	sadd.s32 $0x10, s1;
	v8 =	vadd.s32 v6, v8  }
0x3b7: {  	s11 =	sor.u32 $0x100, s30;
	[tilespmem:v51+s5+$0x0] =	vst.idx.msk vm4, v8  }
0x3b8: {  	s18 =	sadd.s32 $0xFFFFFFE0, s7;
	v52 =	vld [tilespmem:s11+$0x10100]  }
0x3b9: {  	s31 =	sand.u32 $0x50, s18  }
0x3ba: {  	s11 =	sor.u32 s31, s9  }
0x3bb: {  	v53 =	vld [tilespmem:s11+$0x80];
	_ =	sdelay $0x1  }
0x3bc: {  	s6 =	sor.u32 $0x180, s30;
	v10 =	vtrunc.f32 v52  }
0x3bd: {  	v12 =	vld [tilespmem:s6+$0x10100];
	v10 =	vcvt.f32.s32 v10;
	_ =	sdelay $0x1  }
0x3be: {  	v11 =	vtrunc.f32 v53;
	v10 =	vsub.s32 v10, v1  }
0x3bf: {  	v11 =	vcvt.f32.s32 v11;
	v13 =	vmul.u32 $0x500, v10  }
0x3c0: {  	vm5 =	vlt.u32 v10, $0x2D  }
0x3c1: {  	v55 =	vtrunc.f32 v12;
	v54 =	vadd.s32 v11, v13  }
0x3c2: {  	s11 =	sand.u32 $0x3, s10;
	v11 =	vcvt.f32.s32 v55  }
0x3c3: {  	s18 =	sadd.s32 $0xFFFFFFC0, s0;
	s6 =	sshll.u32 s11, $0x5  }
0x3c4: {  	s6 =	sadd.s32 s8, s6;
	v11 =	vadd.s32 s18, v11  }
0x3c5: {  	s6 =	sadd.s32 $0x20, s6;
	v11 =	vadd.s32 v6, v11  }
0x3c6: {  	v9 =	vld.idx.msk [tilespmem:v51+s5+$0x0], vm4;
	s19 =	sor.u32 $0x100, s6;
	[tilespmem:v54+s5+$0x0] =	vst.idx.msk vm5, v11  }
0x3c7: {  	s23 =	sadd.s32 $0xFFFFFFF0, s7;
	v56 =	vld [tilespmem:s19+$0x10100]  }
0x3c8: {  	s26 =	sand.u32 $0x60, s23  }
0x3c9: {  	s8 =	sor.u32 s26, s9  }
0x3ca: {  	v57 =	vld [tilespmem:s8+$0x80];
	_ =	sdelay $0x1  }
0x3cb: {  	s6 =	sor.u32 $0x180, s6;
	v12 =	vtrunc.f32 v56  }
0x3cc: {  	v14 =	vld [tilespmem:s6+$0x10100];
	v12 =	vcvt.f32.s32 v12;
	_ =	sdelay $0x1  }
0x3cd: {  	v13 =	vtrunc.f32 v57;
	v12 =	vsub.s32 v12, v1  }
0x3ce: {  	v13 =	vcvt.f32.s32 v13;
	v15 =	vmul.u32 $0x500, v12  }
0x3cf: {  	vm6 =	vlt.u32 v12, $0x2D  }
0x3d0: {  	v59 =	vtrunc.f32 v14;
	v58 =	vadd.s32 v13, v15  }
0x3d1: {  	v13 =	vcvt.f32.s32 v59  }
0x3d2: {  	s28 =	sadd.s32 $0xFFFFFFE0, s0  }
0x3d3: {  	v13 =	vadd.s32 s28, v13  }
0x3d4: {  	s1 =	sadd.s32 $0x30, s1;
	v13 =	vadd.s32 v6, v13  }
0x3d5: {  	s29 =	sor.u32 $0x100, s1;
	v10 =	vld.idx.msk [tilespmem:v54+s5+$0x0], vm5;
	[tilespmem:v58+s5+$0x0] =	vst.idx.msk vm6, v13  }
0x3d6: {  	v60 =	vld [tilespmem:s29+$0x10100]  }
0x3d7: {  	s30 =	sand.u32 $0x70, s7  }
0x3d8: {  	s6 =	sor.u32 s30, s9  }
0x3d9: {  	v61 =	vld [tilespmem:s6+$0x80];
	_ =	sdelay $0x1  }
0x3da: {  	s1 =	sor.u32 $0x180, s1;
	v14 =	vtrunc.f32 v60  }
0x3db: {  	v16 =	vld [tilespmem:s1+$0x10100];
	v14 =	vcvt.f32.s32 v14;
	_ =	sdelay $0x1  }
0x3dc: {  	v15 =	vtrunc.f32 v61;
	v14 =	vsub.s32 v14, v1  }
0x3dd: {  	v15 =	vcvt.f32.s32 v15;
	v17 =	vmul.u32 $0x500, v14  }
0x3de: {  	vm7 =	vlt.u32 v14, $0x2D  }
0x3df: {  	v63 =	vtrunc.f32 v16;
	v62 =	vadd.s32 v15, v17  }
0x3e0: {  	v15 =	vcvt.f32.s32 v63;
	_ =	sdelay $0x1  }
0x3e1: {  	v15 =	vadd.s32 s0, v15  }
0x3e2: {  	v15 =	vadd.s32 v6, v15  }
0x3e3: {  	v12 =	vld.idx.msk [tilespmem:v58+s5+$0x0], vm6;
	[tilespmem:v62+s5+$0x0] =	vst.idx.msk vm7, v15  }
0x3e4: {  	v14 =	vld.idx.msk [tilespmem:v62+s5+$0x0], vm7;
	_ =	sdelay $0x2  }
0x3e5: {  	vm8 =	vlt.s32 v9, v8;
	vm9 =	vlt.s32 v10, v11  }
0x3e6: {  	vm4 =	vmand vm4, vm8;
	vm5 =	vmand vm5, vm9;
	vm13 =	vlt.s32 v12, v13  }
0x3e7: {  	vm4 =	vmor vm4, vm5;
	vm6 =	vmand vm6, vm13;
	vm14 =	vlt.s32 v14, v15  }
0x3e8: {  	vm2 =	vmor vm2, vm3;
	vm3 =	vmor vm4, vm6;
	vm15 =	vmand vm7, vm14  }
0x3e9: {  	vm1 =	vmor vm1, vm2;
	vm2 =	vmor vm3, vm15  }
0x3ea: {  	vm1 =	vmor vm1, vm2  }
0x3eb: {  	v8 =	vsel vm1, $0x3F800000, v4  }
0x3ec: {  	(xrf0) =	vmax.scan.msk.f32 $0xffff, v8;
	_ =	sdelay $0x5  }
0x3ed: {  	v8, _, _ =	vpop (xrf0)  }
0x3ee: {  	(v2sf) =	vpush v8, $0xF;
	_ =	sdelay $0xe  }
0x3ef: {  	s31 =	spop (v2sf)  }
0x3f0: {  	p0 =	sgt.f32 s31, $0.0e+00  }
.Ltmp13:
0x3f1: {  	_ = 	snop;
	(pc) =	sbr.rel @!p0 .LBB2_23-.Ltmp13, $2  }
0x3f2: {  	_ =	sdelay $0x2  }
0x3f3: {  	s0 =	simm.s32 $0x0;
	vm1 =	vmmov vm0  }
.LBB2_22:
0x3f4: {  	s1 =	sshll.u32 s0, $0x4;
	s6 =	sshll.u32 s0, $0x6  }
0x3f5: {  	s1 =	sand.u32 $0x70, s1;
	s6 =	sand.u32 $0x1E00, s6  }
0x3f6: {  	s1 =	sor.u32 s1, s6  }
0x3f7: {  	v8 =	vld [tilespmem:s1+$0x10200];
	_ =	sdelay $0x2  }
0x3f8: {  	v9 =	vld [tilespmem:s1+$0x10180];
	_ =	sdelay $0x1  }
0x3f9: {  	v8 =	vtrunc.f32 v8  }
0x3fa: {  	v8 =	vcvt.f32.s32 v8;
	_ =	sdelay $0x1  }
0x3fb: {  	v9 =	vtrunc.f32 v9;
	v8 =	vsub.s32 v8, v1  }
0x3fc: {  	v9 =	vcvt.f32.s32 v9;
	v10 =	vmul.u32 $0x500, v8  }
0x3fd: {  	vm2 =	vlt.u32 v8, $0x2D  }
0x3fe: {  	v8 =	vld [tilespmem:s1+$0x10280];
	v9 =	vadd.s32 v9, v10;
	_ =	sdelay $0x4  }
0x3ff: {  	v8 =	vtrunc.f32 v8;
	v10 =	vld.idx.msk [tilespmem:v9+s5+$0x0], vm2  }
0x400: {  	v8 =	vcvt.f32.s32 v8  }
0x401: {  	s31 =	sshll.u32 s0, $0x5  }
0x402: {  	v8 =	vadd.s32 s31, v8  }
0x403: {  	v8 =	vadd.s32 v6, v8  }
0x404: {  	vm3 =	vlt.s32 v10, v8  }
0x405: {  	vm2 =	vmand vm2, vm3;
	_ =	sdelay $0x5  }
0x406: {  	[tilespmem:v9+s5+$0x0] =	vst.idx.msk vm2, v8  }
0x407: {  	v9 =	vld.idx.msk [tilespmem:v9+s5+$0x0], vm2;
	_ =	sdelay $0x4  }
0x408: {  	s0 =	sadd.s32 $0x1, s0;
	vm3 =	vlt.s32 v9, v8  }
0x409: {  	p0 =	seq.s32 s0, $0x50;
	vm2 =	vmand vm2, vm3  }
0x40a: {  	v8 =	vimm.f32 @p0 $0.0e+00;
	vm1 =	vmor vm1, vm2  }
0x40b: {  	v8 =	vsel @p0 vm1, $0x3F800000, v8  }
0x40c: {  	(xrf0) =	vmax.scan.msk.f32 @p0 $0xffff, v8;
	_ =	sdelay $0x5  }
0x40d: {  	v8, _, _ =	vpop @p0 (xrf0)  }
0x40e: {  	(v2sf) =	vpush @p0 v8, $0xF;
	_ =	sdelay $0xe  }
0x40f: {  	s1 =	spop @p0 (v2sf)  }
0x410: {  	p1 =	sgt.f32 @p0 s1, $0.0e+00;
	_ =	sdelay $0x1  }
0x411: {  	p1 =	por !p0, p1  }
.Ltmp14:
0x412: {  	_ = 	snop;
	(pc) =	sbr.rel @p1 .LBB2_22-.Ltmp14, $3  }
0x413: {  	_ =	sdelay $0x1  }
0x414: {  	vm2 =	vmxor @p0 vm2, vm2  }
0x415: {  	s0 =	simm.s32 @p0 $0x0;
	vm1 =	vmmov @p0 vm2  }
.LBB2_23:
0x416: {  	v8 =	vmul.u32 $0x4, v0;
	s0 =	rddreg [dreg:$0xb]  }
0x417: {  	s1 =	rddreg [dreg:$0x6];
	s0 =	sshll.u32 s0, $0x4  }
0x418: {  	s30 =	simm.s32 $0x5;
	s0 =	sadd.s32 s0, s1;
	v9 =	vor.u32 $0x2, v8;
	s1 =	simm.s32 $0x12100  }
0x419: {  	[tilespmem:s1], [sflag:$0x5] =	stream.strided.gather [hbm4b:s0+s16], $0x100, s17, s16, $0x38;
	[tilespmem:$0x14000] =	vst v63  }
0x41a: {  	_ =	swait.ge [sflag:s30], $0x100  }
0x41b: {  	v10 =	vor.u32 $0x1, v8;
	[sflag:s30] =	ssyncset.done $0x0  }
0x41c: {  	[sflag:s30] =	ssyncadd.s32 $0xFFFFFF00  }
0x41d: {  	v9 =	vld.idx.msk [tilespmem:v9+s1+$0x0], $0xffff;
	_ =	sdelay $0x1  }
0x41e: {  	v11 =	vor.u32 $0x3, v8  }
0x41f: {  	v10 =	vld.idx.msk [tilespmem:v10+s1+$0x0], $0xffff;
	_ =	sdelay $0x1  }
0x420: {  	v9 =	vtrunc.f32 v9  }
0x421: {  	v9 =	vcvt.f32.s32 v9  }
0x422: {  	v11 =	vld.idx.msk [tilespmem:v11+s1+$0x0], $0xffff  }
0x423: {  	v10 =	vtrunc.f32 v10;
	v9 =	vsub.s32 v9, v1  }
0x424: {  	v10 =	vcvt.f32.s32 v10;
	v12 =	vmul.u32 $0x500, v9  }
0x425: {  	vm1 =	vlt.u32 v9, $0x2D  }
0x426: {  	v9 =	vadd.s32 v10, v12  }
0x427: {  	v10 =	vtrunc.f32 v11  }
0x428: {  	v10 =	vcvt.f32.s32 v10  }
0x429: {  	v11 =	vor.u32 $0x61A00, v2  }
0x42a: {  	v10 =	vadd.s32 v11, v10  }
0x42b: {  	[tilespmem:v9+s5+$0x0] =	vst.idx.msk vm1, v10  }
0x42c: {  	v11 =	vld.idx.msk [tilespmem:v9+s5+$0x0], vm1;
	_ =	sdelay $0x4  }
0x42d: {  	vm2 =	vlt.s32 v11, v10  }
0x42e: {  	vm1 =	vmand vm1, vm2  }
0x42f: {  	v11 =	vsel vm1, $0x3F800000, v4  }
0x430: {  	(xrf0) =	vmax.scan.msk.f32 $0xffff, v11;
	_ =	sdelay $0x5  }
0x431: {  	v11, _, _ =	vpop (xrf0)  }
0x432: {  	(v2sf) =	vpush v11, $0xF;
	_ =	sdelay $0xe  }
0x433: {  	s31 =	spop (v2sf)  }
0x434: {  	p0 =	sgt.f32 s31, $0.0e+00  }
.Ltmp15:
0x435: {  	_ = 	snop;
	(pc) =	sbr.rel @!p0 .LBB2_25-.Ltmp15, $1  }
0x436: {  	_ =	sdelay $0x3  }
.LBB2_24:
0x437: {  	[tilespmem:v9+s5+$0x0] =	vst.idx.msk vm1, v10  }
0x438: {  	v11 =	vld.idx.msk [tilespmem:v9+s5+$0x0], vm1;
	_ =	sdelay $0x4  }
0x439: {  	vm2 =	vlt.s32 v11, v10  }
0x43a: {  	vm1 =	vmand vm1, vm2  }
0x43b: {  	v11 =	vsel vm1, $0x3F800000, v4  }
0x43c: {  	(xrf0) =	vmax.scan.msk.f32 $0xffff, v11;
	_ =	sdelay $0x5  }
0x43d: {  	v11, _, _ =	vpop (xrf0)  }
0x43e: {  	(v2sf) =	vpush v11, $0xF;
	_ =	sdelay $0xe  }
0x43f: {  	s0 =	spop (v2sf)  }
0x440: {  	p0 =	sgt.f32 s0, $0.0e+00  }
.Ltmp16:
0x441: {  	_ = 	snop;
	(pc) =	sbr.rel @p0 .LBB2_24-.Ltmp16, $1  }
0x442: {  	_ =	sdelay $0x3  }
.LBB2_25:
0x443: {  	v9 =	vor.u32 $0x42, v8;
	_ =	sdelay $0x2  }
0x444: {  	v10 =	vor.u32 $0x41, v8;
	_ =	sdelay $0x1  }
0x445: {  	v9 =	vld.idx.msk [tilespmem:v9+s1+$0x0], $0xffff;
	_ =	sdelay $0x1  }
0x446: {  	v11 =	vor.u32 $0x43, v8  }
0x447: {  	v10 =	vld.idx.msk [tilespmem:v10+s1+$0x0], $0xffff;
	_ =	sdelay $0x1  }
0x448: {  	v9 =	vtrunc.f32 v9  }
0x449: {  	v9 =	vcvt.f32.s32 v9  }
0x44a: {  	v11 =	vld.idx.msk [tilespmem:v11+s1+$0x0], $0xffff  }
0x44b: {  	v10 =	vtrunc.f32 v10;
	v9 =	vsub.s32 v9, v1  }
0x44c: {  	v10 =	vcvt.f32.s32 v10;
	v12 =	vmul.u32 $0x500, v9  }
0x44d: {  	vm1 =	vlt.u32 v9, $0x2D  }
0x44e: {  	v9 =	vadd.s32 v10, v12  }
0x44f: {  	v10 =	vtrunc.f32 v11  }
0x450: {  	v10 =	vcvt.f32.s32 v10  }
0x451: {  	v11 =	vor.u32 $0x61A20, v2  }
0x452: {  	v10 =	vadd.s32 v11, v10  }
0x453: {  	[tilespmem:v9+s5+$0x0] =	vst.idx.msk vm1, v10  }
0x454: {  	v11 =	vld.idx.msk [tilespmem:v9+s5+$0x0], vm1;
	_ =	sdelay $0x4  }
0x455: {  	vm2 =	vlt.s32 v11, v10  }
0x456: {  	vm1 =	vmand vm1, vm2  }
0x457: {  	v11 =	vsel vm1, $0x3F800000, v4  }
0x458: {  	(xrf0) =	vmax.scan.msk.f32 $0xffff, v11;
	_ =	sdelay $0x5  }
0x459: {  	v11, _, _ =	vpop (xrf0)  }
0x45a: {  	(v2sf) =	vpush v11, $0xF;
	_ =	sdelay $0xe  }
0x45b: {  	s0 =	spop (v2sf)  }
0x45c: {  	p0 =	sgt.f32 s0, $0.0e+00  }
.Ltmp17:
0x45d: {  	_ = 	snop;
	(pc) =	sbr.rel @!p0 .LBB2_27-.Ltmp17, $1  }
0x45e: {  	_ =	sdelay $0x3  }
.LBB2_26:
0x45f: {  	[tilespmem:v9+s5+$0x0] =	vst.idx.msk vm1, v10  }
0x460: {  	v11 =	vld.idx.msk [tilespmem:v9+s5+$0x0], vm1;
	_ =	sdelay $0x4  }
0x461: {  	vm2 =	vlt.s32 v11, v10  }
0x462: {  	vm1 =	vmand vm1, vm2  }
0x463: {  	v11 =	vsel vm1, $0x3F800000, v4  }
0x464: {  	(xrf0) =	vmax.scan.msk.f32 $0xffff, v11;
	_ =	sdelay $0x5  }
0x465: {  	v11, _, _ =	vpop (xrf0)  }
0x466: {  	(v2sf) =	vpush v11, $0xF;
	_ =	sdelay $0xe  }
0x467: {  	s0 =	spop (v2sf)  }
0x468: {  	p0 =	sgt.f32 s0, $0.0e+00  }
.Ltmp18:
0x469: {  	_ = 	snop;
	(pc) =	sbr.rel @p0 .LBB2_26-.Ltmp18, $1  }
0x46a: {  	_ =	sdelay $0x3  }
.LBB2_27:
0x46b: {  	v9 =	vor.u32 $0x82, v8;
	_ =	sdelay $0x2  }
0x46c: {  	v10 =	vor.u32 $0x81, v8;
	_ =	sdelay $0x1  }
0x46d: {  	v9 =	vld.idx.msk [tilespmem:v9+s1+$0x0], $0xffff;
	_ =	sdelay $0x1  }
0x46e: {  	v11 =	vor.u32 $0x83, v8  }
0x46f: {  	v10 =	vld.idx.msk [tilespmem:v10+s1+$0x0], $0xffff;
	_ =	sdelay $0x1  }
0x470: {  	v9 =	vtrunc.f32 v9  }
0x471: {  	v9 =	vcvt.f32.s32 v9  }
0x472: {  	v11 =	vld.idx.msk [tilespmem:v11+s1+$0x0], $0xffff  }
0x473: {  	v10 =	vtrunc.f32 v10;
	v9 =	vsub.s32 v9, v1  }
0x474: {  	v10 =	vcvt.f32.s32 v10;
	v12 =	vmul.u32 $0x500, v9  }
0x475: {  	vm1 =	vlt.u32 v9, $0x2D  }
0x476: {  	v9 =	vadd.s32 v10, v12  }
0x477: {  	v10 =	vtrunc.f32 v11  }
0x478: {  	v10 =	vcvt.f32.s32 v10  }
0x479: {  	v11 =	vor.u32 $0x61A40, v2  }
0x47a: {  	v10 =	vadd.s32 v11, v10  }
0x47b: {  	[tilespmem:v9+s5+$0x0] =	vst.idx.msk vm1, v10  }
0x47c: {  	v11 =	vld.idx.msk [tilespmem:v9+s5+$0x0], vm1;
	_ =	sdelay $0x4  }
0x47d: {  	vm2 =	vlt.s32 v11, v10  }
0x47e: {  	vm1 =	vmand vm1, vm2  }
0x47f: {  	v11 =	vsel vm1, $0x3F800000, v4  }
0x480: {  	(xrf0) =	vmax.scan.msk.f32 $0xffff, v11;
	_ =	sdelay $0x5  }
0x481: {  	v11, _, _ =	vpop (xrf0)  }
0x482: {  	(v2sf) =	vpush v11, $0xF;
	_ =	sdelay $0xe  }
0x483: {  	s0 =	spop (v2sf)  }
0x484: {  	p0 =	sgt.f32 s0, $0.0e+00  }
.Ltmp19:
0x485: {  	_ = 	snop;
	(pc) =	sbr.rel @!p0 .LBB2_29-.Ltmp19, $1  }
0x486: {  	_ =	sdelay $0x3  }
.LBB2_28:
0x487: {  	[tilespmem:v9+s5+$0x0] =	vst.idx.msk vm1, v10  }
0x488: {  	v11 =	vld.idx.msk [tilespmem:v9+s5+$0x0], vm1;
	_ =	sdelay $0x4  }
0x489: {  	vm2 =	vlt.s32 v11, v10  }
0x48a: {  	vm1 =	vmand vm1, vm2  }
0x48b: {  	v11 =	vsel vm1, $0x3F800000, v4  }
0x48c: {  	(xrf0) =	vmax.scan.msk.f32 $0xffff, v11;
	_ =	sdelay $0x5  }
0x48d: {  	v11, _, _ =	vpop (xrf0)  }
0x48e: {  	(v2sf) =	vpush v11, $0xF;
	_ =	sdelay $0xe  }
0x48f: {  	s0 =	spop (v2sf)  }
0x490: {  	p0 =	sgt.f32 s0, $0.0e+00  }
.Ltmp20:
0x491: {  	_ = 	snop;
	(pc) =	sbr.rel @p0 .LBB2_28-.Ltmp20, $1  }
0x492: {  	_ =	sdelay $0x3  }
.LBB2_29:
0x493: {  	v9 =	vor.u32 $0xC2, v8;
	_ =	sdelay $0x2  }
0x494: {  	v10 =	vor.u32 $0xC1, v8;
	_ =	sdelay $0x1  }
0x495: {  	v9 =	vld.idx.msk [tilespmem:v9+s1+$0x0], $0xffff;
	_ =	sdelay $0x1  }
0x496: {  	v8 =	vor.u32 $0xC3, v8  }
0x497: {  	v10 =	vld.idx.msk [tilespmem:v10+s1+$0x0], $0xffff;
	_ =	sdelay $0x1  }
0x498: {  	v9 =	vtrunc.f32 v9  }
0x499: {  	v9 =	vcvt.f32.s32 v9  }
0x49a: {  	v11 =	vld.idx.msk [tilespmem:v8+s1+$0x0], $0xffff  }
0x49b: {  	v8 =	vsub.s32 v9, v1;
	v9 =	vtrunc.f32 v10  }
0x49c: {  	v10 =	vmul.u32 $0x500, v8;
	v9 =	vcvt.f32.s32 v9  }
0x49d: {  	vm1 =	vlt.u32 v8, $0x2D  }
0x49e: {  	v8 =	vadd.s32 v9, v10  }
0x49f: {  	v9 =	vtrunc.f32 v11  }
0x4a0: {  	v9 =	vcvt.f32.s32 v9  }
0x4a1: {  	v10 =	vor.u32 $0x61A60, v2  }
0x4a2: {  	v9 =	vadd.s32 v10, v9  }
0x4a3: {  	[tilespmem:v8+s5+$0x0] =	vst.idx.msk vm1, v9  }
0x4a4: {  	v10 =	vld.idx.msk [tilespmem:v8+s5+$0x0], vm1;
	_ =	sdelay $0x4  }
0x4a5: {  	vm2 =	vlt.s32 v10, v9  }
0x4a6: {  	vm1 =	vmand vm1, vm2  }
0x4a7: {  	v10 =	vsel vm1, $0x3F800000, v4  }
0x4a8: {  	(xrf0) =	vmax.scan.msk.f32 $0xffff, v10;
	_ =	sdelay $0x5  }
0x4a9: {  	v10, _, _ =	vpop (xrf0)  }
0x4aa: {  	(v2sf) =	vpush v10, $0xF;
	_ =	sdelay $0xe  }
0x4ab: {  	s0 =	spop (v2sf)  }
0x4ac: {  	p0 =	sgt.f32 s0, $0.0e+00  }
.Ltmp21:
0x4ad: {  	_ = 	snop;
	(pc) =	sbr.rel @!p0 .LBB2_30-.Ltmp21, $1  }
0x4ae: {  	_ =	sdelay $0x3  }
.LBB2_41:
0x4af: {  	[tilespmem:v8+s5+$0x0] =	vst.idx.msk vm1, v9  }
0x4b0: {  	v10 =	vld.idx.msk [tilespmem:v8+s5+$0x0], vm1;
	_ =	sdelay $0x4  }
0x4b1: {  	vm2 =	vlt.s32 v10, v9  }
0x4b2: {  	vm1 =	vmand vm1, vm2  }
0x4b3: {  	v10 =	vsel vm1, $0x3F800000, v4  }
0x4b4: {  	(xrf0) =	vmax.scan.msk.f32 $0xffff, v10;
	_ =	sdelay $0x5  }
0x4b5: {  	v10, _, _ =	vpop (xrf0)  }
0x4b6: {  	(v2sf) =	vpush v10, $0xF;
	_ =	sdelay $0xe  }
0x4b7: {  	s0 =	spop (v2sf)  }
0x4b8: {  	p0 =	sgt.f32 s0, $0.0e+00  }
.Ltmp22:
0x4b9: {  	_ = 	snop;
	(pc) =	sbr.rel @p0 .LBB2_41-.Ltmp22, $1  }
0x4ba: {  	_ =	sdelay $0x3  }
.LBB2_30:
0x4bb: {  	s0 =	rddreg [dreg:$0xc]  }
0x4bc: {  	s0 =	smul.u32 $0x2A3000, s0  }
0x4bd: {  	s11 =	simm.s32 $0x0;
	s29 =	simm.s32 $0x40  }
0x4be: {  	s8 =	simm.s32 $0x570;
	s1 =	sadd.s32 $0xE1000, s0;
	s6 =	sadd.s32 $0x1C2000, s0  }
.LBB2_31:
0x4bf: {  	p0 =	seq.s32 s11, $0x0  }
0x4c0: {  	s7 =	simm.s32 @!p0 $0x3  }
0x4c1: {  	_ =	swait.ge @!p0 [sflag:s7], $0x500  }
0x4c2: {  	[sflag:s7] =	ssyncset.done @!p0 $0x0  }
0x4c3: {  	[sflag:s7] =	ssyncadd.s32 @!p0 $0xFFFFFB00  }
0x4c4: {  	_ =	swait.ge @!p0 [sflag:s7], $0x500  }
0x4c5: {  	v8 =	vmov s29;
	[sflag:s7] =	ssyncset.done @!p0 $0x0  }
0x4c6: {  	[sflag:s7] =	ssyncadd.s32 @!p0 $0xFFFFFB00  }
0x4c7: {  	_ =	swait.ge @!p0 [sflag:s7], $0x500  }
0x4c8: {  	[sflag:s7] =	ssyncset.done @!p0 $0x0  }
0x4c9: {  	s9 =	simm.s32 $0x0;
	[sflag:s7] =	ssyncadd.s32 @!p0 $0xFFFFFB00  }
0x4ca: {  	v9 =	vld.idx.msk [tilespmem:v8+s9+$0xFFFFFFC0 ss:$0x1], $0xffff;
	_ =	sdelay $0x4  }
0x4cb: {  	v9 =	vand.u32 $0x80000001, v9  }
0x4cc: {  	vm1 =	veq.s32 v9, $0x1;
	vm2 =	veq.s32 v9, $0x0  }
0x4cd: {  	[tilespmem:v8+s9+$0xFFFFFFC0 ss:$0x1] =	vst.idx.msk $0xffff, v3;
	v9 =	vsel vm1, $0x0, v7;
	v10 =	vsel vm2, $0x0, v7  }
0x4ce: {  	[tilespmem:s9+$0x12C00] =	vst v10;
	v10 =	vadd.f32 v10, v9  }
0x4cf: {  	[tilespmem:s9+$0x12200] =	vst v9  }
0x4d0: {  	[tilespmem:s9+$0x13600] =	vst v10  }
0x4d1: {  	v9 =	vld.idx.msk [tilespmem:v8+s9+$0xFFFFFFD0 ss:$0x1], $0xffff;
	_ =	sdelay $0x4  }
0x4d2: {  	v9 =	vand.u32 $0x80000001, v9  }
0x4d3: {  	vm1 =	veq.s32 v9, $0x1;
	vm2 =	veq.s32 v9, $0x0  }
0x4d4: {  	[tilespmem:v8+s9+$0xFFFFFFD0 ss:$0x1] =	vst.idx.msk $0xffff, v3;
	v9 =	vsel vm1, $0x0, v7;
	v10 =	vsel vm2, $0x0, v7  }
0x4d5: {  	[tilespmem:s9+$0x12C10] =	vst v10;
	v10 =	vadd.f32 v10, v9  }
0x4d6: {  	[tilespmem:s9+$0x12210] =	vst v9  }
0x4d7: {  	[tilespmem:s9+$0x13610] =	vst v10  }
0x4d8: {  	v9 =	vld.idx.msk [tilespmem:v8+s9+$0xFFFFFFE0 ss:$0x1], $0xffff;
	_ =	sdelay $0x4  }
0x4d9: {  	v9 =	vand.u32 $0x80000001, v9  }
0x4da: {  	vm1 =	veq.s32 v9, $0x1;
	vm2 =	veq.s32 v9, $0x0  }
0x4db: {  	[tilespmem:v8+s9+$0xFFFFFFE0 ss:$0x1] =	vst.idx.msk $0xffff, v3;
	v9 =	vsel vm1, $0x0, v7;
	v10 =	vsel vm2, $0x0, v7  }
0x4dc: {  	[tilespmem:s9+$0x12C20] =	vst v10;
	v10 =	vadd.f32 v10, v9  }
0x4dd: {  	[tilespmem:s9+$0x12220] =	vst v9  }
0x4de: {  	[tilespmem:s9+$0x13620] =	vst v10  }
0x4df: {  	v9 =	vld.idx.msk [tilespmem:v8+s9+$0xFFFFFFF0 ss:$0x1], $0xffff;
	_ =	sdelay $0x4  }
0x4e0: {  	v9 =	vand.u32 $0x80000001, v9  }
0x4e1: {  	vm1 =	veq.s32 v9, $0x1;
	vm2 =	veq.s32 v9, $0x0  }
0x4e2: {  	[tilespmem:v8+s9+$0xFFFFFFF0 ss:$0x1] =	vst.idx.msk $0xffff, v3;
	v9 =	vsel vm1, $0x0, v7;
	v10 =	vsel vm2, $0x0, v7  }
0x4e3: {  	[tilespmem:s9+$0x12230] =	vst v9;
	v9 =	vadd.f32 v10, v9  }
0x4e4: {  	[tilespmem:s9+$0x12C30] =	vst v10  }
0x4e5: {  	[tilespmem:s9+$0x13630] =	vst v9  }
0x4e6: {  	v9 =	vld.idx.msk [tilespmem:v8+s9+$0x0 ss:$0x1], $0xffff;
	_ =	sdelay $0x4  }
0x4e7: {  	v9 =	vand.u32 $0x80000001, v9  }
0x4e8: {  	vm1 =	veq.s32 v9, $0x1;
	vm2 =	veq.s32 v9, $0x0  }
0x4e9: {  	[tilespmem:v8+s9+$0x0 ss:$0x1] =	vst.idx.msk $0xffff, v3;
	v9 =	vsel vm1, $0x0, v7;
	v10 =	vsel vm2, $0x0, v7  }
0x4ea: {  	[tilespmem:s9+$0x12240] =	vst v9;
	v9 =	vadd.f32 v10, v9  }
0x4eb: {  	[tilespmem:s9+$0x12C40] =	vst v10  }
0x4ec: {  	[tilespmem:s9+$0x13640] =	vst v9  }
0x4ed: {  	v9 =	vld.idx.msk [tilespmem:v8+s9+$0x10 ss:$0x1], $0xffff;
	_ =	sdelay $0x4  }
0x4ee: {  	v9 =	vand.u32 $0x80000001, v9  }
0x4ef: {  	vm1 =	veq.s32 v9, $0x1;
	vm2 =	veq.s32 v9, $0x0  }
0x4f0: {  	[tilespmem:v8+s9+$0x10 ss:$0x1] =	vst.idx.msk $0xffff, v3;
	v9 =	vsel vm1, $0x0, v7;
	v10 =	vsel vm2, $0x0, v7  }
0x4f1: {  	[tilespmem:s9+$0x12250] =	vst v9;
	v9 =	vadd.f32 v10, v9  }
0x4f2: {  	[tilespmem:s9+$0x12C50] =	vst v10  }
0x4f3: {  	[tilespmem:s9+$0x13650] =	vst v9  }
0x4f4: {  	v9 =	vld.idx.msk [tilespmem:v8+s9+$0x20 ss:$0x1], $0xffff;
	_ =	sdelay $0x4  }
0x4f5: {  	v9 =	vand.u32 $0x80000001, v9  }
0x4f6: {  	vm1 =	veq.s32 v9, $0x1;
	vm2 =	veq.s32 v9, $0x0  }
0x4f7: {  	[tilespmem:v8+s9+$0x20 ss:$0x1] =	vst.idx.msk $0xffff, v3;
	v9 =	vsel vm1, $0x0, v7;
	v10 =	vsel vm2, $0x0, v7  }
0x4f8: {  	[tilespmem:s9+$0x12260] =	vst v9;
	v9 =	vadd.f32 v10, v9  }
0x4f9: {  	[tilespmem:s9+$0x12C60] =	vst v10  }
0x4fa: {  	[tilespmem:s9+$0x13660] =	vst v9  }
0x4fb: {  	v9 =	vld.idx.msk [tilespmem:v8+s9+$0x30 ss:$0x1], $0xffff;
	_ =	sdelay $0x4  }
0x4fc: {  	v9 =	vand.u32 $0x80000001, v9  }
0x4fd: {  	vm1 =	veq.s32 v9, $0x1  }
0x4fe: {  	[tilespmem:v8+s9+$0x30 ss:$0x1] =	vst.idx.msk $0xffff, v3;
	vm2 =	veq.s32 v9, $0x0;
	v9 =	vsel vm1, $0x0, v7  }
0x4ff: {  	v10 =	vsel vm2, $0x0, v7;
	[tilespmem:s9+$0x12270] =	vst v9  }
0x500: {  	s10 =	simm.s32 $0x400;
	s7 =	simm.s32 $0x200;
	v9 =	vadd.f32 v10, v9;
	[tilespmem:s9+$0x12C70] =	vst v10  }
.LBB2_32:
0x501: {  	p1 =	sne.s32 s10, $0x1200  }
0x502: {  	[tilespmem:s9+$0x13670] =	vst v9;
	s9 =	sshra.s32 s7, $0x2;
	s7 =	smov.u32 s10;
	s10 =	sadd.s32 $0x200, s10  }
0x503: {  	v9 =	vld.idx.msk [tilespmem:v8+s9+$0xFFFFFFC0 ss:$0x1], $0xffff;
	_ =	sdelay $0x5  }
0x504: {  	v9 =	vand.u32 $0x80000001, v9  }
0x505: {  	vm1 =	veq.s32 v9, $0x1;
	vm2 =	veq.s32 v9, $0x0  }
0x506: {  	v9 =	vsel vm1, $0x0, v7;
	v10 =	vsel vm2, $0x0, v7;
	[tilespmem:v8+s9+$0xFFFFFFC0 ss:$0x1] =	vst.idx.msk $0xffff, v3  }
0x507: {  	[tilespmem:s9+$0x12C00] =	vst v10;
	v10 =	vadd.f32 v10, v9  }
0x508: {  	[tilespmem:s9+$0x12200] =	vst v9  }
0x509: {  	[tilespmem:s9+$0x13600] =	vst v10  }
0x50a: {  	v9 =	vld.idx.msk [tilespmem:v8+s9+$0xFFFFFFD0 ss:$0x1], $0xffff;
	_ =	sdelay $0x5  }
0x50b: {  	v9 =	vand.u32 $0x80000001, v9  }
0x50c: {  	vm1 =	veq.s32 v9, $0x1;
	vm2 =	veq.s32 v9, $0x0  }
0x50d: {  	v9 =	vsel vm1, $0x0, v7;
	v10 =	vsel vm2, $0x0, v7;
	[tilespmem:v8+s9+$0xFFFFFFD0 ss:$0x1] =	vst.idx.msk $0xffff, v3  }
0x50e: {  	[tilespmem:s9+$0x12C10] =	vst v10;
	v10 =	vadd.f32 v10, v9  }
0x50f: {  	[tilespmem:s9+$0x12210] =	vst v9  }
0x510: {  	[tilespmem:s9+$0x13610] =	vst v10  }
0x511: {  	v9 =	vld.idx.msk [tilespmem:v8+s9+$0xFFFFFFE0 ss:$0x1], $0xffff;
	_ =	sdelay $0x5  }
0x512: {  	v9 =	vand.u32 $0x80000001, v9  }
0x513: {  	vm1 =	veq.s32 v9, $0x1;
	vm2 =	veq.s32 v9, $0x0  }
0x514: {  	v9 =	vsel vm1, $0x0, v7;
	v10 =	vsel vm2, $0x0, v7;
	[tilespmem:v8+s9+$0xFFFFFFE0 ss:$0x1] =	vst.idx.msk $0xffff, v3  }
0x515: {  	[tilespmem:s9+$0x12C20] =	vst v10;
	v10 =	vadd.f32 v10, v9  }
0x516: {  	[tilespmem:s9+$0x12220] =	vst v9  }
0x517: {  	[tilespmem:s9+$0x13620] =	vst v10  }
0x518: {  	v9 =	vld.idx.msk [tilespmem:v8+s9+$0xFFFFFFF0 ss:$0x1], $0xffff;
	_ =	sdelay $0x5  }
0x519: {  	v9 =	vand.u32 $0x80000001, v9  }
0x51a: {  	vm1 =	veq.s32 v9, $0x1;
	vm2 =	veq.s32 v9, $0x0  }
0x51b: {  	v9 =	vsel vm1, $0x0, v7;
	v10 =	vsel vm2, $0x0, v7;
	[tilespmem:v8+s9+$0xFFFFFFF0 ss:$0x1] =	vst.idx.msk $0xffff, v3  }
0x51c: {  	[tilespmem:s9+$0x12230] =	vst v9;
	v9 =	vadd.f32 v10, v9  }
0x51d: {  	[tilespmem:s9+$0x12C30] =	vst v10  }
0x51e: {  	[tilespmem:s9+$0x13630] =	vst v9  }
0x51f: {  	v9 =	vld.idx.msk [tilespmem:v8+s9+$0x0 ss:$0x1], $0xffff  }
0x520: {  	[tilespmem:v8+s9+$0x0 ss:$0x1] =	vst.idx.msk $0xffff, v3;
	_ =	sdelay $0x4  }
0x521: {  	v9 =	vand.u32 $0x80000001, v9  }
0x522: {  	vm1 =	veq.s32 v9, $0x1;
	vm2 =	veq.s32 v9, $0x0  }
0x523: {  	v9 =	vsel vm1, $0x0, v7;
	v10 =	vsel vm2, $0x0, v7  }
0x524: {  	[tilespmem:s9+$0x12240] =	vst v9;
	v9 =	vadd.f32 v10, v9  }
0x525: {  	[tilespmem:s9+$0x12C40] =	vst v10  }
0x526: {  	[tilespmem:s9+$0x13640] =	vst v9  }
0x527: {  	v9 =	vld.idx.msk [tilespmem:v8+s9+$0x10 ss:$0x1], $0xffff  }
0x528: {  	[tilespmem:v8+s9+$0x10 ss:$0x1] =	vst.idx.msk $0xffff, v3;
	_ =	sdelay $0x4  }
0x529: {  	v9 =	vand.u32 $0x80000001, v9  }
0x52a: {  	vm1 =	veq.s32 v9, $0x1;
	vm2 =	veq.s32 v9, $0x0  }
0x52b: {  	v9 =	vsel vm1, $0x0, v7;
	v10 =	vsel vm2, $0x0, v7  }
0x52c: {  	[tilespmem:s9+$0x12250] =	vst v9;
	v9 =	vadd.f32 v10, v9  }
0x52d: {  	[tilespmem:s9+$0x12C50] =	vst v10  }
0x52e: {  	[tilespmem:s9+$0x13650] =	vst v9  }
0x52f: {  	v9 =	vld.idx.msk [tilespmem:v8+s9+$0x20 ss:$0x1], $0xffff  }
0x530: {  	[tilespmem:v8+s9+$0x20 ss:$0x1] =	vst.idx.msk $0xffff, v3;
	_ =	sdelay $0x4  }
0x531: {  	v9 =	vand.u32 $0x80000001, v9  }
0x532: {  	vm1 =	veq.s32 v9, $0x1;
	vm2 =	veq.s32 v9, $0x0  }
0x533: {  	v9 =	vsel vm1, $0x0, v7;
	v10 =	vsel vm2, $0x0, v7  }
0x534: {  	[tilespmem:s9+$0x12260] =	vst v9;
	v9 =	vadd.f32 v10, v9  }
0x535: {  	[tilespmem:s9+$0x12C60] =	vst v10  }
0x536: {  	[tilespmem:s9+$0x13660] =	vst v9  }
0x537: {  	v9 =	vld.idx.msk [tilespmem:v8+s9+$0x30 ss:$0x1], $0xffff  }
0x538: {  	[tilespmem:v8+s9+$0x30 ss:$0x1] =	vst.idx.msk $0xffff, v3;
	_ =	sdelay $0x4  }
.Ltmp23:
0x539: {  	v9 =	vand.u32 $0x80000001, v9;
	(pc) =	sbr.rel @p1 .LBB2_32-.Ltmp23, $4  }
0x53a: {  	vm1 =	veq.s32 v9, $0x1;
	vm2 =	veq.s32 v9, $0x0  }
0x53b: {  	v9 =	vsel vm1, $0x0, v7;
	v10 =	vsel vm2, $0x0, v7  }
0x53c: {  	[tilespmem:s9+$0x12270] =	vst v9;
	v9 =	vadd.f32 v10, v9  }
0x53d: {  	[tilespmem:s9+$0x12C70] =	vst v10  }
0x53e: {  	_ =	sdelay $0x2  }
0x53f: {  	s10 =	sshra.s32 s7, $0x2;
	[tilespmem:s9+$0x13670] =	vst v9  }
0x540: {  	v9 =	vld.idx.msk [tilespmem:v8+s10+$0xFFFFFFC0 ss:$0x1], $0xffff;
	_ =	sdelay $0x4  }
0x541: {  	v9 =	vand.u32 $0x80000001, v9  }
0x542: {  	vm1 =	veq.s32 v9, $0x1;
	vm2 =	veq.s32 v9, $0x0  }
0x543: {  	[tilespmem:v8+s10+$0xFFFFFFC0 ss:$0x1] =	vst.idx.msk $0xffff, v3;
	v9 =	vsel vm1, $0x0, v7;
	v10 =	vsel vm2, $0x0, v7  }
0x544: {  	[tilespmem:s10+$0x12C00] =	vst v10;
	v10 =	vadd.f32 v10, v9  }
0x545: {  	[tilespmem:s10+$0x12200] =	vst v9  }
0x546: {  	[tilespmem:s10+$0x13600] =	vst v10  }
0x547: {  	v9 =	vld.idx.msk [tilespmem:v8+s10+$0xFFFFFFD0 ss:$0x1], $0xffff;
	_ =	sdelay $0x4  }
0x548: {  	v9 =	vand.u32 $0x80000001, v9  }
0x549: {  	vm1 =	veq.s32 v9, $0x1;
	vm2 =	veq.s32 v9, $0x0  }
0x54a: {  	[tilespmem:v8+s10+$0xFFFFFFD0 ss:$0x1] =	vst.idx.msk $0xffff, v3;
	v9 =	vsel vm1, $0x0, v7;
	v10 =	vsel vm2, $0x0, v7  }
0x54b: {  	[tilespmem:s10+$0x12C10] =	vst v10;
	v10 =	vadd.f32 v10, v9  }
0x54c: {  	[tilespmem:s10+$0x12210] =	vst v9  }
0x54d: {  	[tilespmem:s10+$0x13610] =	vst v10  }
0x54e: {  	v9 =	vld.idx.msk [tilespmem:v8+s10+$0xFFFFFFE0 ss:$0x1], $0xffff;
	_ =	sdelay $0x4  }
0x54f: {  	v9 =	vand.u32 $0x80000001, v9  }
0x550: {  	vm1 =	veq.s32 v9, $0x1;
	vm2 =	veq.s32 v9, $0x0  }
0x551: {  	[tilespmem:v8+s10+$0xFFFFFFE0 ss:$0x1] =	vst.idx.msk $0xffff, v3;
	v9 =	vsel vm1, $0x0, v7;
	v10 =	vsel vm2, $0x0, v7  }
0x552: {  	[tilespmem:s10+$0x12C20] =	vst v10;
	v10 =	vadd.f32 v10, v9  }
0x553: {  	[tilespmem:s10+$0x12220] =	vst v9  }
0x554: {  	[tilespmem:s10+$0x13620] =	vst v10  }
0x555: {  	v9 =	vld.idx.msk [tilespmem:v8+s10+$0xFFFFFFF0 ss:$0x1], $0xffff;
	_ =	sdelay $0x4  }
0x556: {  	v9 =	vand.u32 $0x80000001, v9  }
0x557: {  	vm1 =	veq.s32 v9, $0x1;
	vm2 =	veq.s32 v9, $0x0  }
0x558: {  	[tilespmem:v8+s10+$0xFFFFFFF0 ss:$0x1] =	vst.idx.msk $0xffff, v3;
	v9 =	vsel vm1, $0x0, v7;
	v10 =	vsel vm2, $0x0, v7  }
0x559: {  	[tilespmem:s10+$0x12230] =	vst v9;
	v9 =	vadd.f32 v10, v9  }
0x55a: {  	[tilespmem:s10+$0x12C30] =	vst v10  }
0x55b: {  	[tilespmem:s10+$0x13630] =	vst v9  }
0x55c: {  	v9 =	vld.idx.msk [tilespmem:v8+s10+$0x0 ss:$0x1], $0xffff;
	_ =	sdelay $0x4  }
0x55d: {  	v9 =	vand.u32 $0x80000001, v9  }
0x55e: {  	vm1 =	veq.s32 v9, $0x1;
	vm2 =	veq.s32 v9, $0x0  }
0x55f: {  	[tilespmem:v8+s10+$0x0 ss:$0x1] =	vst.idx.msk $0xffff, v3;
	v9 =	vsel vm1, $0x0, v7;
	v10 =	vsel vm2, $0x0, v7  }
0x560: {  	[tilespmem:s10+$0x12240] =	vst v9;
	v9 =	vadd.f32 v10, v9  }
0x561: {  	[tilespmem:s10+$0x12C40] =	vst v10  }
0x562: {  	[tilespmem:s10+$0x13640] =	vst v9  }
0x563: {  	v9 =	vld.idx.msk [tilespmem:v8+s10+$0x10 ss:$0x1], $0xffff;
	_ =	sdelay $0x4  }
0x564: {  	v9 =	vand.u32 $0x80000001, v9  }
0x565: {  	vm1 =	veq.s32 v9, $0x1;
	vm2 =	veq.s32 v9, $0x0  }
0x566: {  	[tilespmem:v8+s10+$0x10 ss:$0x1] =	vst.idx.msk $0xffff, v3;
	v9 =	vsel vm1, $0x0, v7;
	v10 =	vsel vm2, $0x0, v7  }
0x567: {  	[tilespmem:s10+$0x12250] =	vst v9;
	v9 =	vadd.f32 v10, v9  }
0x568: {  	[tilespmem:s10+$0x12C50] =	vst v10  }
0x569: {  	[tilespmem:s10+$0x13650] =	vst v9  }
0x56a: {  	v9 =	vld.idx.msk [tilespmem:v8+s10+$0x20 ss:$0x1], $0xffff;
	_ =	sdelay $0x4  }
0x56b: {  	v9 =	vand.u32 $0x80000001, v9  }
0x56c: {  	vm1 =	veq.s32 v9, $0x1;
	vm2 =	veq.s32 v9, $0x0  }
0x56d: {  	[tilespmem:v8+s10+$0x20 ss:$0x1] =	vst.idx.msk $0xffff, v3;
	v9 =	vsel vm1, $0x0, v7;
	v10 =	vsel vm2, $0x0, v7  }
0x56e: {  	[tilespmem:s10+$0x12260] =	vst v9;
	v9 =	vadd.f32 v10, v9  }
0x56f: {  	[tilespmem:s10+$0x12C60] =	vst v10  }
0x570: {  	[tilespmem:s10+$0x13660] =	vst v9  }
0x571: {  	v9 =	vld.idx.msk [tilespmem:v8+s10+$0x30 ss:$0x1], $0xffff;
	_ =	sdelay $0x1  }
0x572: {  	s23 =	sshll.u32 s11, $0x1  }
0x573: {  	s26 =	sadd.s32 s4, s23  }
0x574: {  	s18 =	sshrl.u32 s26, $0x3  }
0x575: {  	s18 =	smul.u32 $0x2800, s18;
	v9 =	vand.u32 $0x80000001, v9  }
0x576: {  	s9 =	sshll.u32 s26, $0x7;
	vm1 =	veq.s32 v9, $0x1;
	vm2 =	veq.s32 v9, $0x0  }
0x577: {  	s9 =	sand.u32 $0x380, s9;
	s19 =	sadd.s32 s0, s18;
	[tilespmem:v8+s10+$0x30 ss:$0x1] =	vst.idx.msk $0xffff, v3;
	v8 =	vsel vm1, $0x0, v7;
	v9 =	vsel vm2, $0x0, v7  }
0x578: {  	s19 =	sor.u32 s9, s19;
	[tilespmem:s10+$0x12270] =	vst v8;
	v8 =	vadd.f32 v9, v8  }
0x579: {  	s30 =	sadd.s32 s1, s18;
	s19 =	sshrl.u32 s19, $0x3;
	[tilespmem:s10+$0x12C70] =	vst v9  }
0x57a: {  	s31 =	sadd.s32 s6, s18;
	s28 =	sadd.s32 s3, s19;
	[tilespmem:s10+$0x13670] =	vst v8;
	s10 =	sor.u32 s9, s30  }
0x57b: {  	[hbm4b:s28+s16] =	stream.strided.scatter [tilespmem:s20], [sflag:$0x3], $0x500, s17, s16, $0x38;
	[tilespmem:$0x14000] =	vst v63  }
0x57c: {  	s9 =	sor.u32 s9, s31;
	s10 =	sshrl.u32 s10, $0x3  }
0x57d: {  	s9 =	sshrl.u32 s9, $0x3;
	s10 =	sadd.s32 s3, s10  }
0x57e: {  	[hbm4b:s10+s16] =	stream.strided.scatter [tilespmem:s21], [sflag:$0x3], $0x500, s17, s16, $0x38;
	[tilespmem:$0x14000] =	vst v63  }
0x57f: {  	s9 =	sadd.s32 s3, s9  }
0x580: {  	[hbm4b:s9+s16] =	stream.strided.scatter [tilespmem:s22], [sflag:$0x3], $0x500, s17, s16, $0x38;
	[tilespmem:$0x14000] =	vst v63  }
0x581: {  	s9 =	simm.s32 @!p0 $0x4  }
0x582: {  	_ =	swait.ge @!p0 [sflag:s9], $0x500  }
0x583: {  	[sflag:s9] =	ssyncset.done @!p0 $0x0  }
0x584: {  	[sflag:s9] =	ssyncadd.s32 @!p0 $0xFFFFFB00  }
0x585: {  	_ =	swait.ge @!p0 [sflag:s9], $0x500  }
0x586: {  	v8 =	vmov s8;
	[sflag:s9] =	ssyncset.done @!p0 $0x0  }
0x587: {  	[sflag:s9] =	ssyncadd.s32 @!p0 $0xFFFFFB00  }
0x588: {  	_ =	swait.ge @!p0 [sflag:s9], $0x500  }
0x589: {  	[sflag:s9] =	ssyncset.done @!p0 $0x0  }
0x58a: {  	[sflag:s9] =	ssyncadd.s32 @!p0 $0xFFFFFB00;
	s9 =	simm.s32 $0x0  }
0x58b: {  	v9 =	vld.idx.msk [tilespmem:v8+s9+$0xFFFFFF90 ss:$0x1], $0xffff;
	_ =	sdelay $0x4  }
0x58c: {  	v9 =	vand.u32 $0x80000001, v9  }
0x58d: {  	vm1 =	veq.s32 v9, $0x1;
	vm2 =	veq.s32 v9, $0x0  }
0x58e: {  	[tilespmem:v8+s9+$0xFFFFFF90 ss:$0x1] =	vst.idx.msk $0xffff, v3;
	v9 =	vsel vm1, $0x0, v7;
	v10 =	vsel vm2, $0x0, v7  }
0x58f: {  	[tilespmem:s9+$0x13100] =	vst v10;
	v10 =	vadd.f32 v10, v9  }
0x590: {  	[tilespmem:s9+$0x12700] =	vst v9  }
0x591: {  	[tilespmem:s9+$0x13B00] =	vst v10  }
0x592: {  	v9 =	vld.idx.msk [tilespmem:v8+s9+$0xFFFFFFA0 ss:$0x1], $0xffff;
	_ =	sdelay $0x4  }
0x593: {  	v9 =	vand.u32 $0x80000001, v9  }
0x594: {  	vm1 =	veq.s32 v9, $0x1;
	vm2 =	veq.s32 v9, $0x0  }
0x595: {  	[tilespmem:v8+s9+$0xFFFFFFA0 ss:$0x1] =	vst.idx.msk $0xffff, v3;
	v9 =	vsel vm1, $0x0, v7;
	v10 =	vsel vm2, $0x0, v7  }
0x596: {  	[tilespmem:s9+$0x13110] =	vst v10;
	v10 =	vadd.f32 v10, v9  }
0x597: {  	[tilespmem:s9+$0x12710] =	vst v9  }
0x598: {  	[tilespmem:s9+$0x13B10] =	vst v10  }
0x599: {  	v9 =	vld.idx.msk [tilespmem:v8+s9+$0xFFFFFFB0 ss:$0x1], $0xffff;
	_ =	sdelay $0x4  }
0x59a: {  	v9 =	vand.u32 $0x80000001, v9  }
0x59b: {  	vm1 =	veq.s32 v9, $0x1;
	vm2 =	veq.s32 v9, $0x0  }
0x59c: {  	[tilespmem:v8+s9+$0xFFFFFFB0 ss:$0x1] =	vst.idx.msk $0xffff, v3;
	v9 =	vsel vm1, $0x0, v7;
	v10 =	vsel vm2, $0x0, v7  }
0x59d: {  	[tilespmem:s9+$0x13120] =	vst v10;
	v10 =	vadd.f32 v10, v9  }
0x59e: {  	[tilespmem:s9+$0x12720] =	vst v9  }
0x59f: {  	[tilespmem:s9+$0x13B20] =	vst v10  }
0x5a0: {  	v9 =	vld.idx.msk [tilespmem:v8+s9+$0xFFFFFFC0 ss:$0x1], $0xffff;
	_ =	sdelay $0x4  }
0x5a1: {  	v9 =	vand.u32 $0x80000001, v9  }
0x5a2: {  	vm1 =	veq.s32 v9, $0x1;
	vm2 =	veq.s32 v9, $0x0  }
0x5a3: {  	[tilespmem:v8+s9+$0xFFFFFFC0 ss:$0x1] =	vst.idx.msk $0xffff, v3;
	v9 =	vsel vm1, $0x0, v7;
	v10 =	vsel vm2, $0x0, v7  }
0x5a4: {  	[tilespmem:s9+$0x12730] =	vst v9;
	v9 =	vadd.f32 v10, v9  }
0x5a5: {  	[tilespmem:s9+$0x13130] =	vst v10  }
0x5a6: {  	[tilespmem:s9+$0x13B30] =	vst v9  }
0x5a7: {  	v9 =	vld.idx.msk [tilespmem:v8+s9+$0xFFFFFFD0 ss:$0x1], $0xffff;
	_ =	sdelay $0x4  }
0x5a8: {  	v9 =	vand.u32 $0x80000001, v9  }
0x5a9: {  	vm1 =	veq.s32 v9, $0x1;
	vm2 =	veq.s32 v9, $0x0  }
0x5aa: {  	[tilespmem:v8+s9+$0xFFFFFFD0 ss:$0x1] =	vst.idx.msk $0xffff, v3;
	v9 =	vsel vm1, $0x0, v7;
	v10 =	vsel vm2, $0x0, v7  }
0x5ab: {  	[tilespmem:s9+$0x12740] =	vst v9;
	v9 =	vadd.f32 v10, v9  }
0x5ac: {  	[tilespmem:s9+$0x13140] =	vst v10  }
0x5ad: {  	[tilespmem:s9+$0x13B40] =	vst v9  }
0x5ae: {  	v9 =	vld.idx.msk [tilespmem:v8+s9+$0xFFFFFFE0 ss:$0x1], $0xffff;
	_ =	sdelay $0x4  }
0x5af: {  	v9 =	vand.u32 $0x80000001, v9  }
0x5b0: {  	vm1 =	veq.s32 v9, $0x1;
	vm2 =	veq.s32 v9, $0x0  }
0x5b1: {  	[tilespmem:v8+s9+$0xFFFFFFE0 ss:$0x1] =	vst.idx.msk $0xffff, v3;
	v9 =	vsel vm1, $0x0, v7;
	v10 =	vsel vm2, $0x0, v7  }
0x5b2: {  	[tilespmem:s9+$0x12750] =	vst v9;
	v9 =	vadd.f32 v10, v9  }
0x5b3: {  	[tilespmem:s9+$0x13150] =	vst v10  }
0x5b4: {  	[tilespmem:s9+$0x13B50] =	vst v9  }
0x5b5: {  	v9 =	vld.idx.msk [tilespmem:v8+s9+$0xFFFFFFF0 ss:$0x1], $0xffff;
	_ =	sdelay $0x4  }
0x5b6: {  	v9 =	vand.u32 $0x80000001, v9  }
0x5b7: {  	vm1 =	veq.s32 v9, $0x1;
	vm2 =	veq.s32 v9, $0x0  }
0x5b8: {  	[tilespmem:v8+s9+$0xFFFFFFF0 ss:$0x1] =	vst.idx.msk $0xffff, v3;
	v9 =	vsel vm1, $0x0, v7;
	v10 =	vsel vm2, $0x0, v7  }
0x5b9: {  	[tilespmem:s9+$0x12760] =	vst v9;
	v9 =	vadd.f32 v10, v9  }
0x5ba: {  	[tilespmem:s9+$0x13160] =	vst v10  }
0x5bb: {  	[tilespmem:s9+$0x13B60] =	vst v9  }
0x5bc: {  	v9 =	vld.idx.msk [tilespmem:v8+s9+$0x0 ss:$0x1], $0xffff;
	_ =	sdelay $0x4  }
0x5bd: {  	v9 =	vand.u32 $0x80000001, v9  }
0x5be: {  	vm1 =	veq.s32 v9, $0x1  }
0x5bf: {  	[tilespmem:v8+s9+$0x0 ss:$0x1] =	vst.idx.msk $0xffff, v3;
	vm2 =	veq.s32 v9, $0x0;
	v9 =	vsel vm1, $0x0, v7  }
0x5c0: {  	v10 =	vsel vm2, $0x0, v7;
	[tilespmem:s9+$0x12770] =	vst v9  }
0x5c1: {  	s7 =	simm.s32 $0x200;
	s19 =	simm.s32 $0x400;
	s10 =	sor.u32 $0x1, s23;
	v9 =	vadd.f32 v10, v9;
	[tilespmem:s9+$0x13170] =	vst v10  }
.LBB2_34:
0x5c2: {  	p0 =	sne.s32 s19, $0x1200  }
0x5c3: {  	[tilespmem:s9+$0x13B70] =	vst v9;
	s9 =	sshra.s32 s7, $0x2;
	s7 =	smov.u32 s19;
	s19 =	sadd.s32 $0x200, s19  }
0x5c4: {  	v9 =	vld.idx.msk [tilespmem:v8+s9+$0xFFFFFF90 ss:$0x1], $0xffff;
	_ =	sdelay $0x5  }
0x5c5: {  	v9 =	vand.u32 $0x80000001, v9  }
0x5c6: {  	vm1 =	veq.s32 v9, $0x1;
	vm2 =	veq.s32 v9, $0x0  }
0x5c7: {  	v9 =	vsel vm1, $0x0, v7;
	v10 =	vsel vm2, $0x0, v7;
	[tilespmem:v8+s9+$0xFFFFFF90 ss:$0x1] =	vst.idx.msk $0xffff, v3  }
0x5c8: {  	[tilespmem:s9+$0x13100] =	vst v10;
	v10 =	vadd.f32 v10, v9  }
0x5c9: {  	[tilespmem:s9+$0x12700] =	vst v9  }
0x5ca: {  	[tilespmem:s9+$0x13B00] =	vst v10  }
0x5cb: {  	v9 =	vld.idx.msk [tilespmem:v8+s9+$0xFFFFFFA0 ss:$0x1], $0xffff;
	_ =	sdelay $0x5  }
0x5cc: {  	v9 =	vand.u32 $0x80000001, v9  }
0x5cd: {  	vm1 =	veq.s32 v9, $0x1;
	vm2 =	veq.s32 v9, $0x0  }
0x5ce: {  	v9 =	vsel vm1, $0x0, v7;
	v10 =	vsel vm2, $0x0, v7;
	[tilespmem:v8+s9+$0xFFFFFFA0 ss:$0x1] =	vst.idx.msk $0xffff, v3  }
0x5cf: {  	[tilespmem:s9+$0x13110] =	vst v10;
	v10 =	vadd.f32 v10, v9  }
0x5d0: {  	[tilespmem:s9+$0x12710] =	vst v9  }
0x5d1: {  	[tilespmem:s9+$0x13B10] =	vst v10  }
0x5d2: {  	v9 =	vld.idx.msk [tilespmem:v8+s9+$0xFFFFFFB0 ss:$0x1], $0xffff;
	_ =	sdelay $0x5  }
0x5d3: {  	v9 =	vand.u32 $0x80000001, v9  }
0x5d4: {  	vm1 =	veq.s32 v9, $0x1;
	vm2 =	veq.s32 v9, $0x0  }
0x5d5: {  	v9 =	vsel vm1, $0x0, v7;
	v10 =	vsel vm2, $0x0, v7;
	[tilespmem:v8+s9+$0xFFFFFFB0 ss:$0x1] =	vst.idx.msk $0xffff, v3  }
0x5d6: {  	[tilespmem:s9+$0x13120] =	vst v10;
	v10 =	vadd.f32 v10, v9  }
0x5d7: {  	[tilespmem:s9+$0x12720] =	vst v9  }
0x5d8: {  	[tilespmem:s9+$0x13B20] =	vst v10  }
0x5d9: {  	v9 =	vld.idx.msk [tilespmem:v8+s9+$0xFFFFFFC0 ss:$0x1], $0xffff;
	_ =	sdelay $0x5  }
0x5da: {  	v9 =	vand.u32 $0x80000001, v9  }
0x5db: {  	vm1 =	veq.s32 v9, $0x1;
	vm2 =	veq.s32 v9, $0x0  }
0x5dc: {  	v9 =	vsel vm1, $0x0, v7;
	v10 =	vsel vm2, $0x0, v7;
	[tilespmem:v8+s9+$0xFFFFFFC0 ss:$0x1] =	vst.idx.msk $0xffff, v3  }
0x5dd: {  	[tilespmem:s9+$0x12730] =	vst v9;
	v9 =	vadd.f32 v10, v9  }
0x5de: {  	[tilespmem:s9+$0x13130] =	vst v10  }
0x5df: {  	[tilespmem:s9+$0x13B30] =	vst v9  }
0x5e0: {  	v9 =	vld.idx.msk [tilespmem:v8+s9+$0xFFFFFFD0 ss:$0x1], $0xffff  }
0x5e1: {  	[tilespmem:v8+s9+$0xFFFFFFD0 ss:$0x1] =	vst.idx.msk $0xffff, v3;
	_ =	sdelay $0x4  }
0x5e2: {  	v9 =	vand.u32 $0x80000001, v9  }
0x5e3: {  	vm1 =	veq.s32 v9, $0x1;
	vm2 =	veq.s32 v9, $0x0  }
0x5e4: {  	v9 =	vsel vm1, $0x0, v7;
	v10 =	vsel vm2, $0x0, v7  }
0x5e5: {  	[tilespmem:s9+$0x12740] =	vst v9;
	v9 =	vadd.f32 v10, v9  }
0x5e6: {  	[tilespmem:s9+$0x13140] =	vst v10  }
0x5e7: {  	[tilespmem:s9+$0x13B40] =	vst v9  }
0x5e8: {  	v9 =	vld.idx.msk [tilespmem:v8+s9+$0xFFFFFFE0 ss:$0x1], $0xffff  }
0x5e9: {  	[tilespmem:v8+s9+$0xFFFFFFE0 ss:$0x1] =	vst.idx.msk $0xffff, v3;
	_ =	sdelay $0x4  }
0x5ea: {  	v9 =	vand.u32 $0x80000001, v9  }
0x5eb: {  	vm1 =	veq.s32 v9, $0x1;
	vm2 =	veq.s32 v9, $0x0  }
0x5ec: {  	v9 =	vsel vm1, $0x0, v7;
	v10 =	vsel vm2, $0x0, v7  }
0x5ed: {  	[tilespmem:s9+$0x12750] =	vst v9;
	v9 =	vadd.f32 v10, v9  }
0x5ee: {  	[tilespmem:s9+$0x13150] =	vst v10  }
0x5ef: {  	[tilespmem:s9+$0x13B50] =	vst v9  }
0x5f0: {  	v9 =	vld.idx.msk [tilespmem:v8+s9+$0xFFFFFFF0 ss:$0x1], $0xffff  }
0x5f1: {  	[tilespmem:v8+s9+$0xFFFFFFF0 ss:$0x1] =	vst.idx.msk $0xffff, v3;
	_ =	sdelay $0x4  }
0x5f2: {  	v9 =	vand.u32 $0x80000001, v9  }
0x5f3: {  	vm1 =	veq.s32 v9, $0x1;
	vm2 =	veq.s32 v9, $0x0  }
0x5f4: {  	v9 =	vsel vm1, $0x0, v7;
	v10 =	vsel vm2, $0x0, v7  }
0x5f5: {  	[tilespmem:s9+$0x12760] =	vst v9;
	v9 =	vadd.f32 v10, v9  }
0x5f6: {  	[tilespmem:s9+$0x13160] =	vst v10  }
0x5f7: {  	[tilespmem:s9+$0x13B60] =	vst v9  }
0x5f8: {  	v9 =	vld.idx.msk [tilespmem:v8+s9+$0x0 ss:$0x1], $0xffff  }
0x5f9: {  	[tilespmem:v8+s9+$0x0 ss:$0x1] =	vst.idx.msk $0xffff, v3;
	_ =	sdelay $0x4  }
.Ltmp24:
0x5fa: {  	v9 =	vand.u32 $0x80000001, v9;
	(pc) =	sbr.rel @p0 .LBB2_34-.Ltmp24, $4  }
0x5fb: {  	vm1 =	veq.s32 v9, $0x1;
	vm2 =	veq.s32 v9, $0x0  }
0x5fc: {  	v9 =	vsel vm1, $0x0, v7;
	v10 =	vsel vm2, $0x0, v7  }
0x5fd: {  	[tilespmem:s9+$0x12770] =	vst v9;
	v9 =	vadd.f32 v10, v9  }
0x5fe: {  	[tilespmem:s9+$0x13170] =	vst v10  }
0x5ff: {  	_ =	sdelay $0x2  }
0x600: {  	s7 =	sshra.s32 s7, $0x2;
	[tilespmem:s9+$0x13B70] =	vst v9  }
0x601: {  	v9 =	vld.idx.msk [tilespmem:v8+s7+$0xFFFFFF90 ss:$0x1], $0xffff;
	_ =	sdelay $0x4  }
0x602: {  	v9 =	vand.u32 $0x80000001, v9  }
0x603: {  	vm1 =	veq.s32 v9, $0x1;
	vm2 =	veq.s32 v9, $0x0  }
0x604: {  	[tilespmem:v8+s7+$0xFFFFFF90 ss:$0x1] =	vst.idx.msk $0xffff, v3;
	v51 =	vsel vm1, $0x0, v7;
	v10 =	vsel vm2, $0x0, v7  }
0x605: {  	[tilespmem:s7+$0x13100] =	vst v10;
	v10 =	vadd.f32 v10, v51  }
0x606: {  	[tilespmem:s7+$0x12700] =	vst v51  }
0x607: {  	[tilespmem:s7+$0x13B00] =	vst v10  }
0x608: {  	v9 =	vld.idx.msk [tilespmem:v8+s7+$0xFFFFFFA0 ss:$0x1], $0xffff;
	_ =	sdelay $0x4  }
0x609: {  	v9 =	vand.u32 $0x80000001, v9  }
0x60a: {  	vm1 =	veq.s32 v9, $0x1;
	vm2 =	veq.s32 v9, $0x0  }
0x60b: {  	[tilespmem:v8+s7+$0xFFFFFFA0 ss:$0x1] =	vst.idx.msk $0xffff, v3;
	v52 =	vsel vm1, $0x0, v7;
	v53 =	vsel vm2, $0x0, v7  }
0x60c: {  	[tilespmem:s7+$0x13110] =	vst v53;
	v10 =	vadd.f32 v53, v52  }
0x60d: {  	[tilespmem:s7+$0x12710] =	vst v52  }
0x60e: {  	[tilespmem:s7+$0x13B10] =	vst v10  }
0x60f: {  	v9 =	vld.idx.msk [tilespmem:v8+s7+$0xFFFFFFB0 ss:$0x1], $0xffff;
	_ =	sdelay $0x4  }
0x610: {  	v9 =	vand.u32 $0x80000001, v9  }
0x611: {  	vm1 =	veq.s32 v9, $0x1;
	vm2 =	veq.s32 v9, $0x0  }
0x612: {  	[tilespmem:v8+s7+$0xFFFFFFB0 ss:$0x1] =	vst.idx.msk $0xffff, v3;
	v54 =	vsel vm1, $0x0, v7;
	v55 =	vsel vm2, $0x0, v7  }
0x613: {  	[tilespmem:s7+$0x13120] =	vst v55;
	v10 =	vadd.f32 v55, v54  }
0x614: {  	[tilespmem:s7+$0x12720] =	vst v54  }
0x615: {  	[tilespmem:s7+$0x13B20] =	vst v10  }
0x616: {  	v9 =	vld.idx.msk [tilespmem:v8+s7+$0xFFFFFFC0 ss:$0x1], $0xffff;
	_ =	sdelay $0x4  }
0x617: {  	v9 =	vand.u32 $0x80000001, v9  }
0x618: {  	vm1 =	veq.s32 v9, $0x1;
	vm2 =	veq.s32 v9, $0x0  }
0x619: {  	[tilespmem:v8+s7+$0xFFFFFFC0 ss:$0x1] =	vst.idx.msk $0xffff, v3;
	v56 =	vsel vm1, $0x0, v7;
	v57 =	vsel vm2, $0x0, v7  }
0x61a: {  	[tilespmem:s7+$0x12730] =	vst v56;
	v9 =	vadd.f32 v57, v56  }
0x61b: {  	[tilespmem:s7+$0x13130] =	vst v57  }
0x61c: {  	[tilespmem:s7+$0x13B30] =	vst v9  }
0x61d: {  	v9 =	vld.idx.msk [tilespmem:v8+s7+$0xFFFFFFD0 ss:$0x1], $0xffff;
	_ =	sdelay $0x4  }
0x61e: {  	v9 =	vand.u32 $0x80000001, v9  }
0x61f: {  	vm1 =	veq.s32 v9, $0x1;
	vm2 =	veq.s32 v9, $0x0  }
0x620: {  	[tilespmem:v8+s7+$0xFFFFFFD0 ss:$0x1] =	vst.idx.msk $0xffff, v3;
	v58 =	vsel vm1, $0x0, v7;
	v59 =	vsel vm2, $0x0, v7  }
0x621: {  	[tilespmem:s7+$0x12740] =	vst v58;
	v9 =	vadd.f32 v59, v58  }
0x622: {  	[tilespmem:s7+$0x13140] =	vst v59  }
0x623: {  	[tilespmem:s7+$0x13B40] =	vst v9  }
0x624: {  	v9 =	vld.idx.msk [tilespmem:v8+s7+$0xFFFFFFE0 ss:$0x1], $0xffff;
	_ =	sdelay $0x4  }
0x625: {  	v9 =	vand.u32 $0x80000001, v9  }
0x626: {  	vm1 =	veq.s32 v9, $0x1;
	vm2 =	veq.s32 v9, $0x0  }
0x627: {  	[tilespmem:v8+s7+$0xFFFFFFE0 ss:$0x1] =	vst.idx.msk $0xffff, v3;
	v60 =	vsel vm1, $0x0, v7;
	v61 =	vsel vm2, $0x0, v7  }
0x628: {  	[tilespmem:s7+$0x12750] =	vst v60;
	v9 =	vadd.f32 v61, v60  }
0x629: {  	[tilespmem:s7+$0x13150] =	vst v61  }
0x62a: {  	[tilespmem:s7+$0x13B50] =	vst v9  }
0x62b: {  	v9 =	vld.idx.msk [tilespmem:v8+s7+$0xFFFFFFF0 ss:$0x1], $0xffff;
	_ =	sdelay $0x4  }
0x62c: {  	v9 =	vand.u32 $0x80000001, v9  }
0x62d: {  	vm1 =	veq.s32 v9, $0x1;
	vm2 =	veq.s32 v9, $0x0  }
0x62e: {  	[tilespmem:v8+s7+$0xFFFFFFF0 ss:$0x1] =	vst.idx.msk $0xffff, v3;
	v62 =	vsel vm1, $0x0, v7;
	v63 =	vsel vm2, $0x0, v7  }
0x62f: {  	[tilespmem:s7+$0x12760] =	vst v62;
	v9 =	vadd.f32 v63, v62  }
0x630: {  	[tilespmem:s7+$0x13160] =	vst v63  }
0x631: {  	[tilespmem:s7+$0x13B60] =	vst v9  }
0x632: {  	v9 =	vld.idx.msk [tilespmem:v8+s7+$0x0 ss:$0x1], $0xffff;
	_ =	sdelay $0x2  }
0x633: {  	s23 =	sadd.s32 s4, s10  }
0x634: {  	s10 =	sshrl.u32 s23, $0x3  }
0x635: {  	s10 =	smul.u32 $0x2800, s10;
	v9 =	vand.u32 $0x80000001, v9  }
0x636: {  	s9 =	sshll.u32 s23, $0x7;
	vm1 =	veq.s32 v9, $0x1;
	vm2 =	veq.s32 v9, $0x0  }
0x637: {  	s9 =	sand.u32 $0x380, s9;
	s18 =	sadd.s32 s0, s10;
	[tilespmem:v8+s7+$0x0 ss:$0x1] =	vst.idx.msk $0xffff, v3;
	v8 =	vsel vm1, $0x0, v7;
	v9 =	vsel vm2, $0x0, v7  }
0x638: {  	s18 =	sor.u32 s9, s18;
	[tilespmem:s7+$0x12770] =	vst v8;
	v8 =	vadd.f32 v9, v8  }
0x639: {  	s30 =	sadd.s32 s1, s10;
	s18 =	sshrl.u32 s18, $0x3;
	[tilespmem:s7+$0x13170] =	vst v9  }
0x63a: {  	s28 =	simm.s32 $0x12700;
	s26 =	sadd.s32 s3, s18;
	[tilespmem:s7+$0x13B70] =	vst v8;
	s7 =	sor.u32 s9, s30  }
0x63b: {  	[hbm4b:s26+s16] =	stream.strided.scatter [tilespmem:s28], [sflag:$0x4], $0x500, s17, s16, $0x38;
	[tilespmem:$0x14000] =	vst v63  }
0x63c: {  	s11 =	sadd.s32 $0x1, s11;
	s7 =	sshrl.u32 s7, $0x3  }
0x63d: {  	p0 =	sne.s32 s11, $0x16;
	s7 =	sadd.s32 s3, s7  }
0x63e: {  	[hbm4b:s7+s16] =	stream.strided.scatter [tilespmem:s24], [sflag:$0x4], $0x500, s17, s16, $0x38;
	[tilespmem:$0x14000] =	vst v63  }
.Ltmp25:
0x63f: {  	s31 =	sadd.s32 s6, s10;
	(pc) =	sbr.rel @p0 .LBB2_31-.Ltmp25, $4  }
0x640: {  	s7 =	sor.u32 s9, s31  }
0x641: {  	s7 =	sshrl.u32 s7, $0x3  }
0x642: {  	s29 =	sadd.s32 $0xA00, s29;
	s8 =	sadd.s32 $0xA00, s8;
	s7 =	sadd.s32 s3, s7  }
0x643: {  	[hbm4b:s7+s16] =	stream.strided.scatter [tilespmem:s25], [sflag:$0x4], $0x500, s17, s16, $0x38;
	[tilespmem:$0x14000] =	vst v63  }
0x644: {  	s9 =	simm.s32 $0x3  }
0x645: {  	_ =	swait.ge [sflag:s9], $0x500  }
0x646: {  	[sflag:s9] =	ssyncset.done $0x0  }
0x647: {  	[sflag:s9] =	ssyncadd.s32 $0xFFFFFB00  }
0x648: {  	_ =	swait.ge [sflag:s9], $0x500  }
0x649: {  	[sflag:s9] =	ssyncset.done $0x0  }
0x64a: {  	[sflag:s9] =	ssyncadd.s32 $0xFFFFFB00  }
0x64b: {  	_ =	swait.ge [sflag:s9], $0x500  }
0x64c: {  	[sflag:s9] =	ssyncset.done $0x0  }
0x64d: {  	s1 =	simm.s32 $0x0;
	[sflag:s9] =	ssyncadd.s32 $0xFFFFFB00  }
0x64e: {  	v8 =	vld [tilespmem:s1+$0xDC00]  }
0x64f: {  	v9 =	vld [tilespmem:s1+$0xDC10]  }
0x650: {  	v14 =	vld [tilespmem:s1+$0xDC60]  }
0x651: {  	[tilespmem:s1+$0xDC00] =	vst v3;
	v10 =	vld [tilespmem:s1+$0xDC20]  }
0x652: {  	[tilespmem:s1+$0xDC10] =	vst v3  }
0x653: {  	[tilespmem:s1+$0xDC20] =	vst v3;
	v11 =	vld [tilespmem:s1+$0xDC30]  }
0x654: {  	[tilespmem:s1+$0xDC30] =	vst v3;
	v12 =	vld [tilespmem:s1+$0xDC40];
	v8 =	vand.u32 $0x80000001, v8  }
0x655: {  	[tilespmem:s1+$0xDC40] =	vst v3;
	v14 =	vand.u32 $0x80000001, v14;
	vm1 =	veq.s32 v8, $0x1  }
0x656: {  	v13 =	vld [tilespmem:s1+$0xDC50];
	[tilespmem:s1+$0xDC50] =	vst v3;
	vm2 =	veq.s32 v8, $0x0;
	v8 =	vand.u32 $0x80000001, v9;
	v9 =	vand.u32 $0x80000001, v10  }
0x657: {  	[tilespmem:s1+$0xDC60] =	vst v3;
	vm3 =	veq.s32 v8, $0x1;
	vm4 =	veq.s32 v8, $0x0;
	vm5 =	veq.s32 v9, $0x1  }
0x658: {  	v8 =	vld [tilespmem:s1+$0xDC70];
	[tilespmem:s1+$0xDC70] =	vst v3;
	vm6 =	veq.s32 v9, $0x0;
	v9 =	vand.u32 $0x80000001, v11;
	v10 =	vsel vm1, $0x0, v7  }
0x659: {  	v11 =	vand.u32 $0x80000001, v12;
	v12 =	vsel vm2, $0x0, v7;
	vm1 =	veq.s32 v9, $0x1;
	[tilespmem:s1+$0x12200] =	vst v10  }
0x65a: {  	vm2 =	veq.s32 v9, $0x0;
	vm7 =	veq.s32 v11, $0x1;
	v9 =	vsel vm3, $0x0, v7;
	[tilespmem:s1+$0x12C00] =	vst v12  }
0x65b: {  	vm3 =	veq.s32 v11, $0x0;
	v11 =	vand.u32 $0x80000001, v13;
	v13 =	vsel vm4, $0x0, v7;
	[tilespmem:s1+$0x12210] =	vst v9  }
0x65c: {  	vm8 =	veq.s32 v14, $0x1;
	v16 =	vsel vm5, $0x0, v7;
	[tilespmem:s1+$0x12C10] =	vst v13  }
0x65d: {  	vm13 =	veq.s32 v11, $0x1;
	vm14 =	veq.s32 v11, $0x0;
	v11 =	vsel vm6, $0x0, v7;
	[tilespmem:s1+$0x12220] =	vst v16  }
0x65e: {  	v10 =	vadd.f32 v12, v10;
	v17 =	vsel vm1, $0x0, v7;
	v15 =	vsel vm2, $0x0, v7;
	[tilespmem:s1+$0x12C20] =	vst v11  }
0x65f: {  	vm1 =	veq.s32 v14, $0x0;
	v9 =	vadd.f32 v13, v9;
	[tilespmem:s1+$0x12230] =	vst v17;
	v17 =	vadd.f32 v15, v17  }
0x660: {  	[tilespmem:s1+$0x13600] =	vst v10;
	v13 =	vsel vm13, $0x0, v7;
	v12 =	vsel vm14, $0x0, v7;
	v8 =	vand.u32 $0x80000001, v8  }
0x661: {  	v14 =	vsel vm3, $0x0, v7;
	[tilespmem:s1+$0x13610] =	vst v9;
	v19 =	vadd.f32 v12, v13;
	vm15 =	veq.s32 v8, $0x1  }
0x662: {  	[tilespmem:s1+$0x13630] =	vst v17;
	vm9 =	veq.s32 v8, $0x0;
	v8 =	vadd.f32 v11, v16;
	v16 =	vsel vm7, $0x0, v7  }
0x663: {  	v10 =	vsel vm1, $0x0, v7;
	v11 =	vsel vm8, $0x0, v7;
	[tilespmem:s1+$0x13650] =	vst v19;
	v18 =	vadd.f32 v14, v16  }
0x664: {  	v9 =	vsel vm15, $0x0, v7;
	v17 =	vadd.f32 v10, v11;
	[tilespmem:s1+$0x13620] =	vst v8;
	v8 =	vsel vm9, $0x0, v7  }
0x665: {  	[tilespmem:s1+$0x13640] =	vst v18;
	v18 =	vadd.f32 v8, v9  }
0x666: {  	[tilespmem:s1+$0x13660] =	vst v17  }
0x667: {  	s6 =	simm.s32 $0x200;
	s7 =	simm.s32 $0x400;
	[tilespmem:s1+$0x13670] =	vst v18  }
.LBB2_37:
0x668: {  	p0 =	sne.s32 s7, $0x1200;
	[tilespmem:s1+$0x12C30] =	vst v15  }
0x669: {  	[tilespmem:s1+$0x12240] =	vst v16  }
0x66a: {  	s8 =	sshra.s32 s6, $0x2;
	s6 =	smov.u32 s7;
	[tilespmem:s1+$0x12C40] =	vst v14  }
0x66b: {  	v14 =	vld [tilespmem:s8+$0xDC00];
	[tilespmem:s8+$0xDC00] =	vst v3  }
0x66c: {  	v15 =	vld [tilespmem:s8+$0xDC10];
	[tilespmem:s8+$0xDC10] =	vst v3  }
0x66d: {  	v16 =	vld [tilespmem:s8+$0xDC20];
	[tilespmem:s8+$0xDC20] =	vst v3  }
0x66e: {  	v17 =	vld [tilespmem:s8+$0xDC30];
	[tilespmem:s8+$0xDC30] =	vst v3  }
0x66f: {  	v18 =	vld [tilespmem:s8+$0xDC40];
	[tilespmem:s8+$0xDC40] =	vst v3  }
0x670: {  	v14 =	vand.u32 $0x80000001, v14;
	v19 =	vld [tilespmem:s8+$0xDC50];
	[tilespmem:s8+$0xDC50] =	vst v3  }
0x671: {  	vm4 =	veq.s32 v14, $0x1;
	vm1 =	veq.s32 v14, $0x0;
	v14 =	vand.u32 $0x80000001, v15;
	v15 =	vld [tilespmem:s8+$0xDC60];
	[tilespmem:s8+$0xDC60] =	vst v3  }
0x672: {  	vm2 =	veq.s32 v14, $0x1;
	vm3 =	veq.s32 v14, $0x0;
	v14 =	vand.u32 $0x80000001, v16;
	v16 =	vld [tilespmem:s8+$0xDC70];
	[tilespmem:s8+$0xDC70] =	vst v3  }
0x673: {  	vm5 =	veq.s32 v14, $0x1;
	vm6 =	veq.s32 v14, $0x0;
	v14 =	vand.u32 $0x80000001, v17;
	[tilespmem:s1+$0x12250] =	vst v13  }
0x674: {  	vm8 =	veq.s32 v14, $0x1;
	vm7 =	veq.s32 v14, $0x0;
	v13 =	vand.u32 $0x80000001, v18;
	[tilespmem:s1+$0x12C50] =	vst v12  }
0x675: {  	vm9 =	veq.s32 v13, $0x1;
	vm10 =	veq.s32 v13, $0x0;
	v12 =	vand.u32 $0x80000001, v19;
	[tilespmem:s1+$0x12260] =	vst v11  }
0x676: {  	vm11 =	veq.s32 v12, $0x1;
	vm12 =	veq.s32 v12, $0x0;
	v11 =	vand.u32 $0x80000001, v15;
	[tilespmem:s1+$0x12C60] =	vst v10  }
0x677: {  	vm13 =	veq.s32 v11, $0x1;
	vm14 =	veq.s32 v11, $0x0;
	v10 =	vand.u32 $0x80000001, v16;
	[tilespmem:s1+$0x12270] =	vst v9  }
0x678: {  	v17 =	vsel vm4, $0x0, v7;
	vm4 =	veq.s32 v10, $0x1;
	vm15 =	veq.s32 v10, $0x0;
	[tilespmem:s1+$0x12C70] =	vst v8;
	s1 =	smov.u32 s8  }
0x679: {  	v20 =	vsel vm3, $0x0, v7;
	v18 =	vsel vm1, $0x0, v7;
	v19 =	vsel vm2, $0x0, v7;
	[tilespmem:s1+$0x12200] =	vst v17  }
0x67a: {  	v21 =	vsel vm5, $0x0, v7;
	v22 =	vsel vm6, $0x0, v7;
	v23 =	vsel vm8, $0x0, v7;
	[tilespmem:s1+$0x12C00] =	vst v18  }
0x67b: {  	v15 =	vsel vm7, $0x0, v7;
	v14 =	vsel vm10, $0x0, v7;
	v16 =	vsel vm9, $0x0, v7;
	[tilespmem:s1+$0x12210] =	vst v19  }
0x67c: {  	v13 =	vsel vm11, $0x0, v7;
	v12 =	vsel vm12, $0x0, v7;
	v11 =	vsel vm13, $0x0, v7;
	[tilespmem:s1+$0x12C10] =	vst v20  }
0x67d: {  	v10 =	vsel vm14, $0x0, v7;
	v9 =	vsel vm4, $0x0, v7;
	v8 =	vsel vm15, $0x0, v7;
	[tilespmem:s1+$0x12220] =	vst v21  }
0x67e: {  	v17 =	vadd.f32 v18, v17;
	v18 =	vadd.f32 v20, v19;
	[tilespmem:s1+$0x12C20] =	vst v22  }
0x67f: {  	v19 =	vadd.f32 v22, v21;
	v20 =	vadd.f32 v15, v23;
	[tilespmem:s1+$0x12230] =	vst v23  }
0x680: {  	v21 =	vadd.f32 v12, v13;
	[tilespmem:s1+$0x13600] =	vst v17;
	v17 =	vadd.f32 v14, v16  }
0x681: {  	v22 =	vadd.f32 v8, v9;
	[tilespmem:s1+$0x13610] =	vst v18;
	v18 =	vadd.f32 v10, v11  }
0x682: {  	[tilespmem:s1+$0x13620] =	vst v19  }
.Ltmp26:
0x683: {  	[tilespmem:s1+$0x13630] =	vst v20;
	(pc) =	sbr.rel @p0 .LBB2_37-.Ltmp26, $4  }
0x684: {  	[tilespmem:s1+$0x13640] =	vst v17  }
0x685: {  	[tilespmem:s1+$0x13650] =	vst v21  }
0x686: {  	[tilespmem:s1+$0x13660] =	vst v18  }
0x687: {  	s7 =	sadd.s32 $0x200, s7;
	[tilespmem:s1+$0x13670] =	vst v22  }
0x688: {  	[tilespmem:s1+$0x12C30] =	vst v15  }
0x689: {  	[tilespmem:s1+$0x12240] =	vst v16  }
0x68a: {  	s6 =	sshra.s32 s6, $0x2;
	[tilespmem:s1+$0x12C40] =	vst v14  }
0x68b: {  	v14 =	vld [tilespmem:s6+$0xDC00];
	[tilespmem:s6+$0xDC00] =	vst v3  }
0x68c: {  	v15 =	vld [tilespmem:s6+$0xDC10];
	[tilespmem:s6+$0xDC10] =	vst v3  }
0x68d: {  	v16 =	vld [tilespmem:s6+$0xDC20];
	[tilespmem:s6+$0xDC20] =	vst v3  }
0x68e: {  	v17 =	vld [tilespmem:s6+$0xDC30];
	[tilespmem:s6+$0xDC30] =	vst v3  }
0x68f: {  	v18 =	vld [tilespmem:s6+$0xDC40];
	[tilespmem:s6+$0xDC40] =	vst v3  }
0x690: {  	v19 =	vld [tilespmem:s6+$0xDC50];
	[tilespmem:s6+$0xDC50] =	vst v3  }
0x691: {  	v20 =	vld [tilespmem:s6+$0xDC60];
	[tilespmem:s6+$0xDC60] =	vst v3  }
0x692: {  	v21 =	vld [tilespmem:s6+$0xDC70];
	[tilespmem:s6+$0xDC70] =	vst v3  }
0x693: {  	[tilespmem:s1+$0x12250] =	vst v13  }
0x694: {  	[tilespmem:s1+$0x12C50] =	vst v12  }
0x695: {  	[tilespmem:s1+$0x12260] =	vst v11  }
0x696: {  	[tilespmem:s1+$0x12C60] =	vst v10;
	v39 =	vand.u32 $0x80000001, v14  }
0x697: {  	[tilespmem:s1+$0x12270] =	vst v9;
	vm1 =	veq.s32 v39, $0x1  }
0x698: {  	[tilespmem:s1+$0x12C70] =	vst v8;
	v40 =	vand.u32 $0x80000001, v15;
	vm2 =	veq.s32 v39, $0x0;
	v43 =	vsel vm1, $0x0, v7  }
0x699: {  	v41 =	vand.u32 $0x80000001, v16;
	vm3 =	veq.s32 v40, $0x1;
	v44 =	vsel vm2, $0x0, v7;
	[tilespmem:s6+$0x12200] =	vst v43  }
0x69a: {  	v42 =	vand.u32 $0x80000001, v17;
	vm4 =	veq.s32 v40, $0x0;
	v45 =	vsel vm3, $0x0, v7;
	[tilespmem:s6+$0x12C00] =	vst v44  }
0x69b: {  	v8 =	vand.u32 $0x80000001, v18;
	vm5 =	veq.s32 v41, $0x1;
	v46 =	vsel vm4, $0x0, v7;
	[tilespmem:s6+$0x12210] =	vst v45  }
0x69c: {  	v49 =	vand.u32 $0x80000001, v21;
	vm7 =	veq.s32 v8, $0x1;
	v48 =	vsel vm5, $0x0, v7;
	[tilespmem:s6+$0x12C10] =	vst v46  }
0x69d: {  	vm6 =	veq.s32 v41, $0x0;
	vm15 =	veq.s32 v49, $0x1;
	v52 =	vsel vm7, $0x0, v7;
	[tilespmem:s6+$0x12220] =	vst v48  }
0x69e: {  	vm9 =	veq.s32 v49, $0x0;
	vm1 =	veq.s32 v42, $0x1;
	v60 =	vsel vm15, $0x0, v7;
	[tilespmem:s6+$0x12240] =	vst v52  }
0x69f: {  	vm3 =	veq.s32 v8, $0x0;
	v8 =	vand.u32 $0x80000001, v19;
	v61 =	vsel vm9, $0x0, v7;
	[tilespmem:s6+$0x12270] =	vst v60  }
0x6a0: {  	vm13 =	veq.s32 v8, $0x1;
	vm14 =	veq.s32 v8, $0x0;
	v8 =	vsel vm6, $0x0, v7;
	[tilespmem:s6+$0x12C70] =	vst v61  }
0x6a1: {  	vm2 =	veq.s32 v42, $0x0;
	v50 =	vsel vm1, $0x0, v7;
	[tilespmem:s6+$0x12C20] =	vst v8  }
0x6a2: {  	v51 =	vsel vm2, $0x0, v7;
	[tilespmem:s6+$0x12230] =	vst v50  }
0x6a3: {  	v10 =	vadd.f32 v44, v43;
	v53 =	vsel vm3, $0x0, v7;
	[tilespmem:s6+$0x12C30] =	vst v51  }
0x6a4: {  	v9 =	vadd.f32 v46, v45;
	[tilespmem:s6+$0x12C40] =	vst v53  }
0x6a5: {  	v63 =	vadd.f32 v61, v60;
	[tilespmem:s6+$0x13600] =	vst v10  }
0x6a6: {  	[tilespmem:s6+$0x13610] =	vst v9  }
0x6a7: {  	v47 =	vand.u32 $0x80000001, v20;
	v55 =	vsel vm13, $0x0, v7;
	[tilespmem:s6+$0x13670] =	vst v63  }
0x6a8: {  	vm1 =	veq.s32 v47, $0x0;
	v56 =	vsel vm14, $0x0, v7;
	[tilespmem:s6+$0x12250] =	vst v55  }
0x6a9: {  	v8 =	vadd.f32 v8, v48;
	v58 =	vsel vm1, $0x0, v7;
	[tilespmem:s6+$0x12C50] =	vst v56  }
0x6aa: {  	v54 =	vadd.f32 v51, v50;
	[tilespmem:s6+$0x12C60] =	vst v58  }
0x6ab: {  	v57 =	vadd.f32 v53, v52;
	[tilespmem:s6+$0x13620] =	vst v8  }
0x6ac: {  	vm8 =	veq.s32 v47, $0x1;
	v59 =	vadd.f32 v56, v55;
	[tilespmem:s6+$0x13630] =	vst v54  }
0x6ad: {  	s23 =	rddreg [dreg:$0x5];
	v8 =	vsel vm8, $0x0, v7;
	[tilespmem:s6+$0x13640] =	vst v57  }
0x6ae: {  	s1 =	sadd.s32 s23, s0;
	v62 =	vadd.f32 v58, v8;
	[tilespmem:s6+$0x13650] =	vst v59  }
0x6af: {  	s1 =	sshrl.u32 s1, $0x3;
	[tilespmem:s6+$0x12260] =	vst v8  }
0x6b0: {  	s26 =	rddreg [dreg:$0x7];
	s1 =	sadd.s32 s3, s1;
	[tilespmem:s6+$0x13660] =	vst v62  }
0x6b1: {  	[hbm4b:s1+s16] =	stream.strided.scatter [tilespmem:s20], [sflag:$0x3], $0x500, s17, s16, $0x38;
	[tilespmem:$0x14000] =	vst v63  }
0x6b2: {  	s28 =	rddreg [dreg:$0x8];
	s1 =	sadd.s32 s26, s0  }
0x6b3: {  	s29 =	sadd.s32 s28, s0;
	s1 =	sshrl.u32 s1, $0x3  }
0x6b4: {  	s0 =	sshrl.u32 s29, $0x3;
	s1 =	sadd.s32 s3, s1  }
0x6b5: {  	[hbm4b:s1+s16] =	stream.strided.scatter [tilespmem:s21], [sflag:$0x3], $0x500, s17, s16, $0x38;
	[tilespmem:$0x14000] =	vst v63  }
0x6b6: {  	s30 =	simm.s32 $0x4;
	s0 =	sadd.s32 s3, s0  }
0x6b7: {  	[hbm4b:s0+s16] =	stream.strided.scatter [tilespmem:s22], [sflag:$0x3], $0x500, s17, s16, $0x38;
	[tilespmem:$0x14000] =	vst v63  }
0x6b8: {  	_ =	swait.ge [sflag:s30], $0x500  }
0x6b9: {  	[sflag:s30] =	ssyncset.done $0x0  }
0x6ba: {  	[sflag:s30] =	ssyncadd.s32 $0xFFFFFB00  }
0x6bb: {  	_ =	swait.ge [sflag:s30], $0x500  }
0x6bc: {  	[sflag:s30] =	ssyncset.done $0x0  }
0x6bd: {  	[sflag:s30] =	ssyncadd.s32 $0xFFFFFB00  }
0x6be: {  	_ =	swait.ge [sflag:s30], $0x500  }
0x6bf: {  	[sflag:s30] =	ssyncset.done $0x0  }
0x6c0: {  	[sflag:s30] =	ssyncadd.s32 $0xFFFFFB00  }
0x6c1: {  	_ =	swait.ge [sflag:s9], $0x500  }
0x6c2: {  	[sflag:s9] =	ssyncset.done $0x0  }
0x6c3: {  	[sflag:s9] =	ssyncadd.s32 $0xFFFFFB00  }
0x6c4: {  	_ =	swait.ge [sflag:s9], $0x500  }
0x6c5: {  	[sflag:s9] =	ssyncset.done $0x0  }
0x6c6: {  	[sflag:s9] =	ssyncadd.s32 $0xFFFFFB00  }
0x6c7: {  	_ =	swait.ge [sflag:s9], $0x500  }
0x6c8: {  	s31 =	rddreg [dreg:$0xb]  }
0x6c9: {  	s1 =	sadd.s32 $0x1, s31  }
0x6ca: {  	p0 =	sne.s32 s1, $0x8  }
.Ltmp27:
0x6cb: {  	_ = 	snop;
	(pc) =	sbr.rel @p0 .LBB2_4-.Ltmp27, $3  }
0x6cc: {  	_ =	sdelay $0x1  }
0x6cd: {  	[sflag:s9] =	ssyncset.done $0x0  }
0x6ce: {  	[sflag:s9] =	ssyncadd.s32 $0xFFFFFB00  }
0x6cf: {  	s1 =	rddreg [dreg:$0xa]  }
0x6d0: {  	s0 =	rddreg [dreg:$0x9];
	s1 =	sadd.s32 $0x1, s1  }
0x6d1: {  	p0 =	sne.s32 s1, s0  }
.Ltmp28:
0x6d2: {  	_ = 	snop;
	(pc) =	sbr.rel @p0 .LBB2_1-.Ltmp28, $1  }
0x6d3: {  	_ =	sdelay $0x3  }
0x6d4: {  	_ =	sfence.sel $0x180000  }
0x6d5: {  	[bflag:$0x0] =	sbarrier.arrive $0xFFFF  }
0x6d6: {  	_ =	strace $0x90000047  }
0x6d7: {  	s0 =	stileid.u32;
	[bflag:$0x2] =	sbarrier.arrive $0xFFFF  }
0x6d8: {  	p0 =	sne.s32 s0, $0x0;
	s0 =	rddreg [dreg:$0x3]  }
0x6d9: {  	s0 =	sadd.s32 @!p0 $0x100000, s0  }
0x6da: {  	[sflag:s0] =	ssyncadd.tile.s32 @!p0 $0x1;
	_ =	shalt  }
.Lfunc_end2:
_tile_overlayer_lowered:
.L_overlay_start_2:
0x6db: {  	(tag) =	ssettag $0x2  }
0x6dc: {  	s0 =	rddreg [dreg:$0x0];
	s2 =	stileid.u32  }
0x6dd: {  	s1 =	rddreg [dreg:$0x1];
	p0 =	sne.s32 s2, $0x0  }
0x6de: {  	s3 =	rddreg [dreg:$0x2];
	[bflag:$0x3] =	sbarrier.arrive $0xFFFF;
	s2 =	simm.s32 @!p0 $0x1C05  }
0x6df: {  	[timem:s3], [sflag:s2] =	dma.local @!p0 [hbm:s0], s1  }
0x6e0: {  	s0 =	simm.s32 @!p0 $0x5  }
0x6e1: {  	_ =	swait.ge @!p0 [sflag:s0], s1  }
0x6e2: {  	s1 =	ssub.s32 @!p0 $0x0, s1;
	[sflag:s0] =	ssyncset.done @!p0 $0x0  }
0x6e3: {  	[sflag:s0] =	ssyncadd.s32 @!p0 s1  }
0x6e4: {  	[bflag:$0x3] =	sbarrier.arrive $0xFFFF  }
0x6e5: {  	_ =	shalt  }

</sc_bundles>
